<compile_context>
chip_gen: v7x
topology: tpu7x:2x2x1
jax: 0.10.2.dev20260603
libtpu: 0.0.44.dev20260713+nightly
codegen_flags: <defaults>
</compile_context>

<pallas_src>
import functools

import jax
import jax.numpy as jnp
from jax import lax
from jax.experimental import pallas as pl
from jax.experimental.pallas import tpu as pltpu
from jax.experimental.pallas import tpu_sc as plsc

_N_NBR = 160000
_N_NODES = 10000
_F = 128
_H = 256
_E = 256

_NC = 2
_NS = 16
_NW = _NC * _NS

_SPLIT = 64000
_SC_ROWS = _N_NBR - _SPLIT
_WROWS = _SC_ROWS // _NW
_CH = 40
_NCHUNK = _WROWS // _CH
_UNROLL = 5

_RBLK = 2000
_DBLK = 2000
_ND = _N_NODES // _DBLK

assert _SC_ROWS % _NW == 0 and _WROWS % _CH == 0 and _CH % 8 == 0
assert (_WROWS % 8 == 0) and (_CH % _UNROLL == 0) and _NCHUNK >= 3


def _sc_reduce_body(l1_hbm, l2_hbm, o1_hbm, o2_hbm,
                    b1a, b1b, b2a, b2b, a1v, a2v,
                    s1a, s1b, s2a, s2b):
    wid = lax.axis_index("s") * _NC + lax.axis_index("c")
    base = _SPLIT + wid * _WROWS

    bufs1 = (b1a, b1b)
    bufs2 = (b2a, b2b)
    sems1 = (s1a, s1b)
    sems2 = (s2a, s2b)

    def cp1(k, slot):
        return pltpu.make_async_copy(
            l1_hbm.at[pl.ds(base + k * _CH, _CH)], bufs1[slot], sems1[slot])

    def cp2(k, slot):
        return pltpu.make_async_copy(
            l2_hbm.at[pl.ds(base + k * _CH, _CH)], bufs2[slot], sems2[slot])

    z = jnp.zeros((16,), jnp.float32)

    def accum(buf, ncc):
        def rb(rr, a):
            for u in range(_UNROLL):
                r = rr * _UNROLL + u
                a = tuple(a[j] + buf[r, pl.ds(16 * j, 16)] for j in range(ncc))
            return a
        return lax.fori_loop(0, _CH // _UNROLL, rb, tuple(z for _ in range(ncc)))

    cp1(0, 0).start()
    cp2(0, 0).start()
    cp1(1, 1).start()
    cp2(1, 1).start()

    for j in range(_F // 16):
        a1v[pl.ds(16 * j, 16)] = z
    for j in range(_H // 16):
        a2v[pl.ds(16 * j, 16)] = z

    def chunk_step(k, slot, with_start):
        cp1(k, slot).wait()
        cp2(k, slot).wait()
        if with_start:
            cp1(k + 2, slot).start()
            cp2(k + 2, slot).start()
        p1 = accum(bufs1[slot], _F // 16)
        p2 = accum(bufs2[slot], _H // 16)
        for j in range(_F // 16):
            a1v[pl.ds(16 * j, 16)] += p1[j]
        for j in range(_H // 16):
            a2v[pl.ds(16 * j, 16)] += p2[j]

    def body(k, carry):
        @pl.when(k % 2 == 0)
        def _():
            chunk_step(k, 0, True)

        @pl.when(k % 2 == 1)
        def _():
            chunk_step(k, 1, True)

        return carry

    lax.fori_loop(0, _NCHUNK - 2, body, 0)
    chunk_step(_NCHUNK - 2, (_NCHUNK - 2) % 2, False)
    chunk_step(_NCHUNK - 1, (_NCHUNK - 1) % 2, False)

    pltpu.sync_copy(a1v, o1_hbm.at[wid])
    pltpu.sync_copy(a2v, o2_hbm.at[wid])


def _sc_reduce(l1, l2):
    f32 = jnp.float32
    mesh = plsc.VectorSubcoreMesh(core_axis_name="c", subcore_axis_name="s")
    fn = functools.partial(
        pl.kernel,
        mesh=mesh,
        out_type=[
            jax.ShapeDtypeStruct((_NW, _F), f32),
            jax.ShapeDtypeStruct((_NW, _H), f32),
        ],
        scratch_types=[
            pltpu.VMEM((_CH, _F), f32),
            pltpu.VMEM((_CH, _F), f32),
            pltpu.VMEM((_CH, _H), f32),
            pltpu.VMEM((_CH, _H), f32),
            pltpu.VMEM((_F,), f32),
            pltpu.VMEM((_H,), f32),
            pltpu.SemaphoreType.DMA,
            pltpu.SemaphoreType.DMA,
            pltpu.SemaphoreType.DMA,
            pltpu.SemaphoreType.DMA,
        ],
    )(_sc_reduce_body)
    return fn(l1, l2)


def _ln_relu(x, g, b, eps=1e-5):
    mu = jnp.mean(x, axis=-1, keepdims=True)
    var = jnp.mean((x - mu) ** 2, axis=-1, keepdims=True)
    y = (x - mu) / jnp.sqrt(var + eps) * g + b
    return jnp.maximum(y, 0.0)


def _dense_body(nf_ref, o1_ref, o2_ref, s1h_ref, s2h_ref, ws1_ref, wn1_ref,
                c1b_ref, g1_ref, be1_ref, ws2_ref, wn2_ref, c2b_ref, g2_ref,
                be2_ref, out_ref, ssq, h2s):
    i = pl.program_id(0)

    @pl.when(i == 0)
    def _():
        ssq[...] = jnp.zeros_like(ssq)

    @pl.when(i < _ND)
    def _():
        j = i
        inv = 1.0 / _N_NBR
        agg1 = (jnp.sum(o1_ref[...], axis=0, keepdims=True) + s1h_ref[...]) * inv
        agg2 = (jnp.sum(o2_ref[...], axis=0, keepdims=True) + s2h_ref[...]) * inv
        c1 = jnp.dot(agg1, wn1_ref[...], preferred_element_type=jnp.float32) + c1b_ref[...]
        out1 = jnp.dot(nf_ref[...], ws1_ref[...], preferred_element_type=jnp.float32) + c1
        h1 = _ln_relu(out1, g1_ref[...], be1_ref[...])
        c2 = jnp.dot(agg2, wn2_ref[...], preferred_element_type=jnp.float32) + c2b_ref[...]
        out2 = jnp.dot(h1, ws2_ref[...], preferred_element_type=jnp.float32) + c2
        h2 = _ln_relu(out2, g2_ref[...], be2_ref[...])
        h2s[pl.ds(j * _DBLK, _DBLK), :] = h2
        ssq[...] += jnp.sum(h2 * h2, axis=0, keepdims=True)

    @pl.when(i >= _ND)
    def _():
        j = i - _ND
        norm = jnp.sqrt(ssq[...])
        out_ref[...] = h2s[pl.ds(j * _DBLK, _DBLK), :] / jnp.maximum(norm, 1e-12)


def _tc_head_reduce_body(l1_ref, l2_ref, s1_ref, s2_ref):
    i = pl.program_id(0)

    @pl.when(i == 0)
    def _():
        s1_ref[...] = jnp.zeros_like(s1_ref)
        s2_ref[...] = jnp.zeros_like(s2_ref)

    s1_ref[...] += jnp.sum(l1_ref[...], axis=0, keepdims=True)
    s2_ref[...] += jnp.sum(l2_ref[...], axis=0, keepdims=True)


@jax.jit
def kernel(node_feat, neighbor_feats_l1, neighbor_feats_l2, W_self1, b_self1,
           W_nbr1, b_nbr1, g1, be1, W_self2, b_self2, W_nbr2, b_nbr2, g2, be2):
    f32 = jnp.float32
    c1b = (b_self1 + b_nbr1).reshape(1, _H)
    c2b = (b_self2 + b_nbr2).reshape(1, _E)

    o1, o2 = _sc_reduce(neighbor_feats_l1, neighbor_feats_l2)

    if _SPLIT > 0:
        s1h, s2h = pl.pallas_call(
            _tc_head_reduce_body,
            grid=(_SPLIT // _RBLK,),
            in_specs=[
                pl.BlockSpec((_RBLK, _F), lambda i: (i, 0)),
                pl.BlockSpec((_RBLK, _H), lambda i: (i, 0)),
            ],
            out_specs=[
                pl.BlockSpec((1, _F), lambda i: (0, 0)),
                pl.BlockSpec((1, _H), lambda i: (0, 0)),
            ],
            out_shape=[
                jax.ShapeDtypeStruct((1, _F), f32),
                jax.ShapeDtypeStruct((1, _H), f32),
            ],
        )(neighbor_feats_l1, neighbor_feats_l2)
    else:
        s1h = jnp.zeros((1, _F), f32)
        s2h = jnp.zeros((1, _H), f32)

    npart = _NW

    def _clamp(lo, x, hi):
        return jnp.minimum(jnp.maximum(x, lo), hi)

    out = pl.pallas_call(
        _dense_body,
        grid=(2 * _ND,),
        in_specs=[
            pl.BlockSpec((_DBLK, _F), lambda i: (_clamp(0, i, _ND - 1), 0)),
            pl.BlockSpec((npart, _F), lambda i: (0, 0)),
            pl.BlockSpec((npart, _H), lambda i: (0, 0)),
            pl.BlockSpec((1, _F), lambda i: (0, 0)),
            pl.BlockSpec((1, _H), lambda i: (0, 0)),
            pl.BlockSpec((_F, _H), lambda i: (0, 0)),
            pl.BlockSpec((_F, _H), lambda i: (0, 0)),
            pl.BlockSpec((1, _H), lambda i: (0, 0)),
            pl.BlockSpec((1, _H), lambda i: (0, 0)),
            pl.BlockSpec((1, _H), lambda i: (0, 0)),
            pl.BlockSpec((_H, _E), lambda i: (0, 0)),
            pl.BlockSpec((_H, _E), lambda i: (0, 0)),
            pl.BlockSpec((1, _E), lambda i: (0, 0)),
            pl.BlockSpec((1, _E), lambda i: (0, 0)),
            pl.BlockSpec((1, _E), lambda i: (0, 0)),
        ],
        out_specs=pl.BlockSpec((_DBLK, _E), lambda i: (_clamp(0, i - _ND, _ND - 1), 0)),
        out_shape=jax.ShapeDtypeStruct((_N_NODES, _E), f32),
        scratch_shapes=[
            pltpu.VMEM((1, _E), f32),
            pltpu.VMEM((_N_NODES, _E), f32),
        ],
    )(node_feat, o1, o2, s1h, s2h, W_self1, W_nbr1, c1b,
      g1.reshape(1, _H), be1.reshape(1, _H), W_self2, W_nbr2, c2b,
      g2.reshape(1, _E), be2.reshape(1, _E))

    return out

# --- scband reference (transcript-rebuilt; emitter-appended) ---
"""Pipeline reference for scband-inductive-gnn-8581344657903 (READ-ONLY COPY).

The authoritative reference and input builder live on the scoring server;
editing this copy changes nothing except your own understanding.
"""

import jax, jax.numpy as jnp
import numpy as np

FEATURE_DIM = 128
HIDDEN_DIM = 256
EMBED_DIM = 256
N_NODES = 10000
N_NBR = 160000


def _layer_norm(x, gamma, beta, eps=1e-5):
    mu = jnp.mean(x, axis=-1, keepdims=True)
    var = jnp.mean((x - mu) ** 2, axis=-1, keepdims=True)
    return (x - mu) / jnp.sqrt(var + eps) * gamma + beta


def setup_inputs(seed: int = 0) -> dict:
    key = jax.random.key(seed)
    ks = jax.random.split(key, 16)
    d = {}
    d['node_feat'] = jax.random.normal(ks[0], (N_NODES, FEATURE_DIM), dtype=jnp.float32)
    d['neighbor_feats_l1'] = jax.random.normal(ks[1], (N_NBR, FEATURE_DIM), dtype=jnp.float32)
    d['neighbor_feats_l2'] = jax.random.normal(ks[2], (N_NBR, HIDDEN_DIM), dtype=jnp.float32)
    s1 = 1.0 / np.sqrt(FEATURE_DIM)
    d['W_self1'] = jax.random.uniform(ks[3], (FEATURE_DIM, HIDDEN_DIM), minval=-s1, maxval=s1, dtype=jnp.float32)
    d['b_self1'] = jax.random.uniform(ks[4], (HIDDEN_DIM,), minval=-s1, maxval=s1, dtype=jnp.float32)
    d['W_nbr1'] = jax.random.uniform(ks[5], (FEATURE_DIM, HIDDEN_DIM), minval=-s1, maxval=s1, dtype=jnp.float32)
    d['b_nbr1'] = jax.random.uniform(ks[6], (HIDDEN_DIM,), minval=-s1, maxval=s1, dtype=jnp.float32)
    d['g1'] = jnp.ones((HIDDEN_DIM,), dtype=jnp.float32)
    d['be1'] = jnp.zeros((HIDDEN_DIM,), dtype=jnp.float32)
    s2 = 1.0 / np.sqrt(HIDDEN_DIM)
    d['W_self2'] = jax.random.uniform(ks[7], (HIDDEN_DIM, EMBED_DIM), minval=-s2, maxval=s2, dtype=jnp.float32)
    d['b_self2'] = jax.random.uniform(ks[8], (EMBED_DIM,), minval=-s2, maxval=s2, dtype=jnp.float32)
    d['W_nbr2'] = jax.random.uniform(ks[9], (HIDDEN_DIM, EMBED_DIM), minval=-s2, maxval=s2, dtype=jnp.float32)
    d['b_nbr2'] = jax.random.uniform(ks[10], (EMBED_DIM,), minval=-s2, maxval=s2, dtype=jnp.float32)
    d['g2'] = jnp.ones((EMBED_DIM,), dtype=jnp.float32)
    d['be2'] = jnp.zeros((EMBED_DIM,), dtype=jnp.float32)
    return d


def reference(node_feat, neighbor_feats_l1, neighbor_feats_l2, W_self1, b_self1, W_nbr1, b_nbr1, g1, be1, W_self2, b_self2, W_nbr2, b_nbr2, g2, be2):
    # Layer 1: GraphSAGE mean aggregation
    agg1 = jnp.mean(neighbor_feats_l1, axis=0)
    out1 = node_feat @ W_self1 + b_self1 + (agg1 @ W_nbr1 + b_nbr1)
    h1 = jax.nn.relu(_layer_norm(out1, g1, be1))
    # Dropout in eval mode == identity
    # Layer 2
    agg2 = jnp.mean(neighbor_feats_l2, axis=0)
    out2 = h1 @ W_self2 + b_self2 + (agg2 @ W_nbr2 + b_nbr2)
    h2 = jax.nn.relu(_layer_norm(out2, g2, be2))
    # F.normalize(h2, dim=0): divide by max(L2 norm along dim 0, eps)
    norm = jnp.sqrt(jnp.sum(h2 * h2, axis=0, keepdims=True))
    return h2 / jnp.maximum(norm, 1e-12)

if __name__ == "__main__":
    import jax
    _d = setup_inputs()
    print(jax.jit(kernel)(*tuple(_d.values())))

</pallas_src>

<mosaic_0001>
#map = affine_map<(d0, d1) -> (0, 0)>
module attributes {stable_mosaic.version = 14 : i64} {
  func.func @_sc_reduce_body(%arg0: i32, %arg1: i32, %arg2: memref<160000x128xf32, #tpu.memory_space<hbm>>, %arg3: memref<160000x256xf32, #tpu.memory_space<hbm>>, %arg4: memref<32x128xf32, #tpu.memory_space<hbm>>, %arg5: memref<32x256xf32, #tpu.memory_space<hbm>>, %arg6: memref<40x128xf32, #tpu.memory_space<vmem>>, %arg7: memref<40x128xf32, #tpu.memory_space<vmem>>, %arg8: memref<40x256xf32, #tpu.memory_space<vmem>>, %arg9: memref<40x256xf32, #tpu.memory_space<vmem>>, %arg10: memref<128xf32, #tpu.memory_space<vmem>>, %arg11: memref<256xf32, #tpu.memory_space<vmem>>, %arg12: memref<!tpu.dma_semaphore, #tpu.memory_space<semaphore_mem>>, %arg13: memref<!tpu.dma_semaphore, #tpu.memory_space<semaphore_mem>>, %arg14: memref<!tpu.dma_semaphore, #tpu.memory_space<semaphore_mem>>, %arg15: memref<!tpu.dma_semaphore, #tpu.memory_space<semaphore_mem>>) attributes {dimension_semantics = [#tpu.dimension_semantics<core_parallel>, #tpu.dimension_semantics<subcore_parallel>], iteration_bounds = array<i64: 2, 16>, scalar_prefetch = 0 : i64, scratch_operands = 10 : i64, tpu.core_type = #tpu.core_type<sc_vector_subcore>, window_params = [{transform_indices = #map}, {transform_indices = #map}, {transform_indices = #map}, {transform_indices = #map}]} {
    %mul3A = arith.constant 2 : i32
    %mul3A_0 = arith.muli %arg1, %mul3A : i32
    %add3A = arith.addi %mul3A_0, %arg0 : i32
    %mul3A_1 = arith.constant 3000 : i32
    %mul3A_2 = arith.muli %add3A, %mul3A_1 : i32
    %add3A_3 = arith.constant 64000 : i32
    %add3A_4 = arith.addi %add3A_3, %mul3A_2 : i32
    %broadcast_in_dim3A = arith.constant 0.000000e+00 : f32
    %broadcast_in_dim3A_5 = vector.broadcast %broadcast_in_dim3A : f32 to vector<16xf32>
    %add3A_6 = arith.constant 0 : i32
    %add3A_7 = arith.addi %add3A_4, %add3A_6 : i32
    %dma_start3A = arith.constant 0 : i32
    %dma_start3A_8 = tpu.memref_slice %arg2[%add3A_7, %dma_start3A] : memref<160000x128xf32, #tpu.memory_space<hbm>> -> memref<40x128xf32, #tpu.memory_space<hbm>>
    %dma_start3A_9 = arith.constant 0 : i32
    %dma_start3A_10 = tpu.memref_slice %arg2[%add3A_7, %dma_start3A_9] : memref<160000x128xf32, #tpu.memory_space<hbm>> -> memref<40x128xf32, #tpu.memory_space<hbm>>
    tpu.enqueue_dma source(%dma_start3A_10 : memref<40x128xf32, #tpu.memory_space<hbm>>) target(%arg6 : memref<40x128xf32, #tpu.memory_space<vmem>>) target_semaphore(%arg12 : memref<!tpu.dma_semaphore, #tpu.memory_space<semaphore_mem>>)
    %add3A_11 = arith.constant 0 : i32
    %add3A_12 = arith.addi %add3A_4, %add3A_11 : i32
    %dma_start3A_13 = arith.constant 0 : i32
    %dma_start3A_14 = tpu.memref_slice %arg3[%add3A_12, %dma_start3A_13] : memref<160000x256xf32, #tpu.memory_space<hbm>> -> memref<40x256xf32, #tpu.memory_space<hbm>>
    %dma_start3A_15 = arith.constant 0 : i32
    %dma_start3A_16 = tpu.memref_slice %arg3[%add3A_12, %dma_start3A_15] : memref<160000x256xf32, #tpu.memory_space<hbm>> -> memref<40x256xf32, #tpu.memory_space<hbm>>
    tpu.enqueue_dma source(%dma_start3A_16 : memref<40x256xf32, #tpu.memory_space<hbm>>) target(%arg8 : memref<40x256xf32, #tpu.memory_space<vmem>>) target_semaphore(%arg14 : memref<!tpu.dma_semaphore, #tpu.memory_space<semaphore_mem>>)
    %add3A_17 = arith.constant 40 : i32
    %add3A_18 = arith.addi %add3A_4, %add3A_17 : i32
    %dma_start3A_19 = arith.constant 0 : i32
    %dma_start3A_20 = tpu.memref_slice %arg2[%add3A_18, %dma_start3A_19] : memref<160000x128xf32, #tpu.memory_space<hbm>> -> memref<40x128xf32, #tpu.memory_space<hbm>>
    %dma_start3A_21 = arith.constant 0 : i32
    %dma_start3A_22 = tpu.memref_slice %arg2[%add3A_18, %dma_start3A_21] : memref<160000x128xf32, #tpu.memory_space<hbm>> -> memref<40x128xf32, #tpu.memory_space<hbm>>
    tpu.enqueue_dma source(%dma_start3A_22 : memref<40x128xf32, #tpu.memory_space<hbm>>) target(%arg7 : memref<40x128xf32, #tpu.memory_space<vmem>>) target_semaphore(%arg13 : memref<!tpu.dma_semaphore, #tpu.memory_space<semaphore_mem>>)
    %add3A_23 = arith.constant 40 : i32
    %add3A_24 = arith.addi %add3A_4, %add3A_23 : i32
    %dma_start3A_25 = arith.constant 0 : i32
    %dma_start3A_26 = tpu.memref_slice %arg3[%add3A_24, %dma_start3A_25] : memref<160000x256xf32, #tpu.memory_space<hbm>> -> memref<40x256xf32, #tpu.memory_space<hbm>>
    %dma_start3A_27 = arith.constant 0 : i32
    %dma_start3A_28 = tpu.memref_slice %arg3[%add3A_24, %dma_start3A_27] : memref<160000x256xf32, #tpu.memory_space<hbm>> -> memref<40x256xf32, #tpu.memory_space<hbm>>
    tpu.enqueue_dma source(%dma_start3A_28 : memref<40x256xf32, #tpu.memory_space<hbm>>) target(%arg9 : memref<40x256xf32, #tpu.memory_space<vmem>>) target_semaphore(%arg15 : memref<!tpu.dma_semaphore, #tpu.memory_space<semaphore_mem>>)
    %swap3A = arith.constant 0 : index
    %swap3A_29 = tpu.vector_load %arg10[%swap3A] {strides = array<i32>} : memref<128xf32, #tpu.memory_space<vmem>>, vector<16xf32>,
    %swap3A_30 = vector.shape_cast %swap3A_29 : vector<16xf32> to vector<16xf32>
    %swap3A_31 = vector.shape_cast %broadcast_in_dim3A_5 : vector<16xf32> to vector<16xf32>
    tpu.vector_store %arg10[%swap3A], %swap3A_31 {strides = array<i32>} : memref<128xf32, #tpu.memory_space<vmem>>, vector<16xf32>,
    %swap3A_32 = arith.constant 16 : index
    %swap3A_33 = tpu.vector_load %arg10[%swap3A_32] {strides = array<i32>} : memref<128xf32, #tpu.memory_space<vmem>>, vector<16xf32>,
    %swap3A_34 = vector.shape_cast %swap3A_33 : vector<16xf32> to vector<16xf32>
    %swap3A_35 = vector.shape_cast %broadcast_in_dim3A_5 : vector<16xf32> to vector<16xf32>
    tpu.vector_store %arg10[%swap3A_32], %swap3A_35 {strides = array<i32>} : memref<128xf32, #tpu.memory_space<vmem>>, vector<16xf32>,
    %swap3A_36 = arith.constant 32 : index
    %swap3A_37 = tpu.vector_load %arg10[%swap3A_36] {strides = array<i32>} : memref<128xf32, #tpu.memory_space<vmem>>, vector<16xf32>,
    %swap3A_38 = vector.shape_cast %swap3A_37 : vector<16xf32> to vector<16xf32>
    %swap3A_39 = vector.shape_cast %broadcast_in_dim3A_5 : vector<16xf32> to vector<16xf32>
    tpu.vector_store %arg10[%swap3A_36], %swap3A_39 {strides = array<i32>} : memref<128xf32, #tpu.memory_space<vmem>>, vector<16xf32>,
    %swap3A_40 = arith.constant 48 : index
    %swap3A_41 = tpu.vector_load %arg10[%swap3A_40] {strides = array<i32>} : memref<128xf32, #tpu.memory_space<vmem>>, vector<16xf32>,
    %swap3A_42 = vector.shape_cast %swap3A_41 : vector<16xf32> to vector<16xf32>
    %swap3A_43 = vector.shape_cast %broadcast_in_dim3A_5 : vector<16xf32> to vector<16xf32>
    tpu.vector_store %arg10[%swap3A_40], %swap3A_43 {strides = array<i32>} : memref<128xf32, #tpu.memory_space<vmem>>, vector<16xf32>,
    %swap3A_44 = arith.constant 64 : index
    %swap3A_45 = tpu.vector_load %arg10[%swap3A_44] {strides = array<i32>} : memref<128xf32, #tpu.memory_space<vmem>>, vector<16xf32>,
    %swap3A_46 = vector.shape_cast %swap3A_45 : vector<16xf32> to vector<16xf32>
    %swap3A_47 = vector.shape_cast %broadcast_in_dim3A_5 : vector<16xf32> to vector<16xf32>
    tpu.vector_store %arg10[%swap3A_44], %swap3A_47 {strides = array<i32>} : memref<128xf32, #tpu.memory_space<vmem>>, vector<16xf32>,
    %swap3A_48 = arith.constant 80 : index
    %swap3A_49 = tpu.vector_load %arg10[%swap3A_48] {strides = array<i32>} : memref<128xf32, #tpu.memory_space<vmem>>, vector<16xf32>,
    %swap3A_50 = vector.shape_cast %swap3A_49 : vector<16xf32> to vector<16xf32>
    %swap3A_51 = vector.shape_cast %broadcast_in_dim3A_5 : vector<16xf32> to vector<16xf32>
    tpu.vector_store %arg10[%swap3A_48], %swap3A_51 {strides = array<i32>} : memref<128xf32, #tpu.memory_space<vmem>>, vector<16xf32>,
    %swap3A_52 = arith.constant 96 : index
    %swap3A_53 = tpu.vector_load %arg10[%swap3A_52] {strides = array<i32>} : memref<128xf32, #tpu.memory_space<vmem>>, vector<16xf32>,
    %swap3A_54 = vector.shape_cast %swap3A_53 : vector<16xf32> to vector<16xf32>
    %swap3A_55 = vector.shape_cast %broadcast_in_dim3A_5 : vector<16xf32> to vector<16xf32>
    tpu.vector_store %arg10[%swap3A_52], %swap3A_55 {strides = array<i32>} : memref<128xf32, #tpu.memory_space<vmem>>, vector<16xf32>,
    %swap3A_56 = arith.constant 112 : index
    %swap3A_57 = tpu.vector_load %arg10[%swap3A_56] {strides = array<i32>} : memref<128xf32, #tpu.memory_space<vmem>>, vector<16xf32>,
    %swap3A_58 = vector.shape_cast %swap3A_57 : vector<16xf32> to vector<16xf32>
    %swap3A_59 = vector.shape_cast %broadcast_in_dim3A_5 : vector<16xf32> to vector<16xf32>
    tpu.vector_store %arg10[%swap3A_56], %swap3A_59 {strides = array<i32>} : memref<128xf32, #tpu.memory_space<vmem>>, vector<16xf32>,
    %swap3A_60 = arith.constant 0 : index
    %swap3A_61 = tpu.vector_load %arg11[%swap3A_60] {strides = array<i32>} : memref<256xf32, #tpu.memory_space<vmem>>, vector<16xf32>,
    %swap3A_62 = vector.shape_cast %swap3A_61 : vector<16xf32> to vector<16xf32>
    %swap3A_63 = vector.shape_cast %broadcast_in_dim3A_5 : vector<16xf32> to vector<16xf32>
    tpu.vector_store %arg11[%swap3A_60], %swap3A_63 {strides = array<i32>} : memref<256xf32, #tpu.memory_space<vmem>>, vector<16xf32>,
    %swap3A_64 = arith.constant 16 : index
    %swap3A_65 = tpu.vector_load %arg11[%swap3A_64] {strides = array<i32>} : memref<256xf32, #tpu.memory_space<vmem>>, vector<16xf32>,
    %swap3A_66 = vector.shape_cast %swap3A_65 : vector<16xf32> to vector<16xf32>
    %swap3A_67 = vector.shape_cast %broadcast_in_dim3A_5 : vector<16xf32> to vector<16xf32>
    tpu.vector_store %arg11[%swap3A_64], %swap3A_67 {strides = array<i32>} : memref<256xf32, #tpu.memory_space<vmem>>, vector<16xf32>,
    %swap3A_68 = arith.constant 32 : index
    %swap3A_69 = tpu.vector_load %arg11[%swap3A_68] {strides = array<i32>} : memref<256xf32, #tpu.memory_space<vmem>>, vector<16xf32>,
    %swap3A_70 = vector.shape_cast %swap3A_69 : vector<16xf32> to vector<16xf32>
    %swap3A_71 = vector.shape_cast %broadcast_in_dim3A_5 : vector<16xf32> to vector<16xf32>
    tpu.vector_store %arg11[%swap3A_68], %swap3A_71 {strides = array<i32>} : memref<256xf32, #tpu.memory_space<vmem>>, vector<16xf32>,
    %swap3A_72 = arith.constant 48 : index
    %swap3A_73 = tpu.vector_load %arg11[%swap3A_72] {strides = array<i32>} : memref<256xf32, #tpu.memory_space<vmem>>, vector<16xf32>,
    %swap3A_74 = vector.shape_cast %swap3A_73 : vector<16xf32> to vector<16xf32>
    %swap3A_75 = vector.shape_cast %broadcast_in_dim3A_5 : vector<16xf32> to vector<16xf32>
    tpu.vector_store %arg11[%swap3A_72], %swap3A_75 {strides = array<i32>} : memref<256xf32, #tpu.memory_space<vmem>>, vector<16xf32>,
    %swap3A_76 = arith.constant 64 : index
    %swap3A_77 = tpu.vector_load %arg11[%swap3A_76] {strides = array<i32>} : memref<256xf32, #tpu.memory_space<vmem>>, vector<16xf32>,
    %swap3A_78 = vector.shape_cast %swap3A_77 : vector<16xf32> to vector<16xf32>
    %swap3A_79 = vector.shape_cast %broadcast_in_dim3A_5 : vector<16xf32> to vector<16xf32>
    tpu.vector_store %arg11[%swap3A_76], %swap3A_79 {strides = array<i32>} : memref<256xf32, #tpu.memory_space<vmem>>, vector<16xf32>,
    %swap3A_80 = arith.constant 80 : index
    %swap3A_81 = tpu.vector_load %arg11[%swap3A_80] {strides = array<i32>} : memref<256xf32, #tpu.memory_space<vmem>>, vector<16xf32>,
    %swap3A_82 = vector.shape_cast %swap3A_81 : vector<16xf32> to vector<16xf32>
    %swap3A_83 = vector.shape_cast %broadcast_in_dim3A_5 : vector<16xf32> to vector<16xf32>
    tpu.vector_store %arg11[%swap3A_80], %swap3A_83 {strides = array<i32>} : memref<256xf32, #tpu.memory_space<vmem>>, vector<16xf32>,
    %swap3A_84 = arith.constant 96 : index
    %swap3A_85 = tpu.vector_load %arg11[%swap3A_84] {strides = array<i32>} : memref<256xf32, #tpu.memory_space<vmem>>, vector<16xf32>,
    %swap3A_86 = vector.shape_cast %swap3A_85 : vector<16xf32> to vector<16xf32>
    %swap3A_87 = vector.shape_cast %broadcast_in_dim3A_5 : vector<16xf32> to vector<16xf32>
    tpu.vector_store %arg11[%swap3A_84], %swap3A_87 {strides = array<i32>} : memref<256xf32, #tpu.memory_space<vmem>>, vector<16xf32>,
    %swap3A_88 = arith.constant 112 : index
    %swap3A_89 = tpu.vector_load %arg11[%swap3A_88] {strides = array<i32>} : memref<256xf32, #tpu.memory_space<vmem>>, vector<16xf32>,
    %swap3A_90 = vector.shape_cast %swap3A_89 : vector<16xf32> to vector<16xf32>
    %swap3A_91 = vector.shape_cast %broadcast_in_dim3A_5 : vector<16xf32> to vector<16xf32>
    tpu.vector_store %arg11[%swap3A_88], %swap3A_91 {strides = array<i32>} : memref<256xf32, #tpu.memory_space<vmem>>, vector<16xf32>,
    %swap3A_92 = arith.constant 128 : index
    %swap3A_93 = tpu.vector_load %arg11[%swap3A_92] {strides = array<i32>} : memref<256xf32, #tpu.memory_space<vmem>>, vector<16xf32>,
    %swap3A_94 = vector.shape_cast %swap3A_93 : vector<16xf32> to vector<16xf32>
    %swap3A_95 = vector.shape_cast %broadcast_in_dim3A_5 : vector<16xf32> to vector<16xf32>
    tpu.vector_store %arg11[%swap3A_92], %swap3A_95 {strides = array<i32>} : memref<256xf32, #tpu.memory_space<vmem>>, vector<16xf32>,
    %swap3A_96 = arith.constant 144 : index
    %swap3A_97 = tpu.vector_load %arg11[%swap3A_96] {strides = array<i32>} : memref<256xf32, #tpu.memory_space<vmem>>, vector<16xf32>,
    %swap3A_98 = vector.shape_cast %swap3A_97 : vector<16xf32> to vector<16xf32>
    %swap3A_99 = vector.shape_cast %broadcast_in_dim3A_5 : vector<16xf32> to vector<16xf32>
    tpu.vector_store %arg11[%swap3A_96], %swap3A_99 {strides = array<i32>} : memref<256xf32, #tpu.memory_space<vmem>>, vector<16xf32>,
    %swap3A_100 = arith.constant 160 : index
    %swap3A_101 = tpu.vector_load %arg11[%swap3A_100] {strides = array<i32>} : memref<256xf32, #tpu.memory_space<vmem>>, vector<16xf32>,
    %swap3A_102 = vector.shape_cast %swap3A_101 : vector<16xf32> to vector<16xf32>
    %swap3A_103 = vector.shape_cast %broadcast_in_dim3A_5 : vector<16xf32> to vector<16xf32>
    tpu.vector_store %arg11[%swap3A_100], %swap3A_103 {strides = array<i32>} : memref<256xf32, #tpu.memory_space<vmem>>, vector<16xf32>,
    %swap3A_104 = arith.constant 176 : index
    %swap3A_105 = tpu.vector_load %arg11[%swap3A_104] {strides = array<i32>} : memref<256xf32, #tpu.memory_space<vmem>>, vector<16xf32>,
    %swap3A_106 = vector.shape_cast %swap3A_105 : vector<16xf32> to vector<16xf32>
    %swap3A_107 = vector.shape_cast %broadcast_in_dim3A_5 : vector<16xf32> to vector<16xf32>
    tpu.vector_store %arg11[%swap3A_104], %swap3A_107 {strides = array<i32>} : memref<256xf32, #tpu.memory_space<vmem>>, vector<16xf32>,
    %swap3A_108 = arith.constant 192 : index
    %swap3A_109 = tpu.vector_load %arg11[%swap3A_108] {strides = array<i32>} : memref<256xf32, #tpu.memory_space<vmem>>, vector<16xf32>,
    %swap3A_110 = vector.shape_cast %swap3A_109 : vector<16xf32> to vector<16xf32>
    %swap3A_111 = vector.shape_cast %broadcast_in_dim3A_5 : vector<16xf32> to vector<16xf32>
    tpu.vector_store %arg11[%swap3A_108], %swap3A_111 {strides = array<i32>} : memref<256xf32, #tpu.memory_space<vmem>>, vector<16xf32>,
    %swap3A_112 = arith.constant 208 : index
    %swap3A_113 = tpu.vector_load %arg11[%swap3A_112] {strides = array<i32>} : memref<256xf32, #tpu.memory_space<vmem>>, vector<16xf32>,
    %swap3A_114 = vector.shape_cast %swap3A_113 : vector<16xf32> to vector<16xf32>
    %swap3A_115 = vector.shape_cast %broadcast_in_dim3A_5 : vector<16xf32> to vector<16xf32>
    tpu.vector_store %arg11[%swap3A_112], %swap3A_115 {strides = array<i32>} : memref<256xf32, #tpu.memory_space<vmem>>, vector<16xf32>,
    %swap3A_116 = arith.constant 224 : index
    %swap3A_117 = tpu.vector_load %arg11[%swap3A_116] {strides = array<i32>} : memref<256xf32, #tpu.memory_space<vmem>>, vector<16xf32>,
    %swap3A_118 = vector.shape_cast %swap3A_117 : vector<16xf32> to vector<16xf32>
    %swap3A_119 = vector.shape_cast %broadcast_in_dim3A_5 : vector<16xf32> to vector<16xf32>
    tpu.vector_store %arg11[%swap3A_116], %swap3A_119 {strides = array<i32>} : memref<256xf32, #tpu.memory_space<vmem>>, vector<16xf32>,
    %swap3A_120 = arith.constant 240 : index
    %swap3A_121 = tpu.vector_load %arg11[%swap3A_120] {strides = array<i32>} : memref<256xf32, #tpu.memory_space<vmem>>, vector<16xf32>,
    %swap3A_122 = vector.shape_cast %swap3A_121 : vector<16xf32> to vector<16xf32>
    %swap3A_123 = vector.shape_cast %broadcast_in_dim3A_5 : vector<16xf32> to vector<16xf32>
    tpu.vector_store %arg11[%swap3A_120], %swap3A_123 {strides = array<i32>} : memref<256xf32, #tpu.memory_space<vmem>>, vector<16xf32>,
    %scan3A = arith.constant 0 : i32
    %scan3A_124 = arith.constant 0 : i32
    %scan3A_125 = arith.constant 73 : i32
    %scan3A_126 = arith.addi %scan3A_124, %scan3A_125 : i32
    %scan3A_127 = arith.constant 1 : i32
    scf.for %scan3A_559 = %scan3A_124 to %scan3A_126 step %scan3A_127  : i32 {
      %jit3A = arith.constant 2 : i32
      %eq3A = arith.constant 0 : i32
      %eq3A_560 = arith.cmpi eq, %jit3A, %eq3A : i32
      %jit3A_561 = arith.constant 1 : i32
      %select_n3A = arith.select %eq3A_560, %jit3A_561, %jit3A : i32
      %rem3A = arith.remsi %scan3A_559, %select_n3A : i32
      %ne3A = arith.constant 0 : i32
      %ne3A_562 = arith.cmpi ne, %rem3A, %ne3A : i32
      %lt3A = arith.constant 0 : i32
      %lt3A_563 = arith.cmpi slt, %rem3A, %lt3A : i32
      %lt3A_564 = arith.constant 0 : i32
      %lt3A_565 = arith.cmpi slt, %select_n3A, %lt3A_564 : i32
      %ne3A_566 = arith.xori %lt3A_563, %lt3A_565 : i1
      %and3A = arith.andi %ne3A_566, %ne3A_562 : i1
      %add3A_567 = arith.addi %rem3A, %select_n3A : i32
      %select_n3A_568 = arith.select %and3A, %add3A_567, %rem3A : i32
      %eq3A_569 = arith.constant 0 : i32
      %eq3A_570 = arith.cmpi eq, %select_n3A_568, %eq3A_569 : i32
      %convert_element_type3A = arith.extui %eq3A_570 : i1 to i32
      %cond3A = arith.constant 0 : i32
      %cond3A_571 = arith.cmpi ne, %convert_element_type3A, %cond3A : i32
      scf.if %cond3A_571 {
        %mul3A_593 = arith.constant 40 : i32
        %mul3A_594 = arith.muli %scan3A_559, %mul3A_593 : i32
        %add3A_595 = arith.addi %add3A_4, %mul3A_594 : i32
        %dma_wait3A_596 = arith.constant 0 : i32
        %dma_wait3A_597 = tpu.memref_slice %arg2[%add3A_595, %dma_wait3A_596] : memref<160000x128xf32, #tpu.memory_space<hbm>> -> memref<40x128xf32, #tpu.memory_space<hbm>>
        %dma_wait3A_598 = arith.constant 0 : i32
        %dma_wait3A_599 = tpu.memref_slice %arg2[%add3A_595, %dma_wait3A_598] : memref<160000x128xf32, #tpu.memory_space<hbm>> -> memref<40x128xf32, #tpu.memory_space<hbm>>
        tpu.wait_dma2 semaphore(%arg12 : memref<!tpu.dma_semaphore, #tpu.memory_space<semaphore_mem>>) src(%dma_wait3A_599 : memref<40x128xf32, #tpu.memory_space<hbm>>) dst(%arg6 : memref<40x128xf32, #tpu.memory_space<vmem>>)
        %mul3A_600 = arith.constant 40 : i32
        %mul3A_601 = arith.muli %scan3A_559, %mul3A_600 : i32
        %add3A_602 = arith.addi %add3A_4, %mul3A_601 : i32
        %dma_wait3A_603 = arith.constant 0 : i32
        %dma_wait3A_604 = tpu.memref_slice %arg3[%add3A_602, %dma_wait3A_603] : memref<160000x256xf32, #tpu.memory_space<hbm>> -> memref<40x256xf32, #tpu.memory_space<hbm>>
        %dma_wait3A_605 = arith.constant 0 : i32
        %dma_wait3A_606 = tpu.memref_slice %arg3[%add3A_602, %dma_wait3A_605] : memref<160000x256xf32, #tpu.memory_space<hbm>> -> memref<40x256xf32, #tpu.memory_space<hbm>>
        tpu.wait_dma2 semaphore(%arg14 : memref<!tpu.dma_semaphore, #tpu.memory_space<semaphore_mem>>) src(%dma_wait3A_606 : memref<40x256xf32, #tpu.memory_space<hbm>>) dst(%arg8 : memref<40x256xf32, #tpu.memory_space<vmem>>)
        %add3A_607 = arith.constant 2 : i32
        %add3A_608 = arith.addi %scan3A_559, %add3A_607 : i32
        %mul3A_609 = arith.constant 40 : i32
        %mul3A_610 = arith.muli %add3A_608, %mul3A_609 : i32
        %add3A_611 = arith.addi %add3A_4, %mul3A_610 : i32
        %dma_start3A_612 = arith.constant 0 : i32
        %dma_start3A_613 = tpu.memref_slice %arg2[%add3A_611, %dma_start3A_612] : memref<160000x128xf32, #tpu.memory_space<hbm>> -> memref<40x128xf32, #tpu.memory_space<hbm>>
        %dma_start3A_614 = arith.constant 0 : i32
        %dma_start3A_615 = tpu.memref_slice %arg2[%add3A_611, %dma_start3A_614] : memref<160000x128xf32, #tpu.memory_space<hbm>> -> memref<40x128xf32, #tpu.memory_space<hbm>>
        tpu.enqueue_dma source(%dma_start3A_615 : memref<40x128xf32, #tpu.memory_space<hbm>>) target(%arg6 : memref<40x128xf32, #tpu.memory_space<vmem>>) target_semaphore(%arg12 : memref<!tpu.dma_semaphore, #tpu.memory_space<semaphore_mem>>)
        %add3A_616 = arith.constant 2 : i32
        %add3A_617 = arith.addi %scan3A_559, %add3A_616 : i32
        %mul3A_618 = arith.constant 40 : i32
        %mul3A_619 = arith.muli %add3A_617, %mul3A_618 : i32
        %add3A_620 = arith.addi %add3A_4, %mul3A_619 : i32
        %dma_start3A_621 = arith.constant 0 : i32
        %dma_start3A_622 = tpu.memref_slice %arg3[%add3A_620, %dma_start3A_621] : memref<160000x256xf32, #tpu.memory_space<hbm>> -> memref<40x256xf32, #tpu.memory_space<hbm>>
        %dma_start3A_623 = arith.constant 0 : i32
        %dma_start3A_624 = tpu.memref_slice %arg3[%add3A_620, %dma_start3A_623] : memref<160000x256xf32, #tpu.memory_space<hbm>> -> memref<40x256xf32, #tpu.memory_space<hbm>>
        tpu.enqueue_dma source(%dma_start3A_624 : memref<40x256xf32, #tpu.memory_space<hbm>>) target(%arg8 : memref<40x256xf32, #tpu.memory_space<vmem>>) target_semaphore(%arg14 : memref<!tpu.dma_semaphore, #tpu.memory_space<semaphore_mem>>)
        %scan3A_625 = arith.constant 0 : i32
        %scan3A_626 = arith.constant 8 : i32
        %scan3A_627 = arith.addi %scan3A_625, %scan3A_626 : i32
        %scan3A_628 = arith.constant 1 : i32
        %scan3A_629:8 = scf.for %scan3A_829 = %scan3A_625 to %scan3A_627 step %scan3A_628 iter_args(%scan3A_830 = %broadcast_in_dim3A_5, %scan3A_831 = %broadcast_in_dim3A_5, %scan3A_832 = %broadcast_in_dim3A_5, %scan3A_833 = %broadcast_in_dim3A_5, %scan3A_834 = %broadcast_in_dim3A_5, %scan3A_835 = %broadcast_in_dim3A_5, %scan3A_836 = %broadcast_in_dim3A_5, %scan3A_837 = %broadcast_in_dim3A_5) -> (vector<16xf32>, vector<16xf32>, vector<16xf32>, vector<16xf32>, vector<16xf32>, vector<16xf32>, vector<16xf32>, vector<16xf32>)  : i32 {
          %mul3A_838 = arith.constant 5 : i32
          %mul3A_839 = arith.muli %scan3A_829, %mul3A_838 : i32
          %add3A_840 = arith.constant 0 : i32
          %add3A_841 = arith.addi %mul3A_839, %add3A_840 : i32
          %get3A_842 = arith.index_cast %add3A_841 : i32 to index
          %get3A_843 = arith.constant 0 : index
          %get3A_844 = tpu.vector_load %arg6[%get3A_842, %get3A_843] {strides = array<i32>} : memref<40x128xf32, #tpu.memory_space<vmem>>, vector<1x16xf32>,
          %get3A_845 = vector.shape_cast %get3A_844 : vector<1x16xf32> to vector<16xf32>
          %add3A_846 = arith.addf %scan3A_830, %get3A_845 : vector<16xf32>
          %get3A_847 = arith.index_cast %add3A_841 : i32 to index
          %get3A_848 = arith.constant 16 : index
          %get3A_849 = tpu.vector_load %arg6[%get3A_847, %get3A_848] {strides = array<i32>} : memref<40x128xf32, #tpu.memory_space<vmem>>, vector<1x16xf32>,
          %get3A_850 = vector.shape_cast %get3A_849 : vector<1x16xf32> to vector<16xf32>
          %add3A_851 = arith.addf %scan3A_831, %get3A_850 : vector<16xf32>
          %get3A_852 = arith.index_cast %add3A_841 : i32 to index
          %get3A_853 = arith.constant 32 : index
          %get3A_854 = tpu.vector_load %arg6[%get3A_852, %get3A_853] {strides = array<i32>} : memref<40x128xf32, #tpu.memory_space<vmem>>, vector<1x16xf32>,
          %get3A_855 = vector.shape_cast %get3A_854 : vector<1x16xf32> to vector<16xf32>
          %add3A_856 = arith.addf %scan3A_832, %get3A_855 : vector<16xf32>
          %get3A_857 = arith.index_cast %add3A_841 : i32 to index
          %get3A_858 = arith.constant 48 : index
          %get3A_859 = tpu.vector_load %arg6[%get3A_857, %get3A_858] {strides = array<i32>} : memref<40x128xf32, #tpu.memory_space<vmem>>, vector<1x16xf32>,
          %get3A_860 = vector.shape_cast %get3A_859 : vector<1x16xf32> to vector<16xf32>
          %add3A_861 = arith.addf %scan3A_833, %get3A_860 : vector<16xf32>
          %get3A_862 = arith.index_cast %add3A_841 : i32 to index
          %get3A_863 = arith.constant 64 : index
          %get3A_864 = tpu.vector_load %arg6[%get3A_862, %get3A_863] {strides = array<i32>} : memref<40x128xf32, #tpu.memory_space<vmem>>, vector<1x16xf32>,
          %get3A_865 = vector.shape_cast %get3A_864 : vector<1x16xf32> to vector<16xf32>
          %add3A_866 = arith.addf %scan3A_834, %get3A_865 : vector<16xf32>
          %get3A_867 = arith.index_cast %add3A_841 : i32 to index
          %get3A_868 = arith.constant 80 : index
          %get3A_869 = tpu.vector_load %arg6[%get3A_867, %get3A_868] {strides = array<i32>} : memref<40x128xf32, #tpu.memory_space<vmem>>, vector<1x16xf32>,
          %get3A_870 = vector.shape_cast %get3A_869 : vector<1x16xf32> to vector<16xf32>
          %add3A_871 = arith.addf %scan3A_835, %get3A_870 : vector<16xf32>
          %get3A_872 = arith.index_cast %add3A_841 : i32 to index
          %get3A_873 = arith.constant 96 : index
          %get3A_874 = tpu.vector_load %arg6[%get3A_872, %get3A_873] {strides = array<i32>} : memref<40x128xf32, #tpu.memory_space<vmem>>, vector<1x16xf32>,
          %get3A_875 = vector.shape_cast %get3A_874 : vector<1x16xf32> to vector<16xf32>
          %add3A_876 = arith.addf %scan3A_836, %get3A_875 : vector<16xf32>
          %get3A_877 = arith.index_cast %add3A_841 : i32 to index
          %get3A_878 = arith.constant 112 : index
          %get3A_879 = tpu.vector_load %arg6[%get3A_877, %get3A_878] {strides = array<i32>} : memref<40x128xf32, #tpu.memory_space<vmem>>, vector<1x16xf32>,
          %get3A_880 = vector.shape_cast %get3A_879 : vector<1x16xf32> to vector<16xf32>
          %add3A_881 = arith.addf %scan3A_837, %get3A_880 : vector<16xf32>
          %mul3A_882 = arith.constant 5 : i32
          %mul3A_883 = arith.muli %scan3A_829, %mul3A_882 : i32
          %add3A_884 = arith.constant 1 : i32
          %add3A_885 = arith.addi %mul3A_883, %add3A_884 : i32
          %get3A_886 = arith.index_cast %add3A_885 : i32 to index
          %get3A_887 = arith.constant 0 : index
          %get3A_888 = tpu.vector_load %arg6[%get3A_886, %get3A_887] {strides = array<i32>} : memref<40x128xf32, #tpu.memory_space<vmem>>, vector<1x16xf32>,
          %get3A_889 = vector.shape_cast %get3A_888 : vector<1x16xf32> to vector<16xf32>
          %add3A_890 = arith.addf %add3A_846, %get3A_889 : vector<16xf32>
          %get3A_891 = arith.index_cast %add3A_885 : i32 to index
          %get3A_892 = arith.constant 16 : index
          %get3A_893 = tpu.vector_load %arg6[%get3A_891, %get3A_892] {strides = array<i32>} : memref<40x128xf32, #tpu.memory_space<vmem>>, vector<1x16xf32>,
          %get3A_894 = vector.shape_cast %get3A_893 : vector<1x16xf32> to vector<16xf32>
          %add3A_895 = arith.addf %add3A_851, %get3A_894 : vector<16xf32>
          %get3A_896 = arith.index_cast %add3A_885 : i32 to index
          %get3A_897 = arith.constant 32 : index
          %get3A_898 = tpu.vector_load %arg6[%get3A_896, %get3A_897] {strides = array<i32>} : memref<40x128xf32, #tpu.memory_space<vmem>>, vector<1x16xf32>,
          %get3A_899 = vector.shape_cast %get3A_898 : vector<1x16xf32> to vector<16xf32>
          %add3A_900 = arith.addf %add3A_856, %get3A_899 : vector<16xf32>
          %get3A_901 = arith.index_cast %add3A_885 : i32 to index
          %get3A_902 = arith.constant 48 : index
          %get3A_903 = tpu.vector_load %arg6[%get3A_901, %get3A_902] {strides = array<i32>} : memref<40x128xf32, #tpu.memory_space<vmem>>, vector<1x16xf32>,
          %get3A_904 = vector.shape_cast %get3A_903 : vector<1x16xf32> to vector<16xf32>
          %add3A_905 = arith.addf %add3A_861, %get3A_904 : vector<16xf32>
          %get3A_906 = arith.index_cast %add3A_885 : i32 to index
          %get3A_907 = arith.constant 64 : index
          %get3A_908 = tpu.vector_load %arg6[%get3A_906, %get3A_907] {strides = array<i32>} : memref<40x128xf32, #tpu.memory_space<vmem>>, vector<1x16xf32>,
          %get3A_909 = vector.shape_cast %get3A_908 : vector<1x16xf32> to vector<16xf32>
          %add3A_910 = arith.addf %add3A_866, %get3A_909 : vector<16xf32>
          %get3A_911 = arith.index_cast %add3A_885 : i32 to index
          %get3A_912 = arith.constant 80 : index
          %get3A_913 = tpu.vector_load %arg6[%get3A_911, %get3A_912] {strides = array<i32>} : memref<40x128xf32, #tpu.memory_space<vmem>>, vector<1x16xf32>,
          %get3A_914 = vector.shape_cast %get3A_913 : vector<1x16xf32> to vector<16xf32>
          %add3A_915 = arith.addf %add3A_871, %get3A_914 : vector<16xf32>
          %get3A_916 = arith.index_cast %add3A_885 : i32 to index
          %get3A_917 = arith.constant 96 : index
          %get3A_918 = tpu.vector_load %arg6[%get3A_916, %get3A_917] {strides = array<i32>} : memref<40x128xf32, #tpu.memory_space<vmem>>, vector<1x16xf32>,
          %get3A_919 = vector.shape_cast %get3A_918 : vector<1x16xf32> to vector<16xf32>
          %add3A_920 = arith.addf %add3A_876, %get3A_919 : vector<16xf32>
          %get3A_921 = arith.index_cast %add3A_885 : i32 to index
          %get3A_922 = arith.constant 112 : index
          %get3A_923 = tpu.vector_load %arg6[%get3A_921, %get3A_922] {strides = array<i32>} : memref<40x128xf32, #tpu.memory_space<vmem>>, vector<1x16xf32>,
          %get3A_924 = vector.shape_cast %get3A_923 : vector<1x16xf32> to vector<16xf32>
          %add3A_925 = arith.addf %add3A_881, %get3A_924 : vector<16xf32>
          %mul3A_926 = arith.constant 5 : i32
          %mul3A_927 = arith.muli %scan3A_829, %mul3A_926 : i32
          %add3A_928 = arith.constant 2 : i32
          %add3A_929 = arith.addi %mul3A_927, %add3A_928 : i32
          %get3A_930 = arith.index_cast %add3A_929 : i32 to index
          %get3A_931 = arith.constant 0 : index
          %get3A_932 = tpu.vector_load %arg6[%get3A_930, %get3A_931] {strides = array<i32>} : memref<40x128xf32, #tpu.memory_space<vmem>>, vector<1x16xf32>,
          %get3A_933 = vector.shape_cast %get3A_932 : vector<1x16xf32> to vector<16xf32>
          %add3A_934 = arith.addf %add3A_890, %get3A_933 : vector<16xf32>
          %get3A_935 = arith.index_cast %add3A_929 : i32 to index
          %get3A_936 = arith.constant 16 : index
          %get3A_937 = tpu.vector_load %arg6[%get3A_935, %get3A_936] {strides = array<i32>} : memref<40x128xf32, #tpu.memory_space<vmem>>, vector<1x16xf32>,
          %get3A_938 = vector.shape_cast %get3A_937 : vector<1x16xf32> to vector<16xf32>
          %add3A_939 = arith.addf %add3A_895, %get3A_938 : vector<16xf32>
          %get3A_940 = arith.index_cast %add3A_929 : i32 to index
          %get3A_941 = arith.constant 32 : index
          %get3A_942 = tpu.vector_load %arg6[%get3A_940, %get3A_941] {strides = array<i32>} : memref<40x128xf32, #tpu.memory_space<vmem>>, vector<1x16xf32>,
          %get3A_943 = vector.shape_cast %get3A_942 : vector<1x16xf32> to vector<16xf32>
          %add3A_944 = arith.addf %add3A_900, %get3A_943 : vector<16xf32>
          %get3A_945 = arith.index_cast %add3A_929 : i32 to index
          %get3A_946 = arith.constant 48 : index
          %get3A_947 = tpu.vector_load %arg6[%get3A_945, %get3A_946] {strides = array<i32>} : memref<40x128xf32, #tpu.memory_space<vmem>>, vector<1x16xf32>,
          %get3A_948 = vector.shape_cast %get3A_947 : vector<1x16xf32> to vector<16xf32>
          %add3A_949 = arith.addf %add3A_905, %get3A_948 : vector<16xf32>
          %get3A_950 = arith.index_cast %add3A_929 : i32 to index
          %get3A_951 = arith.constant 64 : index
          %get3A_952 = tpu.vector_load %arg6[%get3A_950, %get3A_951] {strides = array<i32>} : memref<40x128xf32, #tpu.memory_space<vmem>>, vector<1x16xf32>,
          %get3A_953 = vector.shape_cast %get3A_952 : vector<1x16xf32> to vector<16xf32>
          %add3A_954 = arith.addf %add3A_910, %get3A_953 : vector<16xf32>
          %get3A_955 = arith.index_cast %add3A_929 : i32 to index
          %get3A_956 = arith.constant 80 : index
          %get3A_957 = tpu.vector_load %arg6[%get3A_955, %get3A_956] {strides = array<i32>} : memref<40x128xf32, #tpu.memory_space<vmem>>, vector<1x16xf32>,
          %get3A_958 = vector.shape_cast %get3A_957 : vector<1x16xf32> to vector<16xf32>
          %add3A_959 = arith.addf %add3A_915, %get3A_958 : vector<16xf32>
          %get3A_960 = arith.index_cast %add3A_929 : i32 to index
          %get3A_961 = arith.constant 96 : index
          %get3A_962 = tpu.vector_load %arg6[%get3A_960, %get3A_961] {strides = array<i32>} : memref<40x128xf32, #tpu.memory_space<vmem>>, vector<1x16xf32>,
          %get3A_963 = vector.shape_cast %get3A_962 : vector<1x16xf32> to vector<16xf32>
          %add3A_964 = arith.addf %add3A_920, %get3A_963 : vector<16xf32>
          %get3A_965 = arith.index_cast %add3A_929 : i32 to index
          %get3A_966 = arith.constant 112 : index
          %get3A_967 = tpu.vector_load %arg6[%get3A_965, %get3A_966] {strides = array<i32>} : memref<40x128xf32, #tpu.memory_space<vmem>>, vector<1x16xf32>,
          %get3A_968 = vector.shape_cast %get3A_967 : vector<1x16xf32> to vector<16xf32>
          %add3A_969 = arith.addf %add3A_925, %get3A_968 : vector<16xf32>
          %mul3A_970 = arith.constant 5 : i32
          %mul3A_971 = arith.muli %scan3A_829, %mul3A_970 : i32
          %add3A_972 = arith.constant 3 : i32
          %add3A_973 = arith.addi %mul3A_971, %add3A_972 : i32
          %get3A_974 = arith.index_cast %add3A_973 : i32 to index
          %get3A_975 = arith.constant 0 : index
          %get3A_976 = tpu.vector_load %arg6[%get3A_974, %get3A_975] {strides = array<i32>} : memref<40x128xf32, #tpu.memory_space<vmem>>, vector<1x16xf32>,
          %get3A_977 = vector.shape_cast %get3A_976 : vector<1x16xf32> to vector<16xf32>
          %add3A_978 = arith.addf %add3A_934, %get3A_977 : vector<16xf32>
          %get3A_979 = arith.index_cast %add3A_973 : i32 to index
          %get3A_980 = arith.constant 16 : index
          %get3A_981 = tpu.vector_load %arg6[%get3A_979, %get3A_980] {strides = array<i32>} : memref<40x128xf32, #tpu.memory_space<vmem>>, vector<1x16xf32>,
          %get3A_982 = vector.shape_cast %get3A_981 : vector<1x16xf32> to vector<16xf32>
          %add3A_983 = arith.addf %add3A_939, %get3A_982 : vector<16xf32>
          %get3A_984 = arith.index_cast %add3A_973 : i32 to index
          %get3A_985 = arith.constant 32 : index
          %get3A_986 = tpu.vector_load %arg6[%get3A_984, %get3A_985] {strides = array<i32>} : memref<40x128xf32, #tpu.memory_space<vmem>>, vector<1x16xf32>,
          %get3A_987 = vector.shape_cast %get3A_986 : vector<1x16xf32> to vector<16xf32>
          %add3A_988 = arith.addf %add3A_944, %get3A_987 : vector<16xf32>
          %get3A_989 = arith.index_cast %add3A_973 : i32 to index
          %get3A_990 = arith.constant 48 : index
          %get3A_991 = tpu.vector_load %arg6[%get3A_989, %get3A_990] {strides = array<i32>} : memref<40x128xf32, #tpu.memory_space<vmem>>, vector<1x16xf32>,
          %get3A_992 = vector.shape_cast %get3A_991 : vector<1x16xf32> to vector<16xf32>
          %add3A_993 = arith.addf %add3A_949, %get3A_992 : vector<16xf32>
          %get3A_994 = arith.index_cast %add3A_973 : i32 to index
          %get3A_995 = arith.constant 64 : index
          %get3A_996 = tpu.vector_load %arg6[%get3A_994, %get3A_995] {strides = array<i32>} : memref<40x128xf32, #tpu.memory_space<vmem>>, vector<1x16xf32>,
          %get3A_997 = vector.shape_cast %get3A_996 : vector<1x16xf32> to vector<16xf32>
          %add3A_998 = arith.addf %add3A_954, %get3A_997 : vector<16xf32>
          %get3A_999 = arith.index_cast %add3A_973 : i32 to index
          %get3A_1000 = arith.constant 80 : index
          %get3A_1001 = tpu.vector_load %arg6[%get3A_999, %get3A_1000] {strides = array<i32>} : memref<40x128xf32, #tpu.memory_space<vmem>>, vector<1x16xf32>,
          %get3A_1002 = vector.shape_cast %get3A_1001 : vector<1x16xf32> to vector<16xf32>
          %add3A_1003 = arith.addf %add3A_959, %get3A_1002 : vector<16xf32>
          %get3A_1004 = arith.index_cast %add3A_973 : i32 to index
          %get3A_1005 = arith.constant 96 : index
          %get3A_1006 = tpu.vector_load %arg6[%get3A_1004, %get3A_1005] {strides = array<i32>} : memref<40x128xf32, #tpu.memory_space<vmem>>, vector<1x16xf32>,
          %get3A_1007 = vector.shape_cast %get3A_1006 : vector<1x16xf32> to vector<16xf32>
          %add3A_1008 = arith.addf %add3A_964, %get3A_1007 : vector<16xf32>
          %get3A_1009 = arith.index_cast %add3A_973 : i32 to index
          %get3A_1010 = arith.constant 112 : index
          %get3A_1011 = tpu.vector_load %arg6[%get3A_1009, %get3A_1010] {strides = array<i32>} : memref<40x128xf32, #tpu.memory_space<vmem>>, vector<1x16xf32>,
          %get3A_1012 = vector.shape_cast %get3A_1011 : vector<1x16xf32> to vector<16xf32>
          %add3A_1013 = arith.addf %add3A_969, %get3A_1012 : vector<16xf32>
          %mul3A_1014 = arith.constant 5 : i32
          %mul3A_1015 = arith.muli %scan3A_829, %mul3A_1014 : i32
          %add3A_1016 = arith.constant 4 : i32
          %add3A_1017 = arith.addi %mul3A_1015, %add3A_1016 : i32
          %get3A_1018 = arith.index_cast %add3A_1017 : i32 to index
          %get3A_1019 = arith.constant 0 : index
          %get3A_1020 = tpu.vector_load %arg6[%get3A_1018, %get3A_1019] {strides = array<i32>} : memref<40x128xf32, #tpu.memory_space<vmem>>, vector<1x16xf32>,
          %get3A_1021 = vector.shape_cast %get3A_1020 : vector<1x16xf32> to vector<16xf32>
          %add3A_1022 = arith.addf %add3A_978, %get3A_1021 : vector<16xf32>
          %get3A_1023 = arith.index_cast %add3A_1017 : i32 to index
          %get3A_1024 = arith.constant 16 : index
          %get3A_1025 = tpu.vector_load %arg6[%get3A_1023, %get3A_1024] {strides = array<i32>} : memref<40x128xf32, #tpu.memory_space<vmem>>, vector<1x16xf32>,
          %get3A_1026 = vector.shape_cast %get3A_1025 : vector<1x16xf32> to vector<16xf32>
          %add3A_1027 = arith.addf %add3A_983, %get3A_1026 : vector<16xf32>
          %get3A_1028 = arith.index_cast %add3A_1017 : i32 to index
          %get3A_1029 = arith.constant 32 : index
          %get3A_1030 = tpu.vector_load %arg6[%get3A_1028, %get3A_1029] {strides = array<i32>} : memref<40x128xf32, #tpu.memory_space<vmem>>, vector<1x16xf32>,
          %get3A_1031 = vector.shape_cast %get3A_1030 : vector<1x16xf32> to vector<16xf32>
          %add3A_1032 = arith.addf %add3A_988, %get3A_1031 : vector<16xf32>
          %get3A_1033 = arith.index_cast %add3A_1017 : i32 to index
          %get3A_1034 = arith.constant 48 : index
          %get3A_1035 = tpu.vector_load %arg6[%get3A_1033, %get3A_1034] {strides = array<i32>} : memref<40x128xf32, #tpu.memory_space<vmem>>, vector<1x16xf32>,
          %get3A_1036 = vector.shape_cast %get3A_1035 : vector<1x16xf32> to vector<16xf32>
          %add3A_1037 = arith.addf %add3A_993, %get3A_1036 : vector<16xf32>
          %get3A_1038 = arith.index_cast %add3A_1017 : i32 to index
          %get3A_1039 = arith.constant 64 : index
          %get3A_1040 = tpu.vector_load %arg6[%get3A_1038, %get3A_1039] {strides = array<i32>} : memref<40x128xf32, #tpu.memory_space<vmem>>, vector<1x16xf32>,
          %get3A_1041 = vector.shape_cast %get3A_1040 : vector<1x16xf32> to vector<16xf32>
          %add3A_1042 = arith.addf %add3A_998, %get3A_1041 : vector<16xf32>
          %get3A_1043 = arith.index_cast %add3A_1017 : i32 to index
          %get3A_1044 = arith.constant 80 : index
          %get3A_1045 = tpu.vector_load %arg6[%get3A_1043, %get3A_1044] {strides = array<i32>} : memref<40x128xf32, #tpu.memory_space<vmem>>, vector<1x16xf32>,
          %get3A_1046 = vector.shape_cast %get3A_1045 : vector<1x16xf32> to vector<16xf32>
          %add3A_1047 = arith.addf %add3A_1003, %get3A_1046 : vector<16xf32>
          %get3A_1048 = arith.index_cast %add3A_1017 : i32 to index
          %get3A_1049 = arith.constant 96 : index
          %get3A_1050 = tpu.vector_load %arg6[%get3A_1048, %get3A_1049] {strides = array<i32>} : memref<40x128xf32, #tpu.memory_space<vmem>>, vector<1x16xf32>,
          %get3A_1051 = vector.shape_cast %get3A_1050 : vector<1x16xf32> to vector<16xf32>
          %add3A_1052 = arith.addf %add3A_1008, %get3A_1051 : vector<16xf32>
          %get3A_1053 = arith.index_cast %add3A_1017 : i32 to index
          %get3A_1054 = arith.constant 112 : index
          %get3A_1055 = tpu.vector_load %arg6[%get3A_1053, %get3A_1054] {strides = array<i32>} : memref<40x128xf32, #tpu.memory_space<vmem>>, vector<1x16xf32>,
          %get3A_1056 = vector.shape_cast %get3A_1055 : vector<1x16xf32> to vector<16xf32>
          %add3A_1057 = arith.addf %add3A_1013, %get3A_1056 : vector<16xf32>
          scf.yield %add3A_1022, %add3A_1027, %add3A_1032, %add3A_1037, %add3A_1042, %add3A_1047, %add3A_1052, %add3A_1057 : vector<16xf32>, vector<16xf32>, vector<16xf32>, vector<16xf32>, vector<16xf32>, vector<16xf32>, vector<16xf32>, vector<16xf32>
        }
        %scan3A_630 = arith.constant 8 : i32
        %scan3A_631 = arith.constant 0 : i32
        %scan3A_632 = arith.constant 8 : i32
        %scan3A_633 = arith.addi %scan3A_631, %scan3A_632 : i32
        %scan3A_634 = arith.constant 1 : i32
        %scan3A_635:16 = scf.for %scan3A_829 = %scan3A_631 to %scan3A_633 step %scan3A_634 iter_args(%scan3A_830 = %broadcast_in_dim3A_5, %scan3A_831 = %broadcast_in_dim3A_5, %scan3A_832 = %broadcast_in_dim3A_5, %scan3A_833 = %broadcast_in_dim3A_5, %scan3A_834 = %broadcast_in_dim3A_5, %scan3A_835 = %broadcast_in_dim3A_5, %scan3A_836 = %broadcast_in_dim3A_5, %scan3A_837 = %broadcast_in_dim3A_5, %scan3A_838 = %broadcast_in_dim3A_5, %scan3A_839 = %broadcast_in_dim3A_5, %scan3A_840 = %broadcast_in_dim3A_5, %scan3A_841 = %broadcast_in_dim3A_5, %scan3A_842 = %broadcast_in_dim3A_5, %scan3A_843 = %broadcast_in_dim3A_5, %scan3A_844 = %broadcast_in_dim3A_5, %scan3A_845 = %broadcast_in_dim3A_5) -> (vector<16xf32>, vector<16xf32>, vector<16xf32>, vector<16xf32>, vector<16xf32>, vector<16xf32>, vector<16xf32>, vector<16xf32>, vector<16xf32>, vector<16xf32>, vector<16xf32>, vector<16xf32>, vector<16xf32>, vector<16xf32>, vector<16xf32>, vector<16xf32>)  : i32 {
          %mul3A_846 = arith.constant 5 : i32
          %mul3A_847 = arith.muli %scan3A_829, %mul3A_846 : i32
          %add3A_848 = arith.constant 0 : i32
          %add3A_849 = arith.addi %mul3A_847, %add3A_848 : i32
          %get3A_850 = arith.index_cast %add3A_849 : i32 to index
          %get3A_851 = arith.constant 0 : index
          %get3A_852 = tpu.vector_load %arg8[%get3A_850, %get3A_851] {strides = array<i32>} : memref<40x256xf32, #tpu.memory_space<vmem>>, vector<1x16xf32>,
          %get3A_853 = vector.shape_cast %get3A_852 : vector<1x16xf32> to vector<16xf32>
          %add3A_854 = arith.addf %scan3A_830, %get3A_853 : vector<16xf32>
          %get3A_855 = arith.index_cast %add3A_849 : i32 to index
          %get3A_856 = arith.constant 16 : index
          %get3A_857 = tpu.vector_load %arg8[%get3A_855, %get3A_856] {strides = array<i32>} : memref<40x256xf32, #tpu.memory_space<vmem>>, vector<1x16xf32>,
          %get3A_858 = vector.shape_cast %get3A_857 : vector<1x16xf32> to vector<16xf32>
          %add3A_859 = arith.addf %scan3A_831, %get3A_858 : vector<16xf32>
          %get3A_860 = arith.index_cast %add3A_849 : i32 to index
          %get3A_861 = arith.constant 32 : index
          %get3A_862 = tpu.vector_load %arg8[%get3A_860, %get3A_861] {strides = array<i32>} : memref<40x256xf32, #tpu.memory_space<vmem>>, vector<1x16xf32>,
          %get3A_863 = vector.shape_cast %get3A_862 : vector<1x16xf32> to vector<16xf32>
          %add3A_864 = arith.addf %scan3A_832, %get3A_863 : vector<16xf32>
          %get3A_865 = arith.index_cast %add3A_849 : i32 to index
          %get3A_866 = arith.constant 48 : index
          %get3A_867 = tpu.vector_load %arg8[%get3A_865, %get3A_866] {strides = array<i32>} : memref<40x256xf32, #tpu.memory_space<vmem>>, vector<1x16xf32>,
          %get3A_868 = vector.shape_cast %get3A_867 : vector<1x16xf32> to vector<16xf32>
          %add3A_869 = arith.addf %scan3A_833, %get3A_868 : vector<16xf32>
          %get3A_870 = arith.index_cast %add3A_849 : i32 to index
          %get3A_871 = arith.constant 64 : index
          %get3A_872 = tpu.vector_load %arg8[%get3A_870, %get3A_871] {strides = array<i32>} : memref<40x256xf32, #tpu.memory_space<vmem>>, vector<1x16xf32>,
          %get3A_873 = vector.shape_cast %get3A_872 : vector<1x16xf32> to vector<16xf32>
          %add3A_874 = arith.addf %scan3A_834, %get3A_873 : vector<16xf32>
          %get3A_875 = arith.index_cast %add3A_849 : i32 to index
          %get3A_876 = arith.constant 80 : index
          %get3A_877 = tpu.vector_load %arg8[%get3A_875, %get3A_876] {strides = array<i32>} : memref<40x256xf32, #tpu.memory_space<vmem>>, vector<1x16xf32>,
          %get3A_878 = vector.shape_cast %get3A_877 : vector<1x16xf32> to vector<16xf32>
          %add3A_879 = arith.addf %scan3A_835, %get3A_878 : vector<16xf32>
          %get3A_880 = arith.index_cast %add3A_849 : i32 to index
          %get3A_881 = arith.constant 96 : index
          %get3A_882 = tpu.vector_load %arg8[%get3A_880, %get3A_881] {strides = array<i32>} : memref<40x256xf32, #tpu.memory_space<vmem>>, vector<1x16xf32>,
          %get3A_883 = vector.shape_cast %get3A_882 : vector<1x16xf32> to vector<16xf32>
          %add3A_884 = arith.addf %scan3A_836, %get3A_883 : vector<16xf32>
          %get3A_885 = arith.index_cast %add3A_849 : i32 to index
          %get3A_886 = arith.constant 112 : index
          %get3A_887 = tpu.vector_load %arg8[%get3A_885, %get3A_886] {strides = array<i32>} : memref<40x256xf32, #tpu.memory_space<vmem>>, vector<1x16xf32>,
          %get3A_888 = vector.shape_cast %get3A_887 : vector<1x16xf32> to vector<16xf32>
          %add3A_889 = arith.addf %scan3A_837, %get3A_888 : vector<16xf32>
          %get3A_890 = arith.index_cast %add3A_849 : i32 to index
          %get3A_891 = arith.constant 128 : index
          %get3A_892 = tpu.vector_load %arg8[%get3A_890, %get3A_891] {strides = array<i32>} : memref<40x256xf32, #tpu.memory_space<vmem>>, vector<1x16xf32>,
          %get3A_893 = vector.shape_cast %get3A_892 : vector<1x16xf32> to vector<16xf32>
          %add3A_894 = arith.addf %scan3A_838, %get3A_893 : vector<16xf32>
          %get3A_895 = arith.index_cast %add3A_849 : i32 to index
          %get3A_896 = arith.constant 144 : index
          %get3A_897 = tpu.vector_load %arg8[%get3A_895, %get3A_896] {strides = array<i32>} : memref<40x256xf32, #tpu.memory_space<vmem>>, vector<1x16xf32>,
          %get3A_898 = vector.shape_cast %get3A_897 : vector<1x16xf32> to vector<16xf32>
          %add3A_899 = arith.addf %scan3A_839, %get3A_898 : vector<16xf32>
          %get3A_900 = arith.index_cast %add3A_849 : i32 to index
          %get3A_901 = arith.constant 160 : index
          %get3A_902 = tpu.vector_load %arg8[%get3A_900, %get3A_901] {strides = array<i32>} : memref<40x256xf32, #tpu.memory_space<vmem>>, vector<1x16xf32>,
          %get3A_903 = vector.shape_cast %get3A_902 : vector<1x16xf32> to vector<16xf32>
          %add3A_904 = arith.addf %scan3A_840, %get3A_903 : vector<16xf32>
          %get3A_905 = arith.index_cast %add3A_849 : i32 to index
          %get3A_906 = arith.constant 176 : index
          %get3A_907 = tpu.vector_load %arg8[%get3A_905, %get3A_906] {strides = array<i32>} : memref<40x256xf32, #tpu.memory_space<vmem>>, vector<1x16xf32>,
          %get3A_908 = vector.shape_cast %get3A_907 : vector<1x16xf32> to vector<16xf32>
          %add3A_909 = arith.addf %scan3A_841, %get3A_908 : vector<16xf32>
          %get3A_910 = arith.index_cast %add3A_849 : i32 to index
          %get3A_911 = arith.constant 192 : index
          %get3A_912 = tpu.vector_load %arg8[%get3A_910, %get3A_911] {strides = array<i32>} : memref<40x256xf32, #tpu.memory_space<vmem>>, vector<1x16xf32>,
          %get3A_913 = vector.shape_cast %get3A_912 : vector<1x16xf32> to vector<16xf32>
          %add3A_914 = arith.addf %scan3A_842, %get3A_913 : vector<16xf32>
          %get3A_915 = arith.index_cast %add3A_849 : i32 to index
          %get3A_916 = arith.constant 208 : index
          %get3A_917 = tpu.vector_load %arg8[%get3A_915, %get3A_916] {strides = array<i32>} : memref<40x256xf32, #tpu.memory_space<vmem>>, vector<1x16xf32>,
          %get3A_918 = vector.shape_cast %get3A_917 : vector<1x16xf32> to vector<16xf32>
          %add3A_919 = arith.addf %scan3A_843, %get3A_918 : vector<16xf32>
          %get3A_920 = arith.index_cast %add3A_849 : i32 to index
          %get3A_921 = arith.constant 224 : index
          %get3A_922 = tpu.vector_load %arg8[%get3A_920, %get3A_921] {strides = array<i32>} : memref<40x256xf32, #tpu.memory_space<vmem>>, vector<1x16xf32>,
          %get3A_923 = vector.shape_cast %get3A_922 : vector<1x16xf32> to vector<16xf32>
          %add3A_924 = arith.addf %scan3A_844, %get3A_923 : vector<16xf32>
          %get3A_925 = arith.index_cast %add3A_849 : i32 to index
          %get3A_926 = arith.constant 240 : index
          %get3A_927 = tpu.vector_load %arg8[%get3A_925, %get3A_926] {strides = array<i32>} : memref<40x256xf32, #tpu.memory_space<vmem>>, vector<1x16xf32>,
          %get3A_928 = vector.shape_cast %get3A_927 : vector<1x16xf32> to vector<16xf32>
          %add3A_929 = arith.addf %scan3A_845, %get3A_928 : vector<16xf32>
          %mul3A_930 = arith.constant 5 : i32
          %mul3A_931 = arith.muli %scan3A_829, %mul3A_930 : i32
          %add3A_932 = arith.constant 1 : i32
          %add3A_933 = arith.addi %mul3A_931, %add3A_932 : i32
          %get3A_934 = arith.index_cast %add3A_933 : i32 to index
          %get3A_935 = arith.constant 0 : index
          %get3A_936 = tpu.vector_load %arg8[%get3A_934, %get3A_935] {strides = array<i32>} : memref<40x256xf32, #tpu.memory_space<vmem>>, vector<1x16xf32>,
          %get3A_937 = vector.shape_cast %get3A_936 : vector<1x16xf32> to vector<16xf32>
          %add3A_938 = arith.addf %add3A_854, %get3A_937 : vector<16xf32>
          %get3A_939 = arith.index_cast %add3A_933 : i32 to index
          %get3A_940 = arith.constant 16 : index
          %get3A_941 = tpu.vector_load %arg8[%get3A_939, %get3A_940] {strides = array<i32>} : memref<40x256xf32, #tpu.memory_space<vmem>>, vector<1x16xf32>,
          %get3A_942 = vector.shape_cast %get3A_941 : vector<1x16xf32> to vector<16xf32>
          %add3A_943 = arith.addf %add3A_859, %get3A_942 : vector<16xf32>
          %get3A_944 = arith.index_cast %add3A_933 : i32 to index
          %get3A_945 = arith.constant 32 : index
          %get3A_946 = tpu.vector_load %arg8[%get3A_944, %get3A_945] {strides = array<i32>} : memref<40x256xf32, #tpu.memory_space<vmem>>, vector<1x16xf32>,
          %get3A_947 = vector.shape_cast %get3A_946 : vector<1x16xf32> to vector<16xf32>
          %add3A_948 = arith.addf %add3A_864, %get3A_947 : vector<16xf32>
          %get3A_949 = arith.index_cast %add3A_933 : i32 to index
          %get3A_950 = arith.constant 48 : index
          %get3A_951 = tpu.vector_load %arg8[%get3A_949, %get3A_950] {strides = array<i32>} : memref<40x256xf32, #tpu.memory_space<vmem>>, vector<1x16xf32>,
          %get3A_952 = vector.shape_cast %get3A_951 : vector<1x16xf32> to vector<16xf32>
          %add3A_953 = arith.addf %add3A_869, %get3A_952 : vector<16xf32>
          %get3A_954 = arith.index_cast %add3A_933 : i32 to index
          %get3A_955 = arith.constant 64 : index
          %get3A_956 = tpu.vector_load %arg8[%get3A_954, %get3A_955] {strides = array<i32>} : memref<40x256xf32, #tpu.memory_space<vmem>>, vector<1x16xf32>,
          %get3A_957 = vector.shape_cast %get3A_956 : vector<1x16xf32> to vector<16xf32>
          %add3A_958 = arith.addf %add3A_874, %get3A_957 : vector<16xf32>
          %get3A_959 = arith.index_cast %add3A_933 : i32 to index
          %get3A_960 = arith.constant 80 : index
          %get3A_961 = tpu.vector_load %arg8[%get3A_959, %get3A_960] {strides = array<i32>} : memref<40x256xf32, #tpu.memory_space<vmem>>, vector<1x16xf32>,
          %get3A_962 = vector.shape_cast %get3A_961 : vector<1x16xf32> to vector<16xf32>
          %add3A_963 = arith.addf %add3A_879, %get3A_962 : vector<16xf32>
          %get3A_964 = arith.index_cast %add3A_933 : i32 to index
          %get3A_965 = arith.constant 96 : index
          %get3A_966 = tpu.vector_load %arg8[%get3A_964, %get3A_965] {strides = array<i32>} : memref<40x256xf32, #tpu.memory_space<vmem>>, vector<1x16xf32>,
          %get3A_967 = vector.shape_cast %get3A_966 : vector<1x16xf32> to vector<16xf32>
          %add3A_968 = arith.addf %add3A_884, %get3A_967 : vector<16xf32>
          %get3A_969 = arith.index_cast %add3A_933 : i32 to index
          %get3A_970 = arith.constant 112 : index
          %get3A_971 = tpu.vector_load %arg8[%get3A_969, %get3A_970] {strides = array<i32>} : memref<40x256xf32, #tpu.memory_space<vmem>>, vector<1x16xf32>,
          %get3A_972 = vector.shape_cast %get3A_971 : vector<1x16xf32> to vector<16xf32>
          %add3A_973 = arith.addf %add3A_889, %get3A_972 : vector<16xf32>
          %get3A_974 = arith.index_cast %add3A_933 : i32 to index
          %get3A_975 = arith.constant 128 : index
          %get3A_976 = tpu.vector_load %arg8[%get3A_974, %get3A_975] {strides = array<i32>} : memref<40x256xf32, #tpu.memory_space<vmem>>, vector<1x16xf32>,
          %get3A_977 = vector.shape_cast %get3A_976 : vector<1x16xf32> to vector<16xf32>
          %add3A_978 = arith.addf %add3A_894, %get3A_977 : vector<16xf32>
          %get3A_979 = arith.index_cast %add3A_933 : i32 to index
          %get3A_980 = arith.constant 144 : index
          %get3A_981 = tpu.vector_load %arg8[%get3A_979, %get3A_980] {strides = array<i32>} : memref<40x256xf32, #tpu.memory_space<vmem>>, vector<1x16xf32>,
          %get3A_982 = vector.shape_cast %get3A_981 : vector<1x16xf32> to vector<16xf32>
          %add3A_983 = arith.addf %add3A_899, %get3A_982 : vector<16xf32>
          %get3A_984 = arith.index_cast %add3A_933 : i32 to index
          %get3A_985 = arith.constant 160 : index
          %get3A_986 = tpu.vector_load %arg8[%get3A_984, %get3A_985] {strides = array<i32>} : memref<40x256xf32, #tpu.memory_space<vmem>>, vector<1x16xf32>,
          %get3A_987 = vector.shape_cast %get3A_986 : vector<1x16xf32> to vector<16xf32>
          %add3A_988 = arith.addf %add3A_904, %get3A_987 : vector<16xf32>
          %get3A_989 = arith.index_cast %add3A_933 : i32 to index
          %get3A_990 = arith.constant 176 : index
          %get3A_991 = tpu.vector_load %arg8[%get3A_989, %get3A_990] {strides = array<i32>} : memref<40x256xf32, #tpu.memory_space<vmem>>, vector<1x16xf32>,
          %get3A_992 = vector.shape_cast %get3A_991 : vector<1x16xf32> to vector<16xf32>
          %add3A_993 = arith.addf %add3A_909, %get3A_992 : vector<16xf32>
          %get3A_994 = arith.index_cast %add3A_933 : i32 to index
          %get3A_995 = arith.constant 192 : index
          %get3A_996 = tpu.vector_load %arg8[%get3A_994, %get3A_995] {strides = array<i32>} : memref<40x256xf32, #tpu.memory_space<vmem>>, vector<1x16xf32>,
          %get3A_997 = vector.shape_cast %get3A_996 : vector<1x16xf32> to vector<16xf32>
          %add3A_998 = arith.addf %add3A_914, %get3A_997 : vector<16xf32>
          %get3A_999 = arith.index_cast %add3A_933 : i32 to index
          %get3A_1000 = arith.constant 208 : index
          %get3A_1001 = tpu.vector_load %arg8[%get3A_999, %get3A_1000] {strides = array<i32>} : memref<40x256xf32, #tpu.memory_space<vmem>>, vector<1x16xf32>,
          %get3A_1002 = vector.shape_cast %get3A_1001 : vector<1x16xf32> to vector<16xf32>
          %add3A_1003 = arith.addf %add3A_919, %get3A_1002 : vector<16xf32>
          %get3A_1004 = arith.index_cast %add3A_933 : i32 to index
          %get3A_1005 = arith.constant 224 : index
          %get3A_1006 = tpu.vector_load %arg8[%get3A_1004, %get3A_1005] {strides = array<i32>} : memref<40x256xf32, #tpu.memory_space<vmem>>, vector<1x16xf32>,
          %get3A_1007 = vector.shape_cast %get3A_1006 : vector<1x16xf32> to vector<16xf32>
          %add3A_1008 = arith.addf %add3A_924, %get3A_1007 : vector<16xf32>
          %get3A_1009 = arith.index_cast %add3A_933 : i32 to index
          %get3A_1010 = arith.constant 240 : index
          %get3A_1011 = tpu.vector_load %arg8[%get3A_1009, %get3A_1010] {strides = array<i32>} : memref<40x256xf32, #tpu.memory_space<vmem>>, vector<1x16xf32>,
          %get3A_1012 = vector.shape_cast %get3A_1011 : vector<1x16xf32> to vector<16xf32>
          %add3A_1013 = arith.addf %add3A_929, %get3A_1012 : vector<16xf32>
          %mul3A_1014 = arith.constant 5 : i32
          %mul3A_1015 = arith.muli %scan3A_829, %mul3A_1014 : i32
          %add3A_1016 = arith.constant 2 : i32
          %add3A_1017 = arith.addi %mul3A_1015, %add3A_1016 : i32
          %get3A_1018 = arith.index_cast %add3A_1017 : i32 to index
          %get3A_1019 = arith.constant 0 : index
          %get3A_1020 = tpu.vector_load %arg8[%get3A_1018, %get3A_1019] {strides = array<i32>} : memref<40x256xf32, #tpu.memory_space<vmem>>, vector<1x16xf32>,
          %get3A_1021 = vector.shape_cast %get3A_1020 : vector<1x16xf32> to vector<16xf32>
          %add3A_1022 = arith.addf %add3A_938, %get3A_1021 : vector<16xf32>
          %get3A_1023 = arith.index_cast %add3A_1017 : i32 to index
          %get3A_1024 = arith.constant 16 : index
          %get3A_1025 = tpu.vector_load %arg8[%get3A_1023, %get3A_1024] {strides = array<i32>} : memref<40x256xf32, #tpu.memory_space<vmem>>, vector<1x16xf32>,
          %get3A_1026 = vector.shape_cast %get3A_1025 : vector<1x16xf32> to vector<16xf32>
          %add3A_1027 = arith.addf %add3A_943, %get3A_1026 : vector<16xf32>
          %get3A_1028 = arith.index_cast %add3A_1017 : i32 to index
          %get3A_1029 = arith.constant 32 : index
          %get3A_1030 = tpu.vector_load %arg8[%get3A_1028, %get3A_1029] {strides = array<i32>} : memref<40x256xf32, #tpu.memory_space<vmem>>, vector<1x16xf32>,
          %get3A_1031 = vector.shape_cast %get3A_1030 : vector<1x16xf32> to vector<16xf32>
          %add3A_1032 = arith.addf %add3A_948, %get3A_1031 : vector<16xf32>
          %get3A_1033 = arith.index_cast %add3A_1017 : i32 to index
          %get3A_1034 = arith.constant 48 : index
          %get3A_1035 = tpu.vector_load %arg8[%get3A_1033, %get3A_1034] {strides = array<i32>} : memref<40x256xf32, #tpu.memory_space<vmem>>, vector<1x16xf32>,
          %get3A_1036 = vector.shape_cast %get3A_1035 : vector<1x16xf32> to vector<16xf32>
          %add3A_1037 = arith.addf %add3A_953, %get3A_1036 : vector<16xf32>
          %get3A_1038 = arith.index_cast %add3A_1017 : i32 to index
          %get3A_1039 = arith.constant 64 : index
          %get3A_1040 = tpu.vector_load %arg8[%get3A_1038, %get3A_1039] {strides = array<i32>} : memref<40x256xf32, #tpu.memory_space<vmem>>, vector<1x16xf32>,
          %get3A_1041 = vector.shape_cast %get3A_1040 : vector<1x16xf32> to vector<16xf32>
          %add3A_1042 = arith.addf %add3A_958, %get3A_1041 : vector<16xf32>
          %get3A_1043 = arith.index_cast %add3A_1017 : i32 to index
          %get3A_1044 = arith.constant 80 : index
          %get3A_1045 = tpu.vector_load %arg8[%get3A_1043, %get3A_1044] {strides = array<i32>} : memref<40x256xf32, #tpu.memory_space<vmem>>, vector<1x16xf32>,
          %get3A_1046 = vector.shape_cast %get3A_1045 : vector<1x16xf32> to vector<16xf32>
          %add3A_1047 = arith.addf %add3A_963, %get3A_1046 : vector<16xf32>
          %get3A_1048 = arith.index_cast %add3A_1017 : i32 to index
          %get3A_1049 = arith.constant 96 : index
          %get3A_1050 = tpu.vector_load %arg8[%get3A_1048, %get3A_1049] {strides = array<i32>} : memref<40x256xf32, #tpu.memory_space<vmem>>, vector<1x16xf32>,
          %get3A_1051 = vector.shape_cast %get3A_1050 : vector<1x16xf32> to vector<16xf32>
          %add3A_1052 = arith.addf %add3A_968, %get3A_1051 : vector<16xf32>
          %get3A_1053 = arith.index_cast %add3A_1017 : i32 to index
          %get3A_1054 = arith.constant 112 : index
          %get3A_1055 = tpu.vector_load %arg8[%get3A_1053, %get3A_1054] {strides = array<i32>} : memref<40x256xf32, #tpu.memory_space<vmem>>, vector<1x16xf32>,
          %get3A_1056 = vector.shape_cast %get3A_1055 : vector<1x16xf32> to vector<16xf32>
          %add3A_1057 = arith.addf %add3A_973, %get3A_1056 : vector<16xf32>
          %get3A_1058 = arith.index_cast %add3A_1017 : i32 to index
          %get3A_1059 = arith.constant 128 : index
          %get3A_1060 = tpu.vector_load %arg8[%get3A_1058, %get3A_1059] {strides = array<i32>} : memref<40x256xf32, #tpu.memory_space<vmem>>, vector<1x16xf32>,
          %get3A_1061 = vector.shape_cast %get3A_1060 : vector<1x16xf32> to vector<16xf32>
          %add3A_1062 = arith.addf %add3A_978, %get3A_1061 : vector<16xf32>
          %get3A_1063 = arith.index_cast %add3A_1017 : i32 to index
          %get3A_1064 = arith.constant 144 : index
          %get3A_1065 = tpu.vector_load %arg8[%get3A_1063, %get3A_1064] {strides = array<i32>} : memref<40x256xf32, #tpu.memory_space<vmem>>, vector<1x16xf32>,
          %get3A_1066 = vector.shape_cast %get3A_1065 : vector<1x16xf32> to vector<16xf32>
          %add3A_1067 = arith.addf %add3A_983, %get3A_1066 : vector<16xf32>
          %get3A_1068 = arith.index_cast %add3A_1017 : i32 to index
          %get3A_1069 = arith.constant 160 : index
          %get3A_1070 = tpu.vector_load %arg8[%get3A_1068, %get3A_1069] {strides = array<i32>} : memref<40x256xf32, #tpu.memory_space<vmem>>, vector<1x16xf32>,
          %get3A_1071 = vector.shape_cast %get3A_1070 : vector<1x16xf32> to vector<16xf32>
          %add3A_1072 = arith.addf %add3A_988, %get3A_1071 : vector<16xf32>
          %get3A_1073 = arith.index_cast %add3A_1017 : i32 to index
          %get3A_1074 = arith.constant 176 : index
          %get3A_1075 = tpu.vector_load %arg8[%get3A_1073, %get3A_1074] {strides = array<i32>} : memref<40x256xf32, #tpu.memory_space<vmem>>, vector<1x16xf32>,
          %get3A_1076 = vector.shape_cast %get3A_1075 : vector<1x16xf32> to vector<16xf32>
          %add3A_1077 = arith.addf %add3A_993, %get3A_1076 : vector<16xf32>
          %get3A_1078 = arith.index_cast %add3A_1017 : i32 to index
          %get3A_1079 = arith.constant 192 : index
          %get3A_1080 = tpu.vector_load %arg8[%get3A_1078, %get3A_1079] {strides = array<i32>} : memref<40x256xf32, #tpu.memory_space<vmem>>, vector<1x16xf32>,
          %get3A_1081 = vector.shape_cast %get3A_1080 : vector<1x16xf32> to vector<16xf32>
          %add3A_1082 = arith.addf %add3A_998, %get3A_1081 : vector<16xf32>
          %get3A_1083 = arith.index_cast %add3A_1017 : i32 to index
          %get3A_1084 = arith.constant 208 : index
          %get3A_1085 = tpu.vector_load %arg8[%get3A_1083, %get3A_1084] {strides = array<i32>} : memref<40x256xf32, #tpu.memory_space<vmem>>, vector<1x16xf32>,
          %get3A_1086 = vector.shape_cast %get3A_1085 : vector<1x16xf32> to vector<16xf32>
          %add3A_1087 = arith.addf %add3A_1003, %get3A_1086 : vector<16xf32>
          %get3A_1088 = arith.index_cast %add3A_1017 : i32 to index
          %get3A_1089 = arith.constant 224 : index
          %get3A_1090 = tpu.vector_load %arg8[%get3A_1088, %get3A_1089] {strides = array<i32>} : memref<40x256xf32, #tpu.memory_space<vmem>>, vector<1x16xf32>,
          %get3A_1091 = vector.shape_cast %get3A_1090 : vector<1x16xf32> to vector<16xf32>
          %add3A_1092 = arith.addf %add3A_1008, %get3A_1091 : vector<16xf32>
          %get3A_1093 = arith.index_cast %add3A_1017 : i32 to index
          %get3A_1094 = arith.constant 240 : index
          %get3A_1095 = tpu.vector_load %arg8[%get3A_1093, %get3A_1094] {strides = array<i32>} : memref<40x256xf32, #tpu.memory_space<vmem>>, vector<1x16xf32>,
          %get3A_1096 = vector.shape_cast %get3A_1095 : vector<1x16xf32> to vector<16xf32>
          %add3A_1097 = arith.addf %add3A_1013, %get3A_1096 : vector<16xf32>
          %mul3A_1098 = arith.constant 5 : i32
          %mul3A_1099 = arith.muli %scan3A_829, %mul3A_1098 : i32
          %add3A_1100 = arith.constant 3 : i32
          %add3A_1101 = arith.addi %mul3A_1099, %add3A_1100 : i32
          %get3A_1102 = arith.index_cast %add3A_1101 : i32 to index
          %get3A_1103 = arith.constant 0 : index
          %get3A_1104 = tpu.vector_load %arg8[%get3A_1102, %get3A_1103] {strides = array<i32>} : memref<40x256xf32, #tpu.memory_space<vmem>>, vector<1x16xf32>,
          %get3A_1105 = vector.shape_cast %get3A_1104 : vector<1x16xf32> to vector<16xf32>
          %add3A_1106 = arith.addf %add3A_1022, %get3A_1105 : vector<16xf32>
          %get3A_1107 = arith.index_cast %add3A_1101 : i32 to index
          %get3A_1108 = arith.constant 16 : index
          %get3A_1109 = tpu.vector_load %arg8[%get3A_1107, %get3A_1108] {strides = array<i32>} : memref<40x256xf32, #tpu.memory_space<vmem>>, vector<1x16xf32>,
          %get3A_1110 = vector.shape_cast %get3A_1109 : vector<1x16xf32> to vector<16xf32>
          %add3A_1111 = arith.addf %add3A_1027, %get3A_1110 : vector<16xf32>
          %get3A_1112 = arith.index_cast %add3A_1101 : i32 to index
          %get3A_1113 = arith.constant 32 : index
          %get3A_1114 = tpu.vector_load %arg8[%get3A_1112, %get3A_1113] {strides = array<i32>} : memref<40x256xf32, #tpu.memory_space<vmem>>, vector<1x16xf32>,
          %get3A_1115 = vector.shape_cast %get3A_1114 : vector<1x16xf32> to vector<16xf32>
          %add3A_1116 = arith.addf %add3A_1032, %get3A_1115 : vector<16xf32>
          %get3A_1117 = arith.index_cast %add3A_1101 : i32 to index
          %get3A_1118 = arith.constant 48 : index
          %get3A_1119 = tpu.vector_load %arg8[%get3A_1117, %get3A_1118] {strides = array<i32>} : memref<40x256xf32, #tpu.memory_space<vmem>>, vector<1x16xf32>,
          %get3A_1120 = vector.shape_cast %get3A_1119 : vector<1x16xf32> to vector<16xf32>
          %add3A_1121 = arith.addf %add3A_1037, %get3A_1120 : vector<16xf32>
          %get3A_1122 = arith.index_cast %add3A_1101 : i32 to index
          %get3A_1123 = arith.constant 64 : index
          %get3A_1124 = tpu.vector_load %arg8[%get3A_1122, %get3A_1123] {strides = array<i32>} : memref<40x256xf32, #tpu.memory_space<vmem>>, vector<1x16xf32>,
          %get3A_1125 = vector.shape_cast %get3A_1124 : vector<1x16xf32> to vector<16xf32>
          %add3A_1126 = arith.addf %add3A_1042, %get3A_1125 : vector<16xf32>
          %get3A_1127 = arith.index_cast %add3A_1101 : i32 to index
          %get3A_1128 = arith.constant 80 : index
          %get3A_1129 = tpu.vector_load %arg8[%get3A_1127, %get3A_1128] {strides = array<i32>} : memref<40x256xf32, #tpu.memory_space<vmem>>, vector<1x16xf32>,
          %get3A_1130 = vector.shape_cast %get3A_1129 : vector<1x16xf32> to vector<16xf32>
          %add3A_1131 = arith.addf %add3A_1047, %get3A_1130 : vector<16xf32>
          %get3A_1132 = arith.index_cast %add3A_1101 : i32 to index
          %get3A_1133 = arith.constant 96 : index
          %get3A_1134 = tpu.vector_load %arg8[%get3A_1132, %get3A_1133] {strides = array<i32>} : memref<40x256xf32, #tpu.memory_space<vmem>>, vector<1x16xf32>,
          %get3A_1135 = vector.shape_cast %get3A_1134 : vector<1x16xf32> to vector<16xf32>
          %add3A_1136 = arith.addf %add3A_1052, %get3A_1135 : vector<16xf32>
          %get3A_1137 = arith.index_cast %add3A_1101 : i32 to index
          %get3A_1138 = arith.constant 112 : index
          %get3A_1139 = tpu.vector_load %arg8[%get3A_1137, %get3A_1138] {strides = array<i32>} : memref<40x256xf32, #tpu.memory_space<vmem>>, vector<1x16xf32>,
          %get3A_1140 = vector.shape_cast %get3A_1139 : vector<1x16xf32> to vector<16xf32>
          %add3A_1141 = arith.addf %add3A_1057, %get3A_1140 : vector<16xf32>
          %get3A_1142 = arith.index_cast %add3A_1101 : i32 to index
          %get3A_1143 = arith.constant 128 : index
          %get3A_1144 = tpu.vector_load %arg8[%get3A_1142, %get3A_1143] {strides = array<i32>} : memref<40x256xf32, #tpu.memory_space<vmem>>, vector<1x16xf32>,
          %get3A_1145 = vector.shape_cast %get3A_1144 : vector<1x16xf32> to vector<16xf32>
          %add3A_1146 = arith.addf %add3A_1062, %get3A_1145 : vector<16xf32>
          %get3A_1147 = arith.index_cast %add3A_1101 : i32 to index
          %get3A_1148 = arith.constant 144 : index
          %get3A_1149 = tpu.vector_load %arg8[%get3A_1147, %get3A_1148] {strides = array<i32>} : memref<40x256xf32, #tpu.memory_space<vmem>>, vector<1x16xf32>,
          %get3A_1150 = vector.shape_cast %get3A_1149 : vector<1x16xf32> to vector<16xf32>
          %add3A_1151 = arith.addf %add3A_1067, %get3A_1150 : vector<16xf32>
          %get3A_1152 = arith.index_cast %add3A_1101 : i32 to index
          %get3A_1153 = arith.constant 160 : index
          %get3A_1154 = tpu.vector_load %arg8[%get3A_1152, %get3A_1153] {strides = array<i32>} : memref<40x256xf32, #tpu.memory_space<vmem>>, vector<1x16xf32>,
          %get3A_1155 = vector.shape_cast %get3A_1154 : vector<1x16xf32> to vector<16xf32>
          %add3A_1156 = arith.addf %add3A_1072, %get3A_1155 : vector<16xf32>
          %get3A_1157 = arith.index_cast %add3A_1101 : i32 to index
          %get3A_1158 = arith.constant 176 : index
          %get3A_1159 = tpu.vector_load %arg8[%get3A_1157, %get3A_1158] {strides = array<i32>} : memref<40x256xf32, #tpu.memory_space<vmem>>, vector<1x16xf32>,
          %get3A_1160 = vector.shape_cast %get3A_1159 : vector<1x16xf32> to vector<16xf32>
          %add3A_1161 = arith.addf %add3A_1077, %get3A_1160 : vector<16xf32>
          %get3A_1162 = arith.index_cast %add3A_1101 : i32 to index
          %get3A_1163 = arith.constant 192 : index
          %get3A_1164 = tpu.vector_load %arg8[%get3A_1162, %get3A_1163] {strides = array<i32>} : memref<40x256xf32, #tpu.memory_space<vmem>>, vector<1x16xf32>,
          %get3A_1165 = vector.shape_cast %get3A_1164 : vector<1x16xf32> to vector<16xf32>
          %add3A_1166 = arith.addf %add3A_1082, %get3A_1165 : vector<16xf32>
          %get3A_1167 = arith.index_cast %add3A_1101 : i32 to index
          %get3A_1168 = arith.constant 208 : index
          %get3A_1169 = tpu.vector_load %arg8[%get3A_1167, %get3A_1168] {strides = array<i32>} : memref<40x256xf32, #tpu.memory_space<vmem>>, vector<1x16xf32>,
          %get3A_1170 = vector.shape_cast %get3A_1169 : vector<1x16xf32> to vector<16xf32>
          %add3A_1171 = arith.addf %add3A_1087, %get3A_1170 : vector<16xf32>
          %get3A_1172 = arith.index_cast %add3A_1101 : i32 to index
          %get3A_1173 = arith.constant 224 : index
          %get3A_1174 = tpu.vector_load %arg8[%get3A_1172, %get3A_1173] {strides = array<i32>} : memref<40x256xf32, #tpu.memory_space<vmem>>, vector<1x16xf32>,
          %get3A_1175 = vector.shape_cast %get3A_1174 : vector<1x16xf32> to vector<16xf32>
          %add3A_1176 = arith.addf %add3A_1092, %get3A_1175 : vector<16xf32>
          %get3A_1177 = arith.index_cast %add3A_1101 : i32 to index
          %get3A_1178 = arith.constant 240 : index
          %get3A_1179 = tpu.vector_load %arg8[%get3A_1177, %get3A_1178] {strides = array<i32>} : memref<40x256xf32, #tpu.memory_space<vmem>>, vector<1x16xf32>,
          %get3A_1180 = vector.shape_cast %get3A_1179 : vector<1x16xf32> to vector<16xf32>
          %add3A_1181 = arith.addf %add3A_1097, %get3A_1180 : vector<16xf32>
          %mul3A_1182 = arith.constant 5 : i32
          %mul3A_1183 = arith.muli %scan3A_829, %mul3A_1182 : i32
          %add3A_1184 = arith.constant 4 : i32
          %add3A_1185 = arith.addi %mul3A_1183, %add3A_1184 : i32
          %get3A_1186 = arith.index_cast %add3A_1185 : i32 to index
          %get3A_1187 = arith.constant 0 : index
          %get3A_1188 = tpu.vector_load %arg8[%get3A_1186, %get3A_1187] {strides = array<i32>} : memref<40x256xf32, #tpu.memory_space<vmem>>, vector<1x16xf32>,
          %get3A_1189 = vector.shape_cast %get3A_1188 : vector<1x16xf32> to vector<16xf32>
          %add3A_1190 = arith.addf %add3A_1106, %get3A_1189 : vector<16xf32>
          %get3A_1191 = arith.index_cast %add3A_1185 : i32 to index
          %get3A_1192 = arith.constant 16 : index
          %get3A_1193 = tpu.vector_load %arg8[%get3A_1191, %get3A_1192] {strides = array<i32>} : memref<40x256xf32, #tpu.memory_space<vmem>>, vector<1x16xf32>,
          %get3A_1194 = vector.shape_cast %get3A_1193 : vector<1x16xf32> to vector<16xf32>
          %add3A_1195 = arith.addf %add3A_1111, %get3A_1194 : vector<16xf32>
          %get3A_1196 = arith.index_cast %add3A_1185 : i32 to index
          %get3A_1197 = arith.constant 32 : index
          %get3A_1198 = tpu.vector_load %arg8[%get3A_1196, %get3A_1197] {strides = array<i32>} : memref<40x256xf32, #tpu.memory_space<vmem>>, vector<1x16xf32>,
          %get3A_1199 = vector.shape_cast %get3A_1198 : vector<1x16xf32> to vector<16xf32>
          %add3A_1200 = arith.addf %add3A_1116, %get3A_1199 : vector<16xf32>
          %get3A_1201 = arith.index_cast %add3A_1185 : i32 to index
          %get3A_1202 = arith.constant 48 : index
          %get3A_1203 = tpu.vector_load %arg8[%get3A_1201, %get3A_1202] {strides = array<i32>} : memref<40x256xf32, #tpu.memory_space<vmem>>, vector<1x16xf32>,
          %get3A_1204 = vector.shape_cast %get3A_1203 : vector<1x16xf32> to vector<16xf32>
          %add3A_1205 = arith.addf %add3A_1121, %get3A_1204 : vector<16xf32>
          %get3A_1206 = arith.index_cast %add3A_1185 : i32 to index
          %get3A_1207 = arith.constant 64 : index
          %get3A_1208 = tpu.vector_load %arg8[%get3A_1206, %get3A_1207] {strides = array<i32>} : memref<40x256xf32, #tpu.memory_space<vmem>>, vector<1x16xf32>,
          %get3A_1209 = vector.shape_cast %get3A_1208 : vector<1x16xf32> to vector<16xf32>
          %add3A_1210 = arith.addf %add3A_1126, %get3A_1209 : vector<16xf32>
          %get3A_1211 = arith.index_cast %add3A_1185 : i32 to index
          %get3A_1212 = arith.constant 80 : index
          %get3A_1213 = tpu.vector_load %arg8[%get3A_1211, %get3A_1212] {strides = array<i32>} : memref<40x256xf32, #tpu.memory_space<vmem>>, vector<1x16xf32>,
          %get3A_1214 = vector.shape_cast %get3A_1213 : vector<1x16xf32> to vector<16xf32>
          %add3A_1215 = arith.addf %add3A_1131, %get3A_1214 : vector<16xf32>
          %get3A_1216 = arith.index_cast %add3A_1185 : i32 to index
          %get3A_1217 = arith.constant 96 : index
          %get3A_1218 = tpu.vector_load %arg8[%get3A_1216, %get3A_1217] {strides = array<i32>} : memref<40x256xf32, #tpu.memory_space<vmem>>, vector<1x16xf32>,
          %get3A_1219 = vector.shape_cast %get3A_1218 : vector<1x16xf32> to vector<16xf32>
          %add3A_1220 = arith.addf %add3A_1136, %get3A_1219 : vector<16xf32>
          %get3A_1221 = arith.index_cast %add3A_1185 : i32 to index
          %get3A_1222 = arith.constant 112 : index
          %get3A_1223 = tpu.vector_load %arg8[%get3A_1221, %get3A_1222] {strides = array<i32>} : memref<40x256xf32, #tpu.memory_space<vmem>>, vector<1x16xf32>,
          %get3A_1224 = vector.shape_cast %get3A_1223 : vector<1x16xf32> to vector<16xf32>
          %add3A_1225 = arith.addf %add3A_1141, %get3A_1224 : vector<16xf32>
          %get3A_1226 = arith.index_cast %add3A_1185 : i32 to index
          %get3A_1227 = arith.constant 128 : index
          %get3A_1228 = tpu.vector_load %arg8[%get3A_1226, %get3A_1227] {strides = array<i32>} : memref<40x256xf32, #tpu.memory_space<vmem>>, vector<1x16xf32>,
          %get3A_1229 = vector.shape_cast %get3A_1228 : vector<1x16xf32> to vector<16xf32>
          %add3A_1230 = arith.addf %add3A_1146, %get3A_1229 : vector<16xf32>
          %get3A_1231 = arith.index_cast %add3A_1185 : i32 to index
          %get3A_1232 = arith.constant 144 : index
          %get3A_1233 = tpu.vector_load %arg8[%get3A_1231, %get3A_1232] {strides = array<i32>} : memref<40x256xf32, #tpu.memory_space<vmem>>, vector<1x16xf32>,
          %get3A_1234 = vector.shape_cast %get3A_1233 : vector<1x16xf32> to vector<16xf32>
          %add3A_1235 = arith.addf %add3A_1151, %get3A_1234 : vector<16xf32>
          %get3A_1236 = arith.index_cast %add3A_1185 : i32 to index
          %get3A_1237 = arith.constant 160 : index
          %get3A_1238 = tpu.vector_load %arg8[%get3A_1236, %get3A_1237] {strides = array<i32>} : memref<40x256xf32, #tpu.memory_space<vmem>>, vector<1x16xf32>,
          %get3A_1239 = vector.shape_cast %get3A_1238 : vector<1x16xf32> to vector<16xf32>
          %add3A_1240 = arith.addf %add3A_1156, %get3A_1239 : vector<16xf32>
          %get3A_1241 = arith.index_cast %add3A_1185 : i32 to index
          %get3A_1242 = arith.constant 176 : index
          %get3A_1243 = tpu.vector_load %arg8[%get3A_1241, %get3A_1242] {strides = array<i32>} : memref<40x256xf32, #tpu.memory_space<vmem>>, vector<1x16xf32>,
          %get3A_1244 = vector.shape_cast %get3A_1243 : vector<1x16xf32> to vector<16xf32>
          %add3A_1245 = arith.addf %add3A_1161, %get3A_1244 : vector<16xf32>
          %get3A_1246 = arith.index_cast %add3A_1185 : i32 to index
          %get3A_1247 = arith.constant 192 : index
          %get3A_1248 = tpu.vector_load %arg8[%get3A_1246, %get3A_1247] {strides = array<i32>} : memref<40x256xf32, #tpu.memory_space<vmem>>, vector<1x16xf32>,
          %get3A_1249 = vector.shape_cast %get3A_1248 : vector<1x16xf32> to vector<16xf32>
          %add3A_1250 = arith.addf %add3A_1166, %get3A_1249 : vector<16xf32>
          %get3A_1251 = arith.index_cast %add3A_1185 : i32 to index
          %get3A_1252 = arith.constant 208 : index
          %get3A_1253 = tpu.vector_load %arg8[%get3A_1251, %get3A_1252] {strides = array<i32>} : memref<40x256xf32, #tpu.memory_space<vmem>>, vector<1x16xf32>,
          %get3A_1254 = vector.shape_cast %get3A_1253 : vector<1x16xf32> to vector<16xf32>
          %add3A_1255 = arith.addf %add3A_1171, %get3A_1254 : vector<16xf32>
          %get3A_1256 = arith.index_cast %add3A_1185 : i32 to index
          %get3A_1257 = arith.constant 224 : index
          %get3A_1258 = tpu.vector_load %arg8[%get3A_1256, %get3A_1257] {strides = array<i32>} : memref<40x256xf32, #tpu.memory_space<vmem>>, vector<1x16xf32>,
          %get3A_1259 = vector.shape_cast %get3A_1258 : vector<1x16xf32> to vector<16xf32>
          %add3A_1260 = arith.addf %add3A_1176, %get3A_1259 : vector<16xf32>
          %get3A_1261 = arith.index_cast %add3A_1185 : i32 to index
          %get3A_1262 = arith.constant 240 : index
          %get3A_1263 = tpu.vector_load %arg8[%get3A_1261, %get3A_1262] {strides = array<i32>} : memref<40x256xf32, #tpu.memory_space<vmem>>, vector<1x16xf32>,
          %get3A_1264 = vector.shape_cast %get3A_1263 : vector<1x16xf32> to vector<16xf32>
          %add3A_1265 = arith.addf %add3A_1181, %get3A_1264 : vector<16xf32>
          scf.yield %add3A_1190, %add3A_1195, %add3A_1200, %add3A_1205, %add3A_1210, %add3A_1215, %add3A_1220, %add3A_1225, %add3A_1230, %add3A_1235, %add3A_1240, %add3A_1245, %add3A_1250, %add3A_1255, %add3A_1260, %add3A_1265 : vector<16xf32>, vector<16xf32>, vector<16xf32>, vector<16xf32>, vector<16xf32>, vector<16xf32>, vector<16xf32>, vector<16xf32>, vector<16xf32>, vector<16xf32>, vector<16xf32>, vector<16xf32>, vector<16xf32>, vector<16xf32>, vector<16xf32>, vector<16xf32>
        }
        %scan3A_636 = arith.constant 8 : i32
        %get3A_637 = arith.constant 0 : index
        %get3A_638 = tpu.vector_load %arg10[%get3A_637] {strides = array<i32>} : memref<128xf32, #tpu.memory_space<vmem>>, vector<16xf32>,
        %get3A_639 = vector.shape_cast %get3A_638 : vector<16xf32> to vector<16xf32>
        %add3A_640 = arith.addf %get3A_639, %scan3A_629#0 : vector<16xf32>
        %swap3A_641 = arith.constant 0 : index
        %swap3A_642 = tpu.vector_load %arg10[%swap3A_641] {strides = array<i32>} : memref<128xf32, #tpu.memory_space<vmem>>, vector<16xf32>,
        %swap3A_643 = vector.shape_cast %swap3A_642 : vector<16xf32> to vector<16xf32>
        %swap3A_644 = vector.shape_cast %add3A_640 : vector<16xf32> to vector<16xf32>
        tpu.vector_store %arg10[%swap3A_641], %swap3A_644 {strides = array<i32>} : memref<128xf32, #tpu.memory_space<vmem>>, vector<16xf32>,
        %get3A_645 = arith.constant 16 : index
        %get3A_646 = tpu.vector_load %arg10[%get3A_645] {strides = array<i32>} : memref<128xf32, #tpu.memory_space<vmem>>, vector<16xf32>,
        %get3A_647 = vector.shape_cast %get3A_646 : vector<16xf32> to vector<16xf32>
        %add3A_648 = arith.addf %get3A_647, %scan3A_629#1 : vector<16xf32>
        %swap3A_649 = arith.constant 16 : index
        %swap3A_650 = tpu.vector_load %arg10[%swap3A_649] {strides = array<i32>} : memref<128xf32, #tpu.memory_space<vmem>>, vector<16xf32>,
        %swap3A_651 = vector.shape_cast %swap3A_650 : vector<16xf32> to vector<16xf32>
        %swap3A_652 = vector.shape_cast %add3A_648 : vector<16xf32> to vector<16xf32>
        tpu.vector_store %arg10[%swap3A_649], %swap3A_652 {strides = array<i32>} : memref<128xf32, #tpu.memory_space<vmem>>, vector<16xf32>,
        %get3A_653 = arith.constant 32 : index
        %get3A_654 = tpu.vector_load %arg10[%get3A_653] {strides = array<i32>} : memref<128xf32, #tpu.memory_space<vmem>>, vector<16xf32>,
        %get3A_655 = vector.shape_cast %get3A_654 : vector<16xf32> to vector<16xf32>
        %add3A_656 = arith.addf %get3A_655, %scan3A_629#2 : vector<16xf32>
        %swap3A_657 = arith.constant 32 : index
        %swap3A_658 = tpu.vector_load %arg10[%swap3A_657] {strides = array<i32>} : memref<128xf32, #tpu.memory_space<vmem>>, vector<16xf32>,
        %swap3A_659 = vector.shape_cast %swap3A_658 : vector<16xf32> to vector<16xf32>
        %swap3A_660 = vector.shape_cast %add3A_656 : vector<16xf32> to vector<16xf32>
        tpu.vector_store %arg10[%swap3A_657], %swap3A_660 {strides = array<i32>} : memref<128xf32, #tpu.memory_space<vmem>>, vector<16xf32>,
        %get3A_661 = arith.constant 48 : index
        %get3A_662 = tpu.vector_load %arg10[%get3A_661] {strides = array<i32>} : memref<128xf32, #tpu.memory_space<vmem>>, vector<16xf32>,
        %get3A_663 = vector.shape_cast %get3A_662 : vector<16xf32> to vector<16xf32>
        %add3A_664 = arith.addf %get3A_663, %scan3A_629#3 : vector<16xf32>
        %swap3A_665 = arith.constant 48 : index
        %swap3A_666 = tpu.vector_load %arg10[%swap3A_665] {strides = array<i32>} : memref<128xf32, #tpu.memory_space<vmem>>, vector<16xf32>,
        %swap3A_667 = vector.shape_cast %swap3A_666 : vector<16xf32> to vector<16xf32>
        %swap3A_668 = vector.shape_cast %add3A_664 : vector<16xf32> to vector<16xf32>
        tpu.vector_store %arg10[%swap3A_665], %swap3A_668 {strides = array<i32>} : memref<128xf32, #tpu.memory_space<vmem>>, vector<16xf32>,
        %get3A_669 = arith.constant 64 : index
        %get3A_670 = tpu.vector_load %arg10[%get3A_669] {strides = array<i32>} : memref<128xf32, #tpu.memory_space<vmem>>, vector<16xf32>,
        %get3A_671 = vector.shape_cast %get3A_670 : vector<16xf32> to vector<16xf32>
        %add3A_672 = arith.addf %get3A_671, %scan3A_629#4 : vector<16xf32>
        %swap3A_673 = arith.constant 64 : index
        %swap3A_674 = tpu.vector_load %arg10[%swap3A_673] {strides = array<i32>} : memref<128xf32, #tpu.memory_space<vmem>>, vector<16xf32>,
        %swap3A_675 = vector.shape_cast %swap3A_674 : vector<16xf32> to vector<16xf32>
        %swap3A_676 = vector.shape_cast %add3A_672 : vector<16xf32> to vector<16xf32>
        tpu.vector_store %arg10[%swap3A_673], %swap3A_676 {strides = array<i32>} : memref<128xf32, #tpu.memory_space<vmem>>, vector<16xf32>,
        %get3A_677 = arith.constant 80 : index
        %get3A_678 = tpu.vector_load %arg10[%get3A_677] {strides = array<i32>} : memref<128xf32, #tpu.memory_space<vmem>>, vector<16xf32>,
        %get3A_679 = vector.shape_cast %get3A_678 : vector<16xf32> to vector<16xf32>
        %add3A_680 = arith.addf %get3A_679, %scan3A_629#5 : vector<16xf32>
        %swap3A_681 = arith.constant 80 : index
        %swap3A_682 = tpu.vector_load %arg10[%swap3A_681] {strides = array<i32>} : memref<128xf32, #tpu.memory_space<vmem>>, vector<16xf32>,
        %swap3A_683 = vector.shape_cast %swap3A_682 : vector<16xf32> to vector<16xf32>
        %swap3A_684 = vector.shape_cast %add3A_680 : vector<16xf32> to vector<16xf32>
        tpu.vector_store %arg10[%swap3A_681], %swap3A_684 {strides = array<i32>} : memref<128xf32, #tpu.memory_space<vmem>>, vector<16xf32>,
        %get3A_685 = arith.constant 96 : index
        %get3A_686 = tpu.vector_load %arg10[%get3A_685] {strides = array<i32>} : memref<128xf32, #tpu.memory_space<vmem>>, vector<16xf32>,
        %get3A_687 = vector.shape_cast %get3A_686 : vector<16xf32> to vector<16xf32>
        %add3A_688 = arith.addf %get3A_687, %scan3A_629#6 : vector<16xf32>
        %swap3A_689 = arith.constant 96 : index
        %swap3A_690 = tpu.vector_load %arg10[%swap3A_689] {strides = array<i32>} : memref<128xf32, #tpu.memory_space<vmem>>, vector<16xf32>,
        %swap3A_691 = vector.shape_cast %swap3A_690 : vector<16xf32> to vector<16xf32>
        %swap3A_692 = vector.shape_cast %add3A_688 : vector<16xf32> to vector<16xf32>
        tpu.vector_store %arg10[%swap3A_689], %swap3A_692 {strides = array<i32>} : memref<128xf32, #tpu.memory_space<vmem>>, vector<16xf32>,
        %get3A_693 = arith.constant 112 : index
        %get3A_694 = tpu.vector_load %arg10[%get3A_693] {strides = array<i32>} : memref<128xf32, #tpu.memory_space<vmem>>, vector<16xf32>,
        %get3A_695 = vector.shape_cast %get3A_694 : vector<16xf32> to vector<16xf32>
        %add3A_696 = arith.addf %get3A_695, %scan3A_629#7 : vector<16xf32>
        %swap3A_697 = arith.constant 112 : index
        %swap3A_698 = tpu.vector_load %arg10[%swap3A_697] {strides = array<i32>} : memref<128xf32, #tpu.memory_space<vmem>>, vector<16xf32>,
        %swap3A_699 = vector.shape_cast %swap3A_698 : vector<16xf32> to vector<16xf32>
        %swap3A_700 = vector.shape_cast %add3A_696 : vector<16xf32> to vector<16xf32>
        tpu.vector_store %arg10[%swap3A_697], %swap3A_700 {strides = array<i32>} : memref<128xf32, #tpu.memory_space<vmem>>, vector<16xf32>,
        %get3A_701 = arith.constant 0 : index
        %get3A_702 = tpu.vector_load %arg11[%get3A_701] {strides = array<i32>} : memref<256xf32, #tpu.memory_space<vmem>>, vector<16xf32>,
        %get3A_703 = vector.shape_cast %get3A_702 : vector<16xf32> to vector<16xf32>
        %add3A_704 = arith.addf %get3A_703, %scan3A_635#0 : vector<16xf32>
        %swap3A_705 = arith.constant 0 : index
        %swap3A_706 = tpu.vector_load %arg11[%swap3A_705] {strides = array<i32>} : memref<256xf32, #tpu.memory_space<vmem>>, vector<16xf32>,
        %swap3A_707 = vector.shape_cast %swap3A_706 : vector<16xf32> to vector<16xf32>
        %swap3A_708 = vector.shape_cast %add3A_704 : vector<16xf32> to vector<16xf32>
        tpu.vector_store %arg11[%swap3A_705], %swap3A_708 {strides = array<i32>} : memref<256xf32, #tpu.memory_space<vmem>>, vector<16xf32>,
        %get3A_709 = arith.constant 16 : index
        %get3A_710 = tpu.vector_load %arg11[%get3A_709] {strides = array<i32>} : memref<256xf32, #tpu.memory_space<vmem>>, vector<16xf32>,
        %get3A_711 = vector.shape_cast %get3A_710 : vector<16xf32> to vector<16xf32>
        %add3A_712 = arith.addf %get3A_711, %scan3A_635#1 : vector<16xf32>
        %swap3A_713 = arith.constant 16 : index
        %swap3A_714 = tpu.vector_load %arg11[%swap3A_713] {strides = array<i32>} : memref<256xf32, #tpu.memory_space<vmem>>, vector<16xf32>,
        %swap3A_715 = vector.shape_cast %swap3A_714 : vector<16xf32> to vector<16xf32>
        %swap3A_716 = vector.shape_cast %add3A_712 : vector<16xf32> to vector<16xf32>
        tpu.vector_store %arg11[%swap3A_713], %swap3A_716 {strides = array<i32>} : memref<256xf32, #tpu.memory_space<vmem>>, vector<16xf32>,
        %get3A_717 = arith.constant 32 : index
        %get3A_718 = tpu.vector_load %arg11[%get3A_717] {strides = array<i32>} : memref<256xf32, #tpu.memory_space<vmem>>, vector<16xf32>,
        %get3A_719 = vector.shape_cast %get3A_718 : vector<16xf32> to vector<16xf32>
        %add3A_720 = arith.addf %get3A_719, %scan3A_635#2 : vector<16xf32>
        %swap3A_721 = arith.constant 32 : index
        %swap3A_722 = tpu.vector_load %arg11[%swap3A_721] {strides = array<i32>} : memref<256xf32, #tpu.memory_space<vmem>>, vector<16xf32>,
        %swap3A_723 = vector.shape_cast %swap3A_722 : vector<16xf32> to vector<16xf32>
        %swap3A_724 = vector.shape_cast %add3A_720 : vector<16xf32> to vector<16xf32>
        tpu.vector_store %arg11[%swap3A_721], %swap3A_724 {strides = array<i32>} : memref<256xf32, #tpu.memory_space<vmem>>, vector<16xf32>,
        %get3A_725 = arith.constant 48 : index
        %get3A_726 = tpu.vector_load %arg11[%get3A_725] {strides = array<i32>} : memref<256xf32, #tpu.memory_space<vmem>>, vector<16xf32>,
        %get3A_727 = vector.shape_cast %get3A_726 : vector<16xf32> to vector<16xf32>
        %add3A_728 = arith.addf %get3A_727, %scan3A_635#3 : vector<16xf32>
        %swap3A_729 = arith.constant 48 : index
        %swap3A_730 = tpu.vector_load %arg11[%swap3A_729] {strides = array<i32>} : memref<256xf32, #tpu.memory_space<vmem>>, vector<16xf32>,
        %swap3A_731 = vector.shape_cast %swap3A_730 : vector<16xf32> to vector<16xf32>
        %swap3A_732 = vector.shape_cast %add3A_728 : vector<16xf32> to vector<16xf32>
        tpu.vector_store %arg11[%swap3A_729], %swap3A_732 {strides = array<i32>} : memref<256xf32, #tpu.memory_space<vmem>>, vector<16xf32>,
        %get3A_733 = arith.constant 64 : index
        %get3A_734 = tpu.vector_load %arg11[%get3A_733] {strides = array<i32>} : memref<256xf32, #tpu.memory_space<vmem>>, vector<16xf32>,
        %get3A_735 = vector.shape_cast %get3A_734 : vector<16xf32> to vector<16xf32>
        %add3A_736 = arith.addf %get3A_735, %scan3A_635#4 : vector<16xf32>
        %swap3A_737 = arith.constant 64 : index
        %swap3A_738 = tpu.vector_load %arg11[%swap3A_737] {strides = array<i32>} : memref<256xf32, #tpu.memory_space<vmem>>, vector<16xf32>,
        %swap3A_739 = vector.shape_cast %swap3A_738 : vector<16xf32> to vector<16xf32>
        %swap3A_740 = vector.shape_cast %add3A_736 : vector<16xf32> to vector<16xf32>
        tpu.vector_store %arg11[%swap3A_737], %swap3A_740 {strides = array<i32>} : memref<256xf32, #tpu.memory_space<vmem>>, vector<16xf32>,
        %get3A_741 = arith.constant 80 : index
        %get3A_742 = tpu.vector_load %arg11[%get3A_741] {strides = array<i32>} : memref<256xf32, #tpu.memory_space<vmem>>, vector<16xf32>,
        %get3A_743 = vector.shape_cast %get3A_742 : vector<16xf32> to vector<16xf32>
        %add3A_744 = arith.addf %get3A_743, %scan3A_635#5 : vector<16xf32>
        %swap3A_745 = arith.constant 80 : index
        %swap3A_746 = tpu.vector_load %arg11[%swap3A_745] {strides = array<i32>} : memref<256xf32, #tpu.memory_space<vmem>>, vector<16xf32>,
        %swap3A_747 = vector.shape_cast %swap3A_746 : vector<16xf32> to vector<16xf32>
        %swap3A_748 = vector.shape_cast %add3A_744 : vector<16xf32> to vector<16xf32>
        tpu.vector_store %arg11[%swap3A_745], %swap3A_748 {strides = array<i32>} : memref<256xf32, #tpu.memory_space<vmem>>, vector<16xf32>,
        %get3A_749 = arith.constant 96 : index
        %get3A_750 = tpu.vector_load %arg11[%get3A_749] {strides = array<i32>} : memref<256xf32, #tpu.memory_space<vmem>>, vector<16xf32>,
        %get3A_751 = vector.shape_cast %get3A_750 : vector<16xf32> to vector<16xf32>
        %add3A_752 = arith.addf %get3A_751, %scan3A_635#6 : vector<16xf32>
        %swap3A_753 = arith.constant 96 : index
        %swap3A_754 = tpu.vector_load %arg11[%swap3A_753] {strides = array<i32>} : memref<256xf32, #tpu.memory_space<vmem>>, vector<16xf32>,
        %swap3A_755 = vector.shape_cast %swap3A_754 : vector<16xf32> to vector<16xf32>
        %swap3A_756 = vector.shape_cast %add3A_752 : vector<16xf32> to vector<16xf32>
        tpu.vector_store %arg11[%swap3A_753], %swap3A_756 {strides = array<i32>} : memref<256xf32, #tpu.memory_space<vmem>>, vector<16xf32>,
        %get3A_757 = arith.constant 112 : index
        %get3A_758 = tpu.vector_load %arg11[%get3A_757] {strides = array<i32>} : memref<256xf32, #tpu.memory_space<vmem>>, vector<16xf32>,
        %get3A_759 = vector.shape_cast %get3A_758 : vector<16xf32> to vector<16xf32>
        %add3A_760 = arith.addf %get3A_759, %scan3A_635#7 : vector<16xf32>
        %swap3A_761 = arith.constant 112 : index
        %swap3A_762 = tpu.vector_load %arg11[%swap3A_761] {strides = array<i32>} : memref<256xf32, #tpu.memory_space<vmem>>, vector<16xf32>,
        %swap3A_763 = vector.shape_cast %swap3A_762 : vector<16xf32> to vector<16xf32>
        %swap3A_764 = vector.shape_cast %add3A_760 : vector<16xf32> to vector<16xf32>
        tpu.vector_store %arg11[%swap3A_761], %swap3A_764 {strides = array<i32>} : memref<256xf32, #tpu.memory_space<vmem>>, vector<16xf32>,
        %get3A_765 = arith.constant 128 : index
        %get3A_766 = tpu.vector_load %arg11[%get3A_765] {strides = array<i32>} : memref<256xf32, #tpu.memory_space<vmem>>, vector<16xf32>,
        %get3A_767 = vector.shape_cast %get3A_766 : vector<16xf32> to vector<16xf32>
        %add3A_768 = arith.addf %get3A_767, %scan3A_635#8 : vector<16xf32>
        %swap3A_769 = arith.constant 128 : index
        %swap3A_770 = tpu.vector_load %arg11[%swap3A_769] {strides = array<i32>} : memref<256xf32, #tpu.memory_space<vmem>>, vector<16xf32>,
        %swap3A_771 = vector.shape_cast %swap3A_770 : vector<16xf32> to vector<16xf32>
        %swap3A_772 = vector.shape_cast %add3A_768 : vector<16xf32> to vector<16xf32>
        tpu.vector_store %arg11[%swap3A_769], %swap3A_772 {strides = array<i32>} : memref<256xf32, #tpu.memory_space<vmem>>, vector<16xf32>,
        %get3A_773 = arith.constant 144 : index
        %get3A_774 = tpu.vector_load %arg11[%get3A_773] {strides = array<i32>} : memref<256xf32, #tpu.memory_space<vmem>>, vector<16xf32>,
        %get3A_775 = vector.shape_cast %get3A_774 : vector<16xf32> to vector<16xf32>
        %add3A_776 = arith.addf %get3A_775, %scan3A_635#9 : vector<16xf32>
        %swap3A_777 = arith.constant 144 : index
        %swap3A_778 = tpu.vector_load %arg11[%swap3A_777] {strides = array<i32>} : memref<256xf32, #tpu.memory_space<vmem>>, vector<16xf32>,
        %swap3A_779 = vector.shape_cast %swap3A_778 : vector<16xf32> to vector<16xf32>
        %swap3A_780 = vector.shape_cast %add3A_776 : vector<16xf32> to vector<16xf32>
        tpu.vector_store %arg11[%swap3A_777], %swap3A_780 {strides = array<i32>} : memref<256xf32, #tpu.memory_space<vmem>>, vector<16xf32>,
        %get3A_781 = arith.constant 160 : index
        %get3A_782 = tpu.vector_load %arg11[%get3A_781] {strides = array<i32>} : memref<256xf32, #tpu.memory_space<vmem>>, vector<16xf32>,
        %get3A_783 = vector.shape_cast %get3A_782 : vector<16xf32> to vector<16xf32>
        %add3A_784 = arith.addf %get3A_783, %scan3A_635#10 : vector<16xf32>
        %swap3A_785 = arith.constant 160 : index
        %swap3A_786 = tpu.vector_load %arg11[%swap3A_785] {strides = array<i32>} : memref<256xf32, #tpu.memory_space<vmem>>, vector<16xf32>,
        %swap3A_787 = vector.shape_cast %swap3A_786 : vector<16xf32> to vector<16xf32>
        %swap3A_788 = vector.shape_cast %add3A_784 : vector<16xf32> to vector<16xf32>
        tpu.vector_store %arg11[%swap3A_785], %swap3A_788 {strides = array<i32>} : memref<256xf32, #tpu.memory_space<vmem>>, vector<16xf32>,
        %get3A_789 = arith.constant 176 : index
        %get3A_790 = tpu.vector_load %arg11[%get3A_789] {strides = array<i32>} : memref<256xf32, #tpu.memory_space<vmem>>, vector<16xf32>,
        %get3A_791 = vector.shape_cast %get3A_790 : vector<16xf32> to vector<16xf32>
        %add3A_792 = arith.addf %get3A_791, %scan3A_635#11 : vector<16xf32>
        %swap3A_793 = arith.constant 176 : index
        %swap3A_794 = tpu.vector_load %arg11[%swap3A_793] {strides = array<i32>} : memref<256xf32, #tpu.memory_space<vmem>>, vector<16xf32>,
        %swap3A_795 = vector.shape_cast %swap3A_794 : vector<16xf32> to vector<16xf32>
        %swap3A_796 = vector.shape_cast %add3A_792 : vector<16xf32> to vector<16xf32>
        tpu.vector_store %arg11[%swap3A_793], %swap3A_796 {strides = array<i32>} : memref<256xf32, #tpu.memory_space<vmem>>, vector<16xf32>,
        %get3A_797 = arith.constant 192 : index
        %get3A_798 = tpu.vector_load %arg11[%get3A_797] {strides = array<i32>} : memref<256xf32, #tpu.memory_space<vmem>>, vector<16xf32>,
        %get3A_799 = vector.shape_cast %get3A_798 : vector<16xf32> to vector<16xf32>
        %add3A_800 = arith.addf %get3A_799, %scan3A_635#12 : vector<16xf32>
        %swap3A_801 = arith.constant 192 : index
        %swap3A_802 = tpu.vector_load %arg11[%swap3A_801] {strides = array<i32>} : memref<256xf32, #tpu.memory_space<vmem>>, vector<16xf32>,
        %swap3A_803 = vector.shape_cast %swap3A_802 : vector<16xf32> to vector<16xf32>
        %swap3A_804 = vector.shape_cast %add3A_800 : vector<16xf32> to vector<16xf32>
        tpu.vector_store %arg11[%swap3A_801], %swap3A_804 {strides = array<i32>} : memref<256xf32, #tpu.memory_space<vmem>>, vector<16xf32>,
        %get3A_805 = arith.constant 208 : index
        %get3A_806 = tpu.vector_load %arg11[%get3A_805] {strides = array<i32>} : memref<256xf32, #tpu.memory_space<vmem>>, vector<16xf32>,
        %get3A_807 = vector.shape_cast %get3A_806 : vector<16xf32> to vector<16xf32>
        %add3A_808 = arith.addf %get3A_807, %scan3A_635#13 : vector<16xf32>
        %swap3A_809 = arith.constant 208 : index
        %swap3A_810 = tpu.vector_load %arg11[%swap3A_809] {strides = array<i32>} : memref<256xf32, #tpu.memory_space<vmem>>, vector<16xf32>,
        %swap3A_811 = vector.shape_cast %swap3A_810 : vector<16xf32> to vector<16xf32>
        %swap3A_812 = vector.shape_cast %add3A_808 : vector<16xf32> to vector<16xf32>
        tpu.vector_store %arg11[%swap3A_809], %swap3A_812 {strides = array<i32>} : memref<256xf32, #tpu.memory_space<vmem>>, vector<16xf32>,
        %get3A_813 = arith.constant 224 : index
        %get3A_814 = tpu.vector_load %arg11[%get3A_813] {strides = array<i32>} : memref<256xf32, #tpu.memory_space<vmem>>, vector<16xf32>,
        %get3A_815 = vector.shape_cast %get3A_814 : vector<16xf32> to vector<16xf32>
        %add3A_816 = arith.addf %get3A_815, %scan3A_635#14 : vector<16xf32>
        %swap3A_817 = arith.constant 224 : index
        %swap3A_818 = tpu.vector_load %arg11[%swap3A_817] {strides = array<i32>} : memref<256xf32, #tpu.memory_space<vmem>>, vector<16xf32>,
        %swap3A_819 = vector.shape_cast %swap3A_818 : vector<16xf32> to vector<16xf32>
        %swap3A_820 = vector.shape_cast %add3A_816 : vector<16xf32> to vector<16xf32>
        tpu.vector_store %arg11[%swap3A_817], %swap3A_820 {strides = array<i32>} : memref<256xf32, #tpu.memory_space<vmem>>, vector<16xf32>,
        %get3A_821 = arith.constant 240 : index
        %get3A_822 = tpu.vector_load %arg11[%get3A_821] {strides = array<i32>} : memref<256xf32, #tpu.memory_space<vmem>>, vector<16xf32>,
        %get3A_823 = vector.shape_cast %get3A_822 : vector<16xf32> to vector<16xf32>
        %add3A_824 = arith.addf %get3A_823, %scan3A_635#15 : vector<16xf32>
        %swap3A_825 = arith.constant 240 : index
        %swap3A_826 = tpu.vector_load %arg11[%swap3A_825] {strides = array<i32>} : memref<256xf32, #tpu.memory_space<vmem>>, vector<16xf32>,
        %swap3A_827 = vector.shape_cast %swap3A_826 : vector<16xf32> to vector<16xf32>
        %swap3A_828 = vector.shape_cast %add3A_824 : vector<16xf32> to vector<16xf32>
        tpu.vector_store %arg11[%swap3A_825], %swap3A_828 {strides = array<i32>} : memref<256xf32, #tpu.memory_space<vmem>>, vector<16xf32>,
      } else {
      }
      %jit3A_572 = arith.constant 2 : i32
      %eq3A_573 = arith.constant 0 : i32
      %eq3A_574 = arith.cmpi eq, %jit3A_572, %eq3A_573 : i32
      %jit3A_575 = arith.constant 1 : i32
      %select_n3A_576 = arith.select %eq3A_574, %jit3A_575, %jit3A_572 : i32
      %rem3A_577 = arith.remsi %scan3A_559, %select_n3A_576 : i32
      %ne3A_578 = arith.constant 0 : i32
      %ne3A_579 = arith.cmpi ne, %rem3A_577, %ne3A_578 : i32
      %lt3A_580 = arith.constant 0 : i32
      %lt3A_581 = arith.cmpi slt, %rem3A_577, %lt3A_580 : i32
      %lt3A_582 = arith.constant 0 : i32
      %lt3A_583 = arith.cmpi slt, %select_n3A_576, %lt3A_582 : i32
      %ne3A_584 = arith.xori %lt3A_581, %lt3A_583 : i1
      %and3A_585 = arith.andi %ne3A_584, %ne3A_579 : i1
      %add3A_586 = arith.addi %rem3A_577, %select_n3A_576 : i32
      %select_n3A_587 = arith.select %and3A_585, %add3A_586, %rem3A_577 : i32
      %eq3A_588 = arith.constant 1 : i32
      %eq3A_589 = arith.cmpi eq, %select_n3A_587, %eq3A_588 : i32
      %convert_element_type3A_590 = arith.extui %eq3A_589 : i1 to i32
      %cond3A_591 = arith.constant 0 : i32
      %cond3A_592 = arith.cmpi ne, %convert_element_type3A_590, %cond3A_591 : i32
      scf.if %cond3A_592 {
        %mul3A_593 = arith.constant 40 : i32
        %mul3A_594 = arith.muli %scan3A_559, %mul3A_593 : i32
        %add3A_595 = arith.addi %add3A_4, %mul3A_594 : i32
        %dma_wait3A_596 = arith.constant 0 : i32
        %dma_wait3A_597 = tpu.memref_slice %arg2[%add3A_595, %dma_wait3A_596] : memref<160000x128xf32, #tpu.memory_space<hbm>> -> memref<40x128xf32, #tpu.memory_space<hbm>>
        %dma_wait3A_598 = arith.constant 0 : i32
        %dma_wait3A_599 = tpu.memref_slice %arg2[%add3A_595, %dma_wait3A_598] : memref<160000x128xf32, #tpu.memory_space<hbm>> -> memref<40x128xf32, #tpu.memory_space<hbm>>
        tpu.wait_dma2 semaphore(%arg13 : memref<!tpu.dma_semaphore, #tpu.memory_space<semaphore_mem>>) src(%dma_wait3A_599 : memref<40x128xf32, #tpu.memory_space<hbm>>) dst(%arg7 : memref<40x128xf32, #tpu.memory_space<vmem>>)
        %mul3A_600 = arith.constant 40 : i32
        %mul3A_601 = arith.muli %scan3A_559, %mul3A_600 : i32
        %add3A_602 = arith.addi %add3A_4, %mul3A_601 : i32
        %dma_wait3A_603 = arith.constant 0 : i32
        %dma_wait3A_604 = tpu.memref_slice %arg3[%add3A_602, %dma_wait3A_603] : memref<160000x256xf32, #tpu.memory_space<hbm>> -> memref<40x256xf32, #tpu.memory_space<hbm>>
        %dma_wait3A_605 = arith.constant 0 : i32
        %dma_wait3A_606 = tpu.memref_slice %arg3[%add3A_602, %dma_wait3A_605] : memref<160000x256xf32, #tpu.memory_space<hbm>> -> memref<40x256xf32, #tpu.memory_space<hbm>>
        tpu.wait_dma2 semaphore(%arg15 : memref<!tpu.dma_semaphore, #tpu.memory_space<semaphore_mem>>) src(%dma_wait3A_606 : memref<40x256xf32, #tpu.memory_space<hbm>>) dst(%arg9 : memref<40x256xf32, #tpu.memory_space<vmem>>)
        %add3A_607 = arith.constant 2 : i32
        %add3A_608 = arith.addi %scan3A_559, %add3A_607 : i32
        %mul3A_609 = arith.constant 40 : i32
        %mul3A_610 = arith.muli %add3A_608, %mul3A_609 : i32
        %add3A_611 = arith.addi %add3A_4, %mul3A_610 : i32
        %dma_start3A_612 = arith.constant 0 : i32
        %dma_start3A_613 = tpu.memref_slice %arg2[%add3A_611, %dma_start3A_612] : memref<160000x128xf32, #tpu.memory_space<hbm>> -> memref<40x128xf32, #tpu.memory_space<hbm>>
        %dma_start3A_614 = arith.constant 0 : i32
        %dma_start3A_615 = tpu.memref_slice %arg2[%add3A_611, %dma_start3A_614] : memref<160000x128xf32, #tpu.memory_space<hbm>> -> memref<40x128xf32, #tpu.memory_space<hbm>>
        tpu.enqueue_dma source(%dma_start3A_615 : memref<40x128xf32, #tpu.memory_space<hbm>>) target(%arg7 : memref<40x128xf32, #tpu.memory_space<vmem>>) target_semaphore(%arg13 : memref<!tpu.dma_semaphore, #tpu.memory_space<semaphore_mem>>)
        %add3A_616 = arith.constant 2 : i32
        %add3A_617 = arith.addi %scan3A_559, %add3A_616 : i32
        %mul3A_618 = arith.constant 40 : i32
        %mul3A_619 = arith.muli %add3A_617, %mul3A_618 : i32
        %add3A_620 = arith.addi %add3A_4, %mul3A_619 : i32
        %dma_start3A_621 = arith.constant 0 : i32
        %dma_start3A_622 = tpu.memref_slice %arg3[%add3A_620, %dma_start3A_621] : memref<160000x256xf32, #tpu.memory_space<hbm>> -> memref<40x256xf32, #tpu.memory_space<hbm>>
        %dma_start3A_623 = arith.constant 0 : i32
        %dma_start3A_624 = tpu.memref_slice %arg3[%add3A_620, %dma_start3A_623] : memref<160000x256xf32, #tpu.memory_space<hbm>> -> memref<40x256xf32, #tpu.memory_space<hbm>>
        tpu.enqueue_dma source(%dma_start3A_624 : memref<40x256xf32, #tpu.memory_space<hbm>>) target(%arg9 : memref<40x256xf32, #tpu.memory_space<vmem>>) target_semaphore(%arg15 : memref<!tpu.dma_semaphore, #tpu.memory_space<semaphore_mem>>)
        %scan3A_625 = arith.constant 0 : i32
        %scan3A_626 = arith.constant 8 : i32
        %scan3A_627 = arith.addi %scan3A_625, %scan3A_626 : i32
        %scan3A_628 = arith.constant 1 : i32
        %scan3A_629:8 = scf.for %scan3A_829 = %scan3A_625 to %scan3A_627 step %scan3A_628 iter_args(%scan3A_830 = %broadcast_in_dim3A_5, %scan3A_831 = %broadcast_in_dim3A_5, %scan3A_832 = %broadcast_in_dim3A_5, %scan3A_833 = %broadcast_in_dim3A_5, %scan3A_834 = %broadcast_in_dim3A_5, %scan3A_835 = %broadcast_in_dim3A_5, %scan3A_836 = %broadcast_in_dim3A_5, %scan3A_837 = %broadcast_in_dim3A_5) -> (vector<16xf32>, vector<16xf32>, vector<16xf32>, vector<16xf32>, vector<16xf32>, vector<16xf32>, vector<16xf32>, vector<16xf32>)  : i32 {
          %mul3A_838 = arith.constant 5 : i32
          %mul3A_839 = arith.muli %scan3A_829, %mul3A_838 : i32
          %add3A_840 = arith.constant 0 : i32
          %add3A_841 = arith.addi %mul3A_839, %add3A_840 : i32
          %get3A_842 = arith.index_cast %add3A_841 : i32 to index
          %get3A_843 = arith.constant 0 : index
          %get3A_844 = tpu.vector_load %arg7[%get3A_842, %get3A_843] {strides = array<i32>} : memref<40x128xf32, #tpu.memory_space<vmem>>, vector<1x16xf32>,
          %get3A_845 = vector.shape_cast %get3A_844 : vector<1x16xf32> to vector<16xf32>
          %add3A_846 = arith.addf %scan3A_830, %get3A_845 : vector<16xf32>
          %get3A_847 = arith.index_cast %add3A_841 : i32 to index
          %get3A_848 = arith.constant 16 : index
          %get3A_849 = tpu.vector_load %arg7[%get3A_847, %get3A_848] {strides = array<i32>} : memref<40x128xf32, #tpu.memory_space<vmem>>, vector<1x16xf32>,
          %get3A_850 = vector.shape_cast %get3A_849 : vector<1x16xf32> to vector<16xf32>
          %add3A_851 = arith.addf %scan3A_831, %get3A_850 : vector<16xf32>
          %get3A_852 = arith.index_cast %add3A_841 : i32 to index
          %get3A_853 = arith.constant 32 : index
          %get3A_854 = tpu.vector_load %arg7[%get3A_852, %get3A_853] {strides = array<i32>} : memref<40x128xf32, #tpu.memory_space<vmem>>, vector<1x16xf32>,
          %get3A_855 = vector.shape_cast %get3A_854 : vector<1x16xf32> to vector<16xf32>
          %add3A_856 = arith.addf %scan3A_832, %get3A_855 : vector<16xf32>
          %get3A_857 = arith.index_cast %add3A_841 : i32 to index
          %get3A_858 = arith.constant 48 : index
          %get3A_859 = tpu.vector_load %arg7[%get3A_857, %get3A_858] {strides = array<i32>} : memref<40x128xf32, #tpu.memory_space<vmem>>, vector<1x16xf32>,
          %get3A_860 = vector.shape_cast %get3A_859 : vector<1x16xf32> to vector<16xf32>
          %add3A_861 = arith.addf %scan3A_833, %get3A_860 : vector<16xf32>
          %get3A_862 = arith.index_cast %add3A_841 : i32 to index
          %get3A_863 = arith.constant 64 : index
          %get3A_864 = tpu.vector_load %arg7[%get3A_862, %get3A_863] {strides = array<i32>} : memref<40x128xf32, #tpu.memory_space<vmem>>, vector<1x16xf32>,
          %get3A_865 = vector.shape_cast %get3A_864 : vector<1x16xf32> to vector<16xf32>
          %add3A_866 = arith.addf %scan3A_834, %get3A_865 : vector<16xf32>
          %get3A_867 = arith.index_cast %add3A_841 : i32 to index
          %get3A_868 = arith.constant 80 : index
          %get3A_869 = tpu.vector_load %arg7[%get3A_867, %get3A_868] {strides = array<i32>} : memref<40x128xf32, #tpu.memory_space<vmem>>, vector<1x16xf32>,
          %get3A_870 = vector.shape_cast %get3A_869 : vector<1x16xf32> to vector<16xf32>
          %add3A_871 = arith.addf %scan3A_835, %get3A_870 : vector<16xf32>
          %get3A_872 = arith.index_cast %add3A_841 : i32 to index
          %get3A_873 = arith.constant 96 : index
          %get3A_874 = tpu.vector_load %arg7[%get3A_872, %get3A_873] {strides = array<i32>} : memref<40x128xf32, #tpu.memory_space<vmem>>, vector<1x16xf32>,
          %get3A_875 = vector.shape_cast %get3A_874 : vector<1x16xf32> to vector<16xf32>
          %add3A_876 = arith.addf %scan3A_836, %get3A_875 : vector<16xf32>
          %get3A_877 = arith.index_cast %add3A_841 : i32 to index
          %get3A_878 = arith.constant 112 : index
          %get3A_879 = tpu.vector_load %arg7[%get3A_877, %get3A_878] {strides = array<i32>} : memref<40x128xf32, #tpu.memory_space<vmem>>, vector<1x16xf32>,
          %get3A_880 = vector.shape_cast %get3A_879 : vector<1x16xf32> to vector<16xf32>
          %add3A_881 = arith.addf %scan3A_837, %get3A_880 : vector<16xf32>
          %mul3A_882 = arith.constant 5 : i32
          %mul3A_883 = arith.muli %scan3A_829, %mul3A_882 : i32
          %add3A_884 = arith.constant 1 : i32
          %add3A_885 = arith.addi %mul3A_883, %add3A_884 : i32
          %get3A_886 = arith.index_cast %add3A_885 : i32 to index
          %get3A_887 = arith.constant 0 : index
          %get3A_888 = tpu.vector_load %arg7[%get3A_886, %get3A_887] {strides = array<i32>} : memref<40x128xf32, #tpu.memory_space<vmem>>, vector<1x16xf32>,
          %get3A_889 = vector.shape_cast %get3A_888 : vector<1x16xf32> to vector<16xf32>
          %add3A_890 = arith.addf %add3A_846, %get3A_889 : vector<16xf32>
          %get3A_891 = arith.index_cast %add3A_885 : i32 to index
          %get3A_892 = arith.constant 16 : index
          %get3A_893 = tpu.vector_load %arg7[%get3A_891, %get3A_892] {strides = array<i32>} : memref<40x128xf32, #tpu.memory_space<vmem>>, vector<1x16xf32>,
          %get3A_894 = vector.shape_cast %get3A_893 : vector<1x16xf32> to vector<16xf32>
          %add3A_895 = arith.addf %add3A_851, %get3A_894 : vector<16xf32>
          %get3A_896 = arith.index_cast %add3A_885 : i32 to index
          %get3A_897 = arith.constant 32 : index
          %get3A_898 = tpu.vector_load %arg7[%get3A_896, %get3A_897] {strides = array<i32>} : memref<40x128xf32, #tpu.memory_space<vmem>>, vector<1x16xf32>,
          %get3A_899 = vector.shape_cast %get3A_898 : vector<1x16xf32> to vector<16xf32>
          %add3A_900 = arith.addf %add3A_856, %get3A_899 : vector<16xf32>
          %get3A_901 = arith.index_cast %add3A_885 : i32 to index
          %get3A_902 = arith.constant 48 : index
          %get3A_903 = tpu.vector_load %arg7[%get3A_901, %get3A_902] {strides = array<i32>} : memref<40x128xf32, #tpu.memory_space<vmem>>, vector<1x16xf32>,
          %get3A_904 = vector.shape_cast %get3A_903 : vector<1x16xf32> to vector<16xf32>
          %add3A_905 = arith.addf %add3A_861, %get3A_904 : vector<16xf32>
          %get3A_906 = arith.index_cast %add3A_885 : i32 to index
          %get3A_907 = arith.constant 64 : index
          %get3A_908 = tpu.vector_load %arg7[%get3A_906, %get3A_907] {strides = array<i32>} : memref<40x128xf32, #tpu.memory_space<vmem>>, vector<1x16xf32>,
          %get3A_909 = vector.shape_cast %get3A_908 : vector<1x16xf32> to vector<16xf32>
          %add3A_910 = arith.addf %add3A_866, %get3A_909 : vector<16xf32>
          %get3A_911 = arith.index_cast %add3A_885 : i32 to index
          %get3A_912 = arith.constant 80 : index
          %get3A_913 = tpu.vector_load %arg7[%get3A_911, %get3A_912] {strides = array<i32>} : memref<40x128xf32, #tpu.memory_space<vmem>>, vector<1x16xf32>,
          %get3A_914 = vector.shape_cast %get3A_913 : vector<1x16xf32> to vector<16xf32>
          %add3A_915 = arith.addf %add3A_871, %get3A_914 : vector<16xf32>
          %get3A_916 = arith.index_cast %add3A_885 : i32 to index
          %get3A_917 = arith.constant 96 : index
          %get3A_918 = tpu.vector_load %arg7[%get3A_916, %get3A_917] {strides = array<i32>} : memref<40x128xf32, #tpu.memory_space<vmem>>, vector<1x16xf32>,
          %get3A_919 = vector.shape_cast %get3A_918 : vector<1x16xf32> to vector<16xf32>
          %add3A_920 = arith.addf %add3A_876, %get3A_919 : vector<16xf32>
          %get3A_921 = arith.index_cast %add3A_885 : i32 to index
          %get3A_922 = arith.constant 112 : index
          %get3A_923 = tpu.vector_load %arg7[%get3A_921, %get3A_922] {strides = array<i32>} : memref<40x128xf32, #tpu.memory_space<vmem>>, vector<1x16xf32>,
          %get3A_924 = vector.shape_cast %get3A_923 : vector<1x16xf32> to vector<16xf32>
          %add3A_925 = arith.addf %add3A_881, %get3A_924 : vector<16xf32>
          %mul3A_926 = arith.constant 5 : i32
          %mul3A_927 = arith.muli %scan3A_829, %mul3A_926 : i32
          %add3A_928 = arith.constant 2 : i32
          %add3A_929 = arith.addi %mul3A_927, %add3A_928 : i32
          %get3A_930 = arith.index_cast %add3A_929 : i32 to index
          %get3A_931 = arith.constant 0 : index
          %get3A_932 = tpu.vector_load %arg7[%get3A_930, %get3A_931] {strides = array<i32>} : memref<40x128xf32, #tpu.memory_space<vmem>>, vector<1x16xf32>,
          %get3A_933 = vector.shape_cast %get3A_932 : vector<1x16xf32> to vector<16xf32>
          %add3A_934 = arith.addf %add3A_890, %get3A_933 : vector<16xf32>
          %get3A_935 = arith.index_cast %add3A_929 : i32 to index
          %get3A_936 = arith.constant 16 : index
          %get3A_937 = tpu.vector_load %arg7[%get3A_935, %get3A_936] {strides = array<i32>} : memref<40x128xf32, #tpu.memory_space<vmem>>, vector<1x16xf32>,
          %get3A_938 = vector.shape_cast %get3A_937 : vector<1x16xf32> to vector<16xf32>
          %add3A_939 = arith.addf %add3A_895, %get3A_938 : vector<16xf32>
          %get3A_940 = arith.index_cast %add3A_929 : i32 to index
          %get3A_941 = arith.constant 32 : index
          %get3A_942 = tpu.vector_load %arg7[%get3A_940, %get3A_941] {strides = array<i32>} : memref<40x128xf32, #tpu.memory_space<vmem>>, vector<1x16xf32>,
          %get3A_943 = vector.shape_cast %get3A_942 : vector<1x16xf32> to vector<16xf32>
          %add3A_944 = arith.addf %add3A_900, %get3A_943 : vector<16xf32>
          %get3A_945 = arith.index_cast %add3A_929 : i32 to index
          %get3A_946 = arith.constant 48 : index
          %get3A_947 = tpu.vector_load %arg7[%get3A_945, %get3A_946] {strides = array<i32>} : memref<40x128xf32, #tpu.memory_space<vmem>>, vector<1x16xf32>,
          %get3A_948 = vector.shape_cast %get3A_947 : vector<1x16xf32> to vector<16xf32>
          %add3A_949 = arith.addf %add3A_905, %get3A_948 : vector<16xf32>
          %get3A_950 = arith.index_cast %add3A_929 : i32 to index
          %get3A_951 = arith.constant 64 : index
          %get3A_952 = tpu.vector_load %arg7[%get3A_950, %get3A_951] {strides = array<i32>} : memref<40x128xf32, #tpu.memory_space<vmem>>, vector<1x16xf32>,
          %get3A_953 = vector.shape_cast %get3A_952 : vector<1x16xf32> to vector<16xf32>
          %add3A_954 = arith.addf %add3A_910, %get3A_953 : vector<16xf32>
          %get3A_955 = arith.index_cast %add3A_929 : i32 to index
          %get3A_956 = arith.constant 80 : index
          %get3A_957 = tpu.vector_load %arg7[%get3A_955, %get3A_956] {strides = array<i32>} : memref<40x128xf32, #tpu.memory_space<vmem>>, vector<1x16xf32>,
          %get3A_958 = vector.shape_cast %get3A_957 : vector<1x16xf32> to vector<16xf32>
          %add3A_959 = arith.addf %add3A_915, %get3A_958 : vector<16xf32>
          %get3A_960 = arith.index_cast %add3A_929 : i32 to index
          %get3A_961 = arith.constant 96 : index
          %get3A_962 = tpu.vector_load %arg7[%get3A_960, %get3A_961] {strides = array<i32>} : memref<40x128xf32, #tpu.memory_space<vmem>>, vector<1x16xf32>,
          %get3A_963 = vector.shape_cast %get3A_962 : vector<1x16xf32> to vector<16xf32>
          %add3A_964 = arith.addf %add3A_920, %get3A_963 : vector<16xf32>
          %get3A_965 = arith.index_cast %add3A_929 : i32 to index
          %get3A_966 = arith.constant 112 : index
          %get3A_967 = tpu.vector_load %arg7[%get3A_965, %get3A_966] {strides = array<i32>} : memref<40x128xf32, #tpu.memory_space<vmem>>, vector<1x16xf32>,
          %get3A_968 = vector.shape_cast %get3A_967 : vector<1x16xf32> to vector<16xf32>
          %add3A_969 = arith.addf %add3A_925, %get3A_968 : vector<16xf32>
          %mul3A_970 = arith.constant 5 : i32
          %mul3A_971 = arith.muli %scan3A_829, %mul3A_970 : i32
          %add3A_972 = arith.constant 3 : i32
          %add3A_973 = arith.addi %mul3A_971, %add3A_972 : i32
          %get3A_974 = arith.index_cast %add3A_973 : i32 to index
          %get3A_975 = arith.constant 0 : index
          %get3A_976 = tpu.vector_load %arg7[%get3A_974, %get3A_975] {strides = array<i32>} : memref<40x128xf32, #tpu.memory_space<vmem>>, vector<1x16xf32>,
          %get3A_977 = vector.shape_cast %get3A_976 : vector<1x16xf32> to vector<16xf32>
          %add3A_978 = arith.addf %add3A_934, %get3A_977 : vector<16xf32>
          %get3A_979 = arith.index_cast %add3A_973 : i32 to index
          %get3A_980 = arith.constant 16 : index
          %get3A_981 = tpu.vector_load %arg7[%get3A_979, %get3A_980] {strides = array<i32>} : memref<40x128xf32, #tpu.memory_space<vmem>>, vector<1x16xf32>,
          %get3A_982 = vector.shape_cast %get3A_981 : vector<1x16xf32> to vector<16xf32>
          %add3A_983 = arith.addf %add3A_939, %get3A_982 : vector<16xf32>
          %get3A_984 = arith.index_cast %add3A_973 : i32 to index
          %get3A_985 = arith.constant 32 : index
          %get3A_986 = tpu.vector_load %arg7[%get3A_984, %get3A_985] {strides = array<i32>} : memref<40x128xf32, #tpu.memory_space<vmem>>, vector<1x16xf32>,
          %get3A_987 = vector.shape_cast %get3A_986 : vector<1x16xf32> to vector<16xf32>
          %add3A_988 = arith.addf %add3A_944, %get3A_987 : vector<16xf32>
          %get3A_989 = arith.index_cast %add3A_973 : i32 to index
          %get3A_990 = arith.constant 48 : index
          %get3A_991 = tpu.vector_load %arg7[%get3A_989, %get3A_990] {strides = array<i32>} : memref<40x128xf32, #tpu.memory_space<vmem>>, vector<1x16xf32>,
          %get3A_992 = vector.shape_cast %get3A_991 : vector<1x16xf32> to vector<16xf32>
          %add3A_993 = arith.addf %add3A_949, %get3A_992 : vector<16xf32>
          %get3A_994 = arith.index_cast %add3A_973 : i32 to index
          %get3A_995 = arith.constant 64 : index
          %get3A_996 = tpu.vector_load %arg7[%get3A_994, %get3A_995] {strides = array<i32>} : memref<40x128xf32, #tpu.memory_space<vmem>>, vector<1x16xf32>,
          %get3A_997 = vector.shape_cast %get3A_996 : vector<1x16xf32> to vector<16xf32>
          %add3A_998 = arith.addf %add3A_954, %get3A_997 : vector<16xf32>
          %get3A_999 = arith.index_cast %add3A_973 : i32 to index
          %get3A_1000 = arith.constant 80 : index
          %get3A_1001 = tpu.vector_load %arg7[%get3A_999, %get3A_1000] {strides = array<i32>} : memref<40x128xf32, #tpu.memory_space<vmem>>, vector<1x16xf32>,
          %get3A_1002 = vector.shape_cast %get3A_1001 : vector<1x16xf32> to vector<16xf32>
          %add3A_1003 = arith.addf %add3A_959, %get3A_1002 : vector<16xf32>
          %get3A_1004 = arith.index_cast %add3A_973 : i32 to index
          %get3A_1005 = arith.constant 96 : index
          %get3A_1006 = tpu.vector_load %arg7[%get3A_1004, %get3A_1005] {strides = array<i32>} : memref<40x128xf32, #tpu.memory_space<vmem>>, vector<1x16xf32>,
          %get3A_1007 = vector.shape_cast %get3A_1006 : vector<1x16xf32> to vector<16xf32>
          %add3A_1008 = arith.addf %add3A_964, %get3A_1007 : vector<16xf32>
          %get3A_1009 = arith.index_cast %add3A_973 : i32 to index
          %get3A_1010 = arith.constant 112 : index
          %get3A_1011 = tpu.vector_load %arg7[%get3A_1009, %get3A_1010] {strides = array<i32>} : memref<40x128xf32, #tpu.memory_space<vmem>>, vector<1x16xf32>,
          %get3A_1012 = vector.shape_cast %get3A_1011 : vector<1x16xf32> to vector<16xf32>
          %add3A_1013 = arith.addf %add3A_969, %get3A_1012 : vector<16xf32>
          %mul3A_1014 = arith.constant 5 : i32
          %mul3A_1015 = arith.muli %scan3A_829, %mul3A_1014 : i32
          %add3A_1016 = arith.constant 4 : i32
          %add3A_1017 = arith.addi %mul3A_1015, %add3A_1016 : i32
          %get3A_1018 = arith.index_cast %add3A_1017 : i32 to index
          %get3A_1019 = arith.constant 0 : index
          %get3A_1020 = tpu.vector_load %arg7[%get3A_1018, %get3A_1019] {strides = array<i32>} : memref<40x128xf32, #tpu.memory_space<vmem>>, vector<1x16xf32>,
          %get3A_1021 = vector.shape_cast %get3A_1020 : vector<1x16xf32> to vector<16xf32>
          %add3A_1022 = arith.addf %add3A_978, %get3A_1021 : vector<16xf32>
          %get3A_1023 = arith.index_cast %add3A_1017 : i32 to index
          %get3A_1024 = arith.constant 16 : index
          %get3A_1025 = tpu.vector_load %arg7[%get3A_1023, %get3A_1024] {strides = array<i32>} : memref<40x128xf32, #tpu.memory_space<vmem>>, vector<1x16xf32>,
          %get3A_1026 = vector.shape_cast %get3A_1025 : vector<1x16xf32> to vector<16xf32>
          %add3A_1027 = arith.addf %add3A_983, %get3A_1026 : vector<16xf32>
          %get3A_1028 = arith.index_cast %add3A_1017 : i32 to index
          %get3A_1029 = arith.constant 32 : index
          %get3A_1030 = tpu.vector_load %arg7[%get3A_1028, %get3A_1029] {strides = array<i32>} : memref<40x128xf32, #tpu.memory_space<vmem>>, vector<1x16xf32>,
          %get3A_1031 = vector.shape_cast %get3A_1030 : vector<1x16xf32> to vector<16xf32>
          %add3A_1032 = arith.addf %add3A_988, %get3A_1031 : vector<16xf32>
          %get3A_1033 = arith.index_cast %add3A_1017 : i32 to index
          %get3A_1034 = arith.constant 48 : index
          %get3A_1035 = tpu.vector_load %arg7[%get3A_1033, %get3A_1034] {strides = array<i32>} : memref<40x128xf32, #tpu.memory_space<vmem>>, vector<1x16xf32>,
          %get3A_1036 = vector.shape_cast %get3A_1035 : vector<1x16xf32> to vector<16xf32>
          %add3A_1037 = arith.addf %add3A_993, %get3A_1036 : vector<16xf32>
          %get3A_1038 = arith.index_cast %add3A_1017 : i32 to index
          %get3A_1039 = arith.constant 64 : index
          %get3A_1040 = tpu.vector_load %arg7[%get3A_1038, %get3A_1039] {strides = array<i32>} : memref<40x128xf32, #tpu.memory_space<vmem>>, vector<1x16xf32>,
          %get3A_1041 = vector.shape_cast %get3A_1040 : vector<1x16xf32> to vector<16xf32>
          %add3A_1042 = arith.addf %add3A_998, %get3A_1041 : vector<16xf32>
          %get3A_1043 = arith.index_cast %add3A_1017 : i32 to index
          %get3A_1044 = arith.constant 80 : index
          %get3A_1045 = tpu.vector_load %arg7[%get3A_1043, %get3A_1044] {strides = array<i32>} : memref<40x128xf32, #tpu.memory_space<vmem>>, vector<1x16xf32>,
          %get3A_1046 = vector.shape_cast %get3A_1045 : vector<1x16xf32> to vector<16xf32>
          %add3A_1047 = arith.addf %add3A_1003, %get3A_1046 : vector<16xf32>
          %get3A_1048 = arith.index_cast %add3A_1017 : i32 to index
          %get3A_1049 = arith.constant 96 : index
          %get3A_1050 = tpu.vector_load %arg7[%get3A_1048, %get3A_1049] {strides = array<i32>} : memref<40x128xf32, #tpu.memory_space<vmem>>, vector<1x16xf32>,
          %get3A_1051 = vector.shape_cast %get3A_1050 : vector<1x16xf32> to vector<16xf32>
          %add3A_1052 = arith.addf %add3A_1008, %get3A_1051 : vector<16xf32>
          %get3A_1053 = arith.index_cast %add3A_1017 : i32 to index
          %get3A_1054 = arith.constant 112 : index
          %get3A_1055 = tpu.vector_load %arg7[%get3A_1053, %get3A_1054] {strides = array<i32>} : memref<40x128xf32, #tpu.memory_space<vmem>>, vector<1x16xf32>,
          %get3A_1056 = vector.shape_cast %get3A_1055 : vector<1x16xf32> to vector<16xf32>
          %add3A_1057 = arith.addf %add3A_1013, %get3A_1056 : vector<16xf32>
          scf.yield %add3A_1022, %add3A_1027, %add3A_1032, %add3A_1037, %add3A_1042, %add3A_1047, %add3A_1052, %add3A_1057 : vector<16xf32>, vector<16xf32>, vector<16xf32>, vector<16xf32>, vector<16xf32>, vector<16xf32>, vector<16xf32>, vector<16xf32>
        }
        %scan3A_630 = arith.constant 8 : i32
        %scan3A_631 = arith.constant 0 : i32
        %scan3A_632 = arith.constant 8 : i32
        %scan3A_633 = arith.addi %scan3A_631, %scan3A_632 : i32
        %scan3A_634 = arith.constant 1 : i32
        %scan3A_635:16 = scf.for %scan3A_829 = %scan3A_631 to %scan3A_633 step %scan3A_634 iter_args(%scan3A_830 = %broadcast_in_dim3A_5, %scan3A_831 = %broadcast_in_dim3A_5, %scan3A_832 = %broadcast_in_dim3A_5, %scan3A_833 = %broadcast_in_dim3A_5, %scan3A_834 = %broadcast_in_dim3A_5, %scan3A_835 = %broadcast_in_dim3A_5, %scan3A_836 = %broadcast_in_dim3A_5, %scan3A_837 = %broadcast_in_dim3A_5, %scan3A_838 = %broadcast_in_dim3A_5, %scan3A_839 = %broadcast_in_dim3A_5, %scan3A_840 = %broadcast_in_dim3A_5, %scan3A_841 = %broadcast_in_dim3A_5, %scan3A_842 = %broadcast_in_dim3A_5, %scan3A_843 = %broadcast_in_dim3A_5, %scan3A_844 = %broadcast_in_dim3A_5, %scan3A_845 = %broadcast_in_dim3A_5) -> (vector<16xf32>, vector<16xf32>, vector<16xf32>, vector<16xf32>, vector<16xf32>, vector<16xf32>, vector<16xf32>, vector<16xf32>, vector<16xf32>, vector<16xf32>, vector<16xf32>, vector<16xf32>, vector<16xf32>, vector<16xf32>, vector<16xf32>, vector<16xf32>)  : i32 {
          %mul3A_846 = arith.constant 5 : i32
          %mul3A_847 = arith.muli %scan3A_829, %mul3A_846 : i32
          %add3A_848 = arith.constant 0 : i32
          %add3A_849 = arith.addi %mul3A_847, %add3A_848 : i32
          %get3A_850 = arith.index_cast %add3A_849 : i32 to index
          %get3A_851 = arith.constant 0 : index
          %get3A_852 = tpu.vector_load %arg9[%get3A_850, %get3A_851] {strides = array<i32>} : memref<40x256xf32, #tpu.memory_space<vmem>>, vector<1x16xf32>,
          %get3A_853 = vector.shape_cast %get3A_852 : vector<1x16xf32> to vector<16xf32>
          %add3A_854 = arith.addf %scan3A_830, %get3A_853 : vector<16xf32>
          %get3A_855 = arith.index_cast %add3A_849 : i32 to index
          %get3A_856 = arith.constant 16 : index
          %get3A_857 = tpu.vector_load %arg9[%get3A_855, %get3A_856] {strides = array<i32>} : memref<40x256xf32, #tpu.memory_space<vmem>>, vector<1x16xf32>,
          %get3A_858 = vector.shape_cast %get3A_857 : vector<1x16xf32> to vector<16xf32>
          %add3A_859 = arith.addf %scan3A_831, %get3A_858 : vector<16xf32>
          %get3A_860 = arith.index_cast %add3A_849 : i32 to index
          %get3A_861 = arith.constant 32 : index
          %get3A_862 = tpu.vector_load %arg9[%get3A_860, %get3A_861] {strides = array<i32>} : memref<40x256xf32, #tpu.memory_space<vmem>>, vector<1x16xf32>,
          %get3A_863 = vector.shape_cast %get3A_862 : vector<1x16xf32> to vector<16xf32>
          %add3A_864 = arith.addf %scan3A_832, %get3A_863 : vector<16xf32>
          %get3A_865 = arith.index_cast %add3A_849 : i32 to index
          %get3A_866 = arith.constant 48 : index
          %get3A_867 = tpu.vector_load %arg9[%get3A_865, %get3A_866] {strides = array<i32>} : memref<40x256xf32, #tpu.memory_space<vmem>>, vector<1x16xf32>,
          %get3A_868 = vector.shape_cast %get3A_867 : vector<1x16xf32> to vector<16xf32>
          %add3A_869 = arith.addf %scan3A_833, %get3A_868 : vector<16xf32>
          %get3A_870 = arith.index_cast %add3A_849 : i32 to index
          %get3A_871 = arith.constant 64 : index
          %get3A_872 = tpu.vector_load %arg9[%get3A_870, %get3A_871] {strides = array<i32>} : memref<40x256xf32, #tpu.memory_space<vmem>>, vector<1x16xf32>,
          %get3A_873 = vector.shape_cast %get3A_872 : vector<1x16xf32> to vector<16xf32>
          %add3A_874 = arith.addf %scan3A_834, %get3A_873 : vector<16xf32>
          %get3A_875 = arith.index_cast %add3A_849 : i32 to index
          %get3A_876 = arith.constant 80 : index
          %get3A_877 = tpu.vector_load %arg9[%get3A_875, %get3A_876] {strides = array<i32>} : memref<40x256xf32, #tpu.memory_space<vmem>>, vector<1x16xf32>,
          %get3A_878 = vector.shape_cast %get3A_877 : vector<1x16xf32> to vector<16xf32>
          %add3A_879 = arith.addf %scan3A_835, %get3A_878 : vector<16xf32>
          %get3A_880 = arith.index_cast %add3A_849 : i32 to index
          %get3A_881 = arith.constant 96 : index
          %get3A_882 = tpu.vector_load %arg9[%get3A_880, %get3A_881] {strides = array<i32>} : memref<40x256xf32, #tpu.memory_space<vmem>>, vector<1x16xf32>,
          %get3A_883 = vector.shape_cast %get3A_882 : vector<1x16xf32> to vector<16xf32>
          %add3A_884 = arith.addf %scan3A_836, %get3A_883 : vector<16xf32>
          %get3A_885 = arith.index_cast %add3A_849 : i32 to index
          %get3A_886 = arith.constant 112 : index
          %get3A_887 = tpu.vector_load %arg9[%get3A_885, %get3A_886] {strides = array<i32>} : memref<40x256xf32, #tpu.memory_space<vmem>>, vector<1x16xf32>,
          %get3A_888 = vector.shape_cast %get3A_887 : vector<1x16xf32> to vector<16xf32>
          %add3A_889 = arith.addf %scan3A_837, %get3A_888 : vector<16xf32>
          %get3A_890 = arith.index_cast %add3A_849 : i32 to index
          %get3A_891 = arith.constant 128 : index
          %get3A_892 = tpu.vector_load %arg9[%get3A_890, %get3A_891] {strides = array<i32>} : memref<40x256xf32, #tpu.memory_space<vmem>>, vector<1x16xf32>,
          %get3A_893 = vector.shape_cast %get3A_892 : vector<1x16xf32> to vector<16xf32>
          %add3A_894 = arith.addf %scan3A_838, %get3A_893 : vector<16xf32>
          %get3A_895 = arith.index_cast %add3A_849 : i32 to index
          %get3A_896 = arith.constant 144 : index
          %get3A_897 = tpu.vector_load %arg9[%get3A_895, %get3A_896] {strides = array<i32>} : memref<40x256xf32, #tpu.memory_space<vmem>>, vector<1x16xf32>,
          %get3A_898 = vector.shape_cast %get3A_897 : vector<1x16xf32> to vector<16xf32>
          %add3A_899 = arith.addf %scan3A_839, %get3A_898 : vector<16xf32>
          %get3A_900 = arith.index_cast %add3A_849 : i32 to index
          %get3A_901 = arith.constant 160 : index
          %get3A_902 = tpu.vector_load %arg9[%get3A_900, %get3A_901] {strides = array<i32>} : memref<40x256xf32, #tpu.memory_space<vmem>>, vector<1x16xf32>,
          %get3A_903 = vector.shape_cast %get3A_902 : vector<1x16xf32> to vector<16xf32>
          %add3A_904 = arith.addf %scan3A_840, %get3A_903 : vector<16xf32>
          %get3A_905 = arith.index_cast %add3A_849 : i32 to index
          %get3A_906 = arith.constant 176 : index
          %get3A_907 = tpu.vector_load %arg9[%get3A_905, %get3A_906] {strides = array<i32>} : memref<40x256xf32, #tpu.memory_space<vmem>>, vector<1x16xf32>,
          %get3A_908 = vector.shape_cast %get3A_907 : vector<1x16xf32> to vector<16xf32>
          %add3A_909 = arith.addf %scan3A_841, %get3A_908 : vector<16xf32>
          %get3A_910 = arith.index_cast %add3A_849 : i32 to index
          %get3A_911 = arith.constant 192 : index
          %get3A_912 = tpu.vector_load %arg9[%get3A_910, %get3A_911] {strides = array<i32>} : memref<40x256xf32, #tpu.memory_space<vmem>>, vector<1x16xf32>,
          %get3A_913 = vector.shape_cast %get3A_912 : vector<1x16xf32> to vector<16xf32>
          %add3A_914 = arith.addf %scan3A_842, %get3A_913 : vector<16xf32>
          %get3A_915 = arith.index_cast %add3A_849 : i32 to index
          %get3A_916 = arith.constant 208 : index
          %get3A_917 = tpu.vector_load %arg9[%get3A_915, %get3A_916] {strides = array<i32>} : memref<40x256xf32, #tpu.memory_space<vmem>>, vector<1x16xf32>,
          %get3A_918 = vector.shape_cast %get3A_917 : vector<1x16xf32> to vector<16xf32>
          %add3A_919 = arith.addf %scan3A_843, %get3A_918 : vector<16xf32>
          %get3A_920 = arith.index_cast %add3A_849 : i32 to index
          %get3A_921 = arith.constant 224 : index
          %get3A_922 = tpu.vector_load %arg9[%get3A_920, %get3A_921] {strides = array<i32>} : memref<40x256xf32, #tpu.memory_space<vmem>>, vector<1x16xf32>,
          %get3A_923 = vector.shape_cast %get3A_922 : vector<1x16xf32> to vector<16xf32>
          %add3A_924 = arith.addf %scan3A_844, %get3A_923 : vector<16xf32>
          %get3A_925 = arith.index_cast %add3A_849 : i32 to index
          %get3A_926 = arith.constant 240 : index
          %get3A_927 = tpu.vector_load %arg9[%get3A_925, %get3A_926] {strides = array<i32>} : memref<40x256xf32, #tpu.memory_space<vmem>>, vector<1x16xf32>,
          %get3A_928 = vector.shape_cast %get3A_927 : vector<1x16xf32> to vector<16xf32>
          %add3A_929 = arith.addf %scan3A_845, %get3A_928 : vector<16xf32>
          %mul3A_930 = arith.constant 5 : i32
          %mul3A_931 = arith.muli %scan3A_829, %mul3A_930 : i32
          %add3A_932 = arith.constant 1 : i32
          %add3A_933 = arith.addi %mul3A_931, %add3A_932 : i32
          %get3A_934 = arith.index_cast %add3A_933 : i32 to index
          %get3A_935 = arith.constant 0 : index
          %get3A_936 = tpu.vector_load %arg9[%get3A_934, %get3A_935] {strides = array<i32>} : memref<40x256xf32, #tpu.memory_space<vmem>>, vector<1x16xf32>,
          %get3A_937 = vector.shape_cast %get3A_936 : vector<1x16xf32> to vector<16xf32>
          %add3A_938 = arith.addf %add3A_854, %get3A_937 : vector<16xf32>
          %get3A_939 = arith.index_cast %add3A_933 : i32 to index
          %get3A_940 = arith.constant 16 : index
          %get3A_941 = tpu.vector_load %arg9[%get3A_939, %get3A_940] {strides = array<i32>} : memref<40x256xf32, #tpu.memory_space<vmem>>, vector<1x16xf32>,
          %get3A_942 = vector.shape_cast %get3A_941 : vector<1x16xf32> to vector<16xf32>
          %add3A_943 = arith.addf %add3A_859, %get3A_942 : vector<16xf32>
          %get3A_944 = arith.index_cast %add3A_933 : i32 to index
          %get3A_945 = arith.constant 32 : index
          %get3A_946 = tpu.vector_load %arg9[%get3A_944, %get3A_945] {strides = array<i32>} : memref<40x256xf32, #tpu.memory_space<vmem>>, vector<1x16xf32>,
          %get3A_947 = vector.shape_cast %get3A_946 : vector<1x16xf32> to vector<16xf32>
          %add3A_948 = arith.addf %add3A_864, %get3A_947 : vector<16xf32>
          %get3A_949 = arith.index_cast %add3A_933 : i32 to index
          %get3A_950 = arith.constant 48 : index
          %get3A_951 = tpu.vector_load %arg9[%get3A_949, %get3A_950] {strides = array<i32>} : memref<40x256xf32, #tpu.memory_space<vmem>>, vector<1x16xf32>,
          %get3A_952 = vector.shape_cast %get3A_951 : vector<1x16xf32> to vector<16xf32>
          %add3A_953 = arith.addf %add3A_869, %get3A_952 : vector<16xf32>
          %get3A_954 = arith.index_cast %add3A_933 : i32 to index
          %get3A_955 = arith.constant 64 : index
          %get3A_956 = tpu.vector_load %arg9[%get3A_954, %get3A_955] {strides = array<i32>} : memref<40x256xf32, #tpu.memory_space<vmem>>, vector<1x16xf32>,
          %get3A_957 = vector.shape_cast %get3A_956 : vector<1x16xf32> to vector<16xf32>
          %add3A_958 = arith.addf %add3A_874, %get3A_957 : vector<16xf32>
          %get3A_959 = arith.index_cast %add3A_933 : i32 to index
          %get3A_960 = arith.constant 80 : index
          %get3A_961 = tpu.vector_load %arg9[%get3A_959, %get3A_960] {strides = array<i32>} : memref<40x256xf32, #tpu.memory_space<vmem>>, vector<1x16xf32>,
          %get3A_962 = vector.shape_cast %get3A_961 : vector<1x16xf32> to vector<16xf32>
          %add3A_963 = arith.addf %add3A_879, %get3A_962 : vector<16xf32>
          %get3A_964 = arith.index_cast %add3A_933 : i32 to index
          %get3A_965 = arith.constant 96 : index
          %get3A_966 = tpu.vector_load %arg9[%get3A_964, %get3A_965] {strides = array<i32>} : memref<40x256xf32, #tpu.memory_space<vmem>>, vector<1x16xf32>,
          %get3A_967 = vector.shape_cast %get3A_966 : vector<1x16xf32> to vector<16xf32>
          %add3A_968 = arith.addf %add3A_884, %get3A_967 : vector<16xf32>
          %get3A_969 = arith.index_cast %add3A_933 : i32 to index
          %get3A_970 = arith.constant 112 : index
          %get3A_971 = tpu.vector_load %arg9[%get3A_969, %get3A_970] {strides = array<i32>} : memref<40x256xf32, #tpu.memory_space<vmem>>, vector<1x16xf32>,
          %get3A_972 = vector.shape_cast %get3A_971 : vector<1x16xf32> to vector<16xf32>
          %add3A_973 = arith.addf %add3A_889, %get3A_972 : vector<16xf32>
          %get3A_974 = arith.index_cast %add3A_933 : i32 to index
          %get3A_975 = arith.constant 128 : index
          %get3A_976 = tpu.vector_load %arg9[%get3A_974, %get3A_975] {strides = array<i32>} : memref<40x256xf32, #tpu.memory_space<vmem>>, vector<1x16xf32>,
          %get3A_977 = vector.shape_cast %get3A_976 : vector<1x16xf32> to vector<16xf32>
          %add3A_978 = arith.addf %add3A_894, %get3A_977 : vector<16xf32>
          %get3A_979 = arith.index_cast %add3A_933 : i32 to index
          %get3A_980 = arith.constant 144 : index
          %get3A_981 = tpu.vector_load %arg9[%get3A_979, %get3A_980] {strides = array<i32>} : memref<40x256xf32, #tpu.memory_space<vmem>>, vector<1x16xf32>,
          %get3A_982 = vector.shape_cast %get3A_981 : vector<1x16xf32> to vector<16xf32>
          %add3A_983 = arith.addf %add3A_899, %get3A_982 : vector<16xf32>
          %get3A_984 = arith.index_cast %add3A_933 : i32 to index
          %get3A_985 = arith.constant 160 : index
          %get3A_986 = tpu.vector_load %arg9[%get3A_984, %get3A_985] {strides = array<i32>} : memref<40x256xf32, #tpu.memory_space<vmem>>, vector<1x16xf32>,
          %get3A_987 = vector.shape_cast %get3A_986 : vector<1x16xf32> to vector<16xf32>
          %add3A_988 = arith.addf %add3A_904, %get3A_987 : vector<16xf32>
          %get3A_989 = arith.index_cast %add3A_933 : i32 to index
          %get3A_990 = arith.constant 176 : index
          %get3A_991 = tpu.vector_load %arg9[%get3A_989, %get3A_990] {strides = array<i32>} : memref<40x256xf32, #tpu.memory_space<vmem>>, vector<1x16xf32>,
          %get3A_992 = vector.shape_cast %get3A_991 : vector<1x16xf32> to vector<16xf32>
          %add3A_993 = arith.addf %add3A_909, %get3A_992 : vector<16xf32>
          %get3A_994 = arith.index_cast %add3A_933 : i32 to index
          %get3A_995 = arith.constant 192 : index
          %get3A_996 = tpu.vector_load %arg9[%get3A_994, %get3A_995] {strides = array<i32>} : memref<40x256xf32, #tpu.memory_space<vmem>>, vector<1x16xf32>,
          %get3A_997 = vector.shape_cast %get3A_996 : vector<1x16xf32> to vector<16xf32>
          %add3A_998 = arith.addf %add3A_914, %get3A_997 : vector<16xf32>
          %get3A_999 = arith.index_cast %add3A_933 : i32 to index
          %get3A_1000 = arith.constant 208 : index
          %get3A_1001 = tpu.vector_load %arg9[%get3A_999, %get3A_1000] {strides = array<i32>} : memref<40x256xf32, #tpu.memory_space<vmem>>, vector<1x16xf32>,
          %get3A_1002 = vector.shape_cast %get3A_1001 : vector<1x16xf32> to vector<16xf32>
          %add3A_1003 = arith.addf %add3A_919, %get3A_1002 : vector<16xf32>
          %get3A_1004 = arith.index_cast %add3A_933 : i32 to index
          %get3A_1005 = arith.constant 224 : index
          %get3A_1006 = tpu.vector_load %arg9[%get3A_1004, %get3A_1005] {strides = array<i32>} : memref<40x256xf32, #tpu.memory_space<vmem>>, vector<1x16xf32>,
          %get3A_1007 = vector.shape_cast %get3A_1006 : vector<1x16xf32> to vector<16xf32>
          %add3A_1008 = arith.addf %add3A_924, %get3A_1007 : vector<16xf32>
          %get3A_1009 = arith.index_cast %add3A_933 : i32 to index
          %get3A_1010 = arith.constant 240 : index
          %get3A_1011 = tpu.vector_load %arg9[%get3A_1009, %get3A_1010] {strides = array<i32>} : memref<40x256xf32, #tpu.memory_space<vmem>>, vector<1x16xf32>,
          %get3A_1012 = vector.shape_cast %get3A_1011 : vector<1x16xf32> to vector<16xf32>
          %add3A_1013 = arith.addf %add3A_929, %get3A_1012 : vector<16xf32>
          %mul3A_1014 = arith.constant 5 : i32
          %mul3A_1015 = arith.muli %scan3A_829, %mul3A_1014 : i32
          %add3A_1016 = arith.constant 2 : i32
          %add3A_1017 = arith.addi %mul3A_1015, %add3A_1016 : i32
          %get3A_1018 = arith.index_cast %add3A_1017 : i32 to index
          %get3A_1019 = arith.constant 0 : index
          %get3A_1020 = tpu.vector_load %arg9[%get3A_1018, %get3A_1019] {strides = array<i32>} : memref<40x256xf32, #tpu.memory_space<vmem>>, vector<1x16xf32>,
          %get3A_1021 = vector.shape_cast %get3A_1020 : vector<1x16xf32> to vector<16xf32>
          %add3A_1022 = arith.addf %add3A_938, %get3A_1021 : vector<16xf32>
          %get3A_1023 = arith.index_cast %add3A_1017 : i32 to index
          %get3A_1024 = arith.constant 16 : index
          %get3A_1025 = tpu.vector_load %arg9[%get3A_1023, %get3A_1024] {strides = array<i32>} : memref<40x256xf32, #tpu.memory_space<vmem>>, vector<1x16xf32>,
          %get3A_1026 = vector.shape_cast %get3A_1025 : vector<1x16xf32> to vector<16xf32>
          %add3A_1027 = arith.addf %add3A_943, %get3A_1026 : vector<16xf32>
          %get3A_1028 = arith.index_cast %add3A_1017 : i32 to index
          %get3A_1029 = arith.constant 32 : index
          %get3A_1030 = tpu.vector_load %arg9[%get3A_1028, %get3A_1029] {strides = array<i32>} : memref<40x256xf32, #tpu.memory_space<vmem>>, vector<1x16xf32>,
          %get3A_1031 = vector.shape_cast %get3A_1030 : vector<1x16xf32> to vector<16xf32>
          %add3A_1032 = arith.addf %add3A_948, %get3A_1031 : vector<16xf32>
          %get3A_1033 = arith.index_cast %add3A_1017 : i32 to index
          %get3A_1034 = arith.constant 48 : index
          %get3A_1035 = tpu.vector_load %arg9[%get3A_1033, %get3A_1034] {strides = array<i32>} : memref<40x256xf32, #tpu.memory_space<vmem>>, vector<1x16xf32>,
          %get3A_1036 = vector.shape_cast %get3A_1035 : vector<1x16xf32> to vector<16xf32>
          %add3A_1037 = arith.addf %add3A_953, %get3A_1036 : vector<16xf32>
          %get3A_1038 = arith.index_cast %add3A_1017 : i32 to index
          %get3A_1039 = arith.constant 64 : index
          %get3A_1040 = tpu.vector_load %arg9[%get3A_1038, %get3A_1039] {strides = array<i32>} : memref<40x256xf32, #tpu.memory_space<vmem>>, vector<1x16xf32>,
          %get3A_1041 = vector.shape_cast %get3A_1040 : vector<1x16xf32> to vector<16xf32>
          %add3A_1042 = arith.addf %add3A_958, %get3A_1041 : vector<16xf32>
          %get3A_1043 = arith.index_cast %add3A_1017 : i32 to index
          %get3A_1044 = arith.constant 80 : index
          %get3A_1045 = tpu.vector_load %arg9[%get3A_1043, %get3A_1044] {strides = array<i32>} : memref<40x256xf32, #tpu.memory_space<vmem>>, vector<1x16xf32>,
          %get3A_1046 = vector.shape_cast %get3A_1045 : vector<1x16xf32> to vector<16xf32>
          %add3A_1047 = arith.addf %add3A_963, %get3A_1046 : vector<16xf32>
          %get3A_1048 = arith.index_cast %add3A_1017 : i32 to index
          %get3A_1049 = arith.constant 96 : index
          %get3A_1050 = tpu.vector_load %arg9[%get3A_1048, %get3A_1049] {strides = array<i32>} : memref<40x256xf32, #tpu.memory_space<vmem>>, vector<1x16xf32>,
          %get3A_1051 = vector.shape_cast %get3A_1050 : vector<1x16xf32> to vector<16xf32>
          %add3A_1052 = arith.addf %add3A_968, %get3A_1051 : vector<16xf32>
          %get3A_1053 = arith.index_cast %add3A_1017 : i32 to index
          %get3A_1054 = arith.constant 112 : index
          %get3A_1055 = tpu.vector_load %arg9[%get3A_1053, %get3A_1054] {strides = array<i32>} : memref<40x256xf32, #tpu.memory_space<vmem>>, vector<1x16xf32>,
          %get3A_1056 = vector.shape_cast %get3A_1055 : vector<1x16xf32> to vector<16xf32>
          %add3A_1057 = arith.addf %add3A_973, %get3A_1056 : vector<16xf32>
          %get3A_1058 = arith.index_cast %add3A_1017 : i32 to index
          %get3A_1059 = arith.constant 128 : index
          %get3A_1060 = tpu.vector_load %arg9[%get3A_1058, %get3A_1059] {strides = array<i32>} : memref<40x256xf32, #tpu.memory_space<vmem>>, vector<1x16xf32>,
          %get3A_1061 = vector.shape_cast %get3A_1060 : vector<1x16xf32> to vector<16xf32>
          %add3A_1062 = arith.addf %add3A_978, %get3A_1061 : vector<16xf32>
          %get3A_1063 = arith.index_cast %add3A_1017 : i32 to index
          %get3A_1064 = arith.constant 144 : index
          %get3A_1065 = tpu.vector_load %arg9[%get3A_1063, %get3A_1064] {strides = array<i32>} : memref<40x256xf32, #tpu.memory_space<vmem>>, vector<1x16xf32>,
          %get3A_1066 = vector.shape_cast %get3A_1065 : vector<1x16xf32> to vector<16xf32>
          %add3A_1067 = arith.addf %add3A_983, %get3A_1066 : vector<16xf32>
          %get3A_1068 = arith.index_cast %add3A_1017 : i32 to index
          %get3A_1069 = arith.constant 160 : index
          %get3A_1070 = tpu.vector_load %arg9[%get3A_1068, %get3A_1069] {strides = array<i32>} : memref<40x256xf32, #tpu.memory_space<vmem>>, vector<1x16xf32>,
          %get3A_1071 = vector.shape_cast %get3A_1070 : vector<1x16xf32> to vector<16xf32>
          %add3A_1072 = arith.addf %add3A_988, %get3A_1071 : vector<16xf32>
          %get3A_1073 = arith.index_cast %add3A_1017 : i32 to index
          %get3A_1074 = arith.constant 176 : index
          %get3A_1075 = tpu.vector_load %arg9[%get3A_1073, %get3A_1074] {strides = array<i32>} : memref<40x256xf32, #tpu.memory_space<vmem>>, vector<1x16xf32>,
          %get3A_1076 = vector.shape_cast %get3A_1075 : vector<1x16xf32> to vector<16xf32>
          %add3A_1077 = arith.addf %add3A_993, %get3A_1076 : vector<16xf32>
          %get3A_1078 = arith.index_cast %add3A_1017 : i32 to index
          %get3A_1079 = arith.constant 192 : index
          %get3A_1080 = tpu.vector_load %arg9[%get3A_1078, %get3A_1079] {strides = array<i32>} : memref<40x256xf32, #tpu.memory_space<vmem>>, vector<1x16xf32>,
          %get3A_1081 = vector.shape_cast %get3A_1080 : vector<1x16xf32> to vector<16xf32>
          %add3A_1082 = arith.addf %add3A_998, %get3A_1081 : vector<16xf32>
          %get3A_1083 = arith.index_cast %add3A_1017 : i32 to index
          %get3A_1084 = arith.constant 208 : index
          %get3A_1085 = tpu.vector_load %arg9[%get3A_1083, %get3A_1084] {strides = array<i32>} : memref<40x256xf32, #tpu.memory_space<vmem>>, vector<1x16xf32>,
          %get3A_1086 = vector.shape_cast %get3A_1085 : vector<1x16xf32> to vector<16xf32>
          %add3A_1087 = arith.addf %add3A_1003, %get3A_1086 : vector<16xf32>
          %get3A_1088 = arith.index_cast %add3A_1017 : i32 to index
          %get3A_1089 = arith.constant 224 : index
          %get3A_1090 = tpu.vector_load %arg9[%get3A_1088, %get3A_1089] {strides = array<i32>} : memref<40x256xf32, #tpu.memory_space<vmem>>, vector<1x16xf32>,
          %get3A_1091 = vector.shape_cast %get3A_1090 : vector<1x16xf32> to vector<16xf32>
          %add3A_1092 = arith.addf %add3A_1008, %get3A_1091 : vector<16xf32>
          %get3A_1093 = arith.index_cast %add3A_1017 : i32 to index
          %get3A_1094 = arith.constant 240 : index
          %get3A_1095 = tpu.vector_load %arg9[%get3A_1093, %get3A_1094] {strides = array<i32>} : memref<40x256xf32, #tpu.memory_space<vmem>>, vector<1x16xf32>,
          %get3A_1096 = vector.shape_cast %get3A_1095 : vector<1x16xf32> to vector<16xf32>
          %add3A_1097 = arith.addf %add3A_1013, %get3A_1096 : vector<16xf32>
          %mul3A_1098 = arith.constant 5 : i32
          %mul3A_1099 = arith.muli %scan3A_829, %mul3A_1098 : i32
          %add3A_1100 = arith.constant 3 : i32
          %add3A_1101 = arith.addi %mul3A_1099, %add3A_1100 : i32
          %get3A_1102 = arith.index_cast %add3A_1101 : i32 to index
          %get3A_1103 = arith.constant 0 : index
          %get3A_1104 = tpu.vector_load %arg9[%get3A_1102, %get3A_1103] {strides = array<i32>} : memref<40x256xf32, #tpu.memory_space<vmem>>, vector<1x16xf32>,
          %get3A_1105 = vector.shape_cast %get3A_1104 : vector<1x16xf32> to vector<16xf32>
          %add3A_1106 = arith.addf %add3A_1022, %get3A_1105 : vector<16xf32>
          %get3A_1107 = arith.index_cast %add3A_1101 : i32 to index
          %get3A_1108 = arith.constant 16 : index
          %get3A_1109 = tpu.vector_load %arg9[%get3A_1107, %get3A_1108] {strides = array<i32>} : memref<40x256xf32, #tpu.memory_space<vmem>>, vector<1x16xf32>,
          %get3A_1110 = vector.shape_cast %get3A_1109 : vector<1x16xf32> to vector<16xf32>
          %add3A_1111 = arith.addf %add3A_1027, %get3A_1110 : vector<16xf32>
          %get3A_1112 = arith.index_cast %add3A_1101 : i32 to index
          %get3A_1113 = arith.constant 32 : index
          %get3A_1114 = tpu.vector_load %arg9[%get3A_1112, %get3A_1113] {strides = array<i32>} : memref<40x256xf32, #tpu.memory_space<vmem>>, vector<1x16xf32>,
          %get3A_1115 = vector.shape_cast %get3A_1114 : vector<1x16xf32> to vector<16xf32>
          %add3A_1116 = arith.addf %add3A_1032, %get3A_1115 : vector<16xf32>
          %get3A_1117 = arith.index_cast %add3A_1101 : i32 to index
          %get3A_1118 = arith.constant 48 : index
          %get3A_1119 = tpu.vector_load %arg9[%get3A_1117, %get3A_1118] {strides = array<i32>} : memref<40x256xf32, #tpu.memory_space<vmem>>, vector<1x16xf32>,
          %get3A_1120 = vector.shape_cast %get3A_1119 : vector<1x16xf32> to vector<16xf32>
          %add3A_1121 = arith.addf %add3A_1037, %get3A_1120 : vector<16xf32>
          %get3A_1122 = arith.index_cast %add3A_1101 : i32 to index
          %get3A_1123 = arith.constant 64 : index
          %get3A_1124 = tpu.vector_load %arg9[%get3A_1122, %get3A_1123] {strides = array<i32>} : memref<40x256xf32, #tpu.memory_space<vmem>>, vector<1x16xf32>,
          %get3A_1125 = vector.shape_cast %get3A_1124 : vector<1x16xf32> to vector<16xf32>
          %add3A_1126 = arith.addf %add3A_1042, %get3A_1125 : vector<16xf32>
          %get3A_1127 = arith.index_cast %add3A_1101 : i32 to index
          %get3A_1128 = arith.constant 80 : index
          %get3A_1129 = tpu.vector_load %arg9[%get3A_1127, %get3A_1128] {strides = array<i32>} : memref<40x256xf32, #tpu.memory_space<vmem>>, vector<1x16xf32>,
          %get3A_1130 = vector.shape_cast %get3A_1129 : vector<1x16xf32> to vector<16xf32>
          %add3A_1131 = arith.addf %add3A_1047, %get3A_1130 : vector<16xf32>
          %get3A_1132 = arith.index_cast %add3A_1101 : i32 to index
          %get3A_1133 = arith.constant 96 : index
          %get3A_1134 = tpu.vector_load %arg9[%get3A_1132, %get3A_1133] {strides = array<i32>} : memref<40x256xf32, #tpu.memory_space<vmem>>, vector<1x16xf32>,
          %get3A_1135 = vector.shape_cast %get3A_1134 : vector<1x16xf32> to vector<16xf32>
          %add3A_1136 = arith.addf %add3A_1052, %get3A_1135 : vector<16xf32>
          %get3A_1137 = arith.index_cast %add3A_1101 : i32 to index
          %get3A_1138 = arith.constant 112 : index
          %get3A_1139 = tpu.vector_load %arg9[%get3A_1137, %get3A_1138] {strides = array<i32>} : memref<40x256xf32, #tpu.memory_space<vmem>>, vector<1x16xf32>,
          %get3A_1140 = vector.shape_cast %get3A_1139 : vector<1x16xf32> to vector<16xf32>
          %add3A_1141 = arith.addf %add3A_1057, %get3A_1140 : vector<16xf32>
          %get3A_1142 = arith.index_cast %add3A_1101 : i32 to index
          %get3A_1143 = arith.constant 128 : index
          %get3A_1144 = tpu.vector_load %arg9[%get3A_1142, %get3A_1143] {strides = array<i32>} : memref<40x256xf32, #tpu.memory_space<vmem>>, vector<1x16xf32>,
          %get3A_1145 = vector.shape_cast %get3A_1144 : vector<1x16xf32> to vector<16xf32>
          %add3A_1146 = arith.addf %add3A_1062, %get3A_1145 : vector<16xf32>
          %get3A_1147 = arith.index_cast %add3A_1101 : i32 to index
          %get3A_1148 = arith.constant 144 : index
          %get3A_1149 = tpu.vector_load %arg9[%get3A_1147, %get3A_1148] {strides = array<i32>} : memref<40x256xf32, #tpu.memory_space<vmem>>, vector<1x16xf32>,
          %get3A_1150 = vector.shape_cast %get3A_1149 : vector<1x16xf32> to vector<16xf32>
          %add3A_1151 = arith.addf %add3A_1067, %get3A_1150 : vector<16xf32>
          %get3A_1152 = arith.index_cast %add3A_1101 : i32 to index
          %get3A_1153 = arith.constant 160 : index
          %get3A_1154 = tpu.vector_load %arg9[%get3A_1152, %get3A_1153] {strides = array<i32>} : memref<40x256xf32, #tpu.memory_space<vmem>>, vector<1x16xf32>,
          %get3A_1155 = vector.shape_cast %get3A_1154 : vector<1x16xf32> to vector<16xf32>
          %add3A_1156 = arith.addf %add3A_1072, %get3A_1155 : vector<16xf32>
          %get3A_1157 = arith.index_cast %add3A_1101 : i32 to index
          %get3A_1158 = arith.constant 176 : index
          %get3A_1159 = tpu.vector_load %arg9[%get3A_1157, %get3A_1158] {strides = array<i32>} : memref<40x256xf32, #tpu.memory_space<vmem>>, vector<1x16xf32>,
          %get3A_1160 = vector.shape_cast %get3A_1159 : vector<1x16xf32> to vector<16xf32>
          %add3A_1161 = arith.addf %add3A_1077, %get3A_1160 : vector<16xf32>
          %get3A_1162 = arith.index_cast %add3A_1101 : i32 to index
          %get3A_1163 = arith.constant 192 : index
          %get3A_1164 = tpu.vector_load %arg9[%get3A_1162, %get3A_1163] {strides = array<i32>} : memref<40x256xf32, #tpu.memory_space<vmem>>, vector<1x16xf32>,
          %get3A_1165 = vector.shape_cast %get3A_1164 : vector<1x16xf32> to vector<16xf32>
          %add3A_1166 = arith.addf %add3A_1082, %get3A_1165 : vector<16xf32>
          %get3A_1167 = arith.index_cast %add3A_1101 : i32 to index
          %get3A_1168 = arith.constant 208 : index
          %get3A_1169 = tpu.vector_load %arg9[%get3A_1167, %get3A_1168] {strides = array<i32>} : memref<40x256xf32, #tpu.memory_space<vmem>>, vector<1x16xf32>,
          %get3A_1170 = vector.shape_cast %get3A_1169 : vector<1x16xf32> to vector<16xf32>
          %add3A_1171 = arith.addf %add3A_1087, %get3A_1170 : vector<16xf32>
          %get3A_1172 = arith.index_cast %add3A_1101 : i32 to index
          %get3A_1173 = arith.constant 224 : index
          %get3A_1174 = tpu.vector_load %arg9[%get3A_1172, %get3A_1173] {strides = array<i32>} : memref<40x256xf32, #tpu.memory_space<vmem>>, vector<1x16xf32>,
          %get3A_1175 = vector.shape_cast %get3A_1174 : vector<1x16xf32> to vector<16xf32>
          %add3A_1176 = arith.addf %add3A_1092, %get3A_1175 : vector<16xf32>
          %get3A_1177 = arith.index_cast %add3A_1101 : i32 to index
          %get3A_1178 = arith.constant 240 : index
          %get3A_1179 = tpu.vector_load %arg9[%get3A_1177, %get3A_1178] {strides = array<i32>} : memref<40x256xf32, #tpu.memory_space<vmem>>, vector<1x16xf32>,
          %get3A_1180 = vector.shape_cast %get3A_1179 : vector<1x16xf32> to vector<16xf32>
          %add3A_1181 = arith.addf %add3A_1097, %get3A_1180 : vector<16xf32>
          %mul3A_1182 = arith.constant 5 : i32
          %mul3A_1183 = arith.muli %scan3A_829, %mul3A_1182 : i32
          %add3A_1184 = arith.constant 4 : i32
          %add3A_1185 = arith.addi %mul3A_1183, %add3A_1184 : i32
          %get3A_1186 = arith.index_cast %add3A_1185 : i32 to index
          %get3A_1187 = arith.constant 0 : index
          %get3A_1188 = tpu.vector_load %arg9[%get3A_1186, %get3A_1187] {strides = array<i32>} : memref<40x256xf32, #tpu.memory_space<vmem>>, vector<1x16xf32>,
          %get3A_1189 = vector.shape_cast %get3A_1188 : vector<1x16xf32> to vector<16xf32>
          %add3A_1190 = arith.addf %add3A_1106, %get3A_1189 : vector<16xf32>
          %get3A_1191 = arith.index_cast %add3A_1185 : i32 to index
          %get3A_1192 = arith.constant 16 : index
          %get3A_1193 = tpu.vector_load %arg9[%get3A_1191, %get3A_1192] {strides = array<i32>} : memref<40x256xf32, #tpu.memory_space<vmem>>, vector<1x16xf32>,
          %get3A_1194 = vector.shape_cast %get3A_1193 : vector<1x16xf32> to vector<16xf32>
          %add3A_1195 = arith.addf %add3A_1111, %get3A_1194 : vector<16xf32>
          %get3A_1196 = arith.index_cast %add3A_1185 : i32 to index
          %get3A_1197 = arith.constant 32 : index
          %get3A_1198 = tpu.vector_load %arg9[%get3A_1196, %get3A_1197] {strides = array<i32>} : memref<40x256xf32, #tpu.memory_space<vmem>>, vector<1x16xf32>,
          %get3A_1199 = vector.shape_cast %get3A_1198 : vector<1x16xf32> to vector<16xf32>
          %add3A_1200 = arith.addf %add3A_1116, %get3A_1199 : vector<16xf32>
          %get3A_1201 = arith.index_cast %add3A_1185 : i32 to index
          %get3A_1202 = arith.constant 48 : index
          %get3A_1203 = tpu.vector_load %arg9[%get3A_1201, %get3A_1202] {strides = array<i32>} : memref<40x256xf32, #tpu.memory_space<vmem>>, vector<1x16xf32>,
          %get3A_1204 = vector.shape_cast %get3A_1203 : vector<1x16xf32> to vector<16xf32>
          %add3A_1205 = arith.addf %add3A_1121, %get3A_1204 : vector<16xf32>
          %get3A_1206 = arith.index_cast %add3A_1185 : i32 to index
          %get3A_1207 = arith.constant 64 : index
          %get3A_1208 = tpu.vector_load %arg9[%get3A_1206, %get3A_1207] {strides = array<i32>} : memref<40x256xf32, #tpu.memory_space<vmem>>, vector<1x16xf32>,
          %get3A_1209 = vector.shape_cast %get3A_1208 : vector<1x16xf32> to vector<16xf32>
          %add3A_1210 = arith.addf %add3A_1126, %get3A_1209 : vector<16xf32>
          %get3A_1211 = arith.index_cast %add3A_1185 : i32 to index
          %get3A_1212 = arith.constant 80 : index
          %get3A_1213 = tpu.vector_load %arg9[%get3A_1211, %get3A_1212] {strides = array<i32>} : memref<40x256xf32, #tpu.memory_space<vmem>>, vector<1x16xf32>,
          %get3A_1214 = vector.shape_cast %get3A_1213 : vector<1x16xf32> to vector<16xf32>
          %add3A_1215 = arith.addf %add3A_1131, %get3A_1214 : vector<16xf32>
          %get3A_1216 = arith.index_cast %add3A_1185 : i32 to index
          %get3A_1217 = arith.constant 96 : index
          %get3A_1218 = tpu.vector_load %arg9[%get3A_1216, %get3A_1217] {strides = array<i32>} : memref<40x256xf32, #tpu.memory_space<vmem>>, vector<1x16xf32>,
          %get3A_1219 = vector.shape_cast %get3A_1218 : vector<1x16xf32> to vector<16xf32>
          %add3A_1220 = arith.addf %add3A_1136, %get3A_1219 : vector<16xf32>
          %get3A_1221 = arith.index_cast %add3A_1185 : i32 to index
          %get3A_1222 = arith.constant 112 : index
          %get3A_1223 = tpu.vector_load %arg9[%get3A_1221, %get3A_1222] {strides = array<i32>} : memref<40x256xf32, #tpu.memory_space<vmem>>, vector<1x16xf32>,
          %get3A_1224 = vector.shape_cast %get3A_1223 : vector<1x16xf32> to vector<16xf32>
          %add3A_1225 = arith.addf %add3A_1141, %get3A_1224 : vector<16xf32>
          %get3A_1226 = arith.index_cast %add3A_1185 : i32 to index
          %get3A_1227 = arith.constant 128 : index
          %get3A_1228 = tpu.vector_load %arg9[%get3A_1226, %get3A_1227] {strides = array<i32>} : memref<40x256xf32, #tpu.memory_space<vmem>>, vector<1x16xf32>,
          %get3A_1229 = vector.shape_cast %get3A_1228 : vector<1x16xf32> to vector<16xf32>
          %add3A_1230 = arith.addf %add3A_1146, %get3A_1229 : vector<16xf32>
          %get3A_1231 = arith.index_cast %add3A_1185 : i32 to index
          %get3A_1232 = arith.constant 144 : index
          %get3A_1233 = tpu.vector_load %arg9[%get3A_1231, %get3A_1232] {strides = array<i32>} : memref<40x256xf32, #tpu.memory_space<vmem>>, vector<1x16xf32>,
          %get3A_1234 = vector.shape_cast %get3A_1233 : vector<1x16xf32> to vector<16xf32>
          %add3A_1235 = arith.addf %add3A_1151, %get3A_1234 : vector<16xf32>
          %get3A_1236 = arith.index_cast %add3A_1185 : i32 to index
          %get3A_1237 = arith.constant 160 : index
          %get3A_1238 = tpu.vector_load %arg9[%get3A_1236, %get3A_1237] {strides = array<i32>} : memref<40x256xf32, #tpu.memory_space<vmem>>, vector<1x16xf32>,
          %get3A_1239 = vector.shape_cast %get3A_1238 : vector<1x16xf32> to vector<16xf32>
          %add3A_1240 = arith.addf %add3A_1156, %get3A_1239 : vector<16xf32>
          %get3A_1241 = arith.index_cast %add3A_1185 : i32 to index
          %get3A_1242 = arith.constant 176 : index
          %get3A_1243 = tpu.vector_load %arg9[%get3A_1241, %get3A_1242] {strides = array<i32>} : memref<40x256xf32, #tpu.memory_space<vmem>>, vector<1x16xf32>,
          %get3A_1244 = vector.shape_cast %get3A_1243 : vector<1x16xf32> to vector<16xf32>
          %add3A_1245 = arith.addf %add3A_1161, %get3A_1244 : vector<16xf32>
          %get3A_1246 = arith.index_cast %add3A_1185 : i32 to index
          %get3A_1247 = arith.constant 192 : index
          %get3A_1248 = tpu.vector_load %arg9[%get3A_1246, %get3A_1247] {strides = array<i32>} : memref<40x256xf32, #tpu.memory_space<vmem>>, vector<1x16xf32>,
          %get3A_1249 = vector.shape_cast %get3A_1248 : vector<1x16xf32> to vector<16xf32>
          %add3A_1250 = arith.addf %add3A_1166, %get3A_1249 : vector<16xf32>
          %get3A_1251 = arith.index_cast %add3A_1185 : i32 to index
          %get3A_1252 = arith.constant 208 : index
          %get3A_1253 = tpu.vector_load %arg9[%get3A_1251, %get3A_1252] {strides = array<i32>} : memref<40x256xf32, #tpu.memory_space<vmem>>, vector<1x16xf32>,
          %get3A_1254 = vector.shape_cast %get3A_1253 : vector<1x16xf32> to vector<16xf32>
          %add3A_1255 = arith.addf %add3A_1171, %get3A_1254 : vector<16xf32>
          %get3A_1256 = arith.index_cast %add3A_1185 : i32 to index
          %get3A_1257 = arith.constant 224 : index
          %get3A_1258 = tpu.vector_load %arg9[%get3A_1256, %get3A_1257] {strides = array<i32>} : memref<40x256xf32, #tpu.memory_space<vmem>>, vector<1x16xf32>,
          %get3A_1259 = vector.shape_cast %get3A_1258 : vector<1x16xf32> to vector<16xf32>
          %add3A_1260 = arith.addf %add3A_1176, %get3A_1259 : vector<16xf32>
          %get3A_1261 = arith.index_cast %add3A_1185 : i32 to index
          %get3A_1262 = arith.constant 240 : index
          %get3A_1263 = tpu.vector_load %arg9[%get3A_1261, %get3A_1262] {strides = array<i32>} : memref<40x256xf32, #tpu.memory_space<vmem>>, vector<1x16xf32>,
          %get3A_1264 = vector.shape_cast %get3A_1263 : vector<1x16xf32> to vector<16xf32>
          %add3A_1265 = arith.addf %add3A_1181, %get3A_1264 : vector<16xf32>
          scf.yield %add3A_1190, %add3A_1195, %add3A_1200, %add3A_1205, %add3A_1210, %add3A_1215, %add3A_1220, %add3A_1225, %add3A_1230, %add3A_1235, %add3A_1240, %add3A_1245, %add3A_1250, %add3A_1255, %add3A_1260, %add3A_1265 : vector<16xf32>, vector<16xf32>, vector<16xf32>, vector<16xf32>, vector<16xf32>, vector<16xf32>, vector<16xf32>, vector<16xf32>, vector<16xf32>, vector<16xf32>, vector<16xf32>, vector<16xf32>, vector<16xf32>, vector<16xf32>, vector<16xf32>, vector<16xf32>
        }
        %scan3A_636 = arith.constant 8 : i32
        %get3A_637 = arith.constant 0 : index
        %get3A_638 = tpu.vector_load %arg10[%get3A_637] {strides = array<i32>} : memref<128xf32, #tpu.memory_space<vmem>>, vector<16xf32>,
        %get3A_639 = vector.shape_cast %get3A_638 : vector<16xf32> to vector<16xf32>
        %add3A_640 = arith.addf %get3A_639, %scan3A_629#0 : vector<16xf32>
        %swap3A_641 = arith.constant 0 : index
        %swap3A_642 = tpu.vector_load %arg10[%swap3A_641] {strides = array<i32>} : memref<128xf32, #tpu.memory_space<vmem>>, vector<16xf32>,
        %swap3A_643 = vector.shape_cast %swap3A_642 : vector<16xf32> to vector<16xf32>
        %swap3A_644 = vector.shape_cast %add3A_640 : vector<16xf32> to vector<16xf32>
        tpu.vector_store %arg10[%swap3A_641], %swap3A_644 {strides = array<i32>} : memref<128xf32, #tpu.memory_space<vmem>>, vector<16xf32>,
        %get3A_645 = arith.constant 16 : index
        %get3A_646 = tpu.vector_load %arg10[%get3A_645] {strides = array<i32>} : memref<128xf32, #tpu.memory_space<vmem>>, vector<16xf32>,
        %get3A_647 = vector.shape_cast %get3A_646 : vector<16xf32> to vector<16xf32>
        %add3A_648 = arith.addf %get3A_647, %scan3A_629#1 : vector<16xf32>
        %swap3A_649 = arith.constant 16 : index
        %swap3A_650 = tpu.vector_load %arg10[%swap3A_649] {strides = array<i32>} : memref<128xf32, #tpu.memory_space<vmem>>, vector<16xf32>,
        %swap3A_651 = vector.shape_cast %swap3A_650 : vector<16xf32> to vector<16xf32>
        %swap3A_652 = vector.shape_cast %add3A_648 : vector<16xf32> to vector<16xf32>
        tpu.vector_store %arg10[%swap3A_649], %swap3A_652 {strides = array<i32>} : memref<128xf32, #tpu.memory_space<vmem>>, vector<16xf32>,
        %get3A_653 = arith.constant 32 : index
        %get3A_654 = tpu.vector_load %arg10[%get3A_653] {strides = array<i32>} : memref<128xf32, #tpu.memory_space<vmem>>, vector<16xf32>,
        %get3A_655 = vector.shape_cast %get3A_654 : vector<16xf32> to vector<16xf32>
        %add3A_656 = arith.addf %get3A_655, %scan3A_629#2 : vector<16xf32>
        %swap3A_657 = arith.constant 32 : index
        %swap3A_658 = tpu.vector_load %arg10[%swap3A_657] {strides = array<i32>} : memref<128xf32, #tpu.memory_space<vmem>>, vector<16xf32>,
        %swap3A_659 = vector.shape_cast %swap3A_658 : vector<16xf32> to vector<16xf32>
        %swap3A_660 = vector.shape_cast %add3A_656 : vector<16xf32> to vector<16xf32>
        tpu.vector_store %arg10[%swap3A_657], %swap3A_660 {strides = array<i32>} : memref<128xf32, #tpu.memory_space<vmem>>, vector<16xf32>,
        %get3A_661 = arith.constant 48 : index
        %get3A_662 = tpu.vector_load %arg10[%get3A_661] {strides = array<i32>} : memref<128xf32, #tpu.memory_space<vmem>>, vector<16xf32>,
        %get3A_663 = vector.shape_cast %get3A_662 : vector<16xf32> to vector<16xf32>
        %add3A_664 = arith.addf %get3A_663, %scan3A_629#3 : vector<16xf32>
        %swap3A_665 = arith.constant 48 : index
        %swap3A_666 = tpu.vector_load %arg10[%swap3A_665] {strides = array<i32>} : memref<128xf32, #tpu.memory_space<vmem>>, vector<16xf32>,
        %swap3A_667 = vector.shape_cast %swap3A_666 : vector<16xf32> to vector<16xf32>
        %swap3A_668 = vector.shape_cast %add3A_664 : vector<16xf32> to vector<16xf32>
        tpu.vector_store %arg10[%swap3A_665], %swap3A_668 {strides = array<i32>} : memref<128xf32, #tpu.memory_space<vmem>>, vector<16xf32>,
        %get3A_669 = arith.constant 64 : index
        %get3A_670 = tpu.vector_load %arg10[%get3A_669] {strides = array<i32>} : memref<128xf32, #tpu.memory_space<vmem>>, vector<16xf32>,
        %get3A_671 = vector.shape_cast %get3A_670 : vector<16xf32> to vector<16xf32>
        %add3A_672 = arith.addf %get3A_671, %scan3A_629#4 : vector<16xf32>
        %swap3A_673 = arith.constant 64 : index
        %swap3A_674 = tpu.vector_load %arg10[%swap3A_673] {strides = array<i32>} : memref<128xf32, #tpu.memory_space<vmem>>, vector<16xf32>,
        %swap3A_675 = vector.shape_cast %swap3A_674 : vector<16xf32> to vector<16xf32>
        %swap3A_676 = vector.shape_cast %add3A_672 : vector<16xf32> to vector<16xf32>
        tpu.vector_store %arg10[%swap3A_673], %swap3A_676 {strides = array<i32>} : memref<128xf32, #tpu.memory_space<vmem>>, vector<16xf32>,
        %get3A_677 = arith.constant 80 : index
        %get3A_678 = tpu.vector_load %arg10[%get3A_677] {strides = array<i32>} : memref<128xf32, #tpu.memory_space<vmem>>, vector<16xf32>,
        %get3A_679 = vector.shape_cast %get3A_678 : vector<16xf32> to vector<16xf32>
        %add3A_680 = arith.addf %get3A_679, %scan3A_629#5 : vector<16xf32>
        %swap3A_681 = arith.constant 80 : index
        %swap3A_682 = tpu.vector_load %arg10[%swap3A_681] {strides = array<i32>} : memref<128xf32, #tpu.memory_space<vmem>>, vector<16xf32>,
        %swap3A_683 = vector.shape_cast %swap3A_682 : vector<16xf32> to vector<16xf32>
        %swap3A_684 = vector.shape_cast %add3A_680 : vector<16xf32> to vector<16xf32>
        tpu.vector_store %arg10[%swap3A_681], %swap3A_684 {strides = array<i32>} : memref<128xf32, #tpu.memory_space<vmem>>, vector<16xf32>,
        %get3A_685 = arith.constant 96 : index
        %get3A_686 = tpu.vector_load %arg10[%get3A_685] {strides = array<i32>} : memref<128xf32, #tpu.memory_space<vmem>>, vector<16xf32>,
        %get3A_687 = vector.shape_cast %get3A_686 : vector<16xf32> to vector<16xf32>
        %add3A_688 = arith.addf %get3A_687, %scan3A_629#6 : vector<16xf32>
        %swap3A_689 = arith.constant 96 : index
        %swap3A_690 = tpu.vector_load %arg10[%swap3A_689] {strides = array<i32>} : memref<128xf32, #tpu.memory_space<vmem>>, vector<16xf32>,
        %swap3A_691 = vector.shape_cast %swap3A_690 : vector<16xf32> to vector<16xf32>
        %swap3A_692 = vector.shape_cast %add3A_688 : vector<16xf32> to vector<16xf32>
        tpu.vector_store %arg10[%swap3A_689], %swap3A_692 {strides = array<i32>} : memref<128xf32, #tpu.memory_space<vmem>>, vector<16xf32>,
        %get3A_693 = arith.constant 112 : index
        %get3A_694 = tpu.vector_load %arg10[%get3A_693] {strides = array<i32>} : memref<128xf32, #tpu.memory_space<vmem>>, vector<16xf32>,
        %get3A_695 = vector.shape_cast %get3A_694 : vector<16xf32> to vector<16xf32>
        %add3A_696 = arith.addf %get3A_695, %scan3A_629#7 : vector<16xf32>
        %swap3A_697 = arith.constant 112 : index
        %swap3A_698 = tpu.vector_load %arg10[%swap3A_697] {strides = array<i32>} : memref<128xf32, #tpu.memory_space<vmem>>, vector<16xf32>,
        %swap3A_699 = vector.shape_cast %swap3A_698 : vector<16xf32> to vector<16xf32>
        %swap3A_700 = vector.shape_cast %add3A_696 : vector<16xf32> to vector<16xf32>
        tpu.vector_store %arg10[%swap3A_697], %swap3A_700 {strides = array<i32>} : memref<128xf32, #tpu.memory_space<vmem>>, vector<16xf32>,
        %get3A_701 = arith.constant 0 : index
        %get3A_702 = tpu.vector_load %arg11[%get3A_701] {strides = array<i32>} : memref<256xf32, #tpu.memory_space<vmem>>, vector<16xf32>,
        %get3A_703 = vector.shape_cast %get3A_702 : vector<16xf32> to vector<16xf32>
        %add3A_704 = arith.addf %get3A_703, %scan3A_635#0 : vector<16xf32>
        %swap3A_705 = arith.constant 0 : index
        %swap3A_706 = tpu.vector_load %arg11[%swap3A_705] {strides = array<i32>} : memref<256xf32, #tpu.memory_space<vmem>>, vector<16xf32>,
        %swap3A_707 = vector.shape_cast %swap3A_706 : vector<16xf32> to vector<16xf32>
        %swap3A_708 = vector.shape_cast %add3A_704 : vector<16xf32> to vector<16xf32>
        tpu.vector_store %arg11[%swap3A_705], %swap3A_708 {strides = array<i32>} : memref<256xf32, #tpu.memory_space<vmem>>, vector<16xf32>,
        %get3A_709 = arith.constant 16 : index
        %get3A_710 = tpu.vector_load %arg11[%get3A_709] {strides = array<i32>} : memref<256xf32, #tpu.memory_space<vmem>>, vector<16xf32>,
        %get3A_711 = vector.shape_cast %get3A_710 : vector<16xf32> to vector<16xf32>
        %add3A_712 = arith.addf %get3A_711, %scan3A_635#1 : vector<16xf32>
        %swap3A_713 = arith.constant 16 : index
        %swap3A_714 = tpu.vector_load %arg11[%swap3A_713] {strides = array<i32>} : memref<256xf32, #tpu.memory_space<vmem>>, vector<16xf32>,
        %swap3A_715 = vector.shape_cast %swap3A_714 : vector<16xf32> to vector<16xf32>
        %swap3A_716 = vector.shape_cast %add3A_712 : vector<16xf32> to vector<16xf32>
        tpu.vector_store %arg11[%swap3A_713], %swap3A_716 {strides = array<i32>} : memref<256xf32, #tpu.memory_space<vmem>>, vector<16xf32>,
        %get3A_717 = arith.constant 32 : index
        %get3A_718 = tpu.vector_load %arg11[%get3A_717] {strides = array<i32>} : memref<256xf32, #tpu.memory_space<vmem>>, vector<16xf32>,
        %get3A_719 = vector.shape_cast %get3A_718 : vector<16xf32> to vector<16xf32>
        %add3A_720 = arith.addf %get3A_719, %scan3A_635#2 : vector<16xf32>
        %swap3A_721 = arith.constant 32 : index
        %swap3A_722 = tpu.vector_load %arg11[%swap3A_721] {strides = array<i32>} : memref<256xf32, #tpu.memory_space<vmem>>, vector<16xf32>,
        %swap3A_723 = vector.shape_cast %swap3A_722 : vector<16xf32> to vector<16xf32>
        %swap3A_724 = vector.shape_cast %add3A_720 : vector<16xf32> to vector<16xf32>
        tpu.vector_store %arg11[%swap3A_721], %swap3A_724 {strides = array<i32>} : memref<256xf32, #tpu.memory_space<vmem>>, vector<16xf32>,
        %get3A_725 = arith.constant 48 : index
        %get3A_726 = tpu.vector_load %arg11[%get3A_725] {strides = array<i32>} : memref<256xf32, #tpu.memory_space<vmem>>, vector<16xf32>,
        %get3A_727 = vector.shape_cast %get3A_726 : vector<16xf32> to vector<16xf32>
        %add3A_728 = arith.addf %get3A_727, %scan3A_635#3 : vector<16xf32>
        %swap3A_729 = arith.constant 48 : index
        %swap3A_730 = tpu.vector_load %arg11[%swap3A_729] {strides = array<i32>} : memref<256xf32, #tpu.memory_space<vmem>>, vector<16xf32>,
        %swap3A_731 = vector.shape_cast %swap3A_730 : vector<16xf32> to vector<16xf32>
        %swap3A_732 = vector.shape_cast %add3A_728 : vector<16xf32> to vector<16xf32>
        tpu.vector_store %arg11[%swap3A_729], %swap3A_732 {strides = array<i32>} : memref<256xf32, #tpu.memory_space<vmem>>, vector<16xf32>,
        %get3A_733 = arith.constant 64 : index
        %get3A_734 = tpu.vector_load %arg11[%get3A_733] {strides = array<i32>} : memref<256xf32, #tpu.memory_space<vmem>>, vector<16xf32>,
        %get3A_735 = vector.shape_cast %get3A_734 : vector<16xf32> to vector<16xf32>
        %add3A_736 = arith.addf %get3A_735, %scan3A_635#4 : vector<16xf32>
        %swap3A_737 = arith.constant 64 : index
        %swap3A_738 = tpu.vector_load %arg11[%swap3A_737] {strides = array<i32>} : memref<256xf32, #tpu.memory_space<vmem>>, vector<16xf32>,
        %swap3A_739 = vector.shape_cast %swap3A_738 : vector<16xf32> to vector<16xf32>
        %swap3A_740 = vector.shape_cast %add3A_736 : vector<16xf32> to vector<16xf32>
        tpu.vector_store %arg11[%swap3A_737], %swap3A_740 {strides = array<i32>} : memref<256xf32, #tpu.memory_space<vmem>>, vector<16xf32>,
        %get3A_741 = arith.constant 80 : index
        %get3A_742 = tpu.vector_load %arg11[%get3A_741] {strides = array<i32>} : memref<256xf32, #tpu.memory_space<vmem>>, vector<16xf32>,
        %get3A_743 = vector.shape_cast %get3A_742 : vector<16xf32> to vector<16xf32>
        %add3A_744 = arith.addf %get3A_743, %scan3A_635#5 : vector<16xf32>
        %swap3A_745 = arith.constant 80 : index
        %swap3A_746 = tpu.vector_load %arg11[%swap3A_745] {strides = array<i32>} : memref<256xf32, #tpu.memory_space<vmem>>, vector<16xf32>,
        %swap3A_747 = vector.shape_cast %swap3A_746 : vector<16xf32> to vector<16xf32>
        %swap3A_748 = vector.shape_cast %add3A_744 : vector<16xf32> to vector<16xf32>
        tpu.vector_store %arg11[%swap3A_745], %swap3A_748 {strides = array<i32>} : memref<256xf32, #tpu.memory_space<vmem>>, vector<16xf32>,
        %get3A_749 = arith.constant 96 : index
        %get3A_750 = tpu.vector_load %arg11[%get3A_749] {strides = array<i32>} : memref<256xf32, #tpu.memory_space<vmem>>, vector<16xf32>,
        %get3A_751 = vector.shape_cast %get3A_750 : vector<16xf32> to vector<16xf32>
        %add3A_752 = arith.addf %get3A_751, %scan3A_635#6 : vector<16xf32>
        %swap3A_753 = arith.constant 96 : index
        %swap3A_754 = tpu.vector_load %arg11[%swap3A_753] {strides = array<i32>} : memref<256xf32, #tpu.memory_space<vmem>>, vector<16xf32>,
        %swap3A_755 = vector.shape_cast %swap3A_754 : vector<16xf32> to vector<16xf32>
        %swap3A_756 = vector.shape_cast %add3A_752 : vector<16xf32> to vector<16xf32>
        tpu.vector_store %arg11[%swap3A_753], %swap3A_756 {strides = array<i32>} : memref<256xf32, #tpu.memory_space<vmem>>, vector<16xf32>,
        %get3A_757 = arith.constant 112 : index
        %get3A_758 = tpu.vector_load %arg11[%get3A_757] {strides = array<i32>} : memref<256xf32, #tpu.memory_space<vmem>>, vector<16xf32>,
        %get3A_759 = vector.shape_cast %get3A_758 : vector<16xf32> to vector<16xf32>
        %add3A_760 = arith.addf %get3A_759, %scan3A_635#7 : vector<16xf32>
        %swap3A_761 = arith.constant 112 : index
        %swap3A_762 = tpu.vector_load %arg11[%swap3A_761] {strides = array<i32>} : memref<256xf32, #tpu.memory_space<vmem>>, vector<16xf32>,
        %swap3A_763 = vector.shape_cast %swap3A_762 : vector<16xf32> to vector<16xf32>
        %swap3A_764 = vector.shape_cast %add3A_760 : vector<16xf32> to vector<16xf32>
        tpu.vector_store %arg11[%swap3A_761], %swap3A_764 {strides = array<i32>} : memref<256xf32, #tpu.memory_space<vmem>>, vector<16xf32>,
        %get3A_765 = arith.constant 128 : index
        %get3A_766 = tpu.vector_load %arg11[%get3A_765] {strides = array<i32>} : memref<256xf32, #tpu.memory_space<vmem>>, vector<16xf32>,
        %get3A_767 = vector.shape_cast %get3A_766 : vector<16xf32> to vector<16xf32>
        %add3A_768 = arith.addf %get3A_767, %scan3A_635#8 : vector<16xf32>
        %swap3A_769 = arith.constant 128 : index
        %swap3A_770 = tpu.vector_load %arg11[%swap3A_769] {strides = array<i32>} : memref<256xf32, #tpu.memory_space<vmem>>, vector<16xf32>,
        %swap3A_771 = vector.shape_cast %swap3A_770 : vector<16xf32> to vector<16xf32>
        %swap3A_772 = vector.shape_cast %add3A_768 : vector<16xf32> to vector<16xf32>
        tpu.vector_store %arg11[%swap3A_769], %swap3A_772 {strides = array<i32>} : memref<256xf32, #tpu.memory_space<vmem>>, vector<16xf32>,
        %get3A_773 = arith.constant 144 : index
        %get3A_774 = tpu.vector_load %arg11[%get3A_773] {strides = array<i32>} : memref<256xf32, #tpu.memory_space<vmem>>, vector<16xf32>,
        %get3A_775 = vector.shape_cast %get3A_774 : vector<16xf32> to vector<16xf32>
        %add3A_776 = arith.addf %get3A_775, %scan3A_635#9 : vector<16xf32>
        %swap3A_777 = arith.constant 144 : index
        %swap3A_778 = tpu.vector_load %arg11[%swap3A_777] {strides = array<i32>} : memref<256xf32, #tpu.memory_space<vmem>>, vector<16xf32>,
        %swap3A_779 = vector.shape_cast %swap3A_778 : vector<16xf32> to vector<16xf32>
        %swap3A_780 = vector.shape_cast %add3A_776 : vector<16xf32> to vector<16xf32>
        tpu.vector_store %arg11[%swap3A_777], %swap3A_780 {strides = array<i32>} : memref<256xf32, #tpu.memory_space<vmem>>, vector<16xf32>,
        %get3A_781 = arith.constant 160 : index
        %get3A_782 = tpu.vector_load %arg11[%get3A_781] {strides = array<i32>} : memref<256xf32, #tpu.memory_space<vmem>>, vector<16xf32>,
        %get3A_783 = vector.shape_cast %get3A_782 : vector<16xf32> to vector<16xf32>
        %add3A_784 = arith.addf %get3A_783, %scan3A_635#10 : vector<16xf32>
        %swap3A_785 = arith.constant 160 : index
        %swap3A_786 = tpu.vector_load %arg11[%swap3A_785] {strides = array<i32>} : memref<256xf32, #tpu.memory_space<vmem>>, vector<16xf32>,
        %swap3A_787 = vector.shape_cast %swap3A_786 : vector<16xf32> to vector<16xf32>
        %swap3A_788 = vector.shape_cast %add3A_784 : vector<16xf32> to vector<16xf32>
        tpu.vector_store %arg11[%swap3A_785], %swap3A_788 {strides = array<i32>} : memref<256xf32, #tpu.memory_space<vmem>>, vector<16xf32>,
        %get3A_789 = arith.constant 176 : index
        %get3A_790 = tpu.vector_load %arg11[%get3A_789] {strides = array<i32>} : memref<256xf32, #tpu.memory_space<vmem>>, vector<16xf32>,
        %get3A_791 = vector.shape_cast %get3A_790 : vector<16xf32> to vector<16xf32>
        %add3A_792 = arith.addf %get3A_791, %scan3A_635#11 : vector<16xf32>
        %swap3A_793 = arith.constant 176 : index
        %swap3A_794 = tpu.vector_load %arg11[%swap3A_793] {strides = array<i32>} : memref<256xf32, #tpu.memory_space<vmem>>, vector<16xf32>,
        %swap3A_795 = vector.shape_cast %swap3A_794 : vector<16xf32> to vector<16xf32>
        %swap3A_796 = vector.shape_cast %add3A_792 : vector<16xf32> to vector<16xf32>
        tpu.vector_store %arg11[%swap3A_793], %swap3A_796 {strides = array<i32>} : memref<256xf32, #tpu.memory_space<vmem>>, vector<16xf32>,
        %get3A_797 = arith.constant 192 : index
        %get3A_798 = tpu.vector_load %arg11[%get3A_797] {strides = array<i32>} : memref<256xf32, #tpu.memory_space<vmem>>, vector<16xf32>,
        %get3A_799 = vector.shape_cast %get3A_798 : vector<16xf32> to vector<16xf32>
        %add3A_800 = arith.addf %get3A_799, %scan3A_635#12 : vector<16xf32>
        %swap3A_801 = arith.constant 192 : index
        %swap3A_802 = tpu.vector_load %arg11[%swap3A_801] {strides = array<i32>} : memref<256xf32, #tpu.memory_space<vmem>>, vector<16xf32>,
        %swap3A_803 = vector.shape_cast %swap3A_802 : vector<16xf32> to vector<16xf32>
        %swap3A_804 = vector.shape_cast %add3A_800 : vector<16xf32> to vector<16xf32>
        tpu.vector_store %arg11[%swap3A_801], %swap3A_804 {strides = array<i32>} : memref<256xf32, #tpu.memory_space<vmem>>, vector<16xf32>,
        %get3A_805 = arith.constant 208 : index
        %get3A_806 = tpu.vector_load %arg11[%get3A_805] {strides = array<i32>} : memref<256xf32, #tpu.memory_space<vmem>>, vector<16xf32>,
        %get3A_807 = vector.shape_cast %get3A_806 : vector<16xf32> to vector<16xf32>
        %add3A_808 = arith.addf %get3A_807, %scan3A_635#13 : vector<16xf32>
        %swap3A_809 = arith.constant 208 : index
        %swap3A_810 = tpu.vector_load %arg11[%swap3A_809] {strides = array<i32>} : memref<256xf32, #tpu.memory_space<vmem>>, vector<16xf32>,
        %swap3A_811 = vector.shape_cast %swap3A_810 : vector<16xf32> to vector<16xf32>
        %swap3A_812 = vector.shape_cast %add3A_808 : vector<16xf32> to vector<16xf32>
        tpu.vector_store %arg11[%swap3A_809], %swap3A_812 {strides = array<i32>} : memref<256xf32, #tpu.memory_space<vmem>>, vector<16xf32>,
        %get3A_813 = arith.constant 224 : index
        %get3A_814 = tpu.vector_load %arg11[%get3A_813] {strides = array<i32>} : memref<256xf32, #tpu.memory_space<vmem>>, vector<16xf32>,
        %get3A_815 = vector.shape_cast %get3A_814 : vector<16xf32> to vector<16xf32>
        %add3A_816 = arith.addf %get3A_815, %scan3A_635#14 : vector<16xf32>
        %swap3A_817 = arith.constant 224 : index
        %swap3A_818 = tpu.vector_load %arg11[%swap3A_817] {strides = array<i32>} : memref<256xf32, #tpu.memory_space<vmem>>, vector<16xf32>,
        %swap3A_819 = vector.shape_cast %swap3A_818 : vector<16xf32> to vector<16xf32>
        %swap3A_820 = vector.shape_cast %add3A_816 : vector<16xf32> to vector<16xf32>
        tpu.vector_store %arg11[%swap3A_817], %swap3A_820 {strides = array<i32>} : memref<256xf32, #tpu.memory_space<vmem>>, vector<16xf32>,
        %get3A_821 = arith.constant 240 : index
        %get3A_822 = tpu.vector_load %arg11[%get3A_821] {strides = array<i32>} : memref<256xf32, #tpu.memory_space<vmem>>, vector<16xf32>,
        %get3A_823 = vector.shape_cast %get3A_822 : vector<16xf32> to vector<16xf32>
        %add3A_824 = arith.addf %get3A_823, %scan3A_635#15 : vector<16xf32>
        %swap3A_825 = arith.constant 240 : index
        %swap3A_826 = tpu.vector_load %arg11[%swap3A_825] {strides = array<i32>} : memref<256xf32, #tpu.memory_space<vmem>>, vector<16xf32>,
        %swap3A_827 = vector.shape_cast %swap3A_826 : vector<16xf32> to vector<16xf32>
        %swap3A_828 = vector.shape_cast %add3A_824 : vector<16xf32> to vector<16xf32>
        tpu.vector_store %arg11[%swap3A_825], %swap3A_828 {strides = array<i32>} : memref<256xf32, #tpu.memory_space<vmem>>, vector<16xf32>,
      } else {
      }
    }
    %scan3A_128 = arith.constant 73 : i32
    %add3A_129 = arith.constant 2920 : i32
    %add3A_130 = arith.addi %add3A_4, %add3A_129 : i32
    %dma_wait3A = arith.constant 0 : i32
    %dma_wait3A_131 = tpu.memref_slice %arg2[%add3A_130, %dma_wait3A] : memref<160000x128xf32, #tpu.memory_space<hbm>> -> memref<40x128xf32, #tpu.memory_space<hbm>>
    %dma_wait3A_132 = arith.constant 0 : i32
    %dma_wait3A_133 = tpu.memref_slice %arg2[%add3A_130, %dma_wait3A_132] : memref<160000x128xf32, #tpu.memory_space<hbm>> -> memref<40x128xf32, #tpu.memory_space<hbm>>
    tpu.wait_dma2 semaphore(%arg13 : memref<!tpu.dma_semaphore, #tpu.memory_space<semaphore_mem>>) src(%dma_wait3A_133 : memref<40x128xf32, #tpu.memory_space<hbm>>) dst(%arg7 : memref<40x128xf32, #tpu.memory_space<vmem>>)
    %add3A_134 = arith.constant 2920 : i32
    %add3A_135 = arith.addi %add3A_4, %add3A_134 : i32
    %dma_wait3A_136 = arith.constant 0 : i32
    %dma_wait3A_137 = tpu.memref_slice %arg3[%add3A_135, %dma_wait3A_136] : memref<160000x256xf32, #tpu.memory_space<hbm>> -> memref<40x256xf32, #tpu.memory_space<hbm>>
    %dma_wait3A_138 = arith.constant 0 : i32
    %dma_wait3A_139 = tpu.memref_slice %arg3[%add3A_135, %dma_wait3A_138] : memref<160000x256xf32, #tpu.memory_space<hbm>> -> memref<40x256xf32, #tpu.memory_space<hbm>>
    tpu.wait_dma2 semaphore(%arg15 : memref<!tpu.dma_semaphore, #tpu.memory_space<semaphore_mem>>) src(%dma_wait3A_139 : memref<40x256xf32, #tpu.memory_space<hbm>>) dst(%arg9 : memref<40x256xf32, #tpu.memory_space<vmem>>)
    %scan3A_140 = arith.constant 0 : i32
    %scan3A_141 = arith.constant 8 : i32
    %scan3A_142 = arith.addi %scan3A_140, %scan3A_141 : i32
    %scan3A_143 = arith.constant 1 : i32
    %scan3A_144:8 = scf.for %scan3A_559 = %scan3A_140 to %scan3A_142 step %scan3A_143 iter_args(%scan3A_560 = %broadcast_in_dim3A_5, %scan3A_561 = %broadcast_in_dim3A_5, %scan3A_562 = %broadcast_in_dim3A_5, %scan3A_563 = %broadcast_in_dim3A_5, %scan3A_564 = %broadcast_in_dim3A_5, %scan3A_565 = %broadcast_in_dim3A_5, %scan3A_566 = %broadcast_in_dim3A_5, %scan3A_567 = %broadcast_in_dim3A_5) -> (vector<16xf32>, vector<16xf32>, vector<16xf32>, vector<16xf32>, vector<16xf32>, vector<16xf32>, vector<16xf32>, vector<16xf32>)  : i32 {
      %mul3A_568 = arith.constant 5 : i32
      %mul3A_569 = arith.muli %scan3A_559, %mul3A_568 : i32
      %add3A_570 = arith.constant 0 : i32
      %add3A_571 = arith.addi %mul3A_569, %add3A_570 : i32
      %get3A_572 = arith.index_cast %add3A_571 : i32 to index
      %get3A_573 = arith.constant 0 : index
      %get3A_574 = tpu.vector_load %arg7[%get3A_572, %get3A_573] {strides = array<i32>} : memref<40x128xf32, #tpu.memory_space<vmem>>, vector<1x16xf32>,
      %get3A_575 = vector.shape_cast %get3A_574 : vector<1x16xf32> to vector<16xf32>
      %add3A_576 = arith.addf %scan3A_560, %get3A_575 : vector<16xf32>
      %get3A_577 = arith.index_cast %add3A_571 : i32 to index
      %get3A_578 = arith.constant 16 : index
      %get3A_579 = tpu.vector_load %arg7[%get3A_577, %get3A_578] {strides = array<i32>} : memref<40x128xf32, #tpu.memory_space<vmem>>, vector<1x16xf32>,
      %get3A_580 = vector.shape_cast %get3A_579 : vector<1x16xf32> to vector<16xf32>
      %add3A_581 = arith.addf %scan3A_561, %get3A_580 : vector<16xf32>
      %get3A_582 = arith.index_cast %add3A_571 : i32 to index
      %get3A_583 = arith.constant 32 : index
      %get3A_584 = tpu.vector_load %arg7[%get3A_582, %get3A_583] {strides = array<i32>} : memref<40x128xf32, #tpu.memory_space<vmem>>, vector<1x16xf32>,
      %get3A_585 = vector.shape_cast %get3A_584 : vector<1x16xf32> to vector<16xf32>
      %add3A_586 = arith.addf %scan3A_562, %get3A_585 : vector<16xf32>
      %get3A_587 = arith.index_cast %add3A_571 : i32 to index
      %get3A_588 = arith.constant 48 : index
      %get3A_589 = tpu.vector_load %arg7[%get3A_587, %get3A_588] {strides = array<i32>} : memref<40x128xf32, #tpu.memory_space<vmem>>, vector<1x16xf32>,
      %get3A_590 = vector.shape_cast %get3A_589 : vector<1x16xf32> to vector<16xf32>
      %add3A_591 = arith.addf %scan3A_563, %get3A_590 : vector<16xf32>
      %get3A_592 = arith.index_cast %add3A_571 : i32 to index
      %get3A_593 = arith.constant 64 : index
      %get3A_594 = tpu.vector_load %arg7[%get3A_592, %get3A_593] {strides = array<i32>} : memref<40x128xf32, #tpu.memory_space<vmem>>, vector<1x16xf32>,
      %get3A_595 = vector.shape_cast %get3A_594 : vector<1x16xf32> to vector<16xf32>
      %add3A_596 = arith.addf %scan3A_564, %get3A_595 : vector<16xf32>
      %get3A_597 = arith.index_cast %add3A_571 : i32 to index
      %get3A_598 = arith.constant 80 : index
      %get3A_599 = tpu.vector_load %arg7[%get3A_597, %get3A_598] {strides = array<i32>} : memref<40x128xf32, #tpu.memory_space<vmem>>, vector<1x16xf32>,
      %get3A_600 = vector.shape_cast %get3A_599 : vector<1x16xf32> to vector<16xf32>
      %add3A_601 = arith.addf %scan3A_565, %get3A_600 : vector<16xf32>
      %get3A_602 = arith.index_cast %add3A_571 : i32 to index
      %get3A_603 = arith.constant 96 : index
      %get3A_604 = tpu.vector_load %arg7[%get3A_602, %get3A_603] {strides = array<i32>} : memref<40x128xf32, #tpu.memory_space<vmem>>, vector<1x16xf32>,
      %get3A_605 = vector.shape_cast %get3A_604 : vector<1x16xf32> to vector<16xf32>
      %add3A_606 = arith.addf %scan3A_566, %get3A_605 : vector<16xf32>
      %get3A_607 = arith.index_cast %add3A_571 : i32 to index
      %get3A_608 = arith.constant 112 : index
      %get3A_609 = tpu.vector_load %arg7[%get3A_607, %get3A_608] {strides = array<i32>} : memref<40x128xf32, #tpu.memory_space<vmem>>, vector<1x16xf32>,
      %get3A_610 = vector.shape_cast %get3A_609 : vector<1x16xf32> to vector<16xf32>
      %add3A_611 = arith.addf %scan3A_567, %get3A_610 : vector<16xf32>
      %mul3A_612 = arith.constant 5 : i32
      %mul3A_613 = arith.muli %scan3A_559, %mul3A_612 : i32
      %add3A_614 = arith.constant 1 : i32
      %add3A_615 = arith.addi %mul3A_613, %add3A_614 : i32
      %get3A_616 = arith.index_cast %add3A_615 : i32 to index
      %get3A_617 = arith.constant 0 : index
      %get3A_618 = tpu.vector_load %arg7[%get3A_616, %get3A_617] {strides = array<i32>} : memref<40x128xf32, #tpu.memory_space<vmem>>, vector<1x16xf32>,
      %get3A_619 = vector.shape_cast %get3A_618 : vector<1x16xf32> to vector<16xf32>
      %add3A_620 = arith.addf %add3A_576, %get3A_619 : vector<16xf32>
      %get3A_621 = arith.index_cast %add3A_615 : i32 to index
      %get3A_622 = arith.constant 16 : index
      %get3A_623 = tpu.vector_load %arg7[%get3A_621, %get3A_622] {strides = array<i32>} : memref<40x128xf32, #tpu.memory_space<vmem>>, vector<1x16xf32>,
      %get3A_624 = vector.shape_cast %get3A_623 : vector<1x16xf32> to vector<16xf32>
      %add3A_625 = arith.addf %add3A_581, %get3A_624 : vector<16xf32>
      %get3A_626 = arith.index_cast %add3A_615 : i32 to index
      %get3A_627 = arith.constant 32 : index
      %get3A_628 = tpu.vector_load %arg7[%get3A_626, %get3A_627] {strides = array<i32>} : memref<40x128xf32, #tpu.memory_space<vmem>>, vector<1x16xf32>,
      %get3A_629 = vector.shape_cast %get3A_628 : vector<1x16xf32> to vector<16xf32>
      %add3A_630 = arith.addf %add3A_586, %get3A_629 : vector<16xf32>
      %get3A_631 = arith.index_cast %add3A_615 : i32 to index
      %get3A_632 = arith.constant 48 : index
      %get3A_633 = tpu.vector_load %arg7[%get3A_631, %get3A_632] {strides = array<i32>} : memref<40x128xf32, #tpu.memory_space<vmem>>, vector<1x16xf32>,
      %get3A_634 = vector.shape_cast %get3A_633 : vector<1x16xf32> to vector<16xf32>
      %add3A_635 = arith.addf %add3A_591, %get3A_634 : vector<16xf32>
      %get3A_636 = arith.index_cast %add3A_615 : i32 to index
      %get3A_637 = arith.constant 64 : index
      %get3A_638 = tpu.vector_load %arg7[%get3A_636, %get3A_637] {strides = array<i32>} : memref<40x128xf32, #tpu.memory_space<vmem>>, vector<1x16xf32>,
      %get3A_639 = vector.shape_cast %get3A_638 : vector<1x16xf32> to vector<16xf32>
      %add3A_640 = arith.addf %add3A_596, %get3A_639 : vector<16xf32>
      %get3A_641 = arith.index_cast %add3A_615 : i32 to index
      %get3A_642 = arith.constant 80 : index
      %get3A_643 = tpu.vector_load %arg7[%get3A_641, %get3A_642] {strides = array<i32>} : memref<40x128xf32, #tpu.memory_space<vmem>>, vector<1x16xf32>,
      %get3A_644 = vector.shape_cast %get3A_643 : vector<1x16xf32> to vector<16xf32>
      %add3A_645 = arith.addf %add3A_601, %get3A_644 : vector<16xf32>
      %get3A_646 = arith.index_cast %add3A_615 : i32 to index
      %get3A_647 = arith.constant 96 : index
      %get3A_648 = tpu.vector_load %arg7[%get3A_646, %get3A_647] {strides = array<i32>} : memref<40x128xf32, #tpu.memory_space<vmem>>, vector<1x16xf32>,
      %get3A_649 = vector.shape_cast %get3A_648 : vector<1x16xf32> to vector<16xf32>
      %add3A_650 = arith.addf %add3A_606, %get3A_649 : vector<16xf32>
      %get3A_651 = arith.index_cast %add3A_615 : i32 to index
      %get3A_652 = arith.constant 112 : index
      %get3A_653 = tpu.vector_load %arg7[%get3A_651, %get3A_652] {strides = array<i32>} : memref<40x128xf32, #tpu.memory_space<vmem>>, vector<1x16xf32>,
      %get3A_654 = vector.shape_cast %get3A_653 : vector<1x16xf32> to vector<16xf32>
      %add3A_655 = arith.addf %add3A_611, %get3A_654 : vector<16xf32>
      %mul3A_656 = arith.constant 5 : i32
      %mul3A_657 = arith.muli %scan3A_559, %mul3A_656 : i32
      %add3A_658 = arith.constant 2 : i32
      %add3A_659 = arith.addi %mul3A_657, %add3A_658 : i32
      %get3A_660 = arith.index_cast %add3A_659 : i32 to index
      %get3A_661 = arith.constant 0 : index
      %get3A_662 = tpu.vector_load %arg7[%get3A_660, %get3A_661] {strides = array<i32>} : memref<40x128xf32, #tpu.memory_space<vmem>>, vector<1x16xf32>,
      %get3A_663 = vector.shape_cast %get3A_662 : vector<1x16xf32> to vector<16xf32>
      %add3A_664 = arith.addf %add3A_620, %get3A_663 : vector<16xf32>
      %get3A_665 = arith.index_cast %add3A_659 : i32 to index
      %get3A_666 = arith.constant 16 : index
      %get3A_667 = tpu.vector_load %arg7[%get3A_665, %get3A_666] {strides = array<i32>} : memref<40x128xf32, #tpu.memory_space<vmem>>, vector<1x16xf32>,
      %get3A_668 = vector.shape_cast %get3A_667 : vector<1x16xf32> to vector<16xf32>
      %add3A_669 = arith.addf %add3A_625, %get3A_668 : vector<16xf32>
      %get3A_670 = arith.index_cast %add3A_659 : i32 to index
      %get3A_671 = arith.constant 32 : index
      %get3A_672 = tpu.vector_load %arg7[%get3A_670, %get3A_671] {strides = array<i32>} : memref<40x128xf32, #tpu.memory_space<vmem>>, vector<1x16xf32>,
      %get3A_673 = vector.shape_cast %get3A_672 : vector<1x16xf32> to vector<16xf32>
      %add3A_674 = arith.addf %add3A_630, %get3A_673 : vector<16xf32>
      %get3A_675 = arith.index_cast %add3A_659 : i32 to index
      %get3A_676 = arith.constant 48 : index
      %get3A_677 = tpu.vector_load %arg7[%get3A_675, %get3A_676] {strides = array<i32>} : memref<40x128xf32, #tpu.memory_space<vmem>>, vector<1x16xf32>,
      %get3A_678 = vector.shape_cast %get3A_677 : vector<1x16xf32> to vector<16xf32>
      %add3A_679 = arith.addf %add3A_635, %get3A_678 : vector<16xf32>
      %get3A_680 = arith.index_cast %add3A_659 : i32 to index
      %get3A_681 = arith.constant 64 : index
      %get3A_682 = tpu.vector_load %arg7[%get3A_680, %get3A_681] {strides = array<i32>} : memref<40x128xf32, #tpu.memory_space<vmem>>, vector<1x16xf32>,
      %get3A_683 = vector.shape_cast %get3A_682 : vector<1x16xf32> to vector<16xf32>
      %add3A_684 = arith.addf %add3A_640, %get3A_683 : vector<16xf32>
      %get3A_685 = arith.index_cast %add3A_659 : i32 to index
      %get3A_686 = arith.constant 80 : index
      %get3A_687 = tpu.vector_load %arg7[%get3A_685, %get3A_686] {strides = array<i32>} : memref<40x128xf32, #tpu.memory_space<vmem>>, vector<1x16xf32>,
      %get3A_688 = vector.shape_cast %get3A_687 : vector<1x16xf32> to vector<16xf32>
      %add3A_689 = arith.addf %add3A_645, %get3A_688 : vector<16xf32>
      %get3A_690 = arith.index_cast %add3A_659 : i32 to index
      %get3A_691 = arith.constant 96 : index
      %get3A_692 = tpu.vector_load %arg7[%get3A_690, %get3A_691] {strides = array<i32>} : memref<40x128xf32, #tpu.memory_space<vmem>>, vector<1x16xf32>,
      %get3A_693 = vector.shape_cast %get3A_692 : vector<1x16xf32> to vector<16xf32>
      %add3A_694 = arith.addf %add3A_650, %get3A_693 : vector<16xf32>
      %get3A_695 = arith.index_cast %add3A_659 : i32 to index
      %get3A_696 = arith.constant 112 : index
      %get3A_697 = tpu.vector_load %arg7[%get3A_695, %get3A_696] {strides = array<i32>} : memref<40x128xf32, #tpu.memory_space<vmem>>, vector<1x16xf32>,
      %get3A_698 = vector.shape_cast %get3A_697 : vector<1x16xf32> to vector<16xf32>
      %add3A_699 = arith.addf %add3A_655, %get3A_698 : vector<16xf32>
      %mul3A_700 = arith.constant 5 : i32
      %mul3A_701 = arith.muli %scan3A_559, %mul3A_700 : i32
      %add3A_702 = arith.constant 3 : i32
      %add3A_703 = arith.addi %mul3A_701, %add3A_702 : i32
      %get3A_704 = arith.index_cast %add3A_703 : i32 to index
      %get3A_705 = arith.constant 0 : index
      %get3A_706 = tpu.vector_load %arg7[%get3A_704, %get3A_705] {strides = array<i32>} : memref<40x128xf32, #tpu.memory_space<vmem>>, vector<1x16xf32>,
      %get3A_707 = vector.shape_cast %get3A_706 : vector<1x16xf32> to vector<16xf32>
      %add3A_708 = arith.addf %add3A_664, %get3A_707 : vector<16xf32>
      %get3A_709 = arith.index_cast %add3A_703 : i32 to index
      %get3A_710 = arith.constant 16 : index
      %get3A_711 = tpu.vector_load %arg7[%get3A_709, %get3A_710] {strides = array<i32>} : memref<40x128xf32, #tpu.memory_space<vmem>>, vector<1x16xf32>,
      %get3A_712 = vector.shape_cast %get3A_711 : vector<1x16xf32> to vector<16xf32>
      %add3A_713 = arith.addf %add3A_669, %get3A_712 : vector<16xf32>
      %get3A_714 = arith.index_cast %add3A_703 : i32 to index
      %get3A_715 = arith.constant 32 : index
      %get3A_716 = tpu.vector_load %arg7[%get3A_714, %get3A_715] {strides = array<i32>} : memref<40x128xf32, #tpu.memory_space<vmem>>, vector<1x16xf32>,
      %get3A_717 = vector.shape_cast %get3A_716 : vector<1x16xf32> to vector<16xf32>
      %add3A_718 = arith.addf %add3A_674, %get3A_717 : vector<16xf32>
      %get3A_719 = arith.index_cast %add3A_703 : i32 to index
      %get3A_720 = arith.constant 48 : index
      %get3A_721 = tpu.vector_load %arg7[%get3A_719, %get3A_720] {strides = array<i32>} : memref<40x128xf32, #tpu.memory_space<vmem>>, vector<1x16xf32>,
      %get3A_722 = vector.shape_cast %get3A_721 : vector<1x16xf32> to vector<16xf32>
      %add3A_723 = arith.addf %add3A_679, %get3A_722 : vector<16xf32>
      %get3A_724 = arith.index_cast %add3A_703 : i32 to index
      %get3A_725 = arith.constant 64 : index
      %get3A_726 = tpu.vector_load %arg7[%get3A_724, %get3A_725] {strides = array<i32>} : memref<40x128xf32, #tpu.memory_space<vmem>>, vector<1x16xf32>,
      %get3A_727 = vector.shape_cast %get3A_726 : vector<1x16xf32> to vector<16xf32>
      %add3A_728 = arith.addf %add3A_684, %get3A_727 : vector<16xf32>
      %get3A_729 = arith.index_cast %add3A_703 : i32 to index
      %get3A_730 = arith.constant 80 : index
      %get3A_731 = tpu.vector_load %arg7[%get3A_729, %get3A_730] {strides = array<i32>} : memref<40x128xf32, #tpu.memory_space<vmem>>, vector<1x16xf32>,
      %get3A_732 = vector.shape_cast %get3A_731 : vector<1x16xf32> to vector<16xf32>
      %add3A_733 = arith.addf %add3A_689, %get3A_732 : vector<16xf32>
      %get3A_734 = arith.index_cast %add3A_703 : i32 to index
      %get3A_735 = arith.constant 96 : index
      %get3A_736 = tpu.vector_load %arg7[%get3A_734, %get3A_735] {strides = array<i32>} : memref<40x128xf32, #tpu.memory_space<vmem>>, vector<1x16xf32>,
      %get3A_737 = vector.shape_cast %get3A_736 : vector<1x16xf32> to vector<16xf32>
      %add3A_738 = arith.addf %add3A_694, %get3A_737 : vector<16xf32>
      %get3A_739 = arith.index_cast %add3A_703 : i32 to index
      %get3A_740 = arith.constant 112 : index
      %get3A_741 = tpu.vector_load %arg7[%get3A_739, %get3A_740] {strides = array<i32>} : memref<40x128xf32, #tpu.memory_space<vmem>>, vector<1x16xf32>,
      %get3A_742 = vector.shape_cast %get3A_741 : vector<1x16xf32> to vector<16xf32>
      %add3A_743 = arith.addf %add3A_699, %get3A_742 : vector<16xf32>
      %mul3A_744 = arith.constant 5 : i32
      %mul3A_745 = arith.muli %scan3A_559, %mul3A_744 : i32
      %add3A_746 = arith.constant 4 : i32
      %add3A_747 = arith.addi %mul3A_745, %add3A_746 : i32
      %get3A_748 = arith.index_cast %add3A_747 : i32 to index
      %get3A_749 = arith.constant 0 : index
      %get3A_750 = tpu.vector_load %arg7[%get3A_748, %get3A_749] {strides = array<i32>} : memref<40x128xf32, #tpu.memory_space<vmem>>, vector<1x16xf32>,
      %get3A_751 = vector.shape_cast %get3A_750 : vector<1x16xf32> to vector<16xf32>
      %add3A_752 = arith.addf %add3A_708, %get3A_751 : vector<16xf32>
      %get3A_753 = arith.index_cast %add3A_747 : i32 to index
      %get3A_754 = arith.constant 16 : index
      %get3A_755 = tpu.vector_load %arg7[%get3A_753, %get3A_754] {strides = array<i32>} : memref<40x128xf32, #tpu.memory_space<vmem>>, vector<1x16xf32>,
      %get3A_756 = vector.shape_cast %get3A_755 : vector<1x16xf32> to vector<16xf32>
      %add3A_757 = arith.addf %add3A_713, %get3A_756 : vector<16xf32>
      %get3A_758 = arith.index_cast %add3A_747 : i32 to index
      %get3A_759 = arith.constant 32 : index
      %get3A_760 = tpu.vector_load %arg7[%get3A_758, %get3A_759] {strides = array<i32>} : memref<40x128xf32, #tpu.memory_space<vmem>>, vector<1x16xf32>,
      %get3A_761 = vector.shape_cast %get3A_760 : vector<1x16xf32> to vector<16xf32>
      %add3A_762 = arith.addf %add3A_718, %get3A_761 : vector<16xf32>
      %get3A_763 = arith.index_cast %add3A_747 : i32 to index
      %get3A_764 = arith.constant 48 : index
      %get3A_765 = tpu.vector_load %arg7[%get3A_763, %get3A_764] {strides = array<i32>} : memref<40x128xf32, #tpu.memory_space<vmem>>, vector<1x16xf32>,
      %get3A_766 = vector.shape_cast %get3A_765 : vector<1x16xf32> to vector<16xf32>
      %add3A_767 = arith.addf %add3A_723, %get3A_766 : vector<16xf32>
      %get3A_768 = arith.index_cast %add3A_747 : i32 to index
      %get3A_769 = arith.constant 64 : index
      %get3A_770 = tpu.vector_load %arg7[%get3A_768, %get3A_769] {strides = array<i32>} : memref<40x128xf32, #tpu.memory_space<vmem>>, vector<1x16xf32>,
      %get3A_771 = vector.shape_cast %get3A_770 : vector<1x16xf32> to vector<16xf32>
      %add3A_772 = arith.addf %add3A_728, %get3A_771 : vector<16xf32>
      %get3A_773 = arith.index_cast %add3A_747 : i32 to index
      %get3A_774 = arith.constant 80 : index
      %get3A_775 = tpu.vector_load %arg7[%get3A_773, %get3A_774] {strides = array<i32>} : memref<40x128xf32, #tpu.memory_space<vmem>>, vector<1x16xf32>,
      %get3A_776 = vector.shape_cast %get3A_775 : vector<1x16xf32> to vector<16xf32>
      %add3A_777 = arith.addf %add3A_733, %get3A_776 : vector<16xf32>
      %get3A_778 = arith.index_cast %add3A_747 : i32 to index
      %get3A_779 = arith.constant 96 : index
      %get3A_780 = tpu.vector_load %arg7[%get3A_778, %get3A_779] {strides = array<i32>} : memref<40x128xf32, #tpu.memory_space<vmem>>, vector<1x16xf32>,
      %get3A_781 = vector.shape_cast %get3A_780 : vector<1x16xf32> to vector<16xf32>
      %add3A_782 = arith.addf %add3A_738, %get3A_781 : vector<16xf32>
      %get3A_783 = arith.index_cast %add3A_747 : i32 to index
      %get3A_784 = arith.constant 112 : index
      %get3A_785 = tpu.vector_load %arg7[%get3A_783, %get3A_784] {strides = array<i32>} : memref<40x128xf32, #tpu.memory_space<vmem>>, vector<1x16xf32>,
      %get3A_786 = vector.shape_cast %get3A_785 : vector<1x16xf32> to vector<16xf32>
      %add3A_787 = arith.addf %add3A_743, %get3A_786 : vector<16xf32>
      scf.yield %add3A_752, %add3A_757, %add3A_762, %add3A_767, %add3A_772, %add3A_777, %add3A_782, %add3A_787 : vector<16xf32>, vector<16xf32>, vector<16xf32>, vector<16xf32>, vector<16xf32>, vector<16xf32>, vector<16xf32>, vector<16xf32>
    }
    %scan3A_145 = arith.constant 8 : i32
    %scan3A_146 = arith.constant 0 : i32
    %scan3A_147 = arith.constant 8 : i32
    %scan3A_148 = arith.addi %scan3A_146, %scan3A_147 : i32
    %scan3A_149 = arith.constant 1 : i32
    %scan3A_150:16 = scf.for %scan3A_559 = %scan3A_146 to %scan3A_148 step %scan3A_149 iter_args(%scan3A_560 = %broadcast_in_dim3A_5, %scan3A_561 = %broadcast_in_dim3A_5, %scan3A_562 = %broadcast_in_dim3A_5, %scan3A_563 = %broadcast_in_dim3A_5, %scan3A_564 = %broadcast_in_dim3A_5, %scan3A_565 = %broadcast_in_dim3A_5, %scan3A_566 = %broadcast_in_dim3A_5, %scan3A_567 = %broadcast_in_dim3A_5, %scan3A_568 = %broadcast_in_dim3A_5, %scan3A_569 = %broadcast_in_dim3A_5, %scan3A_570 = %broadcast_in_dim3A_5, %scan3A_571 = %broadcast_in_dim3A_5, %scan3A_572 = %broadcast_in_dim3A_5, %scan3A_573 = %broadcast_in_dim3A_5, %scan3A_574 = %broadcast_in_dim3A_5, %scan3A_575 = %broadcast_in_dim3A_5) -> (vector<16xf32>, vector<16xf32>, vector<16xf32>, vector<16xf32>, vector<16xf32>, vector<16xf32>, vector<16xf32>, vector<16xf32>, vector<16xf32>, vector<16xf32>, vector<16xf32>, vector<16xf32>, vector<16xf32>, vector<16xf32>, vector<16xf32>, vector<16xf32>)  : i32 {
      %mul3A_576 = arith.constant 5 : i32
      %mul3A_577 = arith.muli %scan3A_559, %mul3A_576 : i32
      %add3A_578 = arith.constant 0 : i32
      %add3A_579 = arith.addi %mul3A_577, %add3A_578 : i32
      %get3A_580 = arith.index_cast %add3A_579 : i32 to index
      %get3A_581 = arith.constant 0 : index
      %get3A_582 = tpu.vector_load %arg9[%get3A_580, %get3A_581] {strides = array<i32>} : memref<40x256xf32, #tpu.memory_space<vmem>>, vector<1x16xf32>,
      %get3A_583 = vector.shape_cast %get3A_582 : vector<1x16xf32> to vector<16xf32>
      %add3A_584 = arith.addf %scan3A_560, %get3A_583 : vector<16xf32>
      %get3A_585 = arith.index_cast %add3A_579 : i32 to index
      %get3A_586 = arith.constant 16 : index
      %get3A_587 = tpu.vector_load %arg9[%get3A_585, %get3A_586] {strides = array<i32>} : memref<40x256xf32, #tpu.memory_space<vmem>>, vector<1x16xf32>,
      %get3A_588 = vector.shape_cast %get3A_587 : vector<1x16xf32> to vector<16xf32>
      %add3A_589 = arith.addf %scan3A_561, %get3A_588 : vector<16xf32>
      %get3A_590 = arith.index_cast %add3A_579 : i32 to index
      %get3A_591 = arith.constant 32 : index
      %get3A_592 = tpu.vector_load %arg9[%get3A_590, %get3A_591] {strides = array<i32>} : memref<40x256xf32, #tpu.memory_space<vmem>>, vector<1x16xf32>,
      %get3A_593 = vector.shape_cast %get3A_592 : vector<1x16xf32> to vector<16xf32>
      %add3A_594 = arith.addf %scan3A_562, %get3A_593 : vector<16xf32>
      %get3A_595 = arith.index_cast %add3A_579 : i32 to index
      %get3A_596 = arith.constant 48 : index
      %get3A_597 = tpu.vector_load %arg9[%get3A_595, %get3A_596] {strides = array<i32>} : memref<40x256xf32, #tpu.memory_space<vmem>>, vector<1x16xf32>,
      %get3A_598 = vector.shape_cast %get3A_597 : vector<1x16xf32> to vector<16xf32>
      %add3A_599 = arith.addf %scan3A_563, %get3A_598 : vector<16xf32>
      %get3A_600 = arith.index_cast %add3A_579 : i32 to index
      %get3A_601 = arith.constant 64 : index
      %get3A_602 = tpu.vector_load %arg9[%get3A_600, %get3A_601] {strides = array<i32>} : memref<40x256xf32, #tpu.memory_space<vmem>>, vector<1x16xf32>,
      %get3A_603 = vector.shape_cast %get3A_602 : vector<1x16xf32> to vector<16xf32>
      %add3A_604 = arith.addf %scan3A_564, %get3A_603 : vector<16xf32>
      %get3A_605 = arith.index_cast %add3A_579 : i32 to index
      %get3A_606 = arith.constant 80 : index
      %get3A_607 = tpu.vector_load %arg9[%get3A_605, %get3A_606] {strides = array<i32>} : memref<40x256xf32, #tpu.memory_space<vmem>>, vector<1x16xf32>,
      %get3A_608 = vector.shape_cast %get3A_607 : vector<1x16xf32> to vector<16xf32>
      %add3A_609 = arith.addf %scan3A_565, %get3A_608 : vector<16xf32>
      %get3A_610 = arith.index_cast %add3A_579 : i32 to index
      %get3A_611 = arith.constant 96 : index
      %get3A_612 = tpu.vector_load %arg9[%get3A_610, %get3A_611] {strides = array<i32>} : memref<40x256xf32, #tpu.memory_space<vmem>>, vector<1x16xf32>,
      %get3A_613 = vector.shape_cast %get3A_612 : vector<1x16xf32> to vector<16xf32>
      %add3A_614 = arith.addf %scan3A_566, %get3A_613 : vector<16xf32>
      %get3A_615 = arith.index_cast %add3A_579 : i32 to index
      %get3A_616 = arith.constant 112 : index
      %get3A_617 = tpu.vector_load %arg9[%get3A_615, %get3A_616] {strides = array<i32>} : memref<40x256xf32, #tpu.memory_space<vmem>>, vector<1x16xf32>,
      %get3A_618 = vector.shape_cast %get3A_617 : vector<1x16xf32> to vector<16xf32>
      %add3A_619 = arith.addf %scan3A_567, %get3A_618 : vector<16xf32>
      %get3A_620 = arith.index_cast %add3A_579 : i32 to index
      %get3A_621 = arith.constant 128 : index
      %get3A_622 = tpu.vector_load %arg9[%get3A_620, %get3A_621] {strides = array<i32>} : memref<40x256xf32, #tpu.memory_space<vmem>>, vector<1x16xf32>,
      %get3A_623 = vector.shape_cast %get3A_622 : vector<1x16xf32> to vector<16xf32>
      %add3A_624 = arith.addf %scan3A_568, %get3A_623 : vector<16xf32>
      %get3A_625 = arith.index_cast %add3A_579 : i32 to index
      %get3A_626 = arith.constant 144 : index
      %get3A_627 = tpu.vector_load %arg9[%get3A_625, %get3A_626] {strides = array<i32>} : memref<40x256xf32, #tpu.memory_space<vmem>>, vector<1x16xf32>,
      %get3A_628 = vector.shape_cast %get3A_627 : vector<1x16xf32> to vector<16xf32>
      %add3A_629 = arith.addf %scan3A_569, %get3A_628 : vector<16xf32>
      %get3A_630 = arith.index_cast %add3A_579 : i32 to index
      %get3A_631 = arith.constant 160 : index
      %get3A_632 = tpu.vector_load %arg9[%get3A_630, %get3A_631] {strides = array<i32>} : memref<40x256xf32, #tpu.memory_space<vmem>>, vector<1x16xf32>,
      %get3A_633 = vector.shape_cast %get3A_632 : vector<1x16xf32> to vector<16xf32>
      %add3A_634 = arith.addf %scan3A_570, %get3A_633 : vector<16xf32>
      %get3A_635 = arith.index_cast %add3A_579 : i32 to index
      %get3A_636 = arith.constant 176 : index
      %get3A_637 = tpu.vector_load %arg9[%get3A_635, %get3A_636] {strides = array<i32>} : memref<40x256xf32, #tpu.memory_space<vmem>>, vector<1x16xf32>,
      %get3A_638 = vector.shape_cast %get3A_637 : vector<1x16xf32> to vector<16xf32>
      %add3A_639 = arith.addf %scan3A_571, %get3A_638 : vector<16xf32>
      %get3A_640 = arith.index_cast %add3A_579 : i32 to index
      %get3A_641 = arith.constant 192 : index
      %get3A_642 = tpu.vector_load %arg9[%get3A_640, %get3A_641] {strides = array<i32>} : memref<40x256xf32, #tpu.memory_space<vmem>>, vector<1x16xf32>,
      %get3A_643 = vector.shape_cast %get3A_642 : vector<1x16xf32> to vector<16xf32>
      %add3A_644 = arith.addf %scan3A_572, %get3A_643 : vector<16xf32>
      %get3A_645 = arith.index_cast %add3A_579 : i32 to index
      %get3A_646 = arith.constant 208 : index
      %get3A_647 = tpu.vector_load %arg9[%get3A_645, %get3A_646] {strides = array<i32>} : memref<40x256xf32, #tpu.memory_space<vmem>>, vector<1x16xf32>,
      %get3A_648 = vector.shape_cast %get3A_647 : vector<1x16xf32> to vector<16xf32>
      %add3A_649 = arith.addf %scan3A_573, %get3A_648 : vector<16xf32>
      %get3A_650 = arith.index_cast %add3A_579 : i32 to index
      %get3A_651 = arith.constant 224 : index
      %get3A_652 = tpu.vector_load %arg9[%get3A_650, %get3A_651] {strides = array<i32>} : memref<40x256xf32, #tpu.memory_space<vmem>>, vector<1x16xf32>,
      %get3A_653 = vector.shape_cast %get3A_652 : vector<1x16xf32> to vector<16xf32>
      %add3A_654 = arith.addf %scan3A_574, %get3A_653 : vector<16xf32>
      %get3A_655 = arith.index_cast %add3A_579 : i32 to index
      %get3A_656 = arith.constant 240 : index
      %get3A_657 = tpu.vector_load %arg9[%get3A_655, %get3A_656] {strides = array<i32>} : memref<40x256xf32, #tpu.memory_space<vmem>>, vector<1x16xf32>,
      %get3A_658 = vector.shape_cast %get3A_657 : vector<1x16xf32> to vector<16xf32>
      %add3A_659 = arith.addf %scan3A_575, %get3A_658 : vector<16xf32>
      %mul3A_660 = arith.constant 5 : i32
      %mul3A_661 = arith.muli %scan3A_559, %mul3A_660 : i32
      %add3A_662 = arith.constant 1 : i32
      %add3A_663 = arith.addi %mul3A_661, %add3A_662 : i32
      %get3A_664 = arith.index_cast %add3A_663 : i32 to index
      %get3A_665 = arith.constant 0 : index
      %get3A_666 = tpu.vector_load %arg9[%get3A_664, %get3A_665] {strides = array<i32>} : memref<40x256xf32, #tpu.memory_space<vmem>>, vector<1x16xf32>,
      %get3A_667 = vector.shape_cast %get3A_666 : vector<1x16xf32> to vector<16xf32>
      %add3A_668 = arith.addf %add3A_584, %get3A_667 : vector<16xf32>
      %get3A_669 = arith.index_cast %add3A_663 : i32 to index
      %get3A_670 = arith.constant 16 : index
      %get3A_671 = tpu.vector_load %arg9[%get3A_669, %get3A_670] {strides = array<i32>} : memref<40x256xf32, #tpu.memory_space<vmem>>, vector<1x16xf32>,
      %get3A_672 = vector.shape_cast %get3A_671 : vector<1x16xf32> to vector<16xf32>
      %add3A_673 = arith.addf %add3A_589, %get3A_672 : vector<16xf32>
      %get3A_674 = arith.index_cast %add3A_663 : i32 to index
      %get3A_675 = arith.constant 32 : index
      %get3A_676 = tpu.vector_load %arg9[%get3A_674, %get3A_675] {strides = array<i32>} : memref<40x256xf32, #tpu.memory_space<vmem>>, vector<1x16xf32>,
      %get3A_677 = vector.shape_cast %get3A_676 : vector<1x16xf32> to vector<16xf32>
      %add3A_678 = arith.addf %add3A_594, %get3A_677 : vector<16xf32>
      %get3A_679 = arith.index_cast %add3A_663 : i32 to index
      %get3A_680 = arith.constant 48 : index
      %get3A_681 = tpu.vector_load %arg9[%get3A_679, %get3A_680] {strides = array<i32>} : memref<40x256xf32, #tpu.memory_space<vmem>>, vector<1x16xf32>,
      %get3A_682 = vector.shape_cast %get3A_681 : vector<1x16xf32> to vector<16xf32>
      %add3A_683 = arith.addf %add3A_599, %get3A_682 : vector<16xf32>
      %get3A_684 = arith.index_cast %add3A_663 : i32 to index
      %get3A_685 = arith.constant 64 : index
      %get3A_686 = tpu.vector_load %arg9[%get3A_684, %get3A_685] {strides = array<i32>} : memref<40x256xf32, #tpu.memory_space<vmem>>, vector<1x16xf32>,
      %get3A_687 = vector.shape_cast %get3A_686 : vector<1x16xf32> to vector<16xf32>
      %add3A_688 = arith.addf %add3A_604, %get3A_687 : vector<16xf32>
      %get3A_689 = arith.index_cast %add3A_663 : i32 to index
      %get3A_690 = arith.constant 80 : index
      %get3A_691 = tpu.vector_load %arg9[%get3A_689, %get3A_690] {strides = array<i32>} : memref<40x256xf32, #tpu.memory_space<vmem>>, vector<1x16xf32>,
      %get3A_692 = vector.shape_cast %get3A_691 : vector<1x16xf32> to vector<16xf32>
      %add3A_693 = arith.addf %add3A_609, %get3A_692 : vector<16xf32>
      %get3A_694 = arith.index_cast %add3A_663 : i32 to index
      %get3A_695 = arith.constant 96 : index
      %get3A_696 = tpu.vector_load %arg9[%get3A_694, %get3A_695] {strides = array<i32>} : memref<40x256xf32, #tpu.memory_space<vmem>>, vector<1x16xf32>,
      %get3A_697 = vector.shape_cast %get3A_696 : vector<1x16xf32> to vector<16xf32>
      %add3A_698 = arith.addf %add3A_614, %get3A_697 : vector<16xf32>
      %get3A_699 = arith.index_cast %add3A_663 : i32 to index
      %get3A_700 = arith.constant 112 : index
      %get3A_701 = tpu.vector_load %arg9[%get3A_699, %get3A_700] {strides = array<i32>} : memref<40x256xf32, #tpu.memory_space<vmem>>, vector<1x16xf32>,
      %get3A_702 = vector.shape_cast %get3A_701 : vector<1x16xf32> to vector<16xf32>
      %add3A_703 = arith.addf %add3A_619, %get3A_702 : vector<16xf32>
      %get3A_704 = arith.index_cast %add3A_663 : i32 to index
      %get3A_705 = arith.constant 128 : index
      %get3A_706 = tpu.vector_load %arg9[%get3A_704, %get3A_705] {strides = array<i32>} : memref<40x256xf32, #tpu.memory_space<vmem>>, vector<1x16xf32>,
      %get3A_707 = vector.shape_cast %get3A_706 : vector<1x16xf32> to vector<16xf32>
      %add3A_708 = arith.addf %add3A_624, %get3A_707 : vector<16xf32>
      %get3A_709 = arith.index_cast %add3A_663 : i32 to index
      %get3A_710 = arith.constant 144 : index
      %get3A_711 = tpu.vector_load %arg9[%get3A_709, %get3A_710] {strides = array<i32>} : memref<40x256xf32, #tpu.memory_space<vmem>>, vector<1x16xf32>,
      %get3A_712 = vector.shape_cast %get3A_711 : vector<1x16xf32> to vector<16xf32>
      %add3A_713 = arith.addf %add3A_629, %get3A_712 : vector<16xf32>
      %get3A_714 = arith.index_cast %add3A_663 : i32 to index
      %get3A_715 = arith.constant 160 : index
      %get3A_716 = tpu.vector_load %arg9[%get3A_714, %get3A_715] {strides = array<i32>} : memref<40x256xf32, #tpu.memory_space<vmem>>, vector<1x16xf32>,
      %get3A_717 = vector.shape_cast %get3A_716 : vector<1x16xf32> to vector<16xf32>
      %add3A_718 = arith.addf %add3A_634, %get3A_717 : vector<16xf32>
      %get3A_719 = arith.index_cast %add3A_663 : i32 to index
      %get3A_720 = arith.constant 176 : index
      %get3A_721 = tpu.vector_load %arg9[%get3A_719, %get3A_720] {strides = array<i32>} : memref<40x256xf32, #tpu.memory_space<vmem>>, vector<1x16xf32>,
      %get3A_722 = vector.shape_cast %get3A_721 : vector<1x16xf32> to vector<16xf32>
      %add3A_723 = arith.addf %add3A_639, %get3A_722 : vector<16xf32>
      %get3A_724 = arith.index_cast %add3A_663 : i32 to index
      %get3A_725 = arith.constant 192 : index
      %get3A_726 = tpu.vector_load %arg9[%get3A_724, %get3A_725] {strides = array<i32>} : memref<40x256xf32, #tpu.memory_space<vmem>>, vector<1x16xf32>,
      %get3A_727 = vector.shape_cast %get3A_726 : vector<1x16xf32> to vector<16xf32>
      %add3A_728 = arith.addf %add3A_644, %get3A_727 : vector<16xf32>
      %get3A_729 = arith.index_cast %add3A_663 : i32 to index
      %get3A_730 = arith.constant 208 : index
      %get3A_731 = tpu.vector_load %arg9[%get3A_729, %get3A_730] {strides = array<i32>} : memref<40x256xf32, #tpu.memory_space<vmem>>, vector<1x16xf32>,
      %get3A_732 = vector.shape_cast %get3A_731 : vector<1x16xf32> to vector<16xf32>
      %add3A_733 = arith.addf %add3A_649, %get3A_732 : vector<16xf32>
      %get3A_734 = arith.index_cast %add3A_663 : i32 to index
      %get3A_735 = arith.constant 224 : index
      %get3A_736 = tpu.vector_load %arg9[%get3A_734, %get3A_735] {strides = array<i32>} : memref<40x256xf32, #tpu.memory_space<vmem>>, vector<1x16xf32>,
      %get3A_737 = vector.shape_cast %get3A_736 : vector<1x16xf32> to vector<16xf32>
      %add3A_738 = arith.addf %add3A_654, %get3A_737 : vector<16xf32>
      %get3A_739 = arith.index_cast %add3A_663 : i32 to index
      %get3A_740 = arith.constant 240 : index
      %get3A_741 = tpu.vector_load %arg9[%get3A_739, %get3A_740] {strides = array<i32>} : memref<40x256xf32, #tpu.memory_space<vmem>>, vector<1x16xf32>,
      %get3A_742 = vector.shape_cast %get3A_741 : vector<1x16xf32> to vector<16xf32>
      %add3A_743 = arith.addf %add3A_659, %get3A_742 : vector<16xf32>
      %mul3A_744 = arith.constant 5 : i32
      %mul3A_745 = arith.muli %scan3A_559, %mul3A_744 : i32
      %add3A_746 = arith.constant 2 : i32
      %add3A_747 = arith.addi %mul3A_745, %add3A_746 : i32
      %get3A_748 = arith.index_cast %add3A_747 : i32 to index
      %get3A_749 = arith.constant 0 : index
      %get3A_750 = tpu.vector_load %arg9[%get3A_748, %get3A_749] {strides = array<i32>} : memref<40x256xf32, #tpu.memory_space<vmem>>, vector<1x16xf32>,
      %get3A_751 = vector.shape_cast %get3A_750 : vector<1x16xf32> to vector<16xf32>
      %add3A_752 = arith.addf %add3A_668, %get3A_751 : vector<16xf32>
      %get3A_753 = arith.index_cast %add3A_747 : i32 to index
      %get3A_754 = arith.constant 16 : index
      %get3A_755 = tpu.vector_load %arg9[%get3A_753, %get3A_754] {strides = array<i32>} : memref<40x256xf32, #tpu.memory_space<vmem>>, vector<1x16xf32>,
      %get3A_756 = vector.shape_cast %get3A_755 : vector<1x16xf32> to vector<16xf32>
      %add3A_757 = arith.addf %add3A_673, %get3A_756 : vector<16xf32>
      %get3A_758 = arith.index_cast %add3A_747 : i32 to index
      %get3A_759 = arith.constant 32 : index
      %get3A_760 = tpu.vector_load %arg9[%get3A_758, %get3A_759] {strides = array<i32>} : memref<40x256xf32, #tpu.memory_space<vmem>>, vector<1x16xf32>,
      %get3A_761 = vector.shape_cast %get3A_760 : vector<1x16xf32> to vector<16xf32>
      %add3A_762 = arith.addf %add3A_678, %get3A_761 : vector<16xf32>
      %get3A_763 = arith.index_cast %add3A_747 : i32 to index
      %get3A_764 = arith.constant 48 : index
      %get3A_765 = tpu.vector_load %arg9[%get3A_763, %get3A_764] {strides = array<i32>} : memref<40x256xf32, #tpu.memory_space<vmem>>, vector<1x16xf32>,
      %get3A_766 = vector.shape_cast %get3A_765 : vector<1x16xf32> to vector<16xf32>
      %add3A_767 = arith.addf %add3A_683, %get3A_766 : vector<16xf32>
      %get3A_768 = arith.index_cast %add3A_747 : i32 to index
      %get3A_769 = arith.constant 64 : index
      %get3A_770 = tpu.vector_load %arg9[%get3A_768, %get3A_769] {strides = array<i32>} : memref<40x256xf32, #tpu.memory_space<vmem>>, vector<1x16xf32>,
      %get3A_771 = vector.shape_cast %get3A_770 : vector<1x16xf32> to vector<16xf32>
      %add3A_772 = arith.addf %add3A_688, %get3A_771 : vector<16xf32>
      %get3A_773 = arith.index_cast %add3A_747 : i32 to index
      %get3A_774 = arith.constant 80 : index
      %get3A_775 = tpu.vector_load %arg9[%get3A_773, %get3A_774] {strides = array<i32>} : memref<40x256xf32, #tpu.memory_space<vmem>>, vector<1x16xf32>,
      %get3A_776 = vector.shape_cast %get3A_775 : vector<1x16xf32> to vector<16xf32>
      %add3A_777 = arith.addf %add3A_693, %get3A_776 : vector<16xf32>
      %get3A_778 = arith.index_cast %add3A_747 : i32 to index
      %get3A_779 = arith.constant 96 : index
      %get3A_780 = tpu.vector_load %arg9[%get3A_778, %get3A_779] {strides = array<i32>} : memref<40x256xf32, #tpu.memory_space<vmem>>, vector<1x16xf32>,
      %get3A_781 = vector.shape_cast %get3A_780 : vector<1x16xf32> to vector<16xf32>
      %add3A_782 = arith.addf %add3A_698, %get3A_781 : vector<16xf32>
      %get3A_783 = arith.index_cast %add3A_747 : i32 to index
      %get3A_784 = arith.constant 112 : index
      %get3A_785 = tpu.vector_load %arg9[%get3A_783, %get3A_784] {strides = array<i32>} : memref<40x256xf32, #tpu.memory_space<vmem>>, vector<1x16xf32>,
      %get3A_786 = vector.shape_cast %get3A_785 : vector<1x16xf32> to vector<16xf32>
      %add3A_787 = arith.addf %add3A_703, %get3A_786 : vector<16xf32>
      %get3A_788 = arith.index_cast %add3A_747 : i32 to index
      %get3A_789 = arith.constant 128 : index
      %get3A_790 = tpu.vector_load %arg9[%get3A_788, %get3A_789] {strides = array<i32>} : memref<40x256xf32, #tpu.memory_space<vmem>>, vector<1x16xf32>,
      %get3A_791 = vector.shape_cast %get3A_790 : vector<1x16xf32> to vector<16xf32>
      %add3A_792 = arith.addf %add3A_708, %get3A_791 : vector<16xf32>
      %get3A_793 = arith.index_cast %add3A_747 : i32 to index
      %get3A_794 = arith.constant 144 : index
      %get3A_795 = tpu.vector_load %arg9[%get3A_793, %get3A_794] {strides = array<i32>} : memref<40x256xf32, #tpu.memory_space<vmem>>, vector<1x16xf32>,
      %get3A_796 = vector.shape_cast %get3A_795 : vector<1x16xf32> to vector<16xf32>
      %add3A_797 = arith.addf %add3A_713, %get3A_796 : vector<16xf32>
      %get3A_798 = arith.index_cast %add3A_747 : i32 to index
      %get3A_799 = arith.constant 160 : index
      %get3A_800 = tpu.vector_load %arg9[%get3A_798, %get3A_799] {strides = array<i32>} : memref<40x256xf32, #tpu.memory_space<vmem>>, vector<1x16xf32>,
      %get3A_801 = vector.shape_cast %get3A_800 : vector<1x16xf32> to vector<16xf32>
      %add3A_802 = arith.addf %add3A_718, %get3A_801 : vector<16xf32>
      %get3A_803 = arith.index_cast %add3A_747 : i32 to index
      %get3A_804 = arith.constant 176 : index
      %get3A_805 = tpu.vector_load %arg9[%get3A_803, %get3A_804] {strides = array<i32>} : memref<40x256xf32, #tpu.memory_space<vmem>>, vector<1x16xf32>,
      %get3A_806 = vector.shape_cast %get3A_805 : vector<1x16xf32> to vector<16xf32>
      %add3A_807 = arith.addf %add3A_723, %get3A_806 : vector<16xf32>
      %get3A_808 = arith.index_cast %add3A_747 : i32 to index
      %get3A_809 = arith.constant 192 : index
      %get3A_810 = tpu.vector_load %arg9[%get3A_808, %get3A_809] {strides = array<i32>} : memref<40x256xf32, #tpu.memory_space<vmem>>, vector<1x16xf32>,
      %get3A_811 = vector.shape_cast %get3A_810 : vector<1x16xf32> to vector<16xf32>
      %add3A_812 = arith.addf %add3A_728, %get3A_811 : vector<16xf32>
      %get3A_813 = arith.index_cast %add3A_747 : i32 to index
      %get3A_814 = arith.constant 208 : index
      %get3A_815 = tpu.vector_load %arg9[%get3A_813, %get3A_814] {strides = array<i32>} : memref<40x256xf32, #tpu.memory_space<vmem>>, vector<1x16xf32>,
      %get3A_816 = vector.shape_cast %get3A_815 : vector<1x16xf32> to vector<16xf32>
      %add3A_817 = arith.addf %add3A_733, %get3A_816 : vector<16xf32>
      %get3A_818 = arith.index_cast %add3A_747 : i32 to index
      %get3A_819 = arith.constant 224 : index
      %get3A_820 = tpu.vector_load %arg9[%get3A_818, %get3A_819] {strides = array<i32>} : memref<40x256xf32, #tpu.memory_space<vmem>>, vector<1x16xf32>,
      %get3A_821 = vector.shape_cast %get3A_820 : vector<1x16xf32> to vector<16xf32>
      %add3A_822 = arith.addf %add3A_738, %get3A_821 : vector<16xf32>
      %get3A_823 = arith.index_cast %add3A_747 : i32 to index
      %get3A_824 = arith.constant 240 : index
      %get3A_825 = tpu.vector_load %arg9[%get3A_823, %get3A_824] {strides = array<i32>} : memref<40x256xf32, #tpu.memory_space<vmem>>, vector<1x16xf32>,
      %get3A_826 = vector.shape_cast %get3A_825 : vector<1x16xf32> to vector<16xf32>
      %add3A_827 = arith.addf %add3A_743, %get3A_826 : vector<16xf32>
      %mul3A_828 = arith.constant 5 : i32
      %mul3A_829 = arith.muli %scan3A_559, %mul3A_828 : i32
      %add3A_830 = arith.constant 3 : i32
      %add3A_831 = arith.addi %mul3A_829, %add3A_830 : i32
      %get3A_832 = arith.index_cast %add3A_831 : i32 to index
      %get3A_833 = arith.constant 0 : index
      %get3A_834 = tpu.vector_load %arg9[%get3A_832, %get3A_833] {strides = array<i32>} : memref<40x256xf32, #tpu.memory_space<vmem>>, vector<1x16xf32>,
      %get3A_835 = vector.shape_cast %get3A_834 : vector<1x16xf32> to vector<16xf32>
      %add3A_836 = arith.addf %add3A_752, %get3A_835 : vector<16xf32>
      %get3A_837 = arith.index_cast %add3A_831 : i32 to index
      %get3A_838 = arith.constant 16 : index
      %get3A_839 = tpu.vector_load %arg9[%get3A_837, %get3A_838] {strides = array<i32>} : memref<40x256xf32, #tpu.memory_space<vmem>>, vector<1x16xf32>,
      %get3A_840 = vector.shape_cast %get3A_839 : vector<1x16xf32> to vector<16xf32>
      %add3A_841 = arith.addf %add3A_757, %get3A_840 : vector<16xf32>
      %get3A_842 = arith.index_cast %add3A_831 : i32 to index
      %get3A_843 = arith.constant 32 : index
      %get3A_844 = tpu.vector_load %arg9[%get3A_842, %get3A_843] {strides = array<i32>} : memref<40x256xf32, #tpu.memory_space<vmem>>, vector<1x16xf32>,
      %get3A_845 = vector.shape_cast %get3A_844 : vector<1x16xf32> to vector<16xf32>
      %add3A_846 = arith.addf %add3A_762, %get3A_845 : vector<16xf32>
      %get3A_847 = arith.index_cast %add3A_831 : i32 to index
      %get3A_848 = arith.constant 48 : index
      %get3A_849 = tpu.vector_load %arg9[%get3A_847, %get3A_848] {strides = array<i32>} : memref<40x256xf32, #tpu.memory_space<vmem>>, vector<1x16xf32>,
      %get3A_850 = vector.shape_cast %get3A_849 : vector<1x16xf32> to vector<16xf32>
      %add3A_851 = arith.addf %add3A_767, %get3A_850 : vector<16xf32>
      %get3A_852 = arith.index_cast %add3A_831 : i32 to index
      %get3A_853 = arith.constant 64 : index
      %get3A_854 = tpu.vector_load %arg9[%get3A_852, %get3A_853] {strides = array<i32>} : memref<40x256xf32, #tpu.memory_space<vmem>>, vector<1x16xf32>,
      %get3A_855 = vector.shape_cast %get3A_854 : vector<1x16xf32> to vector<16xf32>
      %add3A_856 = arith.addf %add3A_772, %get3A_855 : vector<16xf32>
      %get3A_857 = arith.index_cast %add3A_831 : i32 to index
      %get3A_858 = arith.constant 80 : index
      %get3A_859 = tpu.vector_load %arg9[%get3A_857, %get3A_858] {strides = array<i32>} : memref<40x256xf32, #tpu.memory_space<vmem>>, vector<1x16xf32>,
      %get3A_860 = vector.shape_cast %get3A_859 : vector<1x16xf32> to vector<16xf32>
      %add3A_861 = arith.addf %add3A_777, %get3A_860 : vector<16xf32>
      %get3A_862 = arith.index_cast %add3A_831 : i32 to index
      %get3A_863 = arith.constant 96 : index
      %get3A_864 = tpu.vector_load %arg9[%get3A_862, %get3A_863] {strides = array<i32>} : memref<40x256xf32, #tpu.memory_space<vmem>>, vector<1x16xf32>,
      %get3A_865 = vector.shape_cast %get3A_864 : vector<1x16xf32> to vector<16xf32>
      %add3A_866 = arith.addf %add3A_782, %get3A_865 : vector<16xf32>
      %get3A_867 = arith.index_cast %add3A_831 : i32 to index
      %get3A_868 = arith.constant 112 : index
      %get3A_869 = tpu.vector_load %arg9[%get3A_867, %get3A_868] {strides = array<i32>} : memref<40x256xf32, #tpu.memory_space<vmem>>, vector<1x16xf32>,
      %get3A_870 = vector.shape_cast %get3A_869 : vector<1x16xf32> to vector<16xf32>
      %add3A_871 = arith.addf %add3A_787, %get3A_870 : vector<16xf32>
      %get3A_872 = arith.index_cast %add3A_831 : i32 to index
      %get3A_873 = arith.constant 128 : index
      %get3A_874 = tpu.vector_load %arg9[%get3A_872, %get3A_873] {strides = array<i32>} : memref<40x256xf32, #tpu.memory_space<vmem>>, vector<1x16xf32>,
      %get3A_875 = vector.shape_cast %get3A_874 : vector<1x16xf32> to vector<16xf32>
      %add3A_876 = arith.addf %add3A_792, %get3A_875 : vector<16xf32>
      %get3A_877 = arith.index_cast %add3A_831 : i32 to index
      %get3A_878 = arith.constant 144 : index
      %get3A_879 = tpu.vector_load %arg9[%get3A_877, %get3A_878] {strides = array<i32>} : memref<40x256xf32, #tpu.memory_space<vmem>>, vector<1x16xf32>,
      %get3A_880 = vector.shape_cast %get3A_879 : vector<1x16xf32> to vector<16xf32>
      %add3A_881 = arith.addf %add3A_797, %get3A_880 : vector<16xf32>
      %get3A_882 = arith.index_cast %add3A_831 : i32 to index
      %get3A_883 = arith.constant 160 : index
      %get3A_884 = tpu.vector_load %arg9[%get3A_882, %get3A_883] {strides = array<i32>} : memref<40x256xf32, #tpu.memory_space<vmem>>, vector<1x16xf32>,
      %get3A_885 = vector.shape_cast %get3A_884 : vector<1x16xf32> to vector<16xf32>
      %add3A_886 = arith.addf %add3A_802, %get3A_885 : vector<16xf32>
      %get3A_887 = arith.index_cast %add3A_831 : i32 to index
      %get3A_888 = arith.constant 176 : index
      %get3A_889 = tpu.vector_load %arg9[%get3A_887, %get3A_888] {strides = array<i32>} : memref<40x256xf32, #tpu.memory_space<vmem>>, vector<1x16xf32>,
      %get3A_890 = vector.shape_cast %get3A_889 : vector<1x16xf32> to vector<16xf32>
      %add3A_891 = arith.addf %add3A_807, %get3A_890 : vector<16xf32>
      %get3A_892 = arith.index_cast %add3A_831 : i32 to index
      %get3A_893 = arith.constant 192 : index
      %get3A_894 = tpu.vector_load %arg9[%get3A_892, %get3A_893] {strides = array<i32>} : memref<40x256xf32, #tpu.memory_space<vmem>>, vector<1x16xf32>,
      %get3A_895 = vector.shape_cast %get3A_894 : vector<1x16xf32> to vector<16xf32>
      %add3A_896 = arith.addf %add3A_812, %get3A_895 : vector<16xf32>
      %get3A_897 = arith.index_cast %add3A_831 : i32 to index
      %get3A_898 = arith.constant 208 : index
      %get3A_899 = tpu.vector_load %arg9[%get3A_897, %get3A_898] {strides = array<i32>} : memref<40x256xf32, #tpu.memory_space<vmem>>, vector<1x16xf32>,
      %get3A_900 = vector.shape_cast %get3A_899 : vector<1x16xf32> to vector<16xf32>
      %add3A_901 = arith.addf %add3A_817, %get3A_900 : vector<16xf32>
      %get3A_902 = arith.index_cast %add3A_831 : i32 to index
      %get3A_903 = arith.constant 224 : index
      %get3A_904 = tpu.vector_load %arg9[%get3A_902, %get3A_903] {strides = array<i32>} : memref<40x256xf32, #tpu.memory_space<vmem>>, vector<1x16xf32>,
      %get3A_905 = vector.shape_cast %get3A_904 : vector<1x16xf32> to vector<16xf32>
      %add3A_906 = arith.addf %add3A_822, %get3A_905 : vector<16xf32>
      %get3A_907 = arith.index_cast %add3A_831 : i32 to index
      %get3A_908 = arith.constant 240 : index
      %get3A_909 = tpu.vector_load %arg9[%get3A_907, %get3A_908] {strides = array<i32>} : memref<40x256xf32, #tpu.memory_space<vmem>>, vector<1x16xf32>,
      %get3A_910 = vector.shape_cast %get3A_909 : vector<1x16xf32> to vector<16xf32>
      %add3A_911 = arith.addf %add3A_827, %get3A_910 : vector<16xf32>
      %mul3A_912 = arith.constant 5 : i32
      %mul3A_913 = arith.muli %scan3A_559, %mul3A_912 : i32
      %add3A_914 = arith.constant 4 : i32
      %add3A_915 = arith.addi %mul3A_913, %add3A_914 : i32
      %get3A_916 = arith.index_cast %add3A_915 : i32 to index
      %get3A_917 = arith.constant 0 : index
      %get3A_918 = tpu.vector_load %arg9[%get3A_916, %get3A_917] {strides = array<i32>} : memref<40x256xf32, #tpu.memory_space<vmem>>, vector<1x16xf32>,
      %get3A_919 = vector.shape_cast %get3A_918 : vector<1x16xf32> to vector<16xf32>
      %add3A_920 = arith.addf %add3A_836, %get3A_919 : vector<16xf32>
      %get3A_921 = arith.index_cast %add3A_915 : i32 to index
      %get3A_922 = arith.constant 16 : index
      %get3A_923 = tpu.vector_load %arg9[%get3A_921, %get3A_922] {strides = array<i32>} : memref<40x256xf32, #tpu.memory_space<vmem>>, vector<1x16xf32>,
      %get3A_924 = vector.shape_cast %get3A_923 : vector<1x16xf32> to vector<16xf32>
      %add3A_925 = arith.addf %add3A_841, %get3A_924 : vector<16xf32>
      %get3A_926 = arith.index_cast %add3A_915 : i32 to index
      %get3A_927 = arith.constant 32 : index
      %get3A_928 = tpu.vector_load %arg9[%get3A_926, %get3A_927] {strides = array<i32>} : memref<40x256xf32, #tpu.memory_space<vmem>>, vector<1x16xf32>,
      %get3A_929 = vector.shape_cast %get3A_928 : vector<1x16xf32> to vector<16xf32>
      %add3A_930 = arith.addf %add3A_846, %get3A_929 : vector<16xf32>
      %get3A_931 = arith.index_cast %add3A_915 : i32 to index
      %get3A_932 = arith.constant 48 : index
      %get3A_933 = tpu.vector_load %arg9[%get3A_931, %get3A_932] {strides = array<i32>} : memref<40x256xf32, #tpu.memory_space<vmem>>, vector<1x16xf32>,
      %get3A_934 = vector.shape_cast %get3A_933 : vector<1x16xf32> to vector<16xf32>
      %add3A_935 = arith.addf %add3A_851, %get3A_934 : vector<16xf32>
      %get3A_936 = arith.index_cast %add3A_915 : i32 to index
      %get3A_937 = arith.constant 64 : index
      %get3A_938 = tpu.vector_load %arg9[%get3A_936, %get3A_937] {strides = array<i32>} : memref<40x256xf32, #tpu.memory_space<vmem>>, vector<1x16xf32>,
      %get3A_939 = vector.shape_cast %get3A_938 : vector<1x16xf32> to vector<16xf32>
      %add3A_940 = arith.addf %add3A_856, %get3A_939 : vector<16xf32>
      %get3A_941 = arith.index_cast %add3A_915 : i32 to index
      %get3A_942 = arith.constant 80 : index
      %get3A_943 = tpu.vector_load %arg9[%get3A_941, %get3A_942] {strides = array<i32>} : memref<40x256xf32, #tpu.memory_space<vmem>>, vector<1x16xf32>,
      %get3A_944 = vector.shape_cast %get3A_943 : vector<1x16xf32> to vector<16xf32>
      %add3A_945 = arith.addf %add3A_861, %get3A_944 : vector<16xf32>
      %get3A_946 = arith.index_cast %add3A_915 : i32 to index
      %get3A_947 = arith.constant 96 : index
      %get3A_948 = tpu.vector_load %arg9[%get3A_946, %get3A_947] {strides = array<i32>} : memref<40x256xf32, #tpu.memory_space<vmem>>, vector<1x16xf32>,
      %get3A_949 = vector.shape_cast %get3A_948 : vector<1x16xf32> to vector<16xf32>
      %add3A_950 = arith.addf %add3A_866, %get3A_949 : vector<16xf32>
      %get3A_951 = arith.index_cast %add3A_915 : i32 to index
      %get3A_952 = arith.constant 112 : index
      %get3A_953 = tpu.vector_load %arg9[%get3A_951, %get3A_952] {strides = array<i32>} : memref<40x256xf32, #tpu.memory_space<vmem>>, vector<1x16xf32>,
      %get3A_954 = vector.shape_cast %get3A_953 : vector<1x16xf32> to vector<16xf32>
      %add3A_955 = arith.addf %add3A_871, %get3A_954 : vector<16xf32>
      %get3A_956 = arith.index_cast %add3A_915 : i32 to index
      %get3A_957 = arith.constant 128 : index
      %get3A_958 = tpu.vector_load %arg9[%get3A_956, %get3A_957] {strides = array<i32>} : memref<40x256xf32, #tpu.memory_space<vmem>>, vector<1x16xf32>,
      %get3A_959 = vector.shape_cast %get3A_958 : vector<1x16xf32> to vector<16xf32>
      %add3A_960 = arith.addf %add3A_876, %get3A_959 : vector<16xf32>
      %get3A_961 = arith.index_cast %add3A_915 : i32 to index
      %get3A_962 = arith.constant 144 : index
      %get3A_963 = tpu.vector_load %arg9[%get3A_961, %get3A_962] {strides = array<i32>} : memref<40x256xf32, #tpu.memory_space<vmem>>, vector<1x16xf32>,
      %get3A_964 = vector.shape_cast %get3A_963 : vector<1x16xf32> to vector<16xf32>
      %add3A_965 = arith.addf %add3A_881, %get3A_964 : vector<16xf32>
      %get3A_966 = arith.index_cast %add3A_915 : i32 to index
      %get3A_967 = arith.constant 160 : index
      %get3A_968 = tpu.vector_load %arg9[%get3A_966, %get3A_967] {strides = array<i32>} : memref<40x256xf32, #tpu.memory_space<vmem>>, vector<1x16xf32>,
      %get3A_969 = vector.shape_cast %get3A_968 : vector<1x16xf32> to vector<16xf32>
      %add3A_970 = arith.addf %add3A_886, %get3A_969 : vector<16xf32>
      %get3A_971 = arith.index_cast %add3A_915 : i32 to index
      %get3A_972 = arith.constant 176 : index
      %get3A_973 = tpu.vector_load %arg9[%get3A_971, %get3A_972] {strides = array<i32>} : memref<40x256xf32, #tpu.memory_space<vmem>>, vector<1x16xf32>,
      %get3A_974 = vector.shape_cast %get3A_973 : vector<1x16xf32> to vector<16xf32>
      %add3A_975 = arith.addf %add3A_891, %get3A_974 : vector<16xf32>
      %get3A_976 = arith.index_cast %add3A_915 : i32 to index
      %get3A_977 = arith.constant 192 : index
      %get3A_978 = tpu.vector_load %arg9[%get3A_976, %get3A_977] {strides = array<i32>} : memref<40x256xf32, #tpu.memory_space<vmem>>, vector<1x16xf32>,
      %get3A_979 = vector.shape_cast %get3A_978 : vector<1x16xf32> to vector<16xf32>
      %add3A_980 = arith.addf %add3A_896, %get3A_979 : vector<16xf32>
      %get3A_981 = arith.index_cast %add3A_915 : i32 to index
      %get3A_982 = arith.constant 208 : index
      %get3A_983 = tpu.vector_load %arg9[%get3A_981, %get3A_982] {strides = array<i32>} : memref<40x256xf32, #tpu.memory_space<vmem>>, vector<1x16xf32>,
      %get3A_984 = vector.shape_cast %get3A_983 : vector<1x16xf32> to vector<16xf32>
      %add3A_985 = arith.addf %add3A_901, %get3A_984 : vector<16xf32>
      %get3A_986 = arith.index_cast %add3A_915 : i32 to index
      %get3A_987 = arith.constant 224 : index
      %get3A_988 = tpu.vector_load %arg9[%get3A_986, %get3A_987] {strides = array<i32>} : memref<40x256xf32, #tpu.memory_space<vmem>>, vector<1x16xf32>,
      %get3A_989 = vector.shape_cast %get3A_988 : vector<1x16xf32> to vector<16xf32>
      %add3A_990 = arith.addf %add3A_906, %get3A_989 : vector<16xf32>
      %get3A_991 = arith.index_cast %add3A_915 : i32 to index
      %get3A_992 = arith.constant 240 : index
      %get3A_993 = tpu.vector_load %arg9[%get3A_991, %get3A_992] {strides = array<i32>} : memref<40x256xf32, #tpu.memory_space<vmem>>, vector<1x16xf32>,
      %get3A_994 = vector.shape_cast %get3A_993 : vector<1x16xf32> to vector<16xf32>
      %add3A_995 = arith.addf %add3A_911, %get3A_994 : vector<16xf32>
      scf.yield %add3A_920, %add3A_925, %add3A_930, %add3A_935, %add3A_940, %add3A_945, %add3A_950, %add3A_955, %add3A_960, %add3A_965, %add3A_970, %add3A_975, %add3A_980, %add3A_985, %add3A_990, %add3A_995 : vector<16xf32>, vector<16xf32>, vector<16xf32>, vector<16xf32>, vector<16xf32>, vector<16xf32>, vector<16xf32>, vector<16xf32>, vector<16xf32>, vector<16xf32>, vector<16xf32>, vector<16xf32>, vector<16xf32>, vector<16xf32>, vector<16xf32>, vector<16xf32>
    }
    %scan3A_151 = arith.constant 8 : i32
    %get3A = arith.constant 0 : index
    %get3A_152 = tpu.vector_load %arg10[%get3A] {strides = array<i32>} : memref<128xf32, #tpu.memory_space<vmem>>, vector<16xf32>,
    %get3A_153 = vector.shape_cast %get3A_152 : vector<16xf32> to vector<16xf32>
    %add3A_154 = arith.addf %get3A_153, %scan3A_144#0 : vector<16xf32>
    %swap3A_155 = arith.constant 0 : index
    %swap3A_156 = tpu.vector_load %arg10[%swap3A_155] {strides = array<i32>} : memref<128xf32, #tpu.memory_space<vmem>>, vector<16xf32>,
    %swap3A_157 = vector.shape_cast %swap3A_156 : vector<16xf32> to vector<16xf32>
    %swap3A_158 = vector.shape_cast %add3A_154 : vector<16xf32> to vector<16xf32>
    tpu.vector_store %arg10[%swap3A_155], %swap3A_158 {strides = array<i32>} : memref<128xf32, #tpu.memory_space<vmem>>, vector<16xf32>,
    %get3A_159 = arith.constant 16 : index
    %get3A_160 = tpu.vector_load %arg10[%get3A_159] {strides = array<i32>} : memref<128xf32, #tpu.memory_space<vmem>>, vector<16xf32>,
    %get3A_161 = vector.shape_cast %get3A_160 : vector<16xf32> to vector<16xf32>
    %add3A_162 = arith.addf %get3A_161, %scan3A_144#1 : vector<16xf32>
    %swap3A_163 = arith.constant 16 : index
    %swap3A_164 = tpu.vector_load %arg10[%swap3A_163] {strides = array<i32>} : memref<128xf32, #tpu.memory_space<vmem>>, vector<16xf32>,
    %swap3A_165 = vector.shape_cast %swap3A_164 : vector<16xf32> to vector<16xf32>
    %swap3A_166 = vector.shape_cast %add3A_162 : vector<16xf32> to vector<16xf32>
    tpu.vector_store %arg10[%swap3A_163], %swap3A_166 {strides = array<i32>} : memref<128xf32, #tpu.memory_space<vmem>>, vector<16xf32>,
    %get3A_167 = arith.constant 32 : index
    %get3A_168 = tpu.vector_load %arg10[%get3A_167] {strides = array<i32>} : memref<128xf32, #tpu.memory_space<vmem>>, vector<16xf32>,
    %get3A_169 = vector.shape_cast %get3A_168 : vector<16xf32> to vector<16xf32>
    %add3A_170 = arith.addf %get3A_169, %scan3A_144#2 : vector<16xf32>
    %swap3A_171 = arith.constant 32 : index
    %swap3A_172 = tpu.vector_load %arg10[%swap3A_171] {strides = array<i32>} : memref<128xf32, #tpu.memory_space<vmem>>, vector<16xf32>,
    %swap3A_173 = vector.shape_cast %swap3A_172 : vector<16xf32> to vector<16xf32>
    %swap3A_174 = vector.shape_cast %add3A_170 : vector<16xf32> to vector<16xf32>
    tpu.vector_store %arg10[%swap3A_171], %swap3A_174 {strides = array<i32>} : memref<128xf32, #tpu.memory_space<vmem>>, vector<16xf32>,
    %get3A_175 = arith.constant 48 : index
    %get3A_176 = tpu.vector_load %arg10[%get3A_175] {strides = array<i32>} : memref<128xf32, #tpu.memory_space<vmem>>, vector<16xf32>,
    %get3A_177 = vector.shape_cast %get3A_176 : vector<16xf32> to vector<16xf32>
    %add3A_178 = arith.addf %get3A_177, %scan3A_144#3 : vector<16xf32>
    %swap3A_179 = arith.constant 48 : index
    %swap3A_180 = tpu.vector_load %arg10[%swap3A_179] {strides = array<i32>} : memref<128xf32, #tpu.memory_space<vmem>>, vector<16xf32>,
    %swap3A_181 = vector.shape_cast %swap3A_180 : vector<16xf32> to vector<16xf32>
    %swap3A_182 = vector.shape_cast %add3A_178 : vector<16xf32> to vector<16xf32>
    tpu.vector_store %arg10[%swap3A_179], %swap3A_182 {strides = array<i32>} : memref<128xf32, #tpu.memory_space<vmem>>, vector<16xf32>,
    %get3A_183 = arith.constant 64 : index
    %get3A_184 = tpu.vector_load %arg10[%get3A_183] {strides = array<i32>} : memref<128xf32, #tpu.memory_space<vmem>>, vector<16xf32>,
    %get3A_185 = vector.shape_cast %get3A_184 : vector<16xf32> to vector<16xf32>
    %add3A_186 = arith.addf %get3A_185, %scan3A_144#4 : vector<16xf32>
    %swap3A_187 = arith.constant 64 : index
    %swap3A_188 = tpu.vector_load %arg10[%swap3A_187] {strides = array<i32>} : memref<128xf32, #tpu.memory_space<vmem>>, vector<16xf32>,
    %swap3A_189 = vector.shape_cast %swap3A_188 : vector<16xf32> to vector<16xf32>
    %swap3A_190 = vector.shape_cast %add3A_186 : vector<16xf32> to vector<16xf32>
    tpu.vector_store %arg10[%swap3A_187], %swap3A_190 {strides = array<i32>} : memref<128xf32, #tpu.memory_space<vmem>>, vector<16xf32>,
    %get3A_191 = arith.constant 80 : index
    %get3A_192 = tpu.vector_load %arg10[%get3A_191] {strides = array<i32>} : memref<128xf32, #tpu.memory_space<vmem>>, vector<16xf32>,
    %get3A_193 = vector.shape_cast %get3A_192 : vector<16xf32> to vector<16xf32>
    %add3A_194 = arith.addf %get3A_193, %scan3A_144#5 : vector<16xf32>
    %swap3A_195 = arith.constant 80 : index
    %swap3A_196 = tpu.vector_load %arg10[%swap3A_195] {strides = array<i32>} : memref<128xf32, #tpu.memory_space<vmem>>, vector<16xf32>,
    %swap3A_197 = vector.shape_cast %swap3A_196 : vector<16xf32> to vector<16xf32>
    %swap3A_198 = vector.shape_cast %add3A_194 : vector<16xf32> to vector<16xf32>
    tpu.vector_store %arg10[%swap3A_195], %swap3A_198 {strides = array<i32>} : memref<128xf32, #tpu.memory_space<vmem>>, vector<16xf32>,
    %get3A_199 = arith.constant 96 : index
    %get3A_200 = tpu.vector_load %arg10[%get3A_199] {strides = array<i32>} : memref<128xf32, #tpu.memory_space<vmem>>, vector<16xf32>,
    %get3A_201 = vector.shape_cast %get3A_200 : vector<16xf32> to vector<16xf32>
    %add3A_202 = arith.addf %get3A_201, %scan3A_144#6 : vector<16xf32>
    %swap3A_203 = arith.constant 96 : index
    %swap3A_204 = tpu.vector_load %arg10[%swap3A_203] {strides = array<i32>} : memref<128xf32, #tpu.memory_space<vmem>>, vector<16xf32>,
    %swap3A_205 = vector.shape_cast %swap3A_204 : vector<16xf32> to vector<16xf32>
    %swap3A_206 = vector.shape_cast %add3A_202 : vector<16xf32> to vector<16xf32>
    tpu.vector_store %arg10[%swap3A_203], %swap3A_206 {strides = array<i32>} : memref<128xf32, #tpu.memory_space<vmem>>, vector<16xf32>,
    %get3A_207 = arith.constant 112 : index
    %get3A_208 = tpu.vector_load %arg10[%get3A_207] {strides = array<i32>} : memref<128xf32, #tpu.memory_space<vmem>>, vector<16xf32>,
    %get3A_209 = vector.shape_cast %get3A_208 : vector<16xf32> to vector<16xf32>
    %add3A_210 = arith.addf %get3A_209, %scan3A_144#7 : vector<16xf32>
    %swap3A_211 = arith.constant 112 : index
    %swap3A_212 = tpu.vector_load %arg10[%swap3A_211] {strides = array<i32>} : memref<128xf32, #tpu.memory_space<vmem>>, vector<16xf32>,
    %swap3A_213 = vector.shape_cast %swap3A_212 : vector<16xf32> to vector<16xf32>
    %swap3A_214 = vector.shape_cast %add3A_210 : vector<16xf32> to vector<16xf32>
    tpu.vector_store %arg10[%swap3A_211], %swap3A_214 {strides = array<i32>} : memref<128xf32, #tpu.memory_space<vmem>>, vector<16xf32>,
    %get3A_215 = arith.constant 0 : index
    %get3A_216 = tpu.vector_load %arg11[%get3A_215] {strides = array<i32>} : memref<256xf32, #tpu.memory_space<vmem>>, vector<16xf32>,
    %get3A_217 = vector.shape_cast %get3A_216 : vector<16xf32> to vector<16xf32>
    %add3A_218 = arith.addf %get3A_217, %scan3A_150#0 : vector<16xf32>
    %swap3A_219 = arith.constant 0 : index
    %swap3A_220 = tpu.vector_load %arg11[%swap3A_219] {strides = array<i32>} : memref<256xf32, #tpu.memory_space<vmem>>, vector<16xf32>,
    %swap3A_221 = vector.shape_cast %swap3A_220 : vector<16xf32> to vector<16xf32>
    %swap3A_222 = vector.shape_cast %add3A_218 : vector<16xf32> to vector<16xf32>
    tpu.vector_store %arg11[%swap3A_219], %swap3A_222 {strides = array<i32>} : memref<256xf32, #tpu.memory_space<vmem>>, vector<16xf32>,
    %get3A_223 = arith.constant 16 : index
    %get3A_224 = tpu.vector_load %arg11[%get3A_223] {strides = array<i32>} : memref<256xf32, #tpu.memory_space<vmem>>, vector<16xf32>,
    %get3A_225 = vector.shape_cast %get3A_224 : vector<16xf32> to vector<16xf32>
    %add3A_226 = arith.addf %get3A_225, %scan3A_150#1 : vector<16xf32>
    %swap3A_227 = arith.constant 16 : index
    %swap3A_228 = tpu.vector_load %arg11[%swap3A_227] {strides = array<i32>} : memref<256xf32, #tpu.memory_space<vmem>>, vector<16xf32>,
    %swap3A_229 = vector.shape_cast %swap3A_228 : vector<16xf32> to vector<16xf32>
    %swap3A_230 = vector.shape_cast %add3A_226 : vector<16xf32> to vector<16xf32>
    tpu.vector_store %arg11[%swap3A_227], %swap3A_230 {strides = array<i32>} : memref<256xf32, #tpu.memory_space<vmem>>, vector<16xf32>,
    %get3A_231 = arith.constant 32 : index
    %get3A_232 = tpu.vector_load %arg11[%get3A_231] {strides = array<i32>} : memref<256xf32, #tpu.memory_space<vmem>>, vector<16xf32>,
    %get3A_233 = vector.shape_cast %get3A_232 : vector<16xf32> to vector<16xf32>
    %add3A_234 = arith.addf %get3A_233, %scan3A_150#2 : vector<16xf32>
    %swap3A_235 = arith.constant 32 : index
    %swap3A_236 = tpu.vector_load %arg11[%swap3A_235] {strides = array<i32>} : memref<256xf32, #tpu.memory_space<vmem>>, vector<16xf32>,
    %swap3A_237 = vector.shape_cast %swap3A_236 : vector<16xf32> to vector<16xf32>
    %swap3A_238 = vector.shape_cast %add3A_234 : vector<16xf32> to vector<16xf32>
    tpu.vector_store %arg11[%swap3A_235], %swap3A_238 {strides = array<i32>} : memref<256xf32, #tpu.memory_space<vmem>>, vector<16xf32>,
    %get3A_239 = arith.constant 48 : index
    %get3A_240 = tpu.vector_load %arg11[%get3A_239] {strides = array<i32>} : memref<256xf32, #tpu.memory_space<vmem>>, vector<16xf32>,
    %get3A_241 = vector.shape_cast %get3A_240 : vector<16xf32> to vector<16xf32>
    %add3A_242 = arith.addf %get3A_241, %scan3A_150#3 : vector<16xf32>
    %swap3A_243 = arith.constant 48 : index
    %swap3A_244 = tpu.vector_load %arg11[%swap3A_243] {strides = array<i32>} : memref<256xf32, #tpu.memory_space<vmem>>, vector<16xf32>,
    %swap3A_245 = vector.shape_cast %swap3A_244 : vector<16xf32> to vector<16xf32>
    %swap3A_246 = vector.shape_cast %add3A_242 : vector<16xf32> to vector<16xf32>
    tpu.vector_store %arg11[%swap3A_243], %swap3A_246 {strides = array<i32>} : memref<256xf32, #tpu.memory_space<vmem>>, vector<16xf32>,
    %get3A_247 = arith.constant 64 : index
    %get3A_248 = tpu.vector_load %arg11[%get3A_247] {strides = array<i32>} : memref<256xf32, #tpu.memory_space<vmem>>, vector<16xf32>,
    %get3A_249 = vector.shape_cast %get3A_248 : vector<16xf32> to vector<16xf32>
    %add3A_250 = arith.addf %get3A_249, %scan3A_150#4 : vector<16xf32>
    %swap3A_251 = arith.constant 64 : index
    %swap3A_252 = tpu.vector_load %arg11[%swap3A_251] {strides = array<i32>} : memref<256xf32, #tpu.memory_space<vmem>>, vector<16xf32>,
    %swap3A_253 = vector.shape_cast %swap3A_252 : vector<16xf32> to vector<16xf32>
    %swap3A_254 = vector.shape_cast %add3A_250 : vector<16xf32> to vector<16xf32>
    tpu.vector_store %arg11[%swap3A_251], %swap3A_254 {strides = array<i32>} : memref<256xf32, #tpu.memory_space<vmem>>, vector<16xf32>,
    %get3A_255 = arith.constant 80 : index
    %get3A_256 = tpu.vector_load %arg11[%get3A_255] {strides = array<i32>} : memref<256xf32, #tpu.memory_space<vmem>>, vector<16xf32>,
    %get3A_257 = vector.shape_cast %get3A_256 : vector<16xf32> to vector<16xf32>
    %add3A_258 = arith.addf %get3A_257, %scan3A_150#5 : vector<16xf32>
    %swap3A_259 = arith.constant 80 : index
    %swap3A_260 = tpu.vector_load %arg11[%swap3A_259] {strides = array<i32>} : memref<256xf32, #tpu.memory_space<vmem>>, vector<16xf32>,
    %swap3A_261 = vector.shape_cast %swap3A_260 : vector<16xf32> to vector<16xf32>
    %swap3A_262 = vector.shape_cast %add3A_258 : vector<16xf32> to vector<16xf32>
    tpu.vector_store %arg11[%swap3A_259], %swap3A_262 {strides = array<i32>} : memref<256xf32, #tpu.memory_space<vmem>>, vector<16xf32>,
    %get3A_263 = arith.constant 96 : index
    %get3A_264 = tpu.vector_load %arg11[%get3A_263] {strides = array<i32>} : memref<256xf32, #tpu.memory_space<vmem>>, vector<16xf32>,
    %get3A_265 = vector.shape_cast %get3A_264 : vector<16xf32> to vector<16xf32>
    %add3A_266 = arith.addf %get3A_265, %scan3A_150#6 : vector<16xf32>
    %swap3A_267 = arith.constant 96 : index
    %swap3A_268 = tpu.vector_load %arg11[%swap3A_267] {strides = array<i32>} : memref<256xf32, #tpu.memory_space<vmem>>, vector<16xf32>,
    %swap3A_269 = vector.shape_cast %swap3A_268 : vector<16xf32> to vector<16xf32>
    %swap3A_270 = vector.shape_cast %add3A_266 : vector<16xf32> to vector<16xf32>
    tpu.vector_store %arg11[%swap3A_267], %swap3A_270 {strides = array<i32>} : memref<256xf32, #tpu.memory_space<vmem>>, vector<16xf32>,
    %get3A_271 = arith.constant 112 : index
    %get3A_272 = tpu.vector_load %arg11[%get3A_271] {strides = array<i32>} : memref<256xf32, #tpu.memory_space<vmem>>, vector<16xf32>,
    %get3A_273 = vector.shape_cast %get3A_272 : vector<16xf32> to vector<16xf32>
    %add3A_274 = arith.addf %get3A_273, %scan3A_150#7 : vector<16xf32>
    %swap3A_275 = arith.constant 112 : index
    %swap3A_276 = tpu.vector_load %arg11[%swap3A_275] {strides = array<i32>} : memref<256xf32, #tpu.memory_space<vmem>>, vector<16xf32>,
    %swap3A_277 = vector.shape_cast %swap3A_276 : vector<16xf32> to vector<16xf32>
    %swap3A_278 = vector.shape_cast %add3A_274 : vector<16xf32> to vector<16xf32>
    tpu.vector_store %arg11[%swap3A_275], %swap3A_278 {strides = array<i32>} : memref<256xf32, #tpu.memory_space<vmem>>, vector<16xf32>,
    %get3A_279 = arith.constant 128 : index
    %get3A_280 = tpu.vector_load %arg11[%get3A_279] {strides = array<i32>} : memref<256xf32, #tpu.memory_space<vmem>>, vector<16xf32>,
    %get3A_281 = vector.shape_cast %get3A_280 : vector<16xf32> to vector<16xf32>
    %add3A_282 = arith.addf %get3A_281, %scan3A_150#8 : vector<16xf32>
    %swap3A_283 = arith.constant 128 : index
    %swap3A_284 = tpu.vector_load %arg11[%swap3A_283] {strides = array<i32>} : memref<256xf32, #tpu.memory_space<vmem>>, vector<16xf32>,
    %swap3A_285 = vector.shape_cast %swap3A_284 : vector<16xf32> to vector<16xf32>
    %swap3A_286 = vector.shape_cast %add3A_282 : vector<16xf32> to vector<16xf32>
    tpu.vector_store %arg11[%swap3A_283], %swap3A_286 {strides = array<i32>} : memref<256xf32, #tpu.memory_space<vmem>>, vector<16xf32>,
    %get3A_287 = arith.constant 144 : index
    %get3A_288 = tpu.vector_load %arg11[%get3A_287] {strides = array<i32>} : memref<256xf32, #tpu.memory_space<vmem>>, vector<16xf32>,
    %get3A_289 = vector.shape_cast %get3A_288 : vector<16xf32> to vector<16xf32>
    %add3A_290 = arith.addf %get3A_289, %scan3A_150#9 : vector<16xf32>
    %swap3A_291 = arith.constant 144 : index
    %swap3A_292 = tpu.vector_load %arg11[%swap3A_291] {strides = array<i32>} : memref<256xf32, #tpu.memory_space<vmem>>, vector<16xf32>,
    %swap3A_293 = vector.shape_cast %swap3A_292 : vector<16xf32> to vector<16xf32>
    %swap3A_294 = vector.shape_cast %add3A_290 : vector<16xf32> to vector<16xf32>
    tpu.vector_store %arg11[%swap3A_291], %swap3A_294 {strides = array<i32>} : memref<256xf32, #tpu.memory_space<vmem>>, vector<16xf32>,
    %get3A_295 = arith.constant 160 : index
    %get3A_296 = tpu.vector_load %arg11[%get3A_295] {strides = array<i32>} : memref<256xf32, #tpu.memory_space<vmem>>, vector<16xf32>,
    %get3A_297 = vector.shape_cast %get3A_296 : vector<16xf32> to vector<16xf32>
    %add3A_298 = arith.addf %get3A_297, %scan3A_150#10 : vector<16xf32>
    %swap3A_299 = arith.constant 160 : index
    %swap3A_300 = tpu.vector_load %arg11[%swap3A_299] {strides = array<i32>} : memref<256xf32, #tpu.memory_space<vmem>>, vector<16xf32>,
    %swap3A_301 = vector.shape_cast %swap3A_300 : vector<16xf32> to vector<16xf32>
    %swap3A_302 = vector.shape_cast %add3A_298 : vector<16xf32> to vector<16xf32>
    tpu.vector_store %arg11[%swap3A_299], %swap3A_302 {strides = array<i32>} : memref<256xf32, #tpu.memory_space<vmem>>, vector<16xf32>,
    %get3A_303 = arith.constant 176 : index
    %get3A_304 = tpu.vector_load %arg11[%get3A_303] {strides = array<i32>} : memref<256xf32, #tpu.memory_space<vmem>>, vector<16xf32>,
    %get3A_305 = vector.shape_cast %get3A_304 : vector<16xf32> to vector<16xf32>
    %add3A_306 = arith.addf %get3A_305, %scan3A_150#11 : vector<16xf32>
    %swap3A_307 = arith.constant 176 : index
    %swap3A_308 = tpu.vector_load %arg11[%swap3A_307] {strides = array<i32>} : memref<256xf32, #tpu.memory_space<vmem>>, vector<16xf32>,
    %swap3A_309 = vector.shape_cast %swap3A_308 : vector<16xf32> to vector<16xf32>
    %swap3A_310 = vector.shape_cast %add3A_306 : vector<16xf32> to vector<16xf32>
    tpu.vector_store %arg11[%swap3A_307], %swap3A_310 {strides = array<i32>} : memref<256xf32, #tpu.memory_space<vmem>>, vector<16xf32>,
    %get3A_311 = arith.constant 192 : index
    %get3A_312 = tpu.vector_load %arg11[%get3A_311] {strides = array<i32>} : memref<256xf32, #tpu.memory_space<vmem>>, vector<16xf32>,
    %get3A_313 = vector.shape_cast %get3A_312 : vector<16xf32> to vector<16xf32>
    %add3A_314 = arith.addf %get3A_313, %scan3A_150#12 : vector<16xf32>
    %swap3A_315 = arith.constant 192 : index
    %swap3A_316 = tpu.vector_load %arg11[%swap3A_315] {strides = array<i32>} : memref<256xf32, #tpu.memory_space<vmem>>, vector<16xf32>,
    %swap3A_317 = vector.shape_cast %swap3A_316 : vector<16xf32> to vector<16xf32>
    %swap3A_318 = vector.shape_cast %add3A_314 : vector<16xf32> to vector<16xf32>
    tpu.vector_store %arg11[%swap3A_315], %swap3A_318 {strides = array<i32>} : memref<256xf32, #tpu.memory_space<vmem>>, vector<16xf32>,
    %get3A_319 = arith.constant 208 : index
    %get3A_320 = tpu.vector_load %arg11[%get3A_319] {strides = array<i32>} : memref<256xf32, #tpu.memory_space<vmem>>, vector<16xf32>,
    %get3A_321 = vector.shape_cast %get3A_320 : vector<16xf32> to vector<16xf32>
    %add3A_322 = arith.addf %get3A_321, %scan3A_150#13 : vector<16xf32>
    %swap3A_323 = arith.constant 208 : index
    %swap3A_324 = tpu.vector_load %arg11[%swap3A_323] {strides = array<i32>} : memref<256xf32, #tpu.memory_space<vmem>>, vector<16xf32>,
    %swap3A_325 = vector.shape_cast %swap3A_324 : vector<16xf32> to vector<16xf32>
    %swap3A_326 = vector.shape_cast %add3A_322 : vector<16xf32> to vector<16xf32>
    tpu.vector_store %arg11[%swap3A_323], %swap3A_326 {strides = array<i32>} : memref<256xf32, #tpu.memory_space<vmem>>, vector<16xf32>,
    %get3A_327 = arith.constant 224 : index
    %get3A_328 = tpu.vector_load %arg11[%get3A_327] {strides = array<i32>} : memref<256xf32, #tpu.memory_space<vmem>>, vector<16xf32>,
    %get3A_329 = vector.shape_cast %get3A_328 : vector<16xf32> to vector<16xf32>
    %add3A_330 = arith.addf %get3A_329, %scan3A_150#14 : vector<16xf32>
    %swap3A_331 = arith.constant 224 : index
    %swap3A_332 = tpu.vector_load %arg11[%swap3A_331] {strides = array<i32>} : memref<256xf32, #tpu.memory_space<vmem>>, vector<16xf32>,
    %swap3A_333 = vector.shape_cast %swap3A_332 : vector<16xf32> to vector<16xf32>
    %swap3A_334 = vector.shape_cast %add3A_330 : vector<16xf32> to vector<16xf32>
    tpu.vector_store %arg11[%swap3A_331], %swap3A_334 {strides = array<i32>} : memref<256xf32, #tpu.memory_space<vmem>>, vector<16xf32>,
    %get3A_335 = arith.constant 240 : index
    %get3A_336 = tpu.vector_load %arg11[%get3A_335] {strides = array<i32>} : memref<256xf32, #tpu.memory_space<vmem>>, vector<16xf32>,
    %get3A_337 = vector.shape_cast %get3A_336 : vector<16xf32> to vector<16xf32>
    %add3A_338 = arith.addf %get3A_337, %scan3A_150#15 : vector<16xf32>
    %swap3A_339 = arith.constant 240 : index
    %swap3A_340 = tpu.vector_load %arg11[%swap3A_339] {strides = array<i32>} : memref<256xf32, #tpu.memory_space<vmem>>, vector<16xf32>,
    %swap3A_341 = vector.shape_cast %swap3A_340 : vector<16xf32> to vector<16xf32>
    %swap3A_342 = vector.shape_cast %add3A_338 : vector<16xf32> to vector<16xf32>
    tpu.vector_store %arg11[%swap3A_339], %swap3A_342 {strides = array<i32>} : memref<256xf32, #tpu.memory_space<vmem>>, vector<16xf32>,
    %add3A_343 = arith.constant 2960 : i32
    %add3A_344 = arith.addi %add3A_4, %add3A_343 : i32
    %dma_wait3A_345 = arith.constant 0 : i32
    %dma_wait3A_346 = tpu.memref_slice %arg2[%add3A_344, %dma_wait3A_345] : memref<160000x128xf32, #tpu.memory_space<hbm>> -> memref<40x128xf32, #tpu.memory_space<hbm>>
    %dma_wait3A_347 = arith.constant 0 : i32
    %dma_wait3A_348 = tpu.memref_slice %arg2[%add3A_344, %dma_wait3A_347] : memref<160000x128xf32, #tpu.memory_space<hbm>> -> memref<40x128xf32, #tpu.memory_space<hbm>>
    tpu.wait_dma2 semaphore(%arg12 : memref<!tpu.dma_semaphore, #tpu.memory_space<semaphore_mem>>) src(%dma_wait3A_348 : memref<40x128xf32, #tpu.memory_space<hbm>>) dst(%arg6 : memref<40x128xf32, #tpu.memory_space<vmem>>)
    %add3A_349 = arith.constant 2960 : i32
    %add3A_350 = arith.addi %add3A_4, %add3A_349 : i32
    %dma_wait3A_351 = arith.constant 0 : i32
    %dma_wait3A_352 = tpu.memref_slice %arg3[%add3A_350, %dma_wait3A_351] : memref<160000x256xf32, #tpu.memory_space<hbm>> -> memref<40x256xf32, #tpu.memory_space<hbm>>
    %dma_wait3A_353 = arith.constant 0 : i32
    %dma_wait3A_354 = tpu.memref_slice %arg3[%add3A_350, %dma_wait3A_353] : memref<160000x256xf32, #tpu.memory_space<hbm>> -> memref<40x256xf32, #tpu.memory_space<hbm>>
    tpu.wait_dma2 semaphore(%arg14 : memref<!tpu.dma_semaphore, #tpu.memory_space<semaphore_mem>>) src(%dma_wait3A_354 : memref<40x256xf32, #tpu.memory_space<hbm>>) dst(%arg8 : memref<40x256xf32, #tpu.memory_space<vmem>>)
    %scan3A_355 = arith.constant 0 : i32
    %scan3A_356 = arith.constant 8 : i32
    %scan3A_357 = arith.addi %scan3A_355, %scan3A_356 : i32
    %scan3A_358 = arith.constant 1 : i32
    %scan3A_359:8 = scf.for %scan3A_559 = %scan3A_355 to %scan3A_357 step %scan3A_358 iter_args(%scan3A_560 = %broadcast_in_dim3A_5, %scan3A_561 = %broadcast_in_dim3A_5, %scan3A_562 = %broadcast_in_dim3A_5, %scan3A_563 = %broadcast_in_dim3A_5, %scan3A_564 = %broadcast_in_dim3A_5, %scan3A_565 = %broadcast_in_dim3A_5, %scan3A_566 = %broadcast_in_dim3A_5, %scan3A_567 = %broadcast_in_dim3A_5) -> (vector<16xf32>, vector<16xf32>, vector<16xf32>, vector<16xf32>, vector<16xf32>, vector<16xf32>, vector<16xf32>, vector<16xf32>)  : i32 {
      %mul3A_568 = arith.constant 5 : i32
      %mul3A_569 = arith.muli %scan3A_559, %mul3A_568 : i32
      %add3A_570 = arith.constant 0 : i32
      %add3A_571 = arith.addi %mul3A_569, %add3A_570 : i32
      %get3A_572 = arith.index_cast %add3A_571 : i32 to index
      %get3A_573 = arith.constant 0 : index
      %get3A_574 = tpu.vector_load %arg6[%get3A_572, %get3A_573] {strides = array<i32>} : memref<40x128xf32, #tpu.memory_space<vmem>>, vector<1x16xf32>,
      %get3A_575 = vector.shape_cast %get3A_574 : vector<1x16xf32> to vector<16xf32>
      %add3A_576 = arith.addf %scan3A_560, %get3A_575 : vector<16xf32>
      %get3A_577 = arith.index_cast %add3A_571 : i32 to index
      %get3A_578 = arith.constant 16 : index
      %get3A_579 = tpu.vector_load %arg6[%get3A_577, %get3A_578] {strides = array<i32>} : memref<40x128xf32, #tpu.memory_space<vmem>>, vector<1x16xf32>,
      %get3A_580 = vector.shape_cast %get3A_579 : vector<1x16xf32> to vector<16xf32>
      %add3A_581 = arith.addf %scan3A_561, %get3A_580 : vector<16xf32>
      %get3A_582 = arith.index_cast %add3A_571 : i32 to index
      %get3A_583 = arith.constant 32 : index
      %get3A_584 = tpu.vector_load %arg6[%get3A_582, %get3A_583] {strides = array<i32>} : memref<40x128xf32, #tpu.memory_space<vmem>>, vector<1x16xf32>,
      %get3A_585 = vector.shape_cast %get3A_584 : vector<1x16xf32> to vector<16xf32>
      %add3A_586 = arith.addf %scan3A_562, %get3A_585 : vector<16xf32>
      %get3A_587 = arith.index_cast %add3A_571 : i32 to index
      %get3A_588 = arith.constant 48 : index
      %get3A_589 = tpu.vector_load %arg6[%get3A_587, %get3A_588] {strides = array<i32>} : memref<40x128xf32, #tpu.memory_space<vmem>>, vector<1x16xf32>,
      %get3A_590 = vector.shape_cast %get3A_589 : vector<1x16xf32> to vector<16xf32>
      %add3A_591 = arith.addf %scan3A_563, %get3A_590 : vector<16xf32>
      %get3A_592 = arith.index_cast %add3A_571 : i32 to index
      %get3A_593 = arith.constant 64 : index
      %get3A_594 = tpu.vector_load %arg6[%get3A_592, %get3A_593] {strides = array<i32>} : memref<40x128xf32, #tpu.memory_space<vmem>>, vector<1x16xf32>,
      %get3A_595 = vector.shape_cast %get3A_594 : vector<1x16xf32> to vector<16xf32>
      %add3A_596 = arith.addf %scan3A_564, %get3A_595 : vector<16xf32>
      %get3A_597 = arith.index_cast %add3A_571 : i32 to index
      %get3A_598 = arith.constant 80 : index
      %get3A_599 = tpu.vector_load %arg6[%get3A_597, %get3A_598] {strides = array<i32>} : memref<40x128xf32, #tpu.memory_space<vmem>>, vector<1x16xf32>,
      %get3A_600 = vector.shape_cast %get3A_599 : vector<1x16xf32> to vector<16xf32>
      %add3A_601 = arith.addf %scan3A_565, %get3A_600 : vector<16xf32>
      %get3A_602 = arith.index_cast %add3A_571 : i32 to index
      %get3A_603 = arith.constant 96 : index
      %get3A_604 = tpu.vector_load %arg6[%get3A_602, %get3A_603] {strides = array<i32>} : memref<40x128xf32, #tpu.memory_space<vmem>>, vector<1x16xf32>,
      %get3A_605 = vector.shape_cast %get3A_604 : vector<1x16xf32> to vector<16xf32>
      %add3A_606 = arith.addf %scan3A_566, %get3A_605 : vector<16xf32>
      %get3A_607 = arith.index_cast %add3A_571 : i32 to index
      %get3A_608 = arith.constant 112 : index
      %get3A_609 = tpu.vector_load %arg6[%get3A_607, %get3A_608] {strides = array<i32>} : memref<40x128xf32, #tpu.memory_space<vmem>>, vector<1x16xf32>,
      %get3A_610 = vector.shape_cast %get3A_609 : vector<1x16xf32> to vector<16xf32>
      %add3A_611 = arith.addf %scan3A_567, %get3A_610 : vector<16xf32>
      %mul3A_612 = arith.constant 5 : i32
      %mul3A_613 = arith.muli %scan3A_559, %mul3A_612 : i32
      %add3A_614 = arith.constant 1 : i32
      %add3A_615 = arith.addi %mul3A_613, %add3A_614 : i32
      %get3A_616 = arith.index_cast %add3A_615 : i32 to index
      %get3A_617 = arith.constant 0 : index
      %get3A_618 = tpu.vector_load %arg6[%get3A_616, %get3A_617] {strides = array<i32>} : memref<40x128xf32, #tpu.memory_space<vmem>>, vector<1x16xf32>,
      %get3A_619 = vector.shape_cast %get3A_618 : vector<1x16xf32> to vector<16xf32>
      %add3A_620 = arith.addf %add3A_576, %get3A_619 : vector<16xf32>
      %get3A_621 = arith.index_cast %add3A_615 : i32 to index
      %get3A_622 = arith.constant 16 : index
      %get3A_623 = tpu.vector_load %arg6[%get3A_621, %get3A_622] {strides = array<i32>} : memref<40x128xf32, #tpu.memory_space<vmem>>, vector<1x16xf32>,
      %get3A_624 = vector.shape_cast %get3A_623 : vector<1x16xf32> to vector<16xf32>
      %add3A_625 = arith.addf %add3A_581, %get3A_624 : vector<16xf32>
      %get3A_626 = arith.index_cast %add3A_615 : i32 to index
      %get3A_627 = arith.constant 32 : index
      %get3A_628 = tpu.vector_load %arg6[%get3A_626, %get3A_627] {strides = array<i32>} : memref<40x128xf32, #tpu.memory_space<vmem>>, vector<1x16xf32>,
      %get3A_629 = vector.shape_cast %get3A_628 : vector<1x16xf32> to vector<16xf32>
      %add3A_630 = arith.addf %add3A_586, %get3A_629 : vector<16xf32>
      %get3A_631 = arith.index_cast %add3A_615 : i32 to index
      %get3A_632 = arith.constant 48 : index
      %get3A_633 = tpu.vector_load %arg6[%get3A_631, %get3A_632] {strides = array<i32>} : memref<40x128xf32, #tpu.memory_space<vmem>>, vector<1x16xf32>,
      %get3A_634 = vector.shape_cast %get3A_633 : vector<1x16xf32> to vector<16xf32>
      %add3A_635 = arith.addf %add3A_591, %get3A_634 : vector<16xf32>
      %get3A_636 = arith.index_cast %add3A_615 : i32 to index
      %get3A_637 = arith.constant 64 : index
      %get3A_638 = tpu.vector_load %arg6[%get3A_636, %get3A_637] {strides = array<i32>} : memref<40x128xf32, #tpu.memory_space<vmem>>, vector<1x16xf32>,
      %get3A_639 = vector.shape_cast %get3A_638 : vector<1x16xf32> to vector<16xf32>
      %add3A_640 = arith.addf %add3A_596, %get3A_639 : vector<16xf32>
      %get3A_641 = arith.index_cast %add3A_615 : i32 to index
      %get3A_642 = arith.constant 80 : index
      %get3A_643 = tpu.vector_load %arg6[%get3A_641, %get3A_642] {strides = array<i32>} : memref<40x128xf32, #tpu.memory_space<vmem>>, vector<1x16xf32>,
      %get3A_644 = vector.shape_cast %get3A_643 : vector<1x16xf32> to vector<16xf32>
      %add3A_645 = arith.addf %add3A_601, %get3A_644 : vector<16xf32>
      %get3A_646 = arith.index_cast %add3A_615 : i32 to index
      %get3A_647 = arith.constant 96 : index
      %get3A_648 = tpu.vector_load %arg6[%get3A_646, %get3A_647] {strides = array<i32>} : memref<40x128xf32, #tpu.memory_space<vmem>>, vector<1x16xf32>,
      %get3A_649 = vector.shape_cast %get3A_648 : vector<1x16xf32> to vector<16xf32>
      %add3A_650 = arith.addf %add3A_606, %get3A_649 : vector<16xf32>
      %get3A_651 = arith.index_cast %add3A_615 : i32 to index
      %get3A_652 = arith.constant 112 : index
      %get3A_653 = tpu.vector_load %arg6[%get3A_651, %get3A_652] {strides = array<i32>} : memref<40x128xf32, #tpu.memory_space<vmem>>, vector<1x16xf32>,
      %get3A_654 = vector.shape_cast %get3A_653 : vector<1x16xf32> to vector<16xf32>
      %add3A_655 = arith.addf %add3A_611, %get3A_654 : vector<16xf32>
      %mul3A_656 = arith.constant 5 : i32
      %mul3A_657 = arith.muli %scan3A_559, %mul3A_656 : i32
      %add3A_658 = arith.constant 2 : i32
      %add3A_659 = arith.addi %mul3A_657, %add3A_658 : i32
      %get3A_660 = arith.index_cast %add3A_659 : i32 to index
      %get3A_661 = arith.constant 0 : index
      %get3A_662 = tpu.vector_load %arg6[%get3A_660, %get3A_661] {strides = array<i32>} : memref<40x128xf32, #tpu.memory_space<vmem>>, vector<1x16xf32>,
      %get3A_663 = vector.shape_cast %get3A_662 : vector<1x16xf32> to vector<16xf32>
      %add3A_664 = arith.addf %add3A_620, %get3A_663 : vector<16xf32>
      %get3A_665 = arith.index_cast %add3A_659 : i32 to index
      %get3A_666 = arith.constant 16 : index
      %get3A_667 = tpu.vector_load %arg6[%get3A_665, %get3A_666] {strides = array<i32>} : memref<40x128xf32, #tpu.memory_space<vmem>>, vector<1x16xf32>,
      %get3A_668 = vector.shape_cast %get3A_667 : vector<1x16xf32> to vector<16xf32>
      %add3A_669 = arith.addf %add3A_625, %get3A_668 : vector<16xf32>
      %get3A_670 = arith.index_cast %add3A_659 : i32 to index
      %get3A_671 = arith.constant 32 : index
      %get3A_672 = tpu.vector_load %arg6[%get3A_670, %get3A_671] {strides = array<i32>} : memref<40x128xf32, #tpu.memory_space<vmem>>, vector<1x16xf32>,
      %get3A_673 = vector.shape_cast %get3A_672 : vector<1x16xf32> to vector<16xf32>
      %add3A_674 = arith.addf %add3A_630, %get3A_673 : vector<16xf32>
      %get3A_675 = arith.index_cast %add3A_659 : i32 to index
      %get3A_676 = arith.constant 48 : index
      %get3A_677 = tpu.vector_load %arg6[%get3A_675, %get3A_676] {strides = array<i32>} : memref<40x128xf32, #tpu.memory_space<vmem>>, vector<1x16xf32>,
      %get3A_678 = vector.shape_cast %get3A_677 : vector<1x16xf32> to vector<16xf32>
      %add3A_679 = arith.addf %add3A_635, %get3A_678 : vector<16xf32>
      %get3A_680 = arith.index_cast %add3A_659 : i32 to index
      %get3A_681 = arith.constant 64 : index
      %get3A_682 = tpu.vector_load %arg6[%get3A_680, %get3A_681] {strides = array<i32>} : memref<40x128xf32, #tpu.memory_space<vmem>>, vector<1x16xf32>,
      %get3A_683 = vector.shape_cast %get3A_682 : vector<1x16xf32> to vector<16xf32>
      %add3A_684 = arith.addf %add3A_640, %get3A_683 : vector<16xf32>
      %get3A_685 = arith.index_cast %add3A_659 : i32 to index
      %get3A_686 = arith.constant 80 : index
      %get3A_687 = tpu.vector_load %arg6[%get3A_685, %get3A_686] {strides = array<i32>} : memref<40x128xf32, #tpu.memory_space<vmem>>, vector<1x16xf32>,
      %get3A_688 = vector.shape_cast %get3A_687 : vector<1x16xf32> to vector<16xf32>
      %add3A_689 = arith.addf %add3A_645, %get3A_688 : vector<16xf32>
      %get3A_690 = arith.index_cast %add3A_659 : i32 to index
      %get3A_691 = arith.constant 96 : index
      %get3A_692 = tpu.vector_load %arg6[%get3A_690, %get3A_691] {strides = array<i32>} : memref<40x128xf32, #tpu.memory_space<vmem>>, vector<1x16xf32>,
      %get3A_693 = vector.shape_cast %get3A_692 : vector<1x16xf32> to vector<16xf32>
      %add3A_694 = arith.addf %add3A_650, %get3A_693 : vector<16xf32>
      %get3A_695 = arith.index_cast %add3A_659 : i32 to index
      %get3A_696 = arith.constant 112 : index
      %get3A_697 = tpu.vector_load %arg6[%get3A_695, %get3A_696] {strides = array<i32>} : memref<40x128xf32, #tpu.memory_space<vmem>>, vector<1x16xf32>,
      %get3A_698 = vector.shape_cast %get3A_697 : vector<1x16xf32> to vector<16xf32>
      %add3A_699 = arith.addf %add3A_655, %get3A_698 : vector<16xf32>
      %mul3A_700 = arith.constant 5 : i32
      %mul3A_701 = arith.muli %scan3A_559, %mul3A_700 : i32
      %add3A_702 = arith.constant 3 : i32
      %add3A_703 = arith.addi %mul3A_701, %add3A_702 : i32
      %get3A_704 = arith.index_cast %add3A_703 : i32 to index
      %get3A_705 = arith.constant 0 : index
      %get3A_706 = tpu.vector_load %arg6[%get3A_704, %get3A_705] {strides = array<i32>} : memref<40x128xf32, #tpu.memory_space<vmem>>, vector<1x16xf32>,
      %get3A_707 = vector.shape_cast %get3A_706 : vector<1x16xf32> to vector<16xf32>
      %add3A_708 = arith.addf %add3A_664, %get3A_707 : vector<16xf32>
      %get3A_709 = arith.index_cast %add3A_703 : i32 to index
      %get3A_710 = arith.constant 16 : index
      %get3A_711 = tpu.vector_load %arg6[%get3A_709, %get3A_710] {strides = array<i32>} : memref<40x128xf32, #tpu.memory_space<vmem>>, vector<1x16xf32>,
      %get3A_712 = vector.shape_cast %get3A_711 : vector<1x16xf32> to vector<16xf32>
      %add3A_713 = arith.addf %add3A_669, %get3A_712 : vector<16xf32>
      %get3A_714 = arith.index_cast %add3A_703 : i32 to index
      %get3A_715 = arith.constant 32 : index
      %get3A_716 = tpu.vector_load %arg6[%get3A_714, %get3A_715] {strides = array<i32>} : memref<40x128xf32, #tpu.memory_space<vmem>>, vector<1x16xf32>,
      %get3A_717 = vector.shape_cast %get3A_716 : vector<1x16xf32> to vector<16xf32>
      %add3A_718 = arith.addf %add3A_674, %get3A_717 : vector<16xf32>
      %get3A_719 = arith.index_cast %add3A_703 : i32 to index
      %get3A_720 = arith.constant 48 : index
      %get3A_721 = tpu.vector_load %arg6[%get3A_719, %get3A_720] {strides = array<i32>} : memref<40x128xf32, #tpu.memory_space<vmem>>, vector<1x16xf32>,
      %get3A_722 = vector.shape_cast %get3A_721 : vector<1x16xf32> to vector<16xf32>
      %add3A_723 = arith.addf %add3A_679, %get3A_722 : vector<16xf32>
      %get3A_724 = arith.index_cast %add3A_703 : i32 to index
      %get3A_725 = arith.constant 64 : index
      %get3A_726 = tpu.vector_load %arg6[%get3A_724, %get3A_725] {strides = array<i32>} : memref<40x128xf32, #tpu.memory_space<vmem>>, vector<1x16xf32>,
      %get3A_727 = vector.shape_cast %get3A_726 : vector<1x16xf32> to vector<16xf32>
      %add3A_728 = arith.addf %add3A_684, %get3A_727 : vector<16xf32>
      %get3A_729 = arith.index_cast %add3A_703 : i32 to index
      %get3A_730 = arith.constant 80 : index
      %get3A_731 = tpu.vector_load %arg6[%get3A_729, %get3A_730] {strides = array<i32>} : memref<40x128xf32, #tpu.memory_space<vmem>>, vector<1x16xf32>,
      %get3A_732 = vector.shape_cast %get3A_731 : vector<1x16xf32> to vector<16xf32>
      %add3A_733 = arith.addf %add3A_689, %get3A_732 : vector<16xf32>
      %get3A_734 = arith.index_cast %add3A_703 : i32 to index
      %get3A_735 = arith.constant 96 : index
      %get3A_736 = tpu.vector_load %arg6[%get3A_734, %get3A_735] {strides = array<i32>} : memref<40x128xf32, #tpu.memory_space<vmem>>, vector<1x16xf32>,
      %get3A_737 = vector.shape_cast %get3A_736 : vector<1x16xf32> to vector<16xf32>
      %add3A_738 = arith.addf %add3A_694, %get3A_737 : vector<16xf32>
      %get3A_739 = arith.index_cast %add3A_703 : i32 to index
      %get3A_740 = arith.constant 112 : index
      %get3A_741 = tpu.vector_load %arg6[%get3A_739, %get3A_740] {strides = array<i32>} : memref<40x128xf32, #tpu.memory_space<vmem>>, vector<1x16xf32>,
      %get3A_742 = vector.shape_cast %get3A_741 : vector<1x16xf32> to vector<16xf32>
      %add3A_743 = arith.addf %add3A_699, %get3A_742 : vector<16xf32>
      %mul3A_744 = arith.constant 5 : i32
      %mul3A_745 = arith.muli %scan3A_559, %mul3A_744 : i32
      %add3A_746 = arith.constant 4 : i32
      %add3A_747 = arith.addi %mul3A_745, %add3A_746 : i32
      %get3A_748 = arith.index_cast %add3A_747 : i32 to index
      %get3A_749 = arith.constant 0 : index
      %get3A_750 = tpu.vector_load %arg6[%get3A_748, %get3A_749] {strides = array<i32>} : memref<40x128xf32, #tpu.memory_space<vmem>>, vector<1x16xf32>,
      %get3A_751 = vector.shape_cast %get3A_750 : vector<1x16xf32> to vector<16xf32>
      %add3A_752 = arith.addf %add3A_708, %get3A_751 : vector<16xf32>
      %get3A_753 = arith.index_cast %add3A_747 : i32 to index
      %get3A_754 = arith.constant 16 : index
      %get3A_755 = tpu.vector_load %arg6[%get3A_753, %get3A_754] {strides = array<i32>} : memref<40x128xf32, #tpu.memory_space<vmem>>, vector<1x16xf32>,
      %get3A_756 = vector.shape_cast %get3A_755 : vector<1x16xf32> to vector<16xf32>
      %add3A_757 = arith.addf %add3A_713, %get3A_756 : vector<16xf32>
      %get3A_758 = arith.index_cast %add3A_747 : i32 to index
      %get3A_759 = arith.constant 32 : index
      %get3A_760 = tpu.vector_load %arg6[%get3A_758, %get3A_759] {strides = array<i32>} : memref<40x128xf32, #tpu.memory_space<vmem>>, vector<1x16xf32>,
      %get3A_761 = vector.shape_cast %get3A_760 : vector<1x16xf32> to vector<16xf32>
      %add3A_762 = arith.addf %add3A_718, %get3A_761 : vector<16xf32>
      %get3A_763 = arith.index_cast %add3A_747 : i32 to index
      %get3A_764 = arith.constant 48 : index
      %get3A_765 = tpu.vector_load %arg6[%get3A_763, %get3A_764] {strides = array<i32>} : memref<40x128xf32, #tpu.memory_space<vmem>>, vector<1x16xf32>,
      %get3A_766 = vector.shape_cast %get3A_765 : vector<1x16xf32> to vector<16xf32>
      %add3A_767 = arith.addf %add3A_723, %get3A_766 : vector<16xf32>
      %get3A_768 = arith.index_cast %add3A_747 : i32 to index
      %get3A_769 = arith.constant 64 : index
      %get3A_770 = tpu.vector_load %arg6[%get3A_768, %get3A_769] {strides = array<i32>} : memref<40x128xf32, #tpu.memory_space<vmem>>, vector<1x16xf32>,
      %get3A_771 = vector.shape_cast %get3A_770 : vector<1x16xf32> to vector<16xf32>
      %add3A_772 = arith.addf %add3A_728, %get3A_771 : vector<16xf32>
      %get3A_773 = arith.index_cast %add3A_747 : i32 to index
      %get3A_774 = arith.constant 80 : index
      %get3A_775 = tpu.vector_load %arg6[%get3A_773, %get3A_774] {strides = array<i32>} : memref<40x128xf32, #tpu.memory_space<vmem>>, vector<1x16xf32>,
      %get3A_776 = vector.shape_cast %get3A_775 : vector<1x16xf32> to vector<16xf32>
      %add3A_777 = arith.addf %add3A_733, %get3A_776 : vector<16xf32>
      %get3A_778 = arith.index_cast %add3A_747 : i32 to index
      %get3A_779 = arith.constant 96 : index
      %get3A_780 = tpu.vector_load %arg6[%get3A_778, %get3A_779] {strides = array<i32>} : memref<40x128xf32, #tpu.memory_space<vmem>>, vector<1x16xf32>,
      %get3A_781 = vector.shape_cast %get3A_780 : vector<1x16xf32> to vector<16xf32>
      %add3A_782 = arith.addf %add3A_738, %get3A_781 : vector<16xf32>
      %get3A_783 = arith.index_cast %add3A_747 : i32 to index
      %get3A_784 = arith.constant 112 : index
      %get3A_785 = tpu.vector_load %arg6[%get3A_783, %get3A_784] {strides = array<i32>} : memref<40x128xf32, #tpu.memory_space<vmem>>, vector<1x16xf32>,
      %get3A_786 = vector.shape_cast %get3A_785 : vector<1x16xf32> to vector<16xf32>
      %add3A_787 = arith.addf %add3A_743, %get3A_786 : vector<16xf32>
      scf.yield %add3A_752, %add3A_757, %add3A_762, %add3A_767, %add3A_772, %add3A_777, %add3A_782, %add3A_787 : vector<16xf32>, vector<16xf32>, vector<16xf32>, vector<16xf32>, vector<16xf32>, vector<16xf32>, vector<16xf32>, vector<16xf32>
    }
    %scan3A_360 = arith.constant 8 : i32
    %scan3A_361 = arith.constant 0 : i32
    %scan3A_362 = arith.constant 8 : i32
    %scan3A_363 = arith.addi %scan3A_361, %scan3A_362 : i32
    %scan3A_364 = arith.constant 1 : i32
    %scan3A_365:16 = scf.for %scan3A_559 = %scan3A_361 to %scan3A_363 step %scan3A_364 iter_args(%scan3A_560 = %broadcast_in_dim3A_5, %scan3A_561 = %broadcast_in_dim3A_5, %scan3A_562 = %broadcast_in_dim3A_5, %scan3A_563 = %broadcast_in_dim3A_5, %scan3A_564 = %broadcast_in_dim3A_5, %scan3A_565 = %broadcast_in_dim3A_5, %scan3A_566 = %broadcast_in_dim3A_5, %scan3A_567 = %broadcast_in_dim3A_5, %scan3A_568 = %broadcast_in_dim3A_5, %scan3A_569 = %broadcast_in_dim3A_5, %scan3A_570 = %broadcast_in_dim3A_5, %scan3A_571 = %broadcast_in_dim3A_5, %scan3A_572 = %broadcast_in_dim3A_5, %scan3A_573 = %broadcast_in_dim3A_5, %scan3A_574 = %broadcast_in_dim3A_5, %scan3A_575 = %broadcast_in_dim3A_5) -> (vector<16xf32>, vector<16xf32>, vector<16xf32>, vector<16xf32>, vector<16xf32>, vector<16xf32>, vector<16xf32>, vector<16xf32>, vector<16xf32>, vector<16xf32>, vector<16xf32>, vector<16xf32>, vector<16xf32>, vector<16xf32>, vector<16xf32>, vector<16xf32>)  : i32 {
      %mul3A_576 = arith.constant 5 : i32
      %mul3A_577 = arith.muli %scan3A_559, %mul3A_576 : i32
      %add3A_578 = arith.constant 0 : i32
      %add3A_579 = arith.addi %mul3A_577, %add3A_578 : i32
      %get3A_580 = arith.index_cast %add3A_579 : i32 to index
      %get3A_581 = arith.constant 0 : index
      %get3A_582 = tpu.vector_load %arg8[%get3A_580, %get3A_581] {strides = array<i32>} : memref<40x256xf32, #tpu.memory_space<vmem>>, vector<1x16xf32>,
      %get3A_583 = vector.shape_cast %get3A_582 : vector<1x16xf32> to vector<16xf32>
      %add3A_584 = arith.addf %scan3A_560, %get3A_583 : vector<16xf32>
      %get3A_585 = arith.index_cast %add3A_579 : i32 to index
      %get3A_586 = arith.constant 16 : index
      %get3A_587 = tpu.vector_load %arg8[%get3A_585, %get3A_586] {strides = array<i32>} : memref<40x256xf32, #tpu.memory_space<vmem>>, vector<1x16xf32>,
      %get3A_588 = vector.shape_cast %get3A_587 : vector<1x16xf32> to vector<16xf32>
      %add3A_589 = arith.addf %scan3A_561, %get3A_588 : vector<16xf32>
      %get3A_590 = arith.index_cast %add3A_579 : i32 to index
      %get3A_591 = arith.constant 32 : index
      %get3A_592 = tpu.vector_load %arg8[%get3A_590, %get3A_591] {strides = array<i32>} : memref<40x256xf32, #tpu.memory_space<vmem>>, vector<1x16xf32>,
      %get3A_593 = vector.shape_cast %get3A_592 : vector<1x16xf32> to vector<16xf32>
      %add3A_594 = arith.addf %scan3A_562, %get3A_593 : vector<16xf32>
      %get3A_595 = arith.index_cast %add3A_579 : i32 to index
      %get3A_596 = arith.constant 48 : index
      %get3A_597 = tpu.vector_load %arg8[%get3A_595, %get3A_596] {strides = array<i32>} : memref<40x256xf32, #tpu.memory_space<vmem>>, vector<1x16xf32>,
      %get3A_598 = vector.shape_cast %get3A_597 : vector<1x16xf32> to vector<16xf32>
      %add3A_599 = arith.addf %scan3A_563, %get3A_598 : vector<16xf32>
      %get3A_600 = arith.index_cast %add3A_579 : i32 to index
      %get3A_601 = arith.constant 64 : index
      %get3A_602 = tpu.vector_load %arg8[%get3A_600, %get3A_601] {strides = array<i32>} : memref<40x256xf32, #tpu.memory_space<vmem>>, vector<1x16xf32>,
      %get3A_603 = vector.shape_cast %get3A_602 : vector<1x16xf32> to vector<16xf32>
      %add3A_604 = arith.addf %scan3A_564, %get3A_603 : vector<16xf32>
      %get3A_605 = arith.index_cast %add3A_579 : i32 to index
      %get3A_606 = arith.constant 80 : index
      %get3A_607 = tpu.vector_load %arg8[%get3A_605, %get3A_606] {strides = array<i32>} : memref<40x256xf32, #tpu.memory_space<vmem>>, vector<1x16xf32>,
      %get3A_608 = vector.shape_cast %get3A_607 : vector<1x16xf32> to vector<16xf32>
      %add3A_609 = arith.addf %scan3A_565, %get3A_608 : vector<16xf32>
      %get3A_610 = arith.index_cast %add3A_579 : i32 to index
      %get3A_611 = arith.constant 96 : index
      %get3A_612 = tpu.vector_load %arg8[%get3A_610, %get3A_611] {strides = array<i32>} : memref<40x256xf32, #tpu.memory_space<vmem>>, vector<1x16xf32>,
      %get3A_613 = vector.shape_cast %get3A_612 : vector<1x16xf32> to vector<16xf32>
      %add3A_614 = arith.addf %scan3A_566, %get3A_613 : vector<16xf32>
      %get3A_615 = arith.index_cast %add3A_579 : i32 to index
      %get3A_616 = arith.constant 112 : index
      %get3A_617 = tpu.vector_load %arg8[%get3A_615, %get3A_616] {strides = array<i32>} : memref<40x256xf32, #tpu.memory_space<vmem>>, vector<1x16xf32>,
      %get3A_618 = vector.shape_cast %get3A_617 : vector<1x16xf32> to vector<16xf32>
      %add3A_619 = arith.addf %scan3A_567, %get3A_618 : vector<16xf32>
      %get3A_620 = arith.index_cast %add3A_579 : i32 to index
      %get3A_621 = arith.constant 128 : index
      %get3A_622 = tpu.vector_load %arg8[%get3A_620, %get3A_621] {strides = array<i32>} : memref<40x256xf32, #tpu.memory_space<vmem>>, vector<1x16xf32>,
      %get3A_623 = vector.shape_cast %get3A_622 : vector<1x16xf32> to vector<16xf32>
      %add3A_624 = arith.addf %scan3A_568, %get3A_623 : vector<16xf32>
      %get3A_625 = arith.index_cast %add3A_579 : i32 to index
      %get3A_626 = arith.constant 144 : index
      %get3A_627 = tpu.vector_load %arg8[%get3A_625, %get3A_626] {strides = array<i32>} : memref<40x256xf32, #tpu.memory_space<vmem>>, vector<1x16xf32>,
      %get3A_628 = vector.shape_cast %get3A_627 : vector<1x16xf32> to vector<16xf32>
      %add3A_629 = arith.addf %scan3A_569, %get3A_628 : vector<16xf32>
      %get3A_630 = arith.index_cast %add3A_579 : i32 to index
      %get3A_631 = arith.constant 160 : index
      %get3A_632 = tpu.vector_load %arg8[%get3A_630, %get3A_631] {strides = array<i32>} : memref<40x256xf32, #tpu.memory_space<vmem>>, vector<1x16xf32>,
      %get3A_633 = vector.shape_cast %get3A_632 : vector<1x16xf32> to vector<16xf32>
      %add3A_634 = arith.addf %scan3A_570, %get3A_633 : vector<16xf32>
      %get3A_635 = arith.index_cast %add3A_579 : i32 to index
      %get3A_636 = arith.constant 176 : index
      %get3A_637 = tpu.vector_load %arg8[%get3A_635, %get3A_636] {strides = array<i32>} : memref<40x256xf32, #tpu.memory_space<vmem>>, vector<1x16xf32>,
      %get3A_638 = vector.shape_cast %get3A_637 : vector<1x16xf32> to vector<16xf32>
      %add3A_639 = arith.addf %scan3A_571, %get3A_638 : vector<16xf32>
      %get3A_640 = arith.index_cast %add3A_579 : i32 to index
      %get3A_641 = arith.constant 192 : index
      %get3A_642 = tpu.vector_load %arg8[%get3A_640, %get3A_641] {strides = array<i32>} : memref<40x256xf32, #tpu.memory_space<vmem>>, vector<1x16xf32>,
      %get3A_643 = vector.shape_cast %get3A_642 : vector<1x16xf32> to vector<16xf32>
      %add3A_644 = arith.addf %scan3A_572, %get3A_643 : vector<16xf32>
      %get3A_645 = arith.index_cast %add3A_579 : i32 to index
      %get3A_646 = arith.constant 208 : index
      %get3A_647 = tpu.vector_load %arg8[%get3A_645, %get3A_646] {strides = array<i32>} : memref<40x256xf32, #tpu.memory_space<vmem>>, vector<1x16xf32>,
      %get3A_648 = vector.shape_cast %get3A_647 : vector<1x16xf32> to vector<16xf32>
      %add3A_649 = arith.addf %scan3A_573, %get3A_648 : vector<16xf32>
      %get3A_650 = arith.index_cast %add3A_579 : i32 to index
      %get3A_651 = arith.constant 224 : index
      %get3A_652 = tpu.vector_load %arg8[%get3A_650, %get3A_651] {strides = array<i32>} : memref<40x256xf32, #tpu.memory_space<vmem>>, vector<1x16xf32>,
      %get3A_653 = vector.shape_cast %get3A_652 : vector<1x16xf32> to vector<16xf32>
      %add3A_654 = arith.addf %scan3A_574, %get3A_653 : vector<16xf32>
      %get3A_655 = arith.index_cast %add3A_579 : i32 to index
      %get3A_656 = arith.constant 240 : index
      %get3A_657 = tpu.vector_load %arg8[%get3A_655, %get3A_656] {strides = array<i32>} : memref<40x256xf32, #tpu.memory_space<vmem>>, vector<1x16xf32>,
      %get3A_658 = vector.shape_cast %get3A_657 : vector<1x16xf32> to vector<16xf32>
      %add3A_659 = arith.addf %scan3A_575, %get3A_658 : vector<16xf32>
      %mul3A_660 = arith.constant 5 : i32
      %mul3A_661 = arith.muli %scan3A_559, %mul3A_660 : i32
      %add3A_662 = arith.constant 1 : i32
      %add3A_663 = arith.addi %mul3A_661, %add3A_662 : i32
      %get3A_664 = arith.index_cast %add3A_663 : i32 to index
      %get3A_665 = arith.constant 0 : index
      %get3A_666 = tpu.vector_load %arg8[%get3A_664, %get3A_665] {strides = array<i32>} : memref<40x256xf32, #tpu.memory_space<vmem>>, vector<1x16xf32>,
      %get3A_667 = vector.shape_cast %get3A_666 : vector<1x16xf32> to vector<16xf32>
      %add3A_668 = arith.addf %add3A_584, %get3A_667 : vector<16xf32>
      %get3A_669 = arith.index_cast %add3A_663 : i32 to index
      %get3A_670 = arith.constant 16 : index
      %get3A_671 = tpu.vector_load %arg8[%get3A_669, %get3A_670] {strides = array<i32>} : memref<40x256xf32, #tpu.memory_space<vmem>>, vector<1x16xf32>,
      %get3A_672 = vector.shape_cast %get3A_671 : vector<1x16xf32> to vector<16xf32>
      %add3A_673 = arith.addf %add3A_589, %get3A_672 : vector<16xf32>
      %get3A_674 = arith.index_cast %add3A_663 : i32 to index
      %get3A_675 = arith.constant 32 : index
      %get3A_676 = tpu.vector_load %arg8[%get3A_674, %get3A_675] {strides = array<i32>} : memref<40x256xf32, #tpu.memory_space<vmem>>, vector<1x16xf32>,
      %get3A_677 = vector.shape_cast %get3A_676 : vector<1x16xf32> to vector<16xf32>
      %add3A_678 = arith.addf %add3A_594, %get3A_677 : vector<16xf32>
      %get3A_679 = arith.index_cast %add3A_663 : i32 to index
      %get3A_680 = arith.constant 48 : index
      %get3A_681 = tpu.vector_load %arg8[%get3A_679, %get3A_680] {strides = array<i32>} : memref<40x256xf32, #tpu.memory_space<vmem>>, vector<1x16xf32>,
      %get3A_682 = vector.shape_cast %get3A_681 : vector<1x16xf32> to vector<16xf32>
      %add3A_683 = arith.addf %add3A_599, %get3A_682 : vector<16xf32>
      %get3A_684 = arith.index_cast %add3A_663 : i32 to index
      %get3A_685 = arith.constant 64 : index
      %get3A_686 = tpu.vector_load %arg8[%get3A_684, %get3A_685] {strides = array<i32>} : memref<40x256xf32, #tpu.memory_space<vmem>>, vector<1x16xf32>,
      %get3A_687 = vector.shape_cast %get3A_686 : vector<1x16xf32> to vector<16xf32>
      %add3A_688 = arith.addf %add3A_604, %get3A_687 : vector<16xf32>
      %get3A_689 = arith.index_cast %add3A_663 : i32 to index
      %get3A_690 = arith.constant 80 : index
      %get3A_691 = tpu.vector_load %arg8[%get3A_689, %get3A_690] {strides = array<i32>} : memref<40x256xf32, #tpu.memory_space<vmem>>, vector<1x16xf32>,
      %get3A_692 = vector.shape_cast %get3A_691 : vector<1x16xf32> to vector<16xf32>
      %add3A_693 = arith.addf %add3A_609, %get3A_692 : vector<16xf32>
      %get3A_694 = arith.index_cast %add3A_663 : i32 to index
      %get3A_695 = arith.constant 96 : index
      %get3A_696 = tpu.vector_load %arg8[%get3A_694, %get3A_695] {strides = array<i32>} : memref<40x256xf32, #tpu.memory_space<vmem>>, vector<1x16xf32>,
      %get3A_697 = vector.shape_cast %get3A_696 : vector<1x16xf32> to vector<16xf32>
      %add3A_698 = arith.addf %add3A_614, %get3A_697 : vector<16xf32>
      %get3A_699 = arith.index_cast %add3A_663 : i32 to index
      %get3A_700 = arith.constant 112 : index
      %get3A_701 = tpu.vector_load %arg8[%get3A_699, %get3A_700] {strides = array<i32>} : memref<40x256xf32, #tpu.memory_space<vmem>>, vector<1x16xf32>,
      %get3A_702 = vector.shape_cast %get3A_701 : vector<1x16xf32> to vector<16xf32>
      %add3A_703 = arith.addf %add3A_619, %get3A_702 : vector<16xf32>
      %get3A_704 = arith.index_cast %add3A_663 : i32 to index
      %get3A_705 = arith.constant 128 : index
      %get3A_706 = tpu.vector_load %arg8[%get3A_704, %get3A_705] {strides = array<i32>} : memref<40x256xf32, #tpu.memory_space<vmem>>, vector<1x16xf32>,
      %get3A_707 = vector.shape_cast %get3A_706 : vector<1x16xf32> to vector<16xf32>
      %add3A_708 = arith.addf %add3A_624, %get3A_707 : vector<16xf32>
      %get3A_709 = arith.index_cast %add3A_663 : i32 to index
      %get3A_710 = arith.constant 144 : index
      %get3A_711 = tpu.vector_load %arg8[%get3A_709, %get3A_710] {strides = array<i32>} : memref<40x256xf32, #tpu.memory_space<vmem>>, vector<1x16xf32>,
      %get3A_712 = vector.shape_cast %get3A_711 : vector<1x16xf32> to vector<16xf32>
      %add3A_713 = arith.addf %add3A_629, %get3A_712 : vector<16xf32>
      %get3A_714 = arith.index_cast %add3A_663 : i32 to index
      %get3A_715 = arith.constant 160 : index
      %get3A_716 = tpu.vector_load %arg8[%get3A_714, %get3A_715] {strides = array<i32>} : memref<40x256xf32, #tpu.memory_space<vmem>>, vector<1x16xf32>,
      %get3A_717 = vector.shape_cast %get3A_716 : vector<1x16xf32> to vector<16xf32>
      %add3A_718 = arith.addf %add3A_634, %get3A_717 : vector<16xf32>
      %get3A_719 = arith.index_cast %add3A_663 : i32 to index
      %get3A_720 = arith.constant 176 : index
      %get3A_721 = tpu.vector_load %arg8[%get3A_719, %get3A_720] {strides = array<i32>} : memref<40x256xf32, #tpu.memory_space<vmem>>, vector<1x16xf32>,
      %get3A_722 = vector.shape_cast %get3A_721 : vector<1x16xf32> to vector<16xf32>
      %add3A_723 = arith.addf %add3A_639, %get3A_722 : vector<16xf32>
      %get3A_724 = arith.index_cast %add3A_663 : i32 to index
      %get3A_725 = arith.constant 192 : index
      %get3A_726 = tpu.vector_load %arg8[%get3A_724, %get3A_725] {strides = array<i32>} : memref<40x256xf32, #tpu.memory_space<vmem>>, vector<1x16xf32>,
      %get3A_727 = vector.shape_cast %get3A_726 : vector<1x16xf32> to vector<16xf32>
      %add3A_728 = arith.addf %add3A_644, %get3A_727 : vector<16xf32>
      %get3A_729 = arith.index_cast %add3A_663 : i32 to index
      %get3A_730 = arith.constant 208 : index
      %get3A_731 = tpu.vector_load %arg8[%get3A_729, %get3A_730] {strides = array<i32>} : memref<40x256xf32, #tpu.memory_space<vmem>>, vector<1x16xf32>,
      %get3A_732 = vector.shape_cast %get3A_731 : vector<1x16xf32> to vector<16xf32>
      %add3A_733 = arith.addf %add3A_649, %get3A_732 : vector<16xf32>
      %get3A_734 = arith.index_cast %add3A_663 : i32 to index
      %get3A_735 = arith.constant 224 : index
      %get3A_736 = tpu.vector_load %arg8[%get3A_734, %get3A_735] {strides = array<i32>} : memref<40x256xf32, #tpu.memory_space<vmem>>, vector<1x16xf32>,
      %get3A_737 = vector.shape_cast %get3A_736 : vector<1x16xf32> to vector<16xf32>
      %add3A_738 = arith.addf %add3A_654, %get3A_737 : vector<16xf32>
      %get3A_739 = arith.index_cast %add3A_663 : i32 to index
      %get3A_740 = arith.constant 240 : index
      %get3A_741 = tpu.vector_load %arg8[%get3A_739, %get3A_740] {strides = array<i32>} : memref<40x256xf32, #tpu.memory_space<vmem>>, vector<1x16xf32>,
      %get3A_742 = vector.shape_cast %get3A_741 : vector<1x16xf32> to vector<16xf32>
      %add3A_743 = arith.addf %add3A_659, %get3A_742 : vector<16xf32>
      %mul3A_744 = arith.constant 5 : i32
      %mul3A_745 = arith.muli %scan3A_559, %mul3A_744 : i32
      %add3A_746 = arith.constant 2 : i32
      %add3A_747 = arith.addi %mul3A_745, %add3A_746 : i32
      %get3A_748 = arith.index_cast %add3A_747 : i32 to index
      %get3A_749 = arith.constant 0 : index
      %get3A_750 = tpu.vector_load %arg8[%get3A_748, %get3A_749] {strides = array<i32>} : memref<40x256xf32, #tpu.memory_space<vmem>>, vector<1x16xf32>,
      %get3A_751 = vector.shape_cast %get3A_750 : vector<1x16xf32> to vector<16xf32>
      %add3A_752 = arith.addf %add3A_668, %get3A_751 : vector<16xf32>
      %get3A_753 = arith.index_cast %add3A_747 : i32 to index
      %get3A_754 = arith.constant 16 : index
      %get3A_755 = tpu.vector_load %arg8[%get3A_753, %get3A_754] {strides = array<i32>} : memref<40x256xf32, #tpu.memory_space<vmem>>, vector<1x16xf32>,
      %get3A_756 = vector.shape_cast %get3A_755 : vector<1x16xf32> to vector<16xf32>
      %add3A_757 = arith.addf %add3A_673, %get3A_756 : vector<16xf32>
      %get3A_758 = arith.index_cast %add3A_747 : i32 to index
      %get3A_759 = arith.constant 32 : index
      %get3A_760 = tpu.vector_load %arg8[%get3A_758, %get3A_759] {strides = array<i32>} : memref<40x256xf32, #tpu.memory_space<vmem>>, vector<1x16xf32>,
      %get3A_761 = vector.shape_cast %get3A_760 : vector<1x16xf32> to vector<16xf32>
      %add3A_762 = arith.addf %add3A_678, %get3A_761 : vector<16xf32>
      %get3A_763 = arith.index_cast %add3A_747 : i32 to index
      %get3A_764 = arith.constant 48 : index
      %get3A_765 = tpu.vector_load %arg8[%get3A_763, %get3A_764] {strides = array<i32>} : memref<40x256xf32, #tpu.memory_space<vmem>>, vector<1x16xf32>,
      %get3A_766 = vector.shape_cast %get3A_765 : vector<1x16xf32> to vector<16xf32>
      %add3A_767 = arith.addf %add3A_683, %get3A_766 : vector<16xf32>
      %get3A_768 = arith.index_cast %add3A_747 : i32 to index
      %get3A_769 = arith.constant 64 : index
      %get3A_770 = tpu.vector_load %arg8[%get3A_768, %get3A_769] {strides = array<i32>} : memref<40x256xf32, #tpu.memory_space<vmem>>, vector<1x16xf32>,
      %get3A_771 = vector.shape_cast %get3A_770 : vector<1x16xf32> to vector<16xf32>
      %add3A_772 = arith.addf %add3A_688, %get3A_771 : vector<16xf32>
      %get3A_773 = arith.index_cast %add3A_747 : i32 to index
      %get3A_774 = arith.constant 80 : index
      %get3A_775 = tpu.vector_load %arg8[%get3A_773, %get3A_774] {strides = array<i32>} : memref<40x256xf32, #tpu.memory_space<vmem>>, vector<1x16xf32>,
      %get3A_776 = vector.shape_cast %get3A_775 : vector<1x16xf32> to vector<16xf32>
      %add3A_777 = arith.addf %add3A_693, %get3A_776 : vector<16xf32>
      %get3A_778 = arith.index_cast %add3A_747 : i32 to index
      %get3A_779 = arith.constant 96 : index
      %get3A_780 = tpu.vector_load %arg8[%get3A_778, %get3A_779] {strides = array<i32>} : memref<40x256xf32, #tpu.memory_space<vmem>>, vector<1x16xf32>,
      %get3A_781 = vector.shape_cast %get3A_780 : vector<1x16xf32> to vector<16xf32>
      %add3A_782 = arith.addf %add3A_698, %get3A_781 : vector<16xf32>
      %get3A_783 = arith.index_cast %add3A_747 : i32 to index
      %get3A_784 = arith.constant 112 : index
      %get3A_785 = tpu.vector_load %arg8[%get3A_783, %get3A_784] {strides = array<i32>} : memref<40x256xf32, #tpu.memory_space<vmem>>, vector<1x16xf32>,
      %get3A_786 = vector.shape_cast %get3A_785 : vector<1x16xf32> to vector<16xf32>
      %add3A_787 = arith.addf %add3A_703, %get3A_786 : vector<16xf32>
      %get3A_788 = arith.index_cast %add3A_747 : i32 to index
      %get3A_789 = arith.constant 128 : index
      %get3A_790 = tpu.vector_load %arg8[%get3A_788, %get3A_789] {strides = array<i32>} : memref<40x256xf32, #tpu.memory_space<vmem>>, vector<1x16xf32>,
      %get3A_791 = vector.shape_cast %get3A_790 : vector<1x16xf32> to vector<16xf32>
      %add3A_792 = arith.addf %add3A_708, %get3A_791 : vector<16xf32>
      %get3A_793 = arith.index_cast %add3A_747 : i32 to index
      %get3A_794 = arith.constant 144 : index
      %get3A_795 = tpu.vector_load %arg8[%get3A_793, %get3A_794] {strides = array<i32>} : memref<40x256xf32, #tpu.memory_space<vmem>>, vector<1x16xf32>,
      %get3A_796 = vector.shape_cast %get3A_795 : vector<1x16xf32> to vector<16xf32>
      %add3A_797 = arith.addf %add3A_713, %get3A_796 : vector<16xf32>
      %get3A_798 = arith.index_cast %add3A_747 : i32 to index
      %get3A_799 = arith.constant 160 : index
      %get3A_800 = tpu.vector_load %arg8[%get3A_798, %get3A_799] {strides = array<i32>} : memref<40x256xf32, #tpu.memory_space<vmem>>, vector<1x16xf32>,
      %get3A_801 = vector.shape_cast %get3A_800 : vector<1x16xf32> to vector<16xf32>
      %add3A_802 = arith.addf %add3A_718, %get3A_801 : vector<16xf32>
      %get3A_803 = arith.index_cast %add3A_747 : i32 to index
      %get3A_804 = arith.constant 176 : index
      %get3A_805 = tpu.vector_load %arg8[%get3A_803, %get3A_804] {strides = array<i32>} : memref<40x256xf32, #tpu.memory_space<vmem>>, vector<1x16xf32>,
      %get3A_806 = vector.shape_cast %get3A_805 : vector<1x16xf32> to vector<16xf32>
      %add3A_807 = arith.addf %add3A_723, %get3A_806 : vector<16xf32>
      %get3A_808 = arith.index_cast %add3A_747 : i32 to index
      %get3A_809 = arith.constant 192 : index
      %get3A_810 = tpu.vector_load %arg8[%get3A_808, %get3A_809] {strides = array<i32>} : memref<40x256xf32, #tpu.memory_space<vmem>>, vector<1x16xf32>,
      %get3A_811 = vector.shape_cast %get3A_810 : vector<1x16xf32> to vector<16xf32>
      %add3A_812 = arith.addf %add3A_728, %get3A_811 : vector<16xf32>
      %get3A_813 = arith.index_cast %add3A_747 : i32 to index
      %get3A_814 = arith.constant 208 : index
      %get3A_815 = tpu.vector_load %arg8[%get3A_813, %get3A_814] {strides = array<i32>} : memref<40x256xf32, #tpu.memory_space<vmem>>, vector<1x16xf32>,
      %get3A_816 = vector.shape_cast %get3A_815 : vector<1x16xf32> to vector<16xf32>
      %add3A_817 = arith.addf %add3A_733, %get3A_816 : vector<16xf32>
      %get3A_818 = arith.index_cast %add3A_747 : i32 to index
      %get3A_819 = arith.constant 224 : index
      %get3A_820 = tpu.vector_load %arg8[%get3A_818, %get3A_819] {strides = array<i32>} : memref<40x256xf32, #tpu.memory_space<vmem>>, vector<1x16xf32>,
      %get3A_821 = vector.shape_cast %get3A_820 : vector<1x16xf32> to vector<16xf32>
      %add3A_822 = arith.addf %add3A_738, %get3A_821 : vector<16xf32>
      %get3A_823 = arith.index_cast %add3A_747 : i32 to index
      %get3A_824 = arith.constant 240 : index
      %get3A_825 = tpu.vector_load %arg8[%get3A_823, %get3A_824] {strides = array<i32>} : memref<40x256xf32, #tpu.memory_space<vmem>>, vector<1x16xf32>,
      %get3A_826 = vector.shape_cast %get3A_825 : vector<1x16xf32> to vector<16xf32>
      %add3A_827 = arith.addf %add3A_743, %get3A_826 : vector<16xf32>
      %mul3A_828 = arith.constant 5 : i32
      %mul3A_829 = arith.muli %scan3A_559, %mul3A_828 : i32
      %add3A_830 = arith.constant 3 : i32
      %add3A_831 = arith.addi %mul3A_829, %add3A_830 : i32
      %get3A_832 = arith.index_cast %add3A_831 : i32 to index
      %get3A_833 = arith.constant 0 : index
      %get3A_834 = tpu.vector_load %arg8[%get3A_832, %get3A_833] {strides = array<i32>} : memref<40x256xf32, #tpu.memory_space<vmem>>, vector<1x16xf32>,
      %get3A_835 = vector.shape_cast %get3A_834 : vector<1x16xf32> to vector<16xf32>
      %add3A_836 = arith.addf %add3A_752, %get3A_835 : vector<16xf32>
      %get3A_837 = arith.index_cast %add3A_831 : i32 to index
      %get3A_838 = arith.constant 16 : index
      %get3A_839 = tpu.vector_load %arg8[%get3A_837, %get3A_838] {strides = array<i32>} : memref<40x256xf32, #tpu.memory_space<vmem>>, vector<1x16xf32>,
      %get3A_840 = vector.shape_cast %get3A_839 : vector<1x16xf32> to vector<16xf32>
      %add3A_841 = arith.addf %add3A_757, %get3A_840 : vector<16xf32>
      %get3A_842 = arith.index_cast %add3A_831 : i32 to index
      %get3A_843 = arith.constant 32 : index
      %get3A_844 = tpu.vector_load %arg8[%get3A_842, %get3A_843] {strides = array<i32>} : memref<40x256xf32, #tpu.memory_space<vmem>>, vector<1x16xf32>,
      %get3A_845 = vector.shape_cast %get3A_844 : vector<1x16xf32> to vector<16xf32>
      %add3A_846 = arith.addf %add3A_762, %get3A_845 : vector<16xf32>
      %get3A_847 = arith.index_cast %add3A_831 : i32 to index
      %get3A_848 = arith.constant 48 : index
      %get3A_849 = tpu.vector_load %arg8[%get3A_847, %get3A_848] {strides = array<i32>} : memref<40x256xf32, #tpu.memory_space<vmem>>, vector<1x16xf32>,
      %get3A_850 = vector.shape_cast %get3A_849 : vector<1x16xf32> to vector<16xf32>
      %add3A_851 = arith.addf %add3A_767, %get3A_850 : vector<16xf32>
      %get3A_852 = arith.index_cast %add3A_831 : i32 to index
      %get3A_853 = arith.constant 64 : index
      %get3A_854 = tpu.vector_load %arg8[%get3A_852, %get3A_853] {strides = array<i32>} : memref<40x256xf32, #tpu.memory_space<vmem>>, vector<1x16xf32>,
      %get3A_855 = vector.shape_cast %get3A_854 : vector<1x16xf32> to vector<16xf32>
      %add3A_856 = arith.addf %add3A_772, %get3A_855 : vector<16xf32>
      %get3A_857 = arith.index_cast %add3A_831 : i32 to index
      %get3A_858 = arith.constant 80 : index
      %get3A_859 = tpu.vector_load %arg8[%get3A_857, %get3A_858] {strides = array<i32>} : memref<40x256xf32, #tpu.memory_space<vmem>>, vector<1x16xf32>,
      %get3A_860 = vector.shape_cast %get3A_859 : vector<1x16xf32> to vector<16xf32>
      %add3A_861 = arith.addf %add3A_777, %get3A_860 : vector<16xf32>
      %get3A_862 = arith.index_cast %add3A_831 : i32 to index
      %get3A_863 = arith.constant 96 : index
      %get3A_864 = tpu.vector_load %arg8[%get3A_862, %get3A_863] {strides = array<i32>} : memref<40x256xf32, #tpu.memory_space<vmem>>, vector<1x16xf32>,
      %get3A_865 = vector.shape_cast %get3A_864 : vector<1x16xf32> to vector<16xf32>
      %add3A_866 = arith.addf %add3A_782, %get3A_865 : vector<16xf32>
      %get3A_867 = arith.index_cast %add3A_831 : i32 to index
      %get3A_868 = arith.constant 112 : index
      %get3A_869 = tpu.vector_load %arg8[%get3A_867, %get3A_868] {strides = array<i32>} : memref<40x256xf32, #tpu.memory_space<vmem>>, vector<1x16xf32>,
      %get3A_870 = vector.shape_cast %get3A_869 : vector<1x16xf32> to vector<16xf32>
      %add3A_871 = arith.addf %add3A_787, %get3A_870 : vector<16xf32>
      %get3A_872 = arith.index_cast %add3A_831 : i32 to index
      %get3A_873 = arith.constant 128 : index
      %get3A_874 = tpu.vector_load %arg8[%get3A_872, %get3A_873] {strides = array<i32>} : memref<40x256xf32, #tpu.memory_space<vmem>>, vector<1x16xf32>,
      %get3A_875 = vector.shape_cast %get3A_874 : vector<1x16xf32> to vector<16xf32>
      %add3A_876 = arith.addf %add3A_792, %get3A_875 : vector<16xf32>
      %get3A_877 = arith.index_cast %add3A_831 : i32 to index
      %get3A_878 = arith.constant 144 : index
      %get3A_879 = tpu.vector_load %arg8[%get3A_877, %get3A_878] {strides = array<i32>} : memref<40x256xf32, #tpu.memory_space<vmem>>, vector<1x16xf32>,
      %get3A_880 = vector.shape_cast %get3A_879 : vector<1x16xf32> to vector<16xf32>
      %add3A_881 = arith.addf %add3A_797, %get3A_880 : vector<16xf32>
      %get3A_882 = arith.index_cast %add3A_831 : i32 to index
      %get3A_883 = arith.constant 160 : index
      %get3A_884 = tpu.vector_load %arg8[%get3A_882, %get3A_883] {strides = array<i32>} : memref<40x256xf32, #tpu.memory_space<vmem>>, vector<1x16xf32>,
      %get3A_885 = vector.shape_cast %get3A_884 : vector<1x16xf32> to vector<16xf32>
      %add3A_886 = arith.addf %add3A_802, %get3A_885 : vector<16xf32>
      %get3A_887 = arith.index_cast %add3A_831 : i32 to index
      %get3A_888 = arith.constant 176 : index
      %get3A_889 = tpu.vector_load %arg8[%get3A_887, %get3A_888] {strides = array<i32>} : memref<40x256xf32, #tpu.memory_space<vmem>>, vector<1x16xf32>,
      %get3A_890 = vector.shape_cast %get3A_889 : vector<1x16xf32> to vector<16xf32>
      %add3A_891 = arith.addf %add3A_807, %get3A_890 : vector<16xf32>
      %get3A_892 = arith.index_cast %add3A_831 : i32 to index
      %get3A_893 = arith.constant 192 : index
      %get3A_894 = tpu.vector_load %arg8[%get3A_892, %get3A_893] {strides = array<i32>} : memref<40x256xf32, #tpu.memory_space<vmem>>, vector<1x16xf32>,
      %get3A_895 = vector.shape_cast %get3A_894 : vector<1x16xf32> to vector<16xf32>
      %add3A_896 = arith.addf %add3A_812, %get3A_895 : vector<16xf32>
      %get3A_897 = arith.index_cast %add3A_831 : i32 to index
      %get3A_898 = arith.constant 208 : index
      %get3A_899 = tpu.vector_load %arg8[%get3A_897, %get3A_898] {strides = array<i32>} : memref<40x256xf32, #tpu.memory_space<vmem>>, vector<1x16xf32>,
      %get3A_900 = vector.shape_cast %get3A_899 : vector<1x16xf32> to vector<16xf32>
      %add3A_901 = arith.addf %add3A_817, %get3A_900 : vector<16xf32>
      %get3A_902 = arith.index_cast %add3A_831 : i32 to index
      %get3A_903 = arith.constant 224 : index
      %get3A_904 = tpu.vector_load %arg8[%get3A_902, %get3A_903] {strides = array<i32>} : memref<40x256xf32, #tpu.memory_space<vmem>>, vector<1x16xf32>,
      %get3A_905 = vector.shape_cast %get3A_904 : vector<1x16xf32> to vector<16xf32>
      %add3A_906 = arith.addf %add3A_822, %get3A_905 : vector<16xf32>
      %get3A_907 = arith.index_cast %add3A_831 : i32 to index
      %get3A_908 = arith.constant 240 : index
      %get3A_909 = tpu.vector_load %arg8[%get3A_907, %get3A_908] {strides = array<i32>} : memref<40x256xf32, #tpu.memory_space<vmem>>, vector<1x16xf32>,
      %get3A_910 = vector.shape_cast %get3A_909 : vector<1x16xf32> to vector<16xf32>
      %add3A_911 = arith.addf %add3A_827, %get3A_910 : vector<16xf32>
      %mul3A_912 = arith.constant 5 : i32
      %mul3A_913 = arith.muli %scan3A_559, %mul3A_912 : i32
      %add3A_914 = arith.constant 4 : i32
      %add3A_915 = arith.addi %mul3A_913, %add3A_914 : i32
      %get3A_916 = arith.index_cast %add3A_915 : i32 to index
      %get3A_917 = arith.constant 0 : index
      %get3A_918 = tpu.vector_load %arg8[%get3A_916, %get3A_917] {strides = array<i32>} : memref<40x256xf32, #tpu.memory_space<vmem>>, vector<1x16xf32>,
      %get3A_919 = vector.shape_cast %get3A_918 : vector<1x16xf32> to vector<16xf32>
      %add3A_920 = arith.addf %add3A_836, %get3A_919 : vector<16xf32>
      %get3A_921 = arith.index_cast %add3A_915 : i32 to index
      %get3A_922 = arith.constant 16 : index
      %get3A_923 = tpu.vector_load %arg8[%get3A_921, %get3A_922] {strides = array<i32>} : memref<40x256xf32, #tpu.memory_space<vmem>>, vector<1x16xf32>,
      %get3A_924 = vector.shape_cast %get3A_923 : vector<1x16xf32> to vector<16xf32>
      %add3A_925 = arith.addf %add3A_841, %get3A_924 : vector<16xf32>
      %get3A_926 = arith.index_cast %add3A_915 : i32 to index
      %get3A_927 = arith.constant 32 : index
      %get3A_928 = tpu.vector_load %arg8[%get3A_926, %get3A_927] {strides = array<i32>} : memref<40x256xf32, #tpu.memory_space<vmem>>, vector<1x16xf32>,
      %get3A_929 = vector.shape_cast %get3A_928 : vector<1x16xf32> to vector<16xf32>
      %add3A_930 = arith.addf %add3A_846, %get3A_929 : vector<16xf32>
      %get3A_931 = arith.index_cast %add3A_915 : i32 to index
      %get3A_932 = arith.constant 48 : index
      %get3A_933 = tpu.vector_load %arg8[%get3A_931, %get3A_932] {strides = array<i32>} : memref<40x256xf32, #tpu.memory_space<vmem>>, vector<1x16xf32>,
      %get3A_934 = vector.shape_cast %get3A_933 : vector<1x16xf32> to vector<16xf32>
      %add3A_935 = arith.addf %add3A_851, %get3A_934 : vector<16xf32>
      %get3A_936 = arith.index_cast %add3A_915 : i32 to index
      %get3A_937 = arith.constant 64 : index
      %get3A_938 = tpu.vector_load %arg8[%get3A_936, %get3A_937] {strides = array<i32>} : memref<40x256xf32, #tpu.memory_space<vmem>>, vector<1x16xf32>,
      %get3A_939 = vector.shape_cast %get3A_938 : vector<1x16xf32> to vector<16xf32>
      %add3A_940 = arith.addf %add3A_856, %get3A_939 : vector<16xf32>
      %get3A_941 = arith.index_cast %add3A_915 : i32 to index
      %get3A_942 = arith.constant 80 : index
      %get3A_943 = tpu.vector_load %arg8[%get3A_941, %get3A_942] {strides = array<i32>} : memref<40x256xf32, #tpu.memory_space<vmem>>, vector<1x16xf32>,
      %get3A_944 = vector.shape_cast %get3A_943 : vector<1x16xf32> to vector<16xf32>
      %add3A_945 = arith.addf %add3A_861, %get3A_944 : vector<16xf32>
      %get3A_946 = arith.index_cast %add3A_915 : i32 to index
      %get3A_947 = arith.constant 96 : index
      %get3A_948 = tpu.vector_load %arg8[%get3A_946, %get3A_947] {strides = array<i32>} : memref<40x256xf32, #tpu.memory_space<vmem>>, vector<1x16xf32>,
      %get3A_949 = vector.shape_cast %get3A_948 : vector<1x16xf32> to vector<16xf32>
      %add3A_950 = arith.addf %add3A_866, %get3A_949 : vector<16xf32>
      %get3A_951 = arith.index_cast %add3A_915 : i32 to index
      %get3A_952 = arith.constant 112 : index
      %get3A_953 = tpu.vector_load %arg8[%get3A_951, %get3A_952] {strides = array<i32>} : memref<40x256xf32, #tpu.memory_space<vmem>>, vector<1x16xf32>,
      %get3A_954 = vector.shape_cast %get3A_953 : vector<1x16xf32> to vector<16xf32>
      %add3A_955 = arith.addf %add3A_871, %get3A_954 : vector<16xf32>
      %get3A_956 = arith.index_cast %add3A_915 : i32 to index
      %get3A_957 = arith.constant 128 : index
      %get3A_958 = tpu.vector_load %arg8[%get3A_956, %get3A_957] {strides = array<i32>} : memref<40x256xf32, #tpu.memory_space<vmem>>, vector<1x16xf32>,
      %get3A_959 = vector.shape_cast %get3A_958 : vector<1x16xf32> to vector<16xf32>
      %add3A_960 = arith.addf %add3A_876, %get3A_959 : vector<16xf32>
      %get3A_961 = arith.index_cast %add3A_915 : i32 to index
      %get3A_962 = arith.constant 144 : index
      %get3A_963 = tpu.vector_load %arg8[%get3A_961, %get3A_962] {strides = array<i32>} : memref<40x256xf32, #tpu.memory_space<vmem>>, vector<1x16xf32>,
      %get3A_964 = vector.shape_cast %get3A_963 : vector<1x16xf32> to vector<16xf32>
      %add3A_965 = arith.addf %add3A_881, %get3A_964 : vector<16xf32>
      %get3A_966 = arith.index_cast %add3A_915 : i32 to index
      %get3A_967 = arith.constant 160 : index
      %get3A_968 = tpu.vector_load %arg8[%get3A_966, %get3A_967] {strides = array<i32>} : memref<40x256xf32, #tpu.memory_space<vmem>>, vector<1x16xf32>,
      %get3A_969 = vector.shape_cast %get3A_968 : vector<1x16xf32> to vector<16xf32>
      %add3A_970 = arith.addf %add3A_886, %get3A_969 : vector<16xf32>
      %get3A_971 = arith.index_cast %add3A_915 : i32 to index
      %get3A_972 = arith.constant 176 : index
      %get3A_973 = tpu.vector_load %arg8[%get3A_971, %get3A_972] {strides = array<i32>} : memref<40x256xf32, #tpu.memory_space<vmem>>, vector<1x16xf32>,
      %get3A_974 = vector.shape_cast %get3A_973 : vector<1x16xf32> to vector<16xf32>
      %add3A_975 = arith.addf %add3A_891, %get3A_974 : vector<16xf32>
      %get3A_976 = arith.index_cast %add3A_915 : i32 to index
      %get3A_977 = arith.constant 192 : index
      %get3A_978 = tpu.vector_load %arg8[%get3A_976, %get3A_977] {strides = array<i32>} : memref<40x256xf32, #tpu.memory_space<vmem>>, vector<1x16xf32>,
      %get3A_979 = vector.shape_cast %get3A_978 : vector<1x16xf32> to vector<16xf32>
      %add3A_980 = arith.addf %add3A_896, %get3A_979 : vector<16xf32>
      %get3A_981 = arith.index_cast %add3A_915 : i32 to index
      %get3A_982 = arith.constant 208 : index
      %get3A_983 = tpu.vector_load %arg8[%get3A_981, %get3A_982] {strides = array<i32>} : memref<40x256xf32, #tpu.memory_space<vmem>>, vector<1x16xf32>,
      %get3A_984 = vector.shape_cast %get3A_983 : vector<1x16xf32> to vector<16xf32>
      %add3A_985 = arith.addf %add3A_901, %get3A_984 : vector<16xf32>
      %get3A_986 = arith.index_cast %add3A_915 : i32 to index
      %get3A_987 = arith.constant 224 : index
      %get3A_988 = tpu.vector_load %arg8[%get3A_986, %get3A_987] {strides = array<i32>} : memref<40x256xf32, #tpu.memory_space<vmem>>, vector<1x16xf32>,
      %get3A_989 = vector.shape_cast %get3A_988 : vector<1x16xf32> to vector<16xf32>
      %add3A_990 = arith.addf %add3A_906, %get3A_989 : vector<16xf32>
      %get3A_991 = arith.index_cast %add3A_915 : i32 to index
      %get3A_992 = arith.constant 240 : index
      %get3A_993 = tpu.vector_load %arg8[%get3A_991, %get3A_992] {strides = array<i32>} : memref<40x256xf32, #tpu.memory_space<vmem>>, vector<1x16xf32>,
      %get3A_994 = vector.shape_cast %get3A_993 : vector<1x16xf32> to vector<16xf32>
      %add3A_995 = arith.addf %add3A_911, %get3A_994 : vector<16xf32>
      scf.yield %add3A_920, %add3A_925, %add3A_930, %add3A_935, %add3A_940, %add3A_945, %add3A_950, %add3A_955, %add3A_960, %add3A_965, %add3A_970, %add3A_975, %add3A_980, %add3A_985, %add3A_990, %add3A_995 : vector<16xf32>, vector<16xf32>, vector<16xf32>, vector<16xf32>, vector<16xf32>, vector<16xf32>, vector<16xf32>, vector<16xf32>, vector<16xf32>, vector<16xf32>, vector<16xf32>, vector<16xf32>, vector<16xf32>, vector<16xf32>, vector<16xf32>, vector<16xf32>
    }
    %scan3A_366 = arith.constant 8 : i32
    %get3A_367 = arith.constant 0 : index
    %get3A_368 = tpu.vector_load %arg10[%get3A_367] {strides = array<i32>} : memref<128xf32, #tpu.memory_space<vmem>>, vector<16xf32>,
    %get3A_369 = vector.shape_cast %get3A_368 : vector<16xf32> to vector<16xf32>
    %add3A_370 = arith.addf %get3A_369, %scan3A_359#0 : vector<16xf32>
    %swap3A_371 = arith.constant 0 : index
    %swap3A_372 = tpu.vector_load %arg10[%swap3A_371] {strides = array<i32>} : memref<128xf32, #tpu.memory_space<vmem>>, vector<16xf32>,
    %swap3A_373 = vector.shape_cast %swap3A_372 : vector<16xf32> to vector<16xf32>
    %swap3A_374 = vector.shape_cast %add3A_370 : vector<16xf32> to vector<16xf32>
    tpu.vector_store %arg10[%swap3A_371], %swap3A_374 {strides = array<i32>} : memref<128xf32, #tpu.memory_space<vmem>>, vector<16xf32>,
    %get3A_375 = arith.constant 16 : index
    %get3A_376 = tpu.vector_load %arg10[%get3A_375] {strides = array<i32>} : memref<128xf32, #tpu.memory_space<vmem>>, vector<16xf32>,
    %get3A_377 = vector.shape_cast %get3A_376 : vector<16xf32> to vector<16xf32>
    %add3A_378 = arith.addf %get3A_377, %scan3A_359#1 : vector<16xf32>
    %swap3A_379 = arith.constant 16 : index
    %swap3A_380 = tpu.vector_load %arg10[%swap3A_379] {strides = array<i32>} : memref<128xf32, #tpu.memory_space<vmem>>, vector<16xf32>,
    %swap3A_381 = vector.shape_cast %swap3A_380 : vector<16xf32> to vector<16xf32>
    %swap3A_382 = vector.shape_cast %add3A_378 : vector<16xf32> to vector<16xf32>
    tpu.vector_store %arg10[%swap3A_379], %swap3A_382 {strides = array<i32>} : memref<128xf32, #tpu.memory_space<vmem>>, vector<16xf32>,
    %get3A_383 = arith.constant 32 : index
    %get3A_384 = tpu.vector_load %arg10[%get3A_383] {strides = array<i32>} : memref<128xf32, #tpu.memory_space<vmem>>, vector<16xf32>,
    %get3A_385 = vector.shape_cast %get3A_384 : vector<16xf32> to vector<16xf32>
    %add3A_386 = arith.addf %get3A_385, %scan3A_359#2 : vector<16xf32>
    %swap3A_387 = arith.constant 32 : index
    %swap3A_388 = tpu.vector_load %arg10[%swap3A_387] {strides = array<i32>} : memref<128xf32, #tpu.memory_space<vmem>>, vector<16xf32>,
    %swap3A_389 = vector.shape_cast %swap3A_388 : vector<16xf32> to vector<16xf32>
    %swap3A_390 = vector.shape_cast %add3A_386 : vector<16xf32> to vector<16xf32>
    tpu.vector_store %arg10[%swap3A_387], %swap3A_390 {strides = array<i32>} : memref<128xf32, #tpu.memory_space<vmem>>, vector<16xf32>,
    %get3A_391 = arith.constant 48 : index
    %get3A_392 = tpu.vector_load %arg10[%get3A_391] {strides = array<i32>} : memref<128xf32, #tpu.memory_space<vmem>>, vector<16xf32>,
    %get3A_393 = vector.shape_cast %get3A_392 : vector<16xf32> to vector<16xf32>
    %add3A_394 = arith.addf %get3A_393, %scan3A_359#3 : vector<16xf32>
    %swap3A_395 = arith.constant 48 : index
    %swap3A_396 = tpu.vector_load %arg10[%swap3A_395] {strides = array<i32>} : memref<128xf32, #tpu.memory_space<vmem>>, vector<16xf32>,
    %swap3A_397 = vector.shape_cast %swap3A_396 : vector<16xf32> to vector<16xf32>
    %swap3A_398 = vector.shape_cast %add3A_394 : vector<16xf32> to vector<16xf32>
    tpu.vector_store %arg10[%swap3A_395], %swap3A_398 {strides = array<i32>} : memref<128xf32, #tpu.memory_space<vmem>>, vector<16xf32>,
    %get3A_399 = arith.constant 64 : index
    %get3A_400 = tpu.vector_load %arg10[%get3A_399] {strides = array<i32>} : memref<128xf32, #tpu.memory_space<vmem>>, vector<16xf32>,
    %get3A_401 = vector.shape_cast %get3A_400 : vector<16xf32> to vector<16xf32>
    %add3A_402 = arith.addf %get3A_401, %scan3A_359#4 : vector<16xf32>
    %swap3A_403 = arith.constant 64 : index
    %swap3A_404 = tpu.vector_load %arg10[%swap3A_403] {strides = array<i32>} : memref<128xf32, #tpu.memory_space<vmem>>, vector<16xf32>,
    %swap3A_405 = vector.shape_cast %swap3A_404 : vector<16xf32> to vector<16xf32>
    %swap3A_406 = vector.shape_cast %add3A_402 : vector<16xf32> to vector<16xf32>
    tpu.vector_store %arg10[%swap3A_403], %swap3A_406 {strides = array<i32>} : memref<128xf32, #tpu.memory_space<vmem>>, vector<16xf32>,
    %get3A_407 = arith.constant 80 : index
    %get3A_408 = tpu.vector_load %arg10[%get3A_407] {strides = array<i32>} : memref<128xf32, #tpu.memory_space<vmem>>, vector<16xf32>,
    %get3A_409 = vector.shape_cast %get3A_408 : vector<16xf32> to vector<16xf32>
    %add3A_410 = arith.addf %get3A_409, %scan3A_359#5 : vector<16xf32>
    %swap3A_411 = arith.constant 80 : index
    %swap3A_412 = tpu.vector_load %arg10[%swap3A_411] {strides = array<i32>} : memref<128xf32, #tpu.memory_space<vmem>>, vector<16xf32>,
    %swap3A_413 = vector.shape_cast %swap3A_412 : vector<16xf32> to vector<16xf32>
    %swap3A_414 = vector.shape_cast %add3A_410 : vector<16xf32> to vector<16xf32>
    tpu.vector_store %arg10[%swap3A_411], %swap3A_414 {strides = array<i32>} : memref<128xf32, #tpu.memory_space<vmem>>, vector<16xf32>,
    %get3A_415 = arith.constant 96 : index
    %get3A_416 = tpu.vector_load %arg10[%get3A_415] {strides = array<i32>} : memref<128xf32, #tpu.memory_space<vmem>>, vector<16xf32>,
    %get3A_417 = vector.shape_cast %get3A_416 : vector<16xf32> to vector<16xf32>
    %add3A_418 = arith.addf %get3A_417, %scan3A_359#6 : vector<16xf32>
    %swap3A_419 = arith.constant 96 : index
    %swap3A_420 = tpu.vector_load %arg10[%swap3A_419] {strides = array<i32>} : memref<128xf32, #tpu.memory_space<vmem>>, vector<16xf32>,
    %swap3A_421 = vector.shape_cast %swap3A_420 : vector<16xf32> to vector<16xf32>
    %swap3A_422 = vector.shape_cast %add3A_418 : vector<16xf32> to vector<16xf32>
    tpu.vector_store %arg10[%swap3A_419], %swap3A_422 {strides = array<i32>} : memref<128xf32, #tpu.memory_space<vmem>>, vector<16xf32>,
    %get3A_423 = arith.constant 112 : index
    %get3A_424 = tpu.vector_load %arg10[%get3A_423] {strides = array<i32>} : memref<128xf32, #tpu.memory_space<vmem>>, vector<16xf32>,
    %get3A_425 = vector.shape_cast %get3A_424 : vector<16xf32> to vector<16xf32>
    %add3A_426 = arith.addf %get3A_425, %scan3A_359#7 : vector<16xf32>
    %swap3A_427 = arith.constant 112 : index
    %swap3A_428 = tpu.vector_load %arg10[%swap3A_427] {strides = array<i32>} : memref<128xf32, #tpu.memory_space<vmem>>, vector<16xf32>,
    %swap3A_429 = vector.shape_cast %swap3A_428 : vector<16xf32> to vector<16xf32>
    %swap3A_430 = vector.shape_cast %add3A_426 : vector<16xf32> to vector<16xf32>
    tpu.vector_store %arg10[%swap3A_427], %swap3A_430 {strides = array<i32>} : memref<128xf32, #tpu.memory_space<vmem>>, vector<16xf32>,
    %get3A_431 = arith.constant 0 : index
    %get3A_432 = tpu.vector_load %arg11[%get3A_431] {strides = array<i32>} : memref<256xf32, #tpu.memory_space<vmem>>, vector<16xf32>,
    %get3A_433 = vector.shape_cast %get3A_432 : vector<16xf32> to vector<16xf32>
    %add3A_434 = arith.addf %get3A_433, %scan3A_365#0 : vector<16xf32>
    %swap3A_435 = arith.constant 0 : index
    %swap3A_436 = tpu.vector_load %arg11[%swap3A_435] {strides = array<i32>} : memref<256xf32, #tpu.memory_space<vmem>>, vector<16xf32>,
    %swap3A_437 = vector.shape_cast %swap3A_436 : vector<16xf32> to vector<16xf32>
    %swap3A_438 = vector.shape_cast %add3A_434 : vector<16xf32> to vector<16xf32>
    tpu.vector_store %arg11[%swap3A_435], %swap3A_438 {strides = array<i32>} : memref<256xf32, #tpu.memory_space<vmem>>, vector<16xf32>,
    %get3A_439 = arith.constant 16 : index
    %get3A_440 = tpu.vector_load %arg11[%get3A_439] {strides = array<i32>} : memref<256xf32, #tpu.memory_space<vmem>>, vector<16xf32>,
    %get3A_441 = vector.shape_cast %get3A_440 : vector<16xf32> to vector<16xf32>
    %add3A_442 = arith.addf %get3A_441, %scan3A_365#1 : vector<16xf32>
    %swap3A_443 = arith.constant 16 : index
    %swap3A_444 = tpu.vector_load %arg11[%swap3A_443] {strides = array<i32>} : memref<256xf32, #tpu.memory_space<vmem>>, vector<16xf32>,
    %swap3A_445 = vector.shape_cast %swap3A_444 : vector<16xf32> to vector<16xf32>
    %swap3A_446 = vector.shape_cast %add3A_442 : vector<16xf32> to vector<16xf32>
    tpu.vector_store %arg11[%swap3A_443], %swap3A_446 {strides = array<i32>} : memref<256xf32, #tpu.memory_space<vmem>>, vector<16xf32>,
    %get3A_447 = arith.constant 32 : index
    %get3A_448 = tpu.vector_load %arg11[%get3A_447] {strides = array<i32>} : memref<256xf32, #tpu.memory_space<vmem>>, vector<16xf32>,
    %get3A_449 = vector.shape_cast %get3A_448 : vector<16xf32> to vector<16xf32>
    %add3A_450 = arith.addf %get3A_449, %scan3A_365#2 : vector<16xf32>
    %swap3A_451 = arith.constant 32 : index
    %swap3A_452 = tpu.vector_load %arg11[%swap3A_451] {strides = array<i32>} : memref<256xf32, #tpu.memory_space<vmem>>, vector<16xf32>,
    %swap3A_453 = vector.shape_cast %swap3A_452 : vector<16xf32> to vector<16xf32>
    %swap3A_454 = vector.shape_cast %add3A_450 : vector<16xf32> to vector<16xf32>
    tpu.vector_store %arg11[%swap3A_451], %swap3A_454 {strides = array<i32>} : memref<256xf32, #tpu.memory_space<vmem>>, vector<16xf32>,
    %get3A_455 = arith.constant 48 : index
    %get3A_456 = tpu.vector_load %arg11[%get3A_455] {strides = array<i32>} : memref<256xf32, #tpu.memory_space<vmem>>, vector<16xf32>,
    %get3A_457 = vector.shape_cast %get3A_456 : vector<16xf32> to vector<16xf32>
    %add3A_458 = arith.addf %get3A_457, %scan3A_365#3 : vector<16xf32>
    %swap3A_459 = arith.constant 48 : index
    %swap3A_460 = tpu.vector_load %arg11[%swap3A_459] {strides = array<i32>} : memref<256xf32, #tpu.memory_space<vmem>>, vector<16xf32>,
    %swap3A_461 = vector.shape_cast %swap3A_460 : vector<16xf32> to vector<16xf32>
    %swap3A_462 = vector.shape_cast %add3A_458 : vector<16xf32> to vector<16xf32>
    tpu.vector_store %arg11[%swap3A_459], %swap3A_462 {strides = array<i32>} : memref<256xf32, #tpu.memory_space<vmem>>, vector<16xf32>,
    %get3A_463 = arith.constant 64 : index
    %get3A_464 = tpu.vector_load %arg11[%get3A_463] {strides = array<i32>} : memref<256xf32, #tpu.memory_space<vmem>>, vector<16xf32>,
    %get3A_465 = vector.shape_cast %get3A_464 : vector<16xf32> to vector<16xf32>
    %add3A_466 = arith.addf %get3A_465, %scan3A_365#4 : vector<16xf32>
    %swap3A_467 = arith.constant 64 : index
    %swap3A_468 = tpu.vector_load %arg11[%swap3A_467] {strides = array<i32>} : memref<256xf32, #tpu.memory_space<vmem>>, vector<16xf32>,
    %swap3A_469 = vector.shape_cast %swap3A_468 : vector<16xf32> to vector<16xf32>
    %swap3A_470 = vector.shape_cast %add3A_466 : vector<16xf32> to vector<16xf32>
    tpu.vector_store %arg11[%swap3A_467], %swap3A_470 {strides = array<i32>} : memref<256xf32, #tpu.memory_space<vmem>>, vector<16xf32>,
    %get3A_471 = arith.constant 80 : index
    %get3A_472 = tpu.vector_load %arg11[%get3A_471] {strides = array<i32>} : memref<256xf32, #tpu.memory_space<vmem>>, vector<16xf32>,
    %get3A_473 = vector.shape_cast %get3A_472 : vector<16xf32> to vector<16xf32>
    %add3A_474 = arith.addf %get3A_473, %scan3A_365#5 : vector<16xf32>
    %swap3A_475 = arith.constant 80 : index
    %swap3A_476 = tpu.vector_load %arg11[%swap3A_475] {strides = array<i32>} : memref<256xf32, #tpu.memory_space<vmem>>, vector<16xf32>,
    %swap3A_477 = vector.shape_cast %swap3A_476 : vector<16xf32> to vector<16xf32>
    %swap3A_478 = vector.shape_cast %add3A_474 : vector<16xf32> to vector<16xf32>
    tpu.vector_store %arg11[%swap3A_475], %swap3A_478 {strides = array<i32>} : memref<256xf32, #tpu.memory_space<vmem>>, vector<16xf32>,
    %get3A_479 = arith.constant 96 : index
    %get3A_480 = tpu.vector_load %arg11[%get3A_479] {strides = array<i32>} : memref<256xf32, #tpu.memory_space<vmem>>, vector<16xf32>,
    %get3A_481 = vector.shape_cast %get3A_480 : vector<16xf32> to vector<16xf32>
    %add3A_482 = arith.addf %get3A_481, %scan3A_365#6 : vector<16xf32>
    %swap3A_483 = arith.constant 96 : index
    %swap3A_484 = tpu.vector_load %arg11[%swap3A_483] {strides = array<i32>} : memref<256xf32, #tpu.memory_space<vmem>>, vector<16xf32>,
    %swap3A_485 = vector.shape_cast %swap3A_484 : vector<16xf32> to vector<16xf32>
    %swap3A_486 = vector.shape_cast %add3A_482 : vector<16xf32> to vector<16xf32>
    tpu.vector_store %arg11[%swap3A_483], %swap3A_486 {strides = array<i32>} : memref<256xf32, #tpu.memory_space<vmem>>, vector<16xf32>,
    %get3A_487 = arith.constant 112 : index
    %get3A_488 = tpu.vector_load %arg11[%get3A_487] {strides = array<i32>} : memref<256xf32, #tpu.memory_space<vmem>>, vector<16xf32>,
    %get3A_489 = vector.shape_cast %get3A_488 : vector<16xf32> to vector<16xf32>
    %add3A_490 = arith.addf %get3A_489, %scan3A_365#7 : vector<16xf32>
    %swap3A_491 = arith.constant 112 : index
    %swap3A_492 = tpu.vector_load %arg11[%swap3A_491] {strides = array<i32>} : memref<256xf32, #tpu.memory_space<vmem>>, vector<16xf32>,
    %swap3A_493 = vector.shape_cast %swap3A_492 : vector<16xf32> to vector<16xf32>
    %swap3A_494 = vector.shape_cast %add3A_490 : vector<16xf32> to vector<16xf32>
    tpu.vector_store %arg11[%swap3A_491], %swap3A_494 {strides = array<i32>} : memref<256xf32, #tpu.memory_space<vmem>>, vector<16xf32>,
    %get3A_495 = arith.constant 128 : index
    %get3A_496 = tpu.vector_load %arg11[%get3A_495] {strides = array<i32>} : memref<256xf32, #tpu.memory_space<vmem>>, vector<16xf32>,
    %get3A_497 = vector.shape_cast %get3A_496 : vector<16xf32> to vector<16xf32>
    %add3A_498 = arith.addf %get3A_497, %scan3A_365#8 : vector<16xf32>
    %swap3A_499 = arith.constant 128 : index
    %swap3A_500 = tpu.vector_load %arg11[%swap3A_499] {strides = array<i32>} : memref<256xf32, #tpu.memory_space<vmem>>, vector<16xf32>,
    %swap3A_501 = vector.shape_cast %swap3A_500 : vector<16xf32> to vector<16xf32>
    %swap3A_502 = vector.shape_cast %add3A_498 : vector<16xf32> to vector<16xf32>
    tpu.vector_store %arg11[%swap3A_499], %swap3A_502 {strides = array<i32>} : memref<256xf32, #tpu.memory_space<vmem>>, vector<16xf32>,
    %get3A_503 = arith.constant 144 : index
    %get3A_504 = tpu.vector_load %arg11[%get3A_503] {strides = array<i32>} : memref<256xf32, #tpu.memory_space<vmem>>, vector<16xf32>,
    %get3A_505 = vector.shape_cast %get3A_504 : vector<16xf32> to vector<16xf32>
    %add3A_506 = arith.addf %get3A_505, %scan3A_365#9 : vector<16xf32>
    %swap3A_507 = arith.constant 144 : index
    %swap3A_508 = tpu.vector_load %arg11[%swap3A_507] {strides = array<i32>} : memref<256xf32, #tpu.memory_space<vmem>>, vector<16xf32>,
    %swap3A_509 = vector.shape_cast %swap3A_508 : vector<16xf32> to vector<16xf32>
    %swap3A_510 = vector.shape_cast %add3A_506 : vector<16xf32> to vector<16xf32>
    tpu.vector_store %arg11[%swap3A_507], %swap3A_510 {strides = array<i32>} : memref<256xf32, #tpu.memory_space<vmem>>, vector<16xf32>,
    %get3A_511 = arith.constant 160 : index
    %get3A_512 = tpu.vector_load %arg11[%get3A_511] {strides = array<i32>} : memref<256xf32, #tpu.memory_space<vmem>>, vector<16xf32>,
    %get3A_513 = vector.shape_cast %get3A_512 : vector<16xf32> to vector<16xf32>
    %add3A_514 = arith.addf %get3A_513, %scan3A_365#10 : vector<16xf32>
    %swap3A_515 = arith.constant 160 : index
    %swap3A_516 = tpu.vector_load %arg11[%swap3A_515] {strides = array<i32>} : memref<256xf32, #tpu.memory_space<vmem>>, vector<16xf32>,
    %swap3A_517 = vector.shape_cast %swap3A_516 : vector<16xf32> to vector<16xf32>
    %swap3A_518 = vector.shape_cast %add3A_514 : vector<16xf32> to vector<16xf32>
    tpu.vector_store %arg11[%swap3A_515], %swap3A_518 {strides = array<i32>} : memref<256xf32, #tpu.memory_space<vmem>>, vector<16xf32>,
    %get3A_519 = arith.constant 176 : index
    %get3A_520 = tpu.vector_load %arg11[%get3A_519] {strides = array<i32>} : memref<256xf32, #tpu.memory_space<vmem>>, vector<16xf32>,
    %get3A_521 = vector.shape_cast %get3A_520 : vector<16xf32> to vector<16xf32>
    %add3A_522 = arith.addf %get3A_521, %scan3A_365#11 : vector<16xf32>
    %swap3A_523 = arith.constant 176 : index
    %swap3A_524 = tpu.vector_load %arg11[%swap3A_523] {strides = array<i32>} : memref<256xf32, #tpu.memory_space<vmem>>, vector<16xf32>,
    %swap3A_525 = vector.shape_cast %swap3A_524 : vector<16xf32> to vector<16xf32>
    %swap3A_526 = vector.shape_cast %add3A_522 : vector<16xf32> to vector<16xf32>
    tpu.vector_store %arg11[%swap3A_523], %swap3A_526 {strides = array<i32>} : memref<256xf32, #tpu.memory_space<vmem>>, vector<16xf32>,
    %get3A_527 = arith.constant 192 : index
    %get3A_528 = tpu.vector_load %arg11[%get3A_527] {strides = array<i32>} : memref<256xf32, #tpu.memory_space<vmem>>, vector<16xf32>,
    %get3A_529 = vector.shape_cast %get3A_528 : vector<16xf32> to vector<16xf32>
    %add3A_530 = arith.addf %get3A_529, %scan3A_365#12 : vector<16xf32>
    %swap3A_531 = arith.constant 192 : index
    %swap3A_532 = tpu.vector_load %arg11[%swap3A_531] {strides = array<i32>} : memref<256xf32, #tpu.memory_space<vmem>>, vector<16xf32>,
    %swap3A_533 = vector.shape_cast %swap3A_532 : vector<16xf32> to vector<16xf32>
    %swap3A_534 = vector.shape_cast %add3A_530 : vector<16xf32> to vector<16xf32>
    tpu.vector_store %arg11[%swap3A_531], %swap3A_534 {strides = array<i32>} : memref<256xf32, #tpu.memory_space<vmem>>, vector<16xf32>,
    %get3A_535 = arith.constant 208 : index
    %get3A_536 = tpu.vector_load %arg11[%get3A_535] {strides = array<i32>} : memref<256xf32, #tpu.memory_space<vmem>>, vector<16xf32>,
    %get3A_537 = vector.shape_cast %get3A_536 : vector<16xf32> to vector<16xf32>
    %add3A_538 = arith.addf %get3A_537, %scan3A_365#13 : vector<16xf32>
    %swap3A_539 = arith.constant 208 : index
    %swap3A_540 = tpu.vector_load %arg11[%swap3A_539] {strides = array<i32>} : memref<256xf32, #tpu.memory_space<vmem>>, vector<16xf32>,
    %swap3A_541 = vector.shape_cast %swap3A_540 : vector<16xf32> to vector<16xf32>
    %swap3A_542 = vector.shape_cast %add3A_538 : vector<16xf32> to vector<16xf32>
    tpu.vector_store %arg11[%swap3A_539], %swap3A_542 {strides = array<i32>} : memref<256xf32, #tpu.memory_space<vmem>>, vector<16xf32>,
    %get3A_543 = arith.constant 224 : index
    %get3A_544 = tpu.vector_load %arg11[%get3A_543] {strides = array<i32>} : memref<256xf32, #tpu.memory_space<vmem>>, vector<16xf32>,
    %get3A_545 = vector.shape_cast %get3A_544 : vector<16xf32> to vector<16xf32>
    %add3A_546 = arith.addf %get3A_545, %scan3A_365#14 : vector<16xf32>
    %swap3A_547 = arith.constant 224 : index
    %swap3A_548 = tpu.vector_load %arg11[%swap3A_547] {strides = array<i32>} : memref<256xf32, #tpu.memory_space<vmem>>, vector<16xf32>,
    %swap3A_549 = vector.shape_cast %swap3A_548 : vector<16xf32> to vector<16xf32>
    %swap3A_550 = vector.shape_cast %add3A_546 : vector<16xf32> to vector<16xf32>
    tpu.vector_store %arg11[%swap3A_547], %swap3A_550 {strides = array<i32>} : memref<256xf32, #tpu.memory_space<vmem>>, vector<16xf32>,
    %get3A_551 = arith.constant 240 : index
    %get3A_552 = tpu.vector_load %arg11[%get3A_551] {strides = array<i32>} : memref<256xf32, #tpu.memory_space<vmem>>, vector<16xf32>,
    %get3A_553 = vector.shape_cast %get3A_552 : vector<16xf32> to vector<16xf32>
    %add3A_554 = arith.addf %get3A_553, %scan3A_365#15 : vector<16xf32>
    %swap3A_555 = arith.constant 240 : index
    %swap3A_556 = tpu.vector_load %arg11[%swap3A_555] {strides = array<i32>} : memref<256xf32, #tpu.memory_space<vmem>>, vector<16xf32>,
    %swap3A_557 = vector.shape_cast %swap3A_556 : vector<16xf32> to vector<16xf32>
    %swap3A_558 = vector.shape_cast %add3A_554 : vector<16xf32> to vector<16xf32>
    tpu.vector_store %arg11[%swap3A_555], %swap3A_558 {strides = array<i32>} : memref<256xf32, #tpu.memory_space<vmem>>, vector<16xf32>,
    "tpu.region"() ({
      %run_scoped3A = tpu.sem_alloc : memref<!tpu.dma_semaphore, #tpu.memory_space<semaphore_mem>>
      %dma_start3A_559 = arith.constant 0 : i32
      %dma_start3A_560 = tpu.memref_slice %arg4[%add3A, %dma_start3A_559] : memref<32x128xf32, #tpu.memory_space<hbm>> -> memref<1x128xf32, #tpu.memory_space<hbm>>
      %dma_start3A_561 = tpu.memref_squeeze %dma_start3A_560 : memref<1x128xf32, #tpu.memory_space<hbm>> -> memref<128xf32, #tpu.memory_space<hbm>>
      %dma_start3A_562 = arith.constant 0 : i32
      %dma_start3A_563 = tpu.memref_slice %arg4[%add3A, %dma_start3A_562] : memref<32x128xf32, #tpu.memory_space<hbm>> -> memref<1x128xf32, #tpu.memory_space<hbm>>
      %dma_start3A_564 = tpu.memref_squeeze %dma_start3A_563 : memref<1x128xf32, #tpu.memory_space<hbm>> -> memref<128xf32, #tpu.memory_space<hbm>>
      tpu.enqueue_dma source(%arg10 : memref<128xf32, #tpu.memory_space<vmem>>) target(%dma_start3A_564 : memref<128xf32, #tpu.memory_space<hbm>>) target_semaphore(%run_scoped3A : memref<!tpu.dma_semaphore, #tpu.memory_space<semaphore_mem>>)
      %dma_wait3A_565 = arith.constant 0 : i32
      %dma_wait3A_566 = tpu.memref_slice %arg4[%add3A, %dma_wait3A_565] : memref<32x128xf32, #tpu.memory_space<hbm>> -> memref<1x128xf32, #tpu.memory_space<hbm>>
      %dma_wait3A_567 = tpu.memref_squeeze %dma_wait3A_566 : memref<1x128xf32, #tpu.memory_space<hbm>> -> memref<128xf32, #tpu.memory_space<hbm>>
      %dma_wait3A_568 = arith.constant 0 : i32
      %dma_wait3A_569 = tpu.memref_slice %arg4[%add3A, %dma_wait3A_568] : memref<32x128xf32, #tpu.memory_space<hbm>> -> memref<1x128xf32, #tpu.memory_space<hbm>>
      %dma_wait3A_570 = tpu.memref_squeeze %dma_wait3A_569 : memref<1x128xf32, #tpu.memory_space<hbm>> -> memref<128xf32, #tpu.memory_space<hbm>>
      tpu.wait_dma2 semaphore(%run_scoped3A : memref<!tpu.dma_semaphore, #tpu.memory_space<semaphore_mem>>) src(%arg10 : memref<128xf32, #tpu.memory_space<vmem>>) dst(%dma_wait3A_570 : memref<128xf32, #tpu.memory_space<hbm>>)
      tpu.yield
    }) : () -> ()
    "tpu.region"() ({
      %run_scoped3A = tpu.sem_alloc : memref<!tpu.dma_semaphore, #tpu.memory_space<semaphore_mem>>
      %dma_start3A_559 = arith.constant 0 : i32
      %dma_start3A_560 = tpu.memref_slice %arg5[%add3A, %dma_start3A_559] : memref<32x256xf32, #tpu.memory_space<hbm>> -> memref<1x256xf32, #tpu.memory_space<hbm>>
      %dma_start3A_561 = tpu.memref_squeeze %dma_start3A_560 : memref<1x256xf32, #tpu.memory_space<hbm>> -> memref<256xf32, #tpu.memory_space<hbm>>
      %dma_start3A_562 = arith.constant 0 : i32
      %dma_start3A_563 = tpu.memref_slice %arg5[%add3A, %dma_start3A_562] : memref<32x256xf32, #tpu.memory_space<hbm>> -> memref<1x256xf32, #tpu.memory_space<hbm>>
      %dma_start3A_564 = tpu.memref_squeeze %dma_start3A_563 : memref<1x256xf32, #tpu.memory_space<hbm>> -> memref<256xf32, #tpu.memory_space<hbm>>
      tpu.enqueue_dma source(%arg11 : memref<256xf32, #tpu.memory_space<vmem>>) target(%dma_start3A_564 : memref<256xf32, #tpu.memory_space<hbm>>) target_semaphore(%run_scoped3A : memref<!tpu.dma_semaphore, #tpu.memory_space<semaphore_mem>>)
      %dma_wait3A_565 = arith.constant 0 : i32
      %dma_wait3A_566 = tpu.memref_slice %arg5[%add3A, %dma_wait3A_565] : memref<32x256xf32, #tpu.memory_space<hbm>> -> memref<1x256xf32, #tpu.memory_space<hbm>>
      %dma_wait3A_567 = tpu.memref_squeeze %dma_wait3A_566 : memref<1x256xf32, #tpu.memory_space<hbm>> -> memref<256xf32, #tpu.memory_space<hbm>>
      %dma_wait3A_568 = arith.constant 0 : i32
      %dma_wait3A_569 = tpu.memref_slice %arg5[%add3A, %dma_wait3A_568] : memref<32x256xf32, #tpu.memory_space<hbm>> -> memref<1x256xf32, #tpu.memory_space<hbm>>
      %dma_wait3A_570 = tpu.memref_squeeze %dma_wait3A_569 : memref<1x256xf32, #tpu.memory_space<hbm>> -> memref<256xf32, #tpu.memory_space<hbm>>
      tpu.wait_dma2 semaphore(%run_scoped3A : memref<!tpu.dma_semaphore, #tpu.memory_space<semaphore_mem>>) src(%arg11 : memref<256xf32, #tpu.memory_space<vmem>>) dst(%dma_wait3A_570 : memref<256xf32, #tpu.memory_space<hbm>>)
      tpu.yield
    }) : () -> ()
    return
  }
}

module attributes {stable_mosaic.version = 14 : i64} {
  func.func @_tc_head_reduce_body(%arg0: i32, %arg1: memref<2000x128xf32, #tpu.memory_space<vmem>>, %arg2: memref<2000x256xf32, #tpu.memory_space<vmem>>, %arg3: memref<1x128xf32, #tpu.memory_space<vmem>>, %arg4: memref<1x256xf32, #tpu.memory_space<vmem>>) attributes {dimension_semantics = [#tpu.dimension_semantics<arbitrary>], iteration_bounds = array<i64: 32>, scalar_prefetch = 0 : i64, scratch_operands = 0 : i64, tpu.core_type = #tpu.core_type<tc>, window_params = [{transform_indices = @transform_0, window_bounds = array<i64: 2000, 128>}, {transform_indices = @transform_1, window_bounds = array<i64: 2000, 256>}, {pipeline_mode = #tpu.pipeline_mode<synchronous>, transform_indices = @transform_2, window_bounds = array<i64: 1, 128>}, {pipeline_mode = #tpu.pipeline_mode<synchronous>, transform_indices = @transform_3, window_bounds = array<i64: 1, 256>}]} {
    %eq3A = arith.constant 0 : i32
    %eq3A_0 = arith.cmpi eq, %arg0, %eq3A : i32
    %convert_element_type3A = arith.extui %eq3A_0 : i1 to i32
    %cond3A = arith.constant 0 : i32
    %cond3A_1 = arith.cmpi ne, %convert_element_type3A, %cond3A : i32
    scf.if %cond3A_1 {
      %broadcast_in_dim3A_23 = arith.constant 0.000000e+00 : f32
      %broadcast_in_dim3A_24 = vector.broadcast %broadcast_in_dim3A_23 : f32 to vector<1x128xf32>
      %swap3A_25 = arith.constant 0 : index
      %swap3A_26 = arith.constant 0 : index
      %swap3A_27 = vector.load %arg3[%swap3A_25, %swap3A_26] : memref<1x128xf32, #tpu.memory_space<vmem>>, vector<1x128xf32>
      tpu.vector_store %arg3[%swap3A_25, %swap3A_26], %broadcast_in_dim3A_24 {strides = array<i32>} : memref<1x128xf32, #tpu.memory_space<vmem>>, vector<1x128xf32>,
      %broadcast_in_dim3A_28 = arith.constant 0.000000e+00 : f32
      %broadcast_in_dim3A_29 = vector.broadcast %broadcast_in_dim3A_28 : f32 to vector<1x256xf32>
      %swap3A_30 = arith.constant 0 : index
      %swap3A_31 = arith.constant 0 : index
      %swap3A_32 = vector.load %arg4[%swap3A_30, %swap3A_31] : memref<1x256xf32, #tpu.memory_space<vmem>>, vector<1x256xf32>
      tpu.vector_store %arg4[%swap3A_30, %swap3A_31], %broadcast_in_dim3A_29 {strides = array<i32>} : memref<1x256xf32, #tpu.memory_space<vmem>>, vector<1x256xf32>,
    } else {
    }
    %get3A = arith.constant 0 : index
    %get3A_2 = arith.constant 0 : index
    %get3A_3 = vector.load %arg3[%get3A, %get3A_2] : memref<1x128xf32, #tpu.memory_space<vmem>>, vector<1x128xf32>
    %get3A_4 = arith.constant 0 : index
    %get3A_5 = arith.constant 0 : index
    %get3A_6 = vector.load %arg1[%get3A_4, %get3A_5] : memref<2000x128xf32, #tpu.memory_space<vmem>>, vector<2000x128xf32>
    %reduce_sum3A = arith.constant dense<0.000000e+00> : vector<128xf32>
    %reduce_sum3A_7 = vector.multi_reduction <add>, %get3A_6, %reduce_sum3A [0] : vector<2000x128xf32> to vector<128xf32>
    %broadcast_in_dim3A = vector.shape_cast %reduce_sum3A_7 : vector<128xf32> to vector<1x128xf32>
    %add3A = arith.addf %get3A_3, %broadcast_in_dim3A : vector<1x128xf32>
    %swap3A = arith.constant 0 : index
    %swap3A_8 = arith.constant 0 : index
    %swap3A_9 = vector.load %arg3[%swap3A, %swap3A_8] : memref<1x128xf32, #tpu.memory_space<vmem>>, vector<1x128xf32>
    tpu.vector_store %arg3[%swap3A, %swap3A_8], %add3A {strides = array<i32>} : memref<1x128xf32, #tpu.memory_space<vmem>>, vector<1x128xf32>,
    %get3A_10 = arith.constant 0 : index
    %get3A_11 = arith.constant 0 : index
    %get3A_12 = vector.load %arg4[%get3A_10, %get3A_11] : memref<1x256xf32, #tpu.memory_space<vmem>>, vector<1x256xf32>
    %get3A_13 = arith.constant 0 : index
    %get3A_14 = arith.constant 0 : index
    %get3A_15 = vector.load %arg2[%get3A_13, %get3A_14] : memref<2000x256xf32, #tpu.memory_space<vmem>>, vector<2000x256xf32>
    %reduce_sum3A_16 = arith.constant dense<0.000000e+00> : vector<256xf32>
    %reduce_sum3A_17 = vector.multi_reduction <add>, %get3A_15, %reduce_sum3A_16 [0] : vector<2000x256xf32> to vector<256xf32>
    %broadcast_in_dim3A_18 = vector.shape_cast %reduce_sum3A_17 : vector<256xf32> to vector<1x256xf32>
    %add3A_19 = arith.addf %get3A_12, %broadcast_in_dim3A_18 : vector<1x256xf32>
    %swap3A_20 = arith.constant 0 : index
    %swap3A_21 = arith.constant 0 : index
    %swap3A_22 = vector.load %arg4[%swap3A_20, %swap3A_21] : memref<1x256xf32, #tpu.memory_space<vmem>>, vector<1x256xf32>
    tpu.vector_store %arg4[%swap3A_20, %swap3A_21], %add3A_19 {strides = array<i32>} : memref<1x256xf32, #tpu.memory_space<vmem>>, vector<1x256xf32>,
    return
  }
  func.func @transform_0(%arg0: i32) -> (i32, i32) {
    %c0_i32 = arith.constant 0 : i32
    %c0_i32_0 = arith.constant 0 : i32
    return %arg0, %c0_i32 : i32, i32
  }
  func.func @transform_1(%arg0: i32) -> (i32, i32) {
    %c0_i32 = arith.constant 0 : i32
    %c0_i32_0 = arith.constant 0 : i32
    return %arg0, %c0_i32 : i32, i32
  }
  func.func @transform_2(%arg0: i32) -> (i32, i32) {
    %c0_i32 = arith.constant 0 : i32
    %c0_i32_0 = arith.constant 0 : i32
    %c0_i32_1 = arith.constant 0 : i32
    return %c0_i32, %c0_i32_0 : i32, i32
  }
  func.func @transform_3(%arg0: i32) -> (i32, i32) {
    %c0_i32 = arith.constant 0 : i32
    %c0_i32_0 = arith.constant 0 : i32
    %c0_i32_1 = arith.constant 0 : i32
    return %c0_i32, %c0_i32_0 : i32, i32
  }
}

module attributes {stable_mosaic.version = 14 : i64} {
  func.func @_dense_body(%arg0: i32, %arg1: memref<2000x128xf32, #tpu.memory_space<vmem>>, %arg2: memref<32x128xf32, #tpu.memory_space<vmem>>, %arg3: memref<32x256xf32, #tpu.memory_space<vmem>>, %arg4: memref<1x128xf32, #tpu.memory_space<vmem>>, %arg5: memref<1x256xf32, #tpu.memory_space<vmem>>, %arg6: memref<128x256xf32, #tpu.memory_space<vmem>>, %arg7: memref<128x256xf32, #tpu.memory_space<vmem>>, %arg8: memref<1x256xf32, #tpu.memory_space<vmem>>, %arg9: memref<1x256xf32, #tpu.memory_space<vmem>>, %arg10: memref<1x256xf32, #tpu.memory_space<vmem>>, %arg11: memref<256x256xf32, #tpu.memory_space<vmem>>, %arg12: memref<256x256xf32, #tpu.memory_space<vmem>>, %arg13: memref<1x256xf32, #tpu.memory_space<vmem>>, %arg14: memref<1x256xf32, #tpu.memory_space<vmem>>, %arg15: memref<1x256xf32, #tpu.memory_space<vmem>>, %arg16: memref<2000x256xf32, #tpu.memory_space<vmem>>, %arg17: memref<1x256xf32, #tpu.memory_space<vmem>>, %arg18: memref<10000x256xf32, #tpu.memory_space<vmem>>) attributes {dimension_semantics = [#tpu.dimension_semantics<arbitrary>], iteration_bounds = array<i64: 10>, scalar_prefetch = 0 : i64, scratch_operands = 2 : i64, tpu.core_type = #tpu.core_type<tc>, window_params = [{transform_indices = @transform_0, window_bounds = array<i64: 2000, 128>}, {pipeline_mode = #tpu.pipeline_mode<synchronous>, transform_indices = @transform_1, window_bounds = array<i64: 32, 128>}, {pipeline_mode = #tpu.pipeline_mode<synchronous>, transform_indices = @transform_2, window_bounds = array<i64: 32, 256>}, {pipeline_mode = #tpu.pipeline_mode<synchronous>, transform_indices = @transform_3, window_bounds = array<i64: 1, 128>}, {pipeline_mode = #tpu.pipeline_mode<synchronous>, transform_indices = @transform_4, window_bounds = array<i64: 1, 256>}, {pipeline_mode = #tpu.pipeline_mode<synchronous>, transform_indices = @transform_5, window_bounds = array<i64: 128, 256>}, {pipeline_mode = #tpu.pipeline_mode<synchronous>, transform_indices = @transform_6, window_bounds = array<i64: 128, 256>}, {pipeline_mode = #tpu.pipeline_mode<synchronous>, transform_indices = @transform_7, window_bounds = array<i64: 1, 256>}, {pipeline_mode = #tpu.pipeline_mode<synchronous>, transform_indices = @transform_8, window_bounds = array<i64: 1, 256>}, {pipeline_mode = #tpu.pipeline_mode<synchronous>, transform_indices = @transform_9, window_bounds = array<i64: 1, 256>}, {pipeline_mode = #tpu.pipeline_mode<synchronous>, transform_indices = @transform_10, window_bounds = array<i64: 256, 256>}, {pipeline_mode = #tpu.pipeline_mode<synchronous>, transform_indices = @transform_11, window_bounds = array<i64: 256, 256>}, {pipeline_mode = #tpu.pipeline_mode<synchronous>, transform_indices = @transform_12, window_bounds = array<i64: 1, 256>}, {pipeline_mode = #tpu.pipeline_mode<synchronous>, transform_indices = @transform_13, window_bounds = array<i64: 1, 256>}, {pipeline_mode = #tpu.pipeline_mode<synchronous>, transform_indices = @transform_14, window_bounds = array<i64: 1, 256>}, {transform_indices = @transform_15, window_bounds = array<i64: 2000, 256>}]} {
    %eq3A = arith.constant 0 : i32
    %eq3A_0 = arith.cmpi eq, %arg0, %eq3A : i32
    %convert_element_type3A = arith.extui %eq3A_0 : i1 to i32
    %cond3A = arith.constant 0 : i32
    %cond3A_1 = arith.cmpi ne, %convert_element_type3A, %cond3A : i32
    scf.if %cond3A_1 {
      %broadcast_in_dim3A = arith.constant 0.000000e+00 : f32
      %broadcast_in_dim3A_10 = vector.broadcast %broadcast_in_dim3A : f32 to vector<1x256xf32>
      %swap3A = arith.constant 0 : index
      %swap3A_11 = arith.constant 0 : index
      %swap3A_12 = vector.load %arg17[%swap3A, %swap3A_11] : memref<1x256xf32, #tpu.memory_space<vmem>>, vector<1x256xf32>
      tpu.vector_store %arg17[%swap3A, %swap3A_11], %broadcast_in_dim3A_10 {strides = array<i32>} : memref<1x256xf32, #tpu.memory_space<vmem>>, vector<1x256xf32>,
    } else {
    }
    %lt3A = arith.constant 5 : i32
    %lt3A_2 = arith.cmpi slt, %arg0, %lt3A : i32
    %convert_element_type3A_3 = arith.extui %lt3A_2 : i1 to i32
    %cond3A_4 = arith.constant 0 : i32
    %cond3A_5 = arith.cmpi ne, %convert_element_type3A_3, %cond3A_4 : i32
    scf.if %cond3A_5 {
      %get3A = arith.constant 0 : index
      %get3A_10 = arith.constant 0 : index
      %get3A_11 = vector.load %arg2[%get3A, %get3A_10] : memref<32x128xf32, #tpu.memory_space<vmem>>, vector<32x128xf32>
      %reduce_sum3A = arith.constant dense<0.000000e+00> : vector<128xf32>
      %reduce_sum3A_12 = vector.multi_reduction <add>, %get3A_11, %reduce_sum3A [0] : vector<32x128xf32> to vector<128xf32>
      %broadcast_in_dim3A = vector.shape_cast %reduce_sum3A_12 : vector<128xf32> to vector<1x128xf32>
      %get3A_13 = arith.constant 0 : index
      %get3A_14 = arith.constant 0 : index
      %get3A_15 = vector.load %arg4[%get3A_13, %get3A_14] : memref<1x128xf32, #tpu.memory_space<vmem>>, vector<1x128xf32>
      %add3A = arith.addf %broadcast_in_dim3A, %get3A_15 : vector<1x128xf32>
      %mul3A = arith.constant 6.250000e-06 : f32
      %mul3A_16 = vector.broadcast %mul3A : f32 to vector<1x128xf32>
      %mul3A_17 = arith.mulf %add3A, %mul3A_16 : vector<1x128xf32>
      %get3A_18 = arith.constant 0 : index
      %get3A_19 = arith.constant 0 : index
      %get3A_20 = vector.load %arg3[%get3A_18, %get3A_19] : memref<32x256xf32, #tpu.memory_space<vmem>>, vector<32x256xf32>
      %reduce_sum3A_21 = arith.constant dense<0.000000e+00> : vector<256xf32>
      %reduce_sum3A_22 = vector.multi_reduction <add>, %get3A_20, %reduce_sum3A_21 [0] : vector<32x256xf32> to vector<256xf32>
      %broadcast_in_dim3A_23 = vector.shape_cast %reduce_sum3A_22 : vector<256xf32> to vector<1x256xf32>
      %get3A_24 = arith.constant 0 : index
      %get3A_25 = arith.constant 0 : index
      %get3A_26 = vector.load %arg5[%get3A_24, %get3A_25] : memref<1x256xf32, #tpu.memory_space<vmem>>, vector<1x256xf32>
      %add3A_27 = arith.addf %broadcast_in_dim3A_23, %get3A_26 : vector<1x256xf32>
      %mul3A_28 = arith.constant 6.250000e-06 : f32
      %mul3A_29 = vector.broadcast %mul3A_28 : f32 to vector<1x256xf32>
      %mul3A_30 = arith.mulf %add3A_27, %mul3A_29 : vector<1x256xf32>
      %get3A_31 = arith.constant 0 : index
      %get3A_32 = arith.constant 0 : index
      %get3A_33 = vector.load %arg7[%get3A_31, %get3A_32] : memref<128x256xf32, #tpu.memory_space<vmem>>, vector<128x256xf32>
      %dot_general3A = arith.constant dense<0.000000e+00> : vector<1x256xf32>
      %dot_general3A_34 = tpu.matmul %mul3A_17, %get3A_33, %dot_general3A {dimension_numbers = #tpu.dot_dimension_numbers<[1], [0], [0], [1], [0, 0, 1, 1], [], []>, transpose_lhs_hint = false} : vector<1x128xf32>, vector<128x256xf32>, vector<1x256xf32> -> vector<1x256xf32>
      %get3A_35 = arith.constant 0 : index
      %get3A_36 = arith.constant 0 : index
      %get3A_37 = vector.load %arg8[%get3A_35, %get3A_36] : memref<1x256xf32, #tpu.memory_space<vmem>>, vector<1x256xf32>
      %add3A_38 = arith.addf %dot_general3A_34, %get3A_37 : vector<1x256xf32>
      %get3A_39 = arith.constant 0 : index
      %get3A_40 = arith.constant 0 : index
      %get3A_41 = vector.load %arg1[%get3A_39, %get3A_40] : memref<2000x128xf32, #tpu.memory_space<vmem>>, vector<2000x128xf32>
      %get3A_42 = arith.constant 0 : index
      %get3A_43 = arith.constant 0 : index
      %get3A_44 = vector.load %arg6[%get3A_42, %get3A_43] : memref<128x256xf32, #tpu.memory_space<vmem>>, vector<128x256xf32>
      %dot_general3A_45 = arith.constant dense<0.000000e+00> : vector<2000x256xf32>
      %dot_general3A_46 = tpu.matmul %get3A_41, %get3A_44, %dot_general3A_45 {dimension_numbers = #tpu.dot_dimension_numbers<[1], [0], [0], [1], [0, 0, 1, 1], [], []>, transpose_lhs_hint = false} : vector<2000x128xf32>, vector<128x256xf32>, vector<2000x256xf32> -> vector<2000x256xf32>
      %add3A_47 = vector.broadcast %add3A_38 : vector<1x256xf32> to vector<2000x256xf32>
      %add3A_48 = arith.addf %dot_general3A_46, %add3A_47 : vector<2000x256xf32>
      %get3A_49 = arith.constant 0 : index
      %get3A_50 = arith.constant 0 : index
      %get3A_51 = vector.load %arg9[%get3A_49, %get3A_50] : memref<1x256xf32, #tpu.memory_space<vmem>>, vector<1x256xf32>
      %get3A_52 = arith.constant 0 : index
      %get3A_53 = arith.constant 0 : index
      %get3A_54 = vector.load %arg10[%get3A_52, %get3A_53] : memref<1x256xf32, #tpu.memory_space<vmem>>, vector<1x256xf32>
      %reduce_sum3A_55 = arith.constant dense<0.000000e+00> : vector<2000xf32>
      %reduce_sum3A_56 = vector.multi_reduction <add>, %add3A_48, %reduce_sum3A_55 [1] : vector<2000x256xf32> to vector<2000xf32>
      %broadcast_in_dim3A_57 = vector.shape_cast %reduce_sum3A_56 : vector<2000xf32> to vector<2000x1xf32>
      %div3A = arith.constant 2.560000e+02 : f32
      %div3A_58 = vector.broadcast %div3A : f32 to vector<2000x1xf32>
      %div3A_59 = arith.divf %broadcast_in_dim3A_57, %div3A_58 : vector<2000x1xf32>
      %sub3A = vector.broadcast %div3A_59 : vector<2000x1xf32> to vector<2000x256xf32>
      %sub3A_60 = arith.subf %add3A_48, %sub3A : vector<2000x256xf32>
      %integer_pow3A = arith.mulf %sub3A_60, %sub3A_60 : vector<2000x256xf32>
      %reduce_sum3A_61 = arith.constant dense<0.000000e+00> : vector<2000xf32>
      %reduce_sum3A_62 = vector.multi_reduction <add>, %integer_pow3A, %reduce_sum3A_61 [1] : vector<2000x256xf32> to vector<2000xf32>
      %broadcast_in_dim3A_63 = vector.shape_cast %reduce_sum3A_62 : vector<2000xf32> to vector<2000x1xf32>
      %div3A_64 = arith.constant 2.560000e+02 : f32
      %div3A_65 = vector.broadcast %div3A_64 : f32 to vector<2000x1xf32>
      %div3A_66 = arith.divf %broadcast_in_dim3A_63, %div3A_65 : vector<2000x1xf32>
      %sub3A_67 = vector.broadcast %div3A_59 : vector<2000x1xf32> to vector<2000x256xf32>
      %sub3A_68 = arith.subf %add3A_48, %sub3A_67 : vector<2000x256xf32>
      %add3A_69 = arith.constant 9.99999974E-6 : f32
      %add3A_70 = vector.broadcast %add3A_69 : f32 to vector<2000x1xf32>
      %add3A_71 = arith.addf %div3A_66, %add3A_70 : vector<2000x1xf32>
      %sqrt3A = math.sqrt %add3A_71 : vector<2000x1xf32>
      %div3A_72 = vector.broadcast %sqrt3A : vector<2000x1xf32> to vector<2000x256xf32>
      %div3A_73 = arith.divf %sub3A_68, %div3A_72 : vector<2000x256xf32>
      %mul3A_74 = vector.broadcast %get3A_51 : vector<1x256xf32> to vector<2000x256xf32>
      %mul3A_75 = arith.mulf %div3A_73, %mul3A_74 : vector<2000x256xf32>
      %add3A_76 = vector.broadcast %get3A_54 : vector<1x256xf32> to vector<2000x256xf32>
      %add3A_77 = arith.addf %mul3A_75, %add3A_76 : vector<2000x256xf32>
      %max3A = arith.constant 0.000000e+00 : f32
      %max3A_78 = vector.broadcast %max3A : f32 to vector<2000x256xf32>
      %max3A_79 = arith.maximumf %add3A_77, %max3A_78 : vector<2000x256xf32>
      %get3A_80 = arith.constant 0 : index
      %get3A_81 = arith.constant 0 : index
      %get3A_82 = vector.load %arg12[%get3A_80, %get3A_81] : memref<256x256xf32, #tpu.memory_space<vmem>>, vector<256x256xf32>
      %dot_general3A_83 = arith.constant dense<0.000000e+00> : vector<1x256xf32>
      %dot_general3A_84 = tpu.matmul %mul3A_30, %get3A_82, %dot_general3A_83 {dimension_numbers = #tpu.dot_dimension_numbers<[1], [0], [0], [1], [0, 0, 1, 1], [], []>, transpose_lhs_hint = false} : vector<1x256xf32>, vector<256x256xf32>, vector<1x256xf32> -> vector<1x256xf32>
      %get3A_85 = arith.constant 0 : index
      %get3A_86 = arith.constant 0 : index
      %get3A_87 = vector.load %arg13[%get3A_85, %get3A_86] : memref<1x256xf32, #tpu.memory_space<vmem>>, vector<1x256xf32>
      %add3A_88 = arith.addf %dot_general3A_84, %get3A_87 : vector<1x256xf32>
      %get3A_89 = arith.constant 0 : index
      %get3A_90 = arith.constant 0 : index
      %get3A_91 = vector.load %arg11[%get3A_89, %get3A_90] : memref<256x256xf32, #tpu.memory_space<vmem>>, vector<256x256xf32>
      %dot_general3A_92 = arith.constant dense<0.000000e+00> : vector<2000x256xf32>
      %dot_general3A_93 = tpu.matmul %max3A_79, %get3A_91, %dot_general3A_92 {dimension_numbers = #tpu.dot_dimension_numbers<[1], [0], [0], [1], [0, 0, 1, 1], [], []>, transpose_lhs_hint = false} : vector<2000x256xf32>, vector<256x256xf32>, vector<2000x256xf32> -> vector<2000x256xf32>
      %add3A_94 = vector.broadcast %add3A_88 : vector<1x256xf32> to vector<2000x256xf32>
      %add3A_95 = arith.addf %dot_general3A_93, %add3A_94 : vector<2000x256xf32>
      %get3A_96 = arith.constant 0 : index
      %get3A_97 = arith.constant 0 : index
      %get3A_98 = vector.load %arg14[%get3A_96, %get3A_97] : memref<1x256xf32, #tpu.memory_space<vmem>>, vector<1x256xf32>
      %get3A_99 = arith.constant 0 : index
      %get3A_100 = arith.constant 0 : index
      %get3A_101 = vector.load %arg15[%get3A_99, %get3A_100] : memref<1x256xf32, #tpu.memory_space<vmem>>, vector<1x256xf32>
      %reduce_sum3A_102 = arith.constant dense<0.000000e+00> : vector<2000xf32>
      %reduce_sum3A_103 = vector.multi_reduction <add>, %add3A_95, %reduce_sum3A_102 [1] : vector<2000x256xf32> to vector<2000xf32>
      %broadcast_in_dim3A_104 = vector.shape_cast %reduce_sum3A_103 : vector<2000xf32> to vector<2000x1xf32>
      %div3A_105 = arith.constant 2.560000e+02 : f32
      %div3A_106 = vector.broadcast %div3A_105 : f32 to vector<2000x1xf32>
      %div3A_107 = arith.divf %broadcast_in_dim3A_104, %div3A_106 : vector<2000x1xf32>
      %sub3A_108 = vector.broadcast %div3A_107 : vector<2000x1xf32> to vector<2000x256xf32>
      %sub3A_109 = arith.subf %add3A_95, %sub3A_108 : vector<2000x256xf32>
      %integer_pow3A_110 = arith.mulf %sub3A_109, %sub3A_109 : vector<2000x256xf32>
      %reduce_sum3A_111 = arith.constant dense<0.000000e+00> : vector<2000xf32>
      %reduce_sum3A_112 = vector.multi_reduction <add>, %integer_pow3A_110, %reduce_sum3A_111 [1] : vector<2000x256xf32> to vector<2000xf32>
      %broadcast_in_dim3A_113 = vector.shape_cast %reduce_sum3A_112 : vector<2000xf32> to vector<2000x1xf32>
      %div3A_114 = arith.constant 2.560000e+02 : f32
      %div3A_115 = vector.broadcast %div3A_114 : f32 to vector<2000x1xf32>
      %div3A_116 = arith.divf %broadcast_in_dim3A_113, %div3A_115 : vector<2000x1xf32>
      %sub3A_117 = vector.broadcast %div3A_107 : vector<2000x1xf32> to vector<2000x256xf32>
      %sub3A_118 = arith.subf %add3A_95, %sub3A_117 : vector<2000x256xf32>
      %add3A_119 = arith.constant 9.99999974E-6 : f32
      %add3A_120 = vector.broadcast %add3A_119 : f32 to vector<2000x1xf32>
      %add3A_121 = arith.addf %div3A_116, %add3A_120 : vector<2000x1xf32>
      %sqrt3A_122 = math.sqrt %add3A_121 : vector<2000x1xf32>
      %div3A_123 = vector.broadcast %sqrt3A_122 : vector<2000x1xf32> to vector<2000x256xf32>
      %div3A_124 = arith.divf %sub3A_118, %div3A_123 : vector<2000x256xf32>
      %mul3A_125 = vector.broadcast %get3A_98 : vector<1x256xf32> to vector<2000x256xf32>
      %mul3A_126 = arith.mulf %div3A_124, %mul3A_125 : vector<2000x256xf32>
      %add3A_127 = vector.broadcast %get3A_101 : vector<1x256xf32> to vector<2000x256xf32>
      %add3A_128 = arith.addf %mul3A_126, %add3A_127 : vector<2000x256xf32>
      %max3A_129 = arith.constant 0.000000e+00 : f32
      %max3A_130 = vector.broadcast %max3A_129 : f32 to vector<2000x256xf32>
      %max3A_131 = arith.maximumf %add3A_128, %max3A_130 : vector<2000x256xf32>
      %mul3A_132 = arith.constant 2000 : i32
      %mul3A_133 = arith.muli %arg0, %mul3A_132 : i32
      %swap3A = arith.index_cast %mul3A_133 : i32 to index
      %swap3A_134 = arith.constant 0 : index
      %swap3A_135 = vector.load %arg18[%swap3A, %swap3A_134] : memref<10000x256xf32, #tpu.memory_space<vmem>>, vector<2000x256xf32>
      tpu.vector_store %arg18[%swap3A, %swap3A_134], %max3A_131 {strides = array<i32>} : memref<10000x256xf32, #tpu.memory_space<vmem>>, vector<2000x256xf32>,
      %get3A_136 = arith.constant 0 : index
      %get3A_137 = arith.constant 0 : index
      %get3A_138 = vector.load %arg17[%get3A_136, %get3A_137] : memref<1x256xf32, #tpu.memory_space<vmem>>, vector<1x256xf32>
      %mul3A_139 = arith.mulf %max3A_131, %max3A_131 : vector<2000x256xf32>
      %reduce_sum3A_140 = arith.constant dense<0.000000e+00> : vector<256xf32>
      %reduce_sum3A_141 = vector.multi_reduction <add>, %mul3A_139, %reduce_sum3A_140 [0] : vector<2000x256xf32> to vector<256xf32>
      %broadcast_in_dim3A_142 = vector.shape_cast %reduce_sum3A_141 : vector<256xf32> to vector<1x256xf32>
      %add3A_143 = arith.addf %get3A_138, %broadcast_in_dim3A_142 : vector<1x256xf32>
      %swap3A_144 = arith.constant 0 : index
      %swap3A_145 = arith.constant 0 : index
      %swap3A_146 = vector.load %arg17[%swap3A_144, %swap3A_145] : memref<1x256xf32, #tpu.memory_space<vmem>>, vector<1x256xf32>
      tpu.vector_store %arg17[%swap3A_144, %swap3A_145], %add3A_143 {strides = array<i32>} : memref<1x256xf32, #tpu.memory_space<vmem>>, vector<1x256xf32>,
    } else {
    }
    %ge3A = arith.constant 5 : i32
    %ge3A_6 = arith.cmpi sge, %arg0, %ge3A : i32
    %convert_element_type3A_7 = arith.extui %ge3A_6 : i1 to i32
    %cond3A_8 = arith.constant 0 : i32
    %cond3A_9 = arith.cmpi ne, %convert_element_type3A_7, %cond3A_8 : i32
    scf.if %cond3A_9 {
      %sub3A = arith.constant 5 : i32
      %sub3A_10 = arith.subi %arg0, %sub3A : i32
      %get3A = arith.constant 0 : index
      %get3A_11 = arith.constant 0 : index
      %get3A_12 = vector.load %arg17[%get3A, %get3A_11] : memref<1x256xf32, #tpu.memory_space<vmem>>, vector<1x256xf32>
      %sqrt3A = math.sqrt %get3A_12 : vector<1x256xf32>
      %mul3A = arith.constant 2000 : i32
      %mul3A_13 = arith.muli %sub3A_10, %mul3A : i32
      %get3A_14 = arith.index_cast %mul3A_13 : i32 to index
      %get3A_15 = arith.constant 0 : index
      %get3A_16 = vector.load %arg18[%get3A_14, %get3A_15] : memref<10000x256xf32, #tpu.memory_space<vmem>>, vector<2000x256xf32>
      %max3A = arith.constant 9.99999996E-13 : f32
      %max3A_17 = vector.broadcast %max3A : f32 to vector<1x256xf32>
      %max3A_18 = arith.maximumf %sqrt3A, %max3A_17 : vector<1x256xf32>
      %div3A = vector.broadcast %max3A_18 : vector<1x256xf32> to vector<2000x256xf32>
      %div3A_19 = arith.divf %get3A_16, %div3A : vector<2000x256xf32>
      %swap3A = arith.constant 0 : index
      %swap3A_20 = arith.constant 0 : index
      %swap3A_21 = vector.load %arg16[%swap3A, %swap3A_20] : memref<2000x256xf32, #tpu.memory_space<vmem>>, vector<2000x256xf32>
      tpu.vector_store %arg16[%swap3A, %swap3A_20], %div3A_19 {strides = array<i32>} : memref<2000x256xf32, #tpu.memory_space<vmem>>, vector<2000x256xf32>,
    } else {
    }
    return
  }
  func.func @transform_0(%arg0: i32) -> (i32, i32) {
    %max3A = arith.constant 0 : i32
    %max3A_0 = arith.maxsi %arg0, %max3A : i32
    %min3A = arith.constant 4 : i32
    %min3A_1 = arith.minsi %max3A_0, %min3A : i32
    %c0_i32 = arith.constant 0 : i32
    %c0_i32_2 = arith.constant 0 : i32
    return %min3A_1, %c0_i32 : i32, i32
  }
  func.func @transform_1(%arg0: i32) -> (i32, i32) {
    %c0_i32 = arith.constant 0 : i32
    %c0_i32_0 = arith.constant 0 : i32
    %c0_i32_1 = arith.constant 0 : i32
    return %c0_i32, %c0_i32_0 : i32, i32
  }
  func.func @transform_2(%arg0: i32) -> (i32, i32) {
    %c0_i32 = arith.constant 0 : i32
    %c0_i32_0 = arith.constant 0 : i32
    %c0_i32_1 = arith.constant 0 : i32
    return %c0_i32, %c0_i32_0 : i32, i32
  }
  func.func @transform_3(%arg0: i32) -> (i32, i32) {
    %c0_i32 = arith.constant 0 : i32
    %c0_i32_0 = arith.constant 0 : i32
    %c0_i32_1 = arith.constant 0 : i32
    return %c0_i32, %c0_i32_0 : i32, i32
  }
  func.func @transform_4(%arg0: i32) -> (i32, i32) {
    %c0_i32 = arith.constant 0 : i32
    %c0_i32_0 = arith.constant 0 : i32
    %c0_i32_1 = arith.constant 0 : i32
    return %c0_i32, %c0_i32_0 : i32, i32
  }
  func.func @transform_5(%arg0: i32) -> (i32, i32) {
    %c0_i32 = arith.constant 0 : i32
    %c0_i32_0 = arith.constant 0 : i32
    %c0_i32_1 = arith.constant 0 : i32
    return %c0_i32, %c0_i32_0 : i32, i32
  }
  func.func @transform_6(%arg0: i32) -> (i32, i32) {
    %c0_i32 = arith.constant 0 : i32
    %c0_i32_0 = arith.constant 0 : i32
    %c0_i32_1 = arith.constant 0 : i32
    return %c0_i32, %c0_i32_0 : i32, i32
  }
  func.func @transform_7(%arg0: i32) -> (i32, i32) {
    %c0_i32 = arith.constant 0 : i32
    %c0_i32_0 = arith.constant 0 : i32
    %c0_i32_1 = arith.constant 0 : i32
    return %c0_i32, %c0_i32_0 : i32, i32
  }
  func.func @transform_8(%arg0: i32) -> (i32, i32) {
    %c0_i32 = arith.constant 0 : i32
    %c0_i32_0 = arith.constant 0 : i32
    %c0_i32_1 = arith.constant 0 : i32
    return %c0_i32, %c0_i32_0 : i32, i32
  }
  func.func @transform_9(%arg0: i32) -> (i32, i32) {
    %c0_i32 = arith.constant 0 : i32
    %c0_i32_0 = arith.constant 0 : i32
    %c0_i32_1 = arith.constant 0 : i32
    return %c0_i32, %c0_i32_0 : i32, i32
  }
  func.func @transform_10(%arg0: i32) -> (i32, i32) {
    %c0_i32 = arith.constant 0 : i32
    %c0_i32_0 = arith.constant 0 : i32
    %c0_i32_1 = arith.constant 0 : i32
    return %c0_i32, %c0_i32_0 : i32, i32
  }
  func.func @transform_11(%arg0: i32) -> (i32, i32) {
    %c0_i32 = arith.constant 0 : i32
    %c0_i32_0 = arith.constant 0 : i32
    %c0_i32_1 = arith.constant 0 : i32
    return %c0_i32, %c0_i32_0 : i32, i32
  }
  func.func @transform_12(%arg0: i32) -> (i32, i32) {
    %c0_i32 = arith.constant 0 : i32
    %c0_i32_0 = arith.constant 0 : i32
    %c0_i32_1 = arith.constant 0 : i32
    return %c0_i32, %c0_i32_0 : i32, i32
  }
  func.func @transform_13(%arg0: i32) -> (i32, i32) {
    %c0_i32 = arith.constant 0 : i32
    %c0_i32_0 = arith.constant 0 : i32
    %c0_i32_1 = arith.constant 0 : i32
    return %c0_i32, %c0_i32_0 : i32, i32
  }
  func.func @transform_14(%arg0: i32) -> (i32, i32) {
    %c0_i32 = arith.constant 0 : i32
    %c0_i32_0 = arith.constant 0 : i32
    %c0_i32_1 = arith.constant 0 : i32
    return %c0_i32, %c0_i32_0 : i32, i32
  }
  func.func @transform_15(%arg0: i32) -> (i32, i32) {
    %sub3A = arith.constant 5 : i32
    %sub3A_0 = arith.subi %arg0, %sub3A : i32
    %max3A = arith.constant 0 : i32
    %max3A_1 = arith.maxsi %sub3A_0, %max3A : i32
    %min3A = arith.constant 4 : i32
    %min3A_2 = arith.minsi %max3A_1, %min3A : i32
    %c0_i32 = arith.constant 0 : i32
    %c0_i32_3 = arith.constant 0 : i32
    return %min3A_2, %c0_i32 : i32, i32
  }
}

</mosaic_0001>

<sc_bundles>
// kernel: kernel.5.cloned.1.call-start
scs
__scs_entry_jumppad:
0x0: {  	(pc) =	sbr.rel $0x88, $3  }
0x1: {  	(tag) =	ssettag $0x0;
	lr =	simm.s32 $0x1  }
0x2: {  	[smem:$0x3F92] =	sst lr;
	_ =	strace $0xD0000000  }
0x3: {  	_ = 	snop  }
0x4: {  	_ = 	snop  }
0x5: {  	_ = 	snop  }
0x6: {  	_ = 	snop  }
0x7: {  	_ = 	snop  }
__scs_overlays_trampoline_lowered:
0x8: {  	[smem:$0x3FA1] =	sst s0  }
0x9: {  	[smem:$0x3FA2] =	sst s1  }
0xa: {  	[smem:$0x3FA3] =	sst s2  }
0xb: {  	[smem:$0x3FA4] =	sst s3  }
0xc: {  	[smem:$0x3FA5] =	sst s4  }
0xd: {  	[smem:$0x3FA6] =	sst s5  }
0xe: {  	[smem:$0x3FA7] =	sst s6  }
0xf: {  	[smem:$0x3FA8] =	sst s7  }
0x10: {  	[smem:$0x3FA9] =	sst s8  }
0x11: {  	[smem:$0x3FAA] =	sst s9;
	s0 =	simm.s32 @!p0 $0x0  }
0x12: {  	s1 =	sld [smem:$0x3F90];
	s0 =	simm.s32 @p0 $0x1  }
0x13: {  	[smem:$0x3FAB] =	sst s0;
	s0 =	simm.s32 @!p1 $0x0  }
0x14: {  	s2 =	sld [smem:$0x3F8F];
	s0 =	simm.s32 @p1 $0x1  }
0x15: {  	[smem:$0x3FAC] =	sst s0;
	s0 =	simm.s32 @!p2 $0x0  }
0x16: {  	s3 =	sld [smem:$0x3FDB];
	s0 =	simm.s32 @p2 $0x1  }
0x17: {  	s4 =	simm.s32 $0x1BF5;
	[smem:$0x3FAE] =	sst s0  }
0x18: {  	s0 =	sld [smem:$0x3F91];
	_ =	swait.ge [sflag:s4], $0x0  }
0x19: {  	s7 =	sld [smem:$0x3F92]  }
0x1a: {  	s8 =	sadd.s32 $0xFFFFE003, lr  }
0x1b: {  	s9 =	sadd.s32 $0xFFFFFEF7, lr;
	s5 =	simm.s32 $0xFFFFFFFF;
	p2 =	slt.u32 s8, $0xFFFFF086  }
0x1c: {  	p1 =	slt.u32 s9, $0xF7A;
	s5 =	simm.s32 @!p2 $0x0  }
0x1d: {  	s5 =	simm.s32 @p1 $0x1;
	p0 =	seq.s32 s7, s2  }
0x1e: {  	s7 =	smul.u32 @!p0 $0xF7A, s2;
	p2 =	seq.s32 @!p0 s5, $0x0  }
0x1f: {  	s9 =	smul.u32 $0xF7A, s1;
	s8 =	simm.s32 @!p0 $0x1BF5;
	p2 =	por !p2, p0  }
0x20: {  	[sflag:s8] =	ssyncset.s32 @!p0 $0xFFFFF086;
	s6 =	sadd.s32 @!p0 s3, s7;
	s7 =	simm.s32 @!p0 $0x108  }
0x21: {  	s3 =	sadd.s32 s3, s9;
	s6 =	sadd.s32 @!p0 $0x88, s6;
	s7 =	simm.s32 @p2 $0x1082  }
0x22: {  	[simem:s7], [sflag:s8] =	dma.local @!p0 [hbm:s6], $0xF7A  }
0x23: {  	s9 =	sor.u32 $0xD0000000, s2;
	s6 =	simm.s32 $0x108;
	_ =	swait.ge @!p0 [sflag:s8], $0x0  }
0x24: {  	s3 =	sadd.s32 $0x88, s3;
	s6 =	simm.s32 @!p1 $0x1082;
	[sflag:s4] =	ssyncset.s32 $0xFFFFF086  }
0x25: {  	[simem:s6], [sflag:s4] =	dma.local [hbm:s3], $0xF7A  }
0x26: {  	[smem:$0x3F92] =	sst s1;
	(tag) =	ssettag s2;
	_ =	strace s9  }
0x27: {  	s1 =	sld [smem:$0x3FA2]  }
0x28: {  	s2 =	sld [smem:$0x3FA3]  }
0x29: {  	s4 =	sld [smem:$0x3FA5]  }
0x2a: {  	p0 =	seq.s32 s5, $0x0;
	s5 =	sld [smem:$0x3FA6]  }
0x2b: {  	s6 =	sld [smem:$0x3FA7]  }
0x2c: {  	s7 =	sld [smem:$0x3FA8]  }
0x2d: {  	s3 =	simm.s32 $0x108;
	s8 =	sld [smem:$0x3FA9]  }
0x2e: {  	s3 =	simm.s32 @!p0 $0x1082;
	s9 =	sld [smem:$0x3FAA]  }
0x2f: {  	lr =	sadd.s32 s0, s3;
	s0 =	sld [smem:$0x3FA1]  }
0x30: {  	s3 =	sld [smem:$0x3FA4]  }
0x31: {  	[smem:$0x3FAD] =	sst s10  }
0x32: {  	s10 =	sld [smem:$0x3FAB];
	_ =	sdelay $0x3  }
0x33: {  	p0 =	seq.s32 s10, $0x1;
	s10 =	sld [smem:$0x3FAD];
	_ =	sdelay $0x3  }
0x34: {  	[smem:$0x3FAD] =	sst s10  }
0x35: {  	s10 =	sld [smem:$0x3FAC];
	_ =	sdelay $0x3  }
0x36: {  	p1 =	seq.s32 s10, $0x1;
	s10 =	sld [smem:$0x3FAD];
	_ =	sdelay $0x3  }
0x37: {  	[smem:$0x3FAD] =	sst s10  }
0x38: {  	s10 =	sld [smem:$0x3FAE]  }
0x39: {  	_ = 	snop;
	(pc) =	sbr.ind lr, $3  }
0x3a: {  	_ = 	snop  }
0x3b: {  	_ = 	snop  }
0x3c: {  	p2 =	seq.s32 s10, $0x1;
	s10 =	sld [smem:$0x3FAD]  }
0x3d: {  	_ =	shalt  }
0x3e: {  	_ =	shalt  }
0x3f: {  	_ =	shalt  }
0x40: {  	_ =	shalt  }
0x41: {  	_ =	shalt  }
0x42: {  	_ =	shalt  }
0x43: {  	_ =	shalt  }
0x44: {  	_ =	shalt  }
0x45: {  	_ =	shalt  }
0x46: {  	_ =	shalt  }
0x47: {  	_ =	shalt  }
0x48: {  	_ =	shalt  }
0x49: {  	_ =	shalt  }
0x4a: {  	_ =	shalt  }
0x4b: {  	_ =	shalt  }
0x4c: {  	_ =	shalt  }
0x4d: {  	_ =	shalt  }
0x4e: {  	_ =	shalt  }
0x4f: {  	_ =	shalt  }
0x50: {  	_ =	shalt  }
0x51: {  	_ =	shalt  }
0x52: {  	_ =	shalt  }
0x53: {  	_ =	shalt  }
0x54: {  	_ =	shalt  }
0x55: {  	_ =	shalt  }
0x56: {  	_ =	shalt  }
0x57: {  	_ =	shalt  }
0x58: {  	_ =	shalt  }
0x59: {  	_ =	shalt  }
0x5a: {  	_ =	shalt  }
0x5b: {  	_ =	shalt  }
0x5c: {  	_ =	shalt  }
0x5d: {  	_ =	shalt  }
0x5e: {  	_ =	shalt  }
0x5f: {  	_ =	shalt  }
0x60: {  	_ =	shalt  }
0x61: {  	_ =	shalt  }
0x62: {  	_ =	shalt  }
0x63: {  	_ =	shalt  }
0x64: {  	_ =	shalt  }
0x65: {  	_ =	shalt  }
0x66: {  	_ =	shalt  }
0x67: {  	_ =	shalt  }
0x68: {  	_ =	shalt  }
0x69: {  	_ =	shalt  }
0x6a: {  	_ =	shalt  }
0x6b: {  	_ =	shalt  }
0x6c: {  	_ =	shalt  }
0x6d: {  	_ =	shalt  }
0x6e: {  	_ =	shalt  }
0x6f: {  	_ =	shalt  }
0x70: {  	_ =	shalt  }
0x71: {  	_ =	shalt  }
0x72: {  	_ =	shalt  }
0x73: {  	_ =	shalt  }
0x74: {  	_ =	shalt  }
0x75: {  	_ =	shalt  }
0x76: {  	_ =	shalt  }
0x77: {  	_ =	shalt  }
0x78: {  	_ =	shalt  }
0x79: {  	_ =	shalt  }
0x7a: {  	_ =	shalt  }
0x7b: {  	_ =	shalt  }
0x7c: {  	_ =	shalt  }
0x7d: {  	_ =	shalt  }
0x7e: {  	_ =	shalt  }
0x7f: {  	_ =	shalt  }
0x80: {  	_ =	shalt  }
0x81: {  	_ =	shalt  }
0x82: {  	_ =	shalt  }
0x83: {  	_ =	shalt  }
0x84: {  	_ =	shalt  }
0x85: {  	_ =	shalt  }
0x86: {  	_ =	shalt  }
0x87: {  	_ =	shalt  }
.Lfunc_end0:
.L_simem_size_0:
called_computation_lowered:
.L_overlay_start_0:
0x88: {  	s2 =	sld [smem:$0x3FD9]  }
0x89: {  	s3 =	sld [smem:$0x3FFE];
	_ =	sdelay $0x1  }
0x8a: {  	s1 =	srdreg.scid  }
0x8b: {  	s0 =	sand.u32 $0x1, s1  }
0x8c: {  	s17 =	sshll.u32 s0, $0xA;
	s2 =	sadd.s32 s3, s2  }
0x8d: {  	s2 =	sadd.s32 s2, s17  }
0x8e: {  	[smem:$0x3FB9] =	sst s2  }
0x8f: {  	_ = 	snop  }
0x90: {  	s2 =	sld [smem:$0x3FC8]  }
0x91: {  	s18 =	sld [smem:$0x3FC7]  }
0x92: {  	s4 =	sld [smem:$0x3FD0];
	(tm) =	ssettm $0x1  }
0x93: {  	s5 =	sld [smem:$0x3FFB];
	_ =	sdelay $0x3  }
0x94: {  	_ =	strace s5  }
0x95: {  	s5 =	sld [smem:$0x3FFC];
	_ =	sdelay $0x3  }
0x96: {  	_ =	strace s5  }
0x97: {  	s5 =	sld [smem:$0x3FFD];
	_ =	sdelay $0x3  }
0x98: {  	_ =	strace s5  }
0x99: {  	_ =	strace $0x8FFFFFFF  }
0x9a: {  	s19 =	sld [smem:$0x3FDB];
	_ =	sdelay $0x1  }
0x9b: {  	s6 =	simm.s32 $_scs_section_size  }
0x9c: {  	s7 =	simm.s32 $_size__tile_overlayer_lowered;
	s8 =	simm.s32 $_tile_overlayer_lowered  }
0x9d: {  	s22 =	simm.s32 $0x1BFF;
	s21 =	sshll.u32 s8, $0x1;
	s5 =	sadd.s32 s6, s19  }
0x9e: {  	s9 =	simm.s32 $0x0;
	s20 =	sshll.u32 s7, $0x1;
	s7 =	sadd.s32 s21, s5  }
0x9f: {  	[timem:s9], [sflag:s22] =	dma.local [hbm:s7], s20  }
0xa0: {  	_ =	swait.ge [sflag:s22], s20  }
0xa1: {  	s6 =	ssub.s32 $0x0, s20;
	[sflag:s22] =	ssyncset.done $0x0  }
0xa2: {  	[sflag:s22] =	ssyncadd.s32 s6;
	_ =	sdelay $0x1  }
0xa3: {  	s23 =	simm.s32 $0x1B8B  }
0xa4: {  	_ =	swait.ge [sflag:s23], $0x1  }
0xa5: {  	[sflag:s23] =	ssyncset.done $0x0  }
0xa6: {  	s25 =	simm.s32 $0x1B8E;
	s24 =	sld [smem:$0x3FFE];
	[sflag:s23] =	ssyncadd.s32 $0xFFFFFFFF  }
0xa7: {  	s26 =	simm.s32 $execute0_lowered;
	[smem:$0x3FD2] =	sst s25  }
0xa8: {  	s7 =	sshll.u32 s26, $0x1;
	_ =	strace $0x80000046;
	[dreg:$0x1] =	wrdreg $0xFFFFFFFF  }
0xa9: {  	s28 =	simm.s32 $_size_execute0_lowered;
	s5 =	sadd.s32 s5, s7;
	[dreg:$0x0] =	wrdreg $0x0  }
0xaa: {  	s7 =	sshll.u32 s28, $0x1;
	[dreg:$0x2] =	wrdreg s5  }
0xab: {  	[dreg:$0x3] =	wrdreg s7  }
0xac: {  	[dreg:$0x4] =	wrdreg $0xC0  }
0xad: {  	_ =	task [dreg:s9], $0x5FFFF  }
0xae: {  	[dreg:$0x1] =	wrdreg $0xFFFFFFFF  }
0xaf: {  	[dreg:$0x0] =	wrdreg $0x60  }
0xb0: {  	[dreg:$0x2] =	wrdreg s2  }
0xb1: {  	[dreg:$0x3] =	wrdreg s18  }
0xb2: {  	[dreg:$0x4] =	wrdreg s24  }
0xb3: {  	[dreg:$0x5] =	wrdreg s4  }
0xb4: {  	[dreg:$0x6] =	wrdreg $0x9  }
0xb5: {  	_ =	task.clear_ibuf [dreg:s9], $0x7FFFF;
	_ =	strace $0x90000046  }
0xb6: {  	s29 =	simm.s32 $0x9;
	_ =	strace $0x80000048  }
0xb7: {  	_ =	swait.ge [sflag:s29], $0x1  }
0xb8: {  	[sflag:s29] =	ssyncadd.s32 $0xFFFFFFFF  }
0xb9: {  	_ =	strace $0x90000048  }
0xba: {  	_ =	sfence  }
0xbb: {  	s30 =	sld [smem:$0x0];
	_ =	sdelay $0x2  }
0xbc: {  	s31 =	sshll.u32 s1, $0xD;
	s1 =	sshrl.u32 s1, $0x2  }
0xbd: {  	s3 =	sand.u32 $0x4000, s31;
	s1 =	sadd.s32 s1, s30  }
0xbe: {  	s0 =	sor.u32 s3, s0;
	s1 =	sshll.u32 s1, $0x11  }
0xbf: {  	s0 =	sor.u32 s1, s0  }
0xc0: {  	s0 =	sadd.s32 $0x8F2B, s0  }
0xc1: {  	[sflag:s0] =	ssyncadd.remote.s32 $0x1  }
0xc2: {  	_ =	sfence.sel $0xFFFF  }
0xc3: {  	[dreg:$0x0] =	wrdreg $0xFFFFFFFF;
	(pc) =	sbr.abs _section_cstart, $3  }
0xc4: {  	[dreg:$0x1] =	wrdreg $0xFFFFFFFF  }
0xc5: {  	_ =	task.clear_ibuf [dreg:s9], $0x2FFFF;
	_ =	strace $0x9FFFFFFF  }
0xc6: {  	(tm) =	ssettm $0x7FFFFFFF  }
0xc7: {  	_ =	shalt  }
tec
execute0_lowered:
.L_overlay_start_1:
0x0: {  	(tag) =	ssettag $0x1  }
0x1: {  	s1 =	rddreg [dreg:$0x0]  }
0x2: {  	s2 =	rddreg [dreg:$0x1]  }
0x3: {  	s0 =	srdreg.scid;
	s3 =	rddreg [dreg:$0x2]  }
0x4: {  	s6 =	stileid.u32;
	s11 =	rddreg [dreg:$0x3];
	s14 =	simm.s32 $0x1400  }
0x5: {  	s15 =	simm.s32 $0x5000;
	s16 =	simm.s32 $0x2;
	s17 =	simm.s32 $0x4  }
0x6: {  	s18 =	simm.s32 $0x1;
	s19 =	simm.s32 $0x3;
	s21 =	simm.s32 $0x5  }
0x7: {  	s0 =	sand.u32 $0x1, s0;
	s4 =	sshll.u32 s6, $0x1;
	s7 =	sshrl.u32 s6, $0x2  }
0x8: {  	s5 =	sor.u32 s0, s4;
	s4 =	simm.s32 $0x0;
	s8 =	sshll.u32 s7, $0xA  }
0x9: {  	s0 =	ssub.s32 $0x2, s0;
	s13 =	sshll.u32 s7, $0xB;
	s23 =	sshll.u32 s5, $0x7  }
0xa: {  	[smem:$0x7FF] =	sst s4;
	s10 =	smul.u32 $0xBB8, s5;
	s25 =	sshrl.u32 s0, $0x1  }
0xb: {  	s9 =	sand.u32 $0x380, s23;
	_ =	strace $0x80000047;
	s0 =	ssub.s32 s0, s25  }
0xc: {  	s25 =	simm.s32 $0x0;
	s6 =	sor.u32 s8, s9;
	s26 =	sadd.s32 $0xFA00, s10  }
0xd: {  	s29 =	sadd.s32 $0xFA28, s10;
	s30 =	sor.u32 s13, s9;
	s9 =	sadd.s32 $0xFA50, s10  }
0xe: {  	s13 =	simm.s32 $0x2800;
	s24 =	sshrl.u32 s6, $0x3;
	s28 =	sshll.u32 s26, $0x4  }
0xf: {  	s6 =	sshll.u32 s26, $0x5;
	s12 =	sshll.u32 s29, $0x4;
	s8 =	sshll.u32 s29, $0x5  }
0x10: {  	s31 =	sshrl.u32 s30, $0x3;
	s3 =	sadd.s32 s24, s3;
	s5 =	sadd.s32 s1, s28  }
0x11: {  	s6 =	sadd.s32 s2, s6;
	s7 =	sadd.s32 s1, s12;
	s8 =	sadd.s32 s2, s8  }
0x12: {  	s11 =	sadd.s32 s11, s31;
	s12 =	smax.u32 s0, $0x1;
	s10 =	sadd.s32 $0x2800, s3  }
.LBB2_1:
0x13: {  	[tilespmem:s4], [sflag:$0x1] =	stream.linear.gather [hbm4b:s5+s4], $0x1400, $0x38;
	[tilespmem:$0x7980] =	vst v63  }
0x14: {  	_ = 	snop  }
0x15: {  	[tilespmem:s13], [sflag:$0x3] =	stream.linear.gather [hbm4b:s6+s4], $0x2800, $0x38;
	[tilespmem:$0x7980] =	vst v63  }
0x16: {  	_ = 	snop  }
0x17: {  	[tilespmem:s14], [sflag:$0x2] =	stream.linear.gather [hbm4b:s7+s4], $0x1400, $0x38;
	[tilespmem:$0x7980] =	vst v63  }
0x18: {  	_ = 	snop  }
0x19: {  	v0 =	vimm.f32 $0.0e+00;
	[tilespmem:s15], [sflag:$0x4] =	stream.linear.gather [hbm4b:s8+s4], $0x2800, $0x38;
	[tilespmem:$0x7980] =	vst v63  }
0x1a: {  	[tilespmem:$0x7800] =	vst v0  }
0x1b: {  	[tilespmem:$0x7810] =	vst v0  }
0x1c: {  	[tilespmem:$0x7820] =	vst v0  }
0x1d: {  	[tilespmem:$0x7830] =	vst v0  }
0x1e: {  	[tilespmem:$0x7840] =	vst v0  }
0x1f: {  	[tilespmem:$0x7850] =	vst v0  }
0x20: {  	[tilespmem:$0x7860] =	vst v0  }
0x21: {  	[tilespmem:$0x7870] =	vst v0  }
0x22: {  	[tilespmem:$0x7880] =	vst v0  }
0x23: {  	[tilespmem:$0x7890] =	vst v0  }
0x24: {  	[tilespmem:$0x78A0] =	vst v0  }
0x25: {  	[tilespmem:$0x78B0] =	vst v0  }
0x26: {  	[tilespmem:$0x78C0] =	vst v0  }
0x27: {  	[tilespmem:$0x78D0] =	vst v0  }
0x28: {  	[tilespmem:$0x78E0] =	vst v0  }
0x29: {  	[tilespmem:$0x78F0] =	vst v0  }
0x2a: {  	[tilespmem:$0x7900] =	vst v0  }
0x2b: {  	[tilespmem:$0x7910] =	vst v0  }
0x2c: {  	[tilespmem:$0x7920] =	vst v0  }
.Ltmp0:
0x2d: {  	[tilespmem:$0x7930] =	vst v0;
	(pc) =	sbr.rel .LBB2_2-.Ltmp0, $4  }
0x2e: {  	[tilespmem:$0x7940] =	vst v0  }
0x2f: {  	[tilespmem:$0x7950] =	vst v0  }
0x30: {  	[tilespmem:$0x7960] =	vst v0  }
0x31: {  	s26 =	simm.s32 $0x0;
	[tilespmem:$0x7970] =	vst v0  }
.LBB2_14:
0x32: {  	s26 =	sadd.s32 $0x1, s26  }
0x33: {  	p0 =	sne.s32 s26, $0x49  }
.Ltmp1:
0x34: {  	_ = 	snop;
	(pc) =	sbr.rel @!p0 .LBB2_15-.Ltmp1, $1  }
0x35: {  	_ =	sdelay $0x3  }
.LBB2_2:
0x36: {  	s0 =	sand.u32 $0x1, s26  }
0x37: {  	p0 =	seq.s32 s0, $0x0  }
.Ltmp2:
0x38: {  	_ = 	snop;
	(pc) =	sbr.rel @p0 .LBB2_4-.Ltmp2, $3  }
0x39: {  	_ = 	snop  }
0x3a: {  	s3 =	smul.u32 $0x28, s26;
	_ =	sdelay $0x1  }
0x3b: {  	s0 =	sadd.s32 s3, s9  }
.Ltmp3:
0x3c: {  	(pc) =	sbr.rel .LBB2_9-.Ltmp3, $3  }
0x3d: {  	_ =	sdelay $0x1  }
0x3e: {  	s3 =	sshll.u32 s0, $0x4;
	s31 =	sshll.u32 s0, $0x5  }
0x3f: {  	s28 =	sadd.s32 s1, s3;
	s29 =	sadd.s32 s2, s31  }
.LBB2_4:
0x40: {  	_ =	swait.ge [sflag:s18], $0x1400  }
0x41: {  	[sflag:s18] =	ssyncset.done $0x0  }
0x42: {  	[sflag:s18] =	ssyncadd.s32 $0xFFFFEC00  }
0x43: {  	_ =	swait.ge [sflag:s19], $0x2800  }
0x44: {  	s3 =	sshll.u32 s0, $0x4;
	s30 =	simm.s32 $0x0;
	[sflag:s19] =	ssyncset.done $0x0  }
0x45: {  	s31 =	sshll.u32 s0, $0x5;
	s28 =	sadd.s32 s1, s3;
	[sflag:s19] =	ssyncadd.s32 $0xFFFFD800  }
0x46: {  	[tilespmem:s30], [sflag:$0x1] =	stream.linear.gather [hbm4b:s28+s30], $0x1400, $0x38;
	[tilespmem:$0x7980] =	vst v63  }
0x47: {  	s0 =	simm.s32 $0x0;
	s29 =	sadd.s32 s2, s31  }
0x48: {  	[tilespmem:s13], [sflag:$0x3] =	stream.linear.gather [hbm4b:s29+s30], $0x2800, $0x38;
	[tilespmem:$0x7980] =	vst v63  }
0x49: {  	v4 =	vld [tilespmem:s0+$0x200]  }
0x4a: {  	v5 =	vld [tilespmem:s0+$0x210]  }
0x4b: {  	v16 =	vld [tilespmem:s0+$0x220]  }
0x4c: {  	v17 =	vld [tilespmem:s0+$0x230]  }
0x4d: {  	v8 =	vld [tilespmem:s0+$0x240]  }
0x4e: {  	v11 =	vld [tilespmem:s0+$0x250]  }
0x4f: {  	v7 =	vld [tilespmem:s0+$0x180]  }
0x50: {  	v22 =	vld [tilespmem:s0+$0x190]  }
0x51: {  	v6 =	vld [tilespmem:s0+$0x1A0]  }
0x52: {  	v20 =	vld [tilespmem:s0+$0x1B0]  }
0x53: {  	v14 =	vld [tilespmem:s0+$0x1C0]  }
0x54: {  	v15 =	vld [tilespmem:s0+$0x1D0]  }
0x55: {  	v2 =	vld [tilespmem:s0+$0x100]  }
0x56: {  	v3 =	vld [tilespmem:s0+$0x110]  }
0x57: {  	v9 =	vld [tilespmem:s0+$0x120]  }
0x58: {  	v10 =	vld [tilespmem:s0+$0x80]  }
0x59: {  	v12 =	vld [tilespmem:s0+$0x90]  }
0x5a: {  	v13 =	vld [tilespmem:s0+$0x0]  }
0x5b: {  	v19 =	vld [tilespmem:s0+$0x10]  }
0x5c: {  	v21 =	vld [tilespmem:s0+$0x20]  }
0x5d: {  	v23 =	vld [tilespmem:s0+$0x30]  }
0x5e: {  	v24 =	vld [tilespmem:s0+$0xA0]  }
0x5f: {  	v25 =	vld [tilespmem:s0+$0xB0]  }
0x60: {  	v26 =	vld [tilespmem:s0+$0x130]  }
0x61: {  	v1 =	vimm.f32 $0.0e+00;
	v18 =	vld [tilespmem:s0+$0x140]  }
0x62: {  	v34 =	vld [tilespmem:s0+$0xC0];
	v13 =	vadd.f32 v13, v1;
	v27 =	vadd.f32 v19, v1  }
0x63: {  	v35 =	vld [tilespmem:s0+$0xD0];
	v21 =	vadd.f32 v21, v1;
	v23 =	vadd.f32 v23, v1  }
0x64: {  	v29 =	vimm.f32 $0.0e+00;
	v36 =	vld [tilespmem:s0+$0x40];
	v10 =	vadd.f32 v10, v13;
	v12 =	vadd.f32 v12, v27  }
0x65: {  	v28 =	vimm.f32 $0.0e+00;
	v37 =	vld [tilespmem:s0+$0x50];
	v13 =	vadd.f32 v24, v21;
	v21 =	vadd.f32 v25, v23  }
0x66: {  	v38 =	vld [tilespmem:s0+$0x60];
	v25 =	vimm.f32 $0.0e+00;
	v39 =	vadd.f32 v2, v10;
	v40 =	vadd.f32 v3, v12  }
0x67: {  	s3 =	simm.s32 $0xA00;
	v19 =	vld [tilespmem:s0+$0x150];
	v27 =	vimm.f32 $0.0e+00;
	v41 =	vadd.f32 v9, v13;
	v42 =	vadd.f32 v26, v21  }
.LBB2_5:
0x68: {  	p1 =	sne.s32 s3, $0x4600;
	v2 =	vld [tilespmem:s0+$0x70];
	v3 =	vadd.f32 v7, v39;
	v7 =	vadd.f32 v22, v40  }
0x69: {  	v9 =	vld [tilespmem:s0+$0xE0];
	v6 =	vadd.f32 v6, v41;
	v10 =	vadd.f32 v20, v42  }
0x6a: {  	v12 =	vld [tilespmem:s0+$0xF0];
	v3 =	vadd.f32 v4, v3;
	v13 =	vadd.f32 v5, v7  }
0x6b: {  	v5 =	vld [tilespmem:s0+$0x160];
	v21 =	vadd.f32 v16, v6;
	v10 =	vadd.f32 v17, v10  }
0x6c: {  	v4 =	vadd.f32 v36, v25;
	v6 =	vadd.f32 v37, v29;
	v7 =	vld [tilespmem:s0+$0x170]  }
0x6d: {  	v16 =	vadd.f32 v38, v27;
	v2 =	vadd.f32 v2, v28;
	v17 =	vld [tilespmem:s0+$0x1E0]  }
0x6e: {  	v4 =	vadd.f32 v34, v4;
	v6 =	vadd.f32 v35, v6;
	v20 =	vld [tilespmem:s0+$0x1F0]  }
0x6f: {  	v9 =	vadd.f32 v9, v16;
	v2 =	vadd.f32 v12, v2;
	v12 =	vld [tilespmem:s0+$0x260]  }
0x70: {  	v16 =	vadd.f32 v18, v4;
	v6 =	vadd.f32 v19, v6;
	v18 =	vld [tilespmem:s0+$0x270];
	s0 =	sshra.s32 s3, $0x2  }
0x71: {  	v9 =	vadd.f32 v5, v9;
	v4 =	vld [tilespmem:s0+$0x200];
	v2 =	vadd.f32 v7, v2  }
0x72: {  	v7 =	vadd.f32 v14, v16;
	v6 =	vadd.f32 v15, v6;
	v5 =	vld [tilespmem:s0+$0x210]  }
0x73: {  	v9 =	vadd.f32 v17, v9;
	v16 =	vld [tilespmem:s0+$0x220];
	v2 =	vadd.f32 v20, v2  }
0x74: {  	v25 =	vadd.f32 v8, v7;
	v29 =	vadd.f32 v11, v6;
	v17 =	vld [tilespmem:s0+$0x230]  }
0x75: {  	v27 =	vadd.f32 v12, v9;
	v8 =	vld [tilespmem:s0+$0x240];
	v28 =	vadd.f32 v18, v2  }
0x76: {  	v11 =	vld [tilespmem:s0+$0x250]  }
0x77: {  	v7 =	vld [tilespmem:s0+$0x180]  }
0x78: {  	v22 =	vld [tilespmem:s0+$0x190]  }
0x79: {  	v6 =	vld [tilespmem:s0+$0x1A0]  }
0x7a: {  	v20 =	vld [tilespmem:s0+$0x1B0]  }
0x7b: {  	v14 =	vld [tilespmem:s0+$0x1C0]  }
0x7c: {  	v15 =	vld [tilespmem:s0+$0x1D0]  }
0x7d: {  	v2 =	vld [tilespmem:s0+$0x100]  }
0x7e: {  	v9 =	vld [tilespmem:s0+$0x110]  }
0x7f: {  	v12 =	vld [tilespmem:s0+$0x120]  }
0x80: {  	v23 =	vld [tilespmem:s0+$0x130]  }
0x81: {  	v24 =	vld [tilespmem:s0+$0x80]  }
0x82: {  	v26 =	vld [tilespmem:s0+$0x90]  }
0x83: {  	v19 =	vld [tilespmem:s0+$0x0]  }
0x84: {  	v30 =	vld [tilespmem:s0+$0x10]  }
0x85: {  	v31 =	vld [tilespmem:s0+$0x20]  }
0x86: {  	v32 =	vld [tilespmem:s0+$0x30]  }
0x87: {  	v33 =	vld [tilespmem:s0+$0xA0]  }
0x88: {  	v37 =	vld [tilespmem:s0+$0xB0]  }
0x89: {  	v18 =	vld [tilespmem:s0+$0x140]  }
0x8a: {  	v3 =	vadd.f32 v19, v3;
	v13 =	vadd.f32 v30, v13;
	v19 =	vld [tilespmem:s0+$0x150]  }
.Ltmp4:
0x8b: {  	v21 =	vadd.f32 v31, v21;
	v10 =	vadd.f32 v32, v10;
	v34 =	vld [tilespmem:s0+$0xC0];
	(pc) =	sbr.rel @p1 .LBB2_5-.Ltmp4, $4  }
0x8c: {  	v3 =	vadd.f32 v24, v3;
	v13 =	vadd.f32 v26, v13;
	v35 =	vld [tilespmem:s0+$0xD0]  }
0x8d: {  	v21 =	vadd.f32 v33, v21;
	v36 =	vld [tilespmem:s0+$0x40];
	v10 =	vadd.f32 v37, v10  }
0x8e: {  	v39 =	vadd.f32 v2, v3;
	v40 =	vadd.f32 v9, v13;
	v37 =	vld [tilespmem:s0+$0x50]  }
0x8f: {  	s3 =	sadd.s32 $0xA00, s3;
	v41 =	vadd.f32 v12, v21;
	v38 =	vld [tilespmem:s0+$0x60];
	v42 =	vadd.f32 v23, v10  }
0x90: {  	v43 =	vld [tilespmem:s0+$0x70]  }
0x91: {  	v44 =	vld [tilespmem:s0+$0xE0]  }
0x92: {  	v45 =	vld [tilespmem:s0+$0xF0]  }
0x93: {  	v46 =	vld [tilespmem:s0+$0x160]  }
0x94: {  	v47 =	vld [tilespmem:s0+$0x170]  }
0x95: {  	v48 =	vld [tilespmem:s0+$0x1E0]  }
0x96: {  	v49 =	vld [tilespmem:s0+$0x1F0]  }
0x97: {  	v50 =	vld [tilespmem:s0+$0x260];
	s3 =	sand.u32 $0x3800, s30;
	s20 =	sand.u32 $0x380, s30  }
0x98: {  	v51 =	vld [tilespmem:s0+$0x270];
	s20 =	sor.u32 s20, s3  }
0x99: {  	v52 =	vld [tilespmem:s20+$0x2800]  }
0x9a: {  	v53 =	vld [tilespmem:s20+$0x2810]  }
0x9b: {  	v54 =	vld [tilespmem:s20+$0x2820]  }
0x9c: {  	v55 =	vld [tilespmem:s20+$0x2830]  }
0x9d: {  	v56 =	vld [tilespmem:s20+$0x2840]  }
0x9e: {  	v57 =	vld [tilespmem:s20+$0x2850]  }
0x9f: {  	v58 =	vld [tilespmem:s20+$0x2860]  }
0xa0: {  	v59 =	vld [tilespmem:s20+$0x2870]  }
0xa1: {  	v0 =	vld [tilespmem:s20+$0x2C00]  }
0xa2: {  	v33 =	vld [tilespmem:s20+$0x2C10]  }
0xa3: {  	v12 =	vld [tilespmem:s20+$0x2C40]  }
0xa4: {  	s23 =	simm.s32 $0x400;
	s24 =	simm.s32 $0x200;
	v9 =	vld [tilespmem:s20+$0x2C50]  }
0xa5: {  	s3 =	sand.u32 $0x7800, s23;
	s22 =	sand.u32 $0x380, s24;
	v10 =	vld [tilespmem:s20+$0x2C60]  }
0xa6: {  	v13 =	vld [tilespmem:s20+$0x2C70];
	s31 =	sor.u32 s22, s3  }
0xa7: {  	v60 =	vld [tilespmem:s31+$0x2800]  }
0xa8: {  	v61 =	vld [tilespmem:s31+$0x2810]  }
0xa9: {  	v62 =	vld [tilespmem:s31+$0x2820]  }
0xaa: {  	v63 =	vld [tilespmem:s31+$0x2830]  }
0xab: {  	v30 =	vld [tilespmem:s31+$0x2850]  }
0xac: {  	v31 =	vld [tilespmem:s31+$0x2860]  }
0xad: {  	v32 =	vld [tilespmem:s31+$0x2870]  }
0xae: {  	v7 =	vadd.f32 v7, v39;
	v23 =	vld [tilespmem:s31+$0x2C00]  }
0xaf: {  	v24 =	vld [tilespmem:s31+$0x2C10]  }
0xb0: {  	v22 =	vadd.f32 v22, v40;
	v4 =	vadd.f32 v4, v7;
	v21 =	vld [tilespmem:s31+$0x2C20]  }
0xb1: {  	s23 =	simm.s32 $0x180;
	s22 =	simm.s32 $0x300;
	v26 =	vld [tilespmem:s31+$0x2C30]  }
0xb2: {  	s3 =	sand.u32 $0x380, s23;
	s0 =	sand.u32 $0x7800, s22;
	v2 =	vld [tilespmem:s31+$0x2C40];
	[tilespmem:$0x1FF70] =	vst v4;
	v4 =	vadd.f32 v5, v22  }
0xb3: {  	v40 =	vadd.f32 v6, v41;
	v3 =	vld [tilespmem:s31+$0x2C50];
	s3 =	sor.u32 s3, s0  }
0xb4: {  	v39 =	vld [tilespmem:s3+$0x2800];
	[tilespmem:$0x1FF80] =	vst v4  }
0xb5: {  	v20 =	vadd.f32 v20, v42;
	v4 =	vadd.f32 v16, v40;
	[tilespmem:$0x1FFD0] =	vst v0;
	v0 =	vld [tilespmem:s20+$0x2C20]  }
0xb6: {  	v41 =	vld [tilespmem:s3+$0x2810]  }
0xb7: {  	v22 =	vld [tilespmem:s3+$0x2820];
	[tilespmem:$0x1FF90] =	vst v4;
	v4 =	vadd.f32 v17, v20;
	v17 =	vadd.f32 v36, v25  }
0xb8: {  	v27 =	vadd.f32 v38, v27;
	v7 =	vld [tilespmem:s3+$0x2870];
	v20 =	vadd.f32 v37, v29  }
0xb9: {  	s0 =	simm.s32 $0x100;
	v28 =	vadd.f32 v43, v28;
	v42 =	vld [tilespmem:s3+$0x2C30];
	v17 =	vadd.f32 v34, v17  }
0xba: {  	v27 =	vadd.f32 v44, v27;
	v20 =	vadd.f32 v35, v20;
	[tilespmem:$0x1FFE0] =	vst v0;
	v0 =	vld [tilespmem:s20+$0x2C30];
	s20 =	sand.u32 $0x7800, s24;
	s24 =	sand.u32 $0x380, s0  }
0xbb: {  	s23 =	simm.s32 $0x80;
	v16 =	vld [tilespmem:s3+$0x2830];
	v28 =	vadd.f32 v45, v28;
	v17 =	vadd.f32 v18, v17;
	s20 =	sor.u32 s24, s20  }
0xbc: {  	s0 =	sand.u32 $0x7800, s0;
	v18 =	vadd.f32 v19, v20;
	v20 =	vadd.f32 v46, v27;
	s24 =	sand.u32 $0x380, s23;
	v36 =	vld [tilespmem:s20+$0x2800]  }
0xbd: {  	s22 =	sor.u32 s24, s0;
	v19 =	vld [tilespmem:s20+$0x2810]  }
0xbe: {  	v27 =	vadd.f32 v47, v28;
	v20 =	vadd.f32 v48, v20;
	v28 =	vld [tilespmem:s22+$0x2800]  }
0xbf: {  	v14 =	vadd.f32 v14, v17;
	v17 =	vadd.f32 v15, v18;
	v18 =	vld [tilespmem:s22+$0x2810]  }
0xc0: {  	[tilespmem:$0x1FFA0] =	vst v4;
	v27 =	vadd.f32 v49, v27;
	v37 =	vld [tilespmem:s22+$0x2820];
	v4 =	vadd.f32 v50, v20  }
0xc1: {  	v15 =	vadd.f32 v8, v14;
	v14 =	vadd.f32 v11, v17;
	v17 =	vld [tilespmem:s22+$0x2830]  }
0xc2: {  	v20 =	vld [tilespmem:s20+$0x2820];
	[tilespmem:$0x1FFB0] =	vst v4;
	v4 =	vadd.f32 v51, v27;
	v27 =	vadd.f32 v52, v1  }
0xc3: {  	v53 =	vadd.f32 v53, v1;
	v6 =	vld [tilespmem:s20+$0x2830];
	v48 =	vadd.f32 v54, v1  }
0xc4: {  	v29 =	vld [tilespmem:s3+$0x2850];
	v49 =	vadd.f32 v55, v1;
	v27 =	vadd.f32 v28, v27  }
0xc5: {  	v55 =	vld [tilespmem:s20+$0x2870];
	v18 =	vadd.f32 v18, v53;
	v28 =	vadd.f32 v37, v48  }
0xc6: {  	v51 =	vld [tilespmem:s20+$0x2850];
	v17 =	vadd.f32 v17, v49;
	v27 =	vadd.f32 v36, v27  }
0xc7: {  	v53 =	vld [tilespmem:s22+$0x2870];
	v18 =	vadd.f32 v19, v18;
	v19 =	vadd.f32 v20, v28  }
0xc8: {  	v54 =	vadd.f32 v57, v1;
	v20 =	vld [tilespmem:s22+$0x2850];
	v17 =	vadd.f32 v6, v17  }
0xc9: {  	v28 =	vld [tilespmem:s22+$0x2860];
	v27 =	vadd.f32 v39, v27;
	v22 =	vadd.f32 v22, v19  }
0xca: {  	v57 =	vadd.f32 v59, v1;
	v52 =	vld [tilespmem:s22+$0x2840];
	v16 =	vadd.f32 v16, v17  }
0xcb: {  	v19 =	vadd.f32 v60, v27;
	v27 =	vld [tilespmem:s20+$0x2860];
	v17 =	vadd.f32 v62, v22  }
0xcc: {  	v50 =	vld [tilespmem:s20+$0x2840];
	v22 =	vadd.f32 v56, v1;
	v56 =	vadd.f32 v58, v1  }
0xcd: {  	v40 =	vld [tilespmem:s3+$0x2C10];
	v20 =	vadd.f32 v20, v54  }
0xce: {  	v25 =	vld [tilespmem:s3+$0x2840];
	v58 =	vadd.f32 v53, v57;
	v28 =	vadd.f32 v28, v56  }
0xcf: {  	[tilespmem:$0x1FFC0] =	vst v4;
	v4 =	vld [tilespmem:$0x1FFD0];
	v22 =	vadd.f32 v52, v22;
	v20 =	vadd.f32 v51, v20  }
0xd0: {  	v34 =	vld [tilespmem:s3+$0x2860];
	v27 =	vadd.f32 v27, v28;
	v28 =	vadd.f32 v55, v58  }
0xd1: {  	v35 =	vld [tilespmem:s3+$0x2C00];
	v22 =	vadd.f32 v50, v22;
	v20 =	vadd.f32 v29, v20  }
0xd2: {  	v59 =	vld [tilespmem:s20+$0x2C00];
	v28 =	vadd.f32 v7, v28  }
0xd3: {  	[tilespmem:$0x1FFF0] =	vst v0;
	v0 =	vld [tilespmem:s31+$0x2840];
	v22 =	vadd.f32 v25, v22;
	v25 =	vadd.f32 v30, v20  }
0xd4: {  	v20 =	vadd.f32 v32, v28;
	v28 =	vadd.f32 v4, v1;
	v4 =	vld [tilespmem:$0x1FFE0]  }
0xd5: {  	v43 =	vld [tilespmem:s20+$0x2C20];
	v18 =	vadd.f32 v41, v18  }
0xd6: {  	v60 =	vld [tilespmem:s22+$0x2C00]  }
0xd7: {  	v18 =	vadd.f32 v61, v18;
	v61 =	vld [tilespmem:s22+$0x2C10];
	v34 =	vadd.f32 v34, v27  }
0xd8: {  	v62 =	vld [tilespmem:s22+$0x2C30];
	v27 =	vadd.f32 v0, v22  }
0xd9: {  	v22 =	vadd.f32 v31, v34;
	v31 =	vadd.f32 v4, v1;
	v4 =	vld [tilespmem:$0x1FFF0]  }
0xda: {  	v0 =	vld [tilespmem:s20+$0x2C10]  }
0xdb: {  	v29 =	vld [tilespmem:s22+$0x2C20];
	v30 =	vadd.f32 v33, v1  }
0xdc: {  	v38 =	vld [tilespmem:s20+$0x2C40]  }
0xdd: {  	v32 =	vld [tilespmem:s20+$0x2C30];
	v30 =	vadd.f32 v61, v30;
	v28 =	vadd.f32 v60, v28  }
0xde: {  	v37 =	vld [tilespmem:s3+$0x2C50];
	v16 =	vadd.f32 v63, v16;
	v63 =	vadd.f32 v4, v1  }
0xdf: {  	v41 =	vld [tilespmem:s3+$0x2C20];
	v34 =	vadd.f32 v59, v28;
	v44 =	vadd.f32 v0, v30  }
0xe0: {  	v36 =	vld [tilespmem:s3+$0x2C40];
	v31 =	vadd.f32 v29, v31;
	v33 =	vadd.f32 v62, v63  }
0xe1: {  	s0 =	simm.s32 $0x280;
	v39 =	vld [tilespmem:s20+$0x2C50];
	v30 =	vimm.f32 $0.0e+00;
	v28 =	vimm.f32 $0.0e+00;
	v29 =	vimm.f32 $0.0e+00  }
.LBB2_7:
0xe2: {  	p1 =	sne.s32 s0, $0x1180;
	v0 =	vld [tilespmem:s22+$0x2C40];
	v31 =	vadd.f32 v43, v31;
	v32 =	vadd.f32 v32, v33  }
0xe3: {  	v43 =	vld [tilespmem:s22+$0x2C50];
	v33 =	vadd.f32 v35, v34;
	v34 =	vadd.f32 v40, v44  }
0xe4: {  	v35 =	vld [tilespmem:s22+$0x2C60];
	v40 =	vadd.f32 v41, v31;
	v41 =	vadd.f32 v42, v32  }
0xe5: {  	v42 =	vld [tilespmem:s22+$0x2C70];
	v31 =	vadd.f32 v23, v33;
	v32 =	vadd.f32 v24, v34  }
0xe6: {  	v23 =	vld [tilespmem:s20+$0x2C60];
	v33 =	vadd.f32 v21, v40;
	v34 =	vadd.f32 v26, v41  }
0xe7: {  	v1 =	vadd.f32 v12, v1;
	v9 =	vadd.f32 v9, v30;
	v12 =	vld [tilespmem:s20+$0x2C70]  }
0xe8: {  	v10 =	vadd.f32 v10, v29;
	v13 =	vadd.f32 v13, v28;
	v21 =	vld [tilespmem:s3+$0x2C60]  }
0xe9: {  	s30 =	sadd.s32 $0x500, s30;
	v0 =	vadd.f32 v0, v1;
	v1 =	vadd.f32 v43, v9;
	v9 =	vld [tilespmem:s3+$0x2C70]  }
0xea: {  	s20 =	sand.u32 $0x380, s0;
	s3 =	sand.u32 $0x3800, s30;
	v10 =	vadd.f32 v35, v10;
	v13 =	vadd.f32 v42, v13;
	v24 =	vld [tilespmem:s31+$0x2C60]  }
0xeb: {  	v0 =	vadd.f32 v38, v0;
	s3 =	sor.u32 s20, s3;
	v1 =	vadd.f32 v39, v1;
	v26 =	vld [tilespmem:s31+$0x2C70]  }
0xec: {  	v10 =	vadd.f32 v23, v10;
	v35 =	vld [tilespmem:s3+$0x2800];
	v12 =	vadd.f32 v12, v13  }
0xed: {  	v0 =	vadd.f32 v36, v0;
	v13 =	vadd.f32 v37, v1;
	v40 =	vld [tilespmem:s3+$0x2810]  }
0xee: {  	v10 =	vadd.f32 v21, v10;
	v49 =	vld [tilespmem:s3+$0x2820];
	v9 =	vadd.f32 v9, v12  }
0xef: {  	v1 =	vadd.f32 v2, v0;
	v30 =	vadd.f32 v3, v13;
	v50 =	vld [tilespmem:s3+$0x2830]  }
0xf0: {  	v29 =	vadd.f32 v24, v10;
	v41 =	vld [tilespmem:s3+$0x2840];
	v28 =	vadd.f32 v26, v9  }
0xf1: {  	v43 =	vld [tilespmem:s3+$0x2850]  }
0xf2: {  	v42 =	vld [tilespmem:s3+$0x2860]  }
0xf3: {  	v44 =	vld [tilespmem:s3+$0x2870]  }
0xf4: {  	v36 =	vld [tilespmem:s3+$0x2C00]  }
0xf5: {  	v38 =	vld [tilespmem:s3+$0x2C10]  }
0xf6: {  	v37 =	vld [tilespmem:s3+$0x2C20]  }
0xf7: {  	v39 =	vld [tilespmem:s3+$0x2C30]  }
0xf8: {  	v12 =	vld [tilespmem:s3+$0x2C40]  }
0xf9: {  	s22 =	sadd.s32 $0x200, s0;
	s20 =	sadd.s32 $0x400, s30;
	v9 =	vld [tilespmem:s3+$0x2C50]  }
0xfa: {  	s22 =	sand.u32 $0x380, s22;
	s20 =	sand.u32 $0x7800, s20;
	v10 =	vld [tilespmem:s3+$0x2C60]  }
0xfb: {  	s31 =	sor.u32 s22, s20;
	v13 =	vld [tilespmem:s3+$0x2C70]  }
0xfc: {  	v0 =	vld [tilespmem:s31+$0x2800]  }
0xfd: {  	v51 =	vld [tilespmem:s31+$0x2810]  }
0xfe: {  	v52 =	vld [tilespmem:s31+$0x2820]  }
0xff: {  	v53 =	vld [tilespmem:s31+$0x2830]  }
0x100: {  	v45 =	vld [tilespmem:s31+$0x2840]  }
0x101: {  	v47 =	vld [tilespmem:s31+$0x2850]  }
0x102: {  	v46 =	vld [tilespmem:s31+$0x2860]  }
0x103: {  	v48 =	vld [tilespmem:s31+$0x2870]  }
0x104: {  	v23 =	vld [tilespmem:s31+$0x2C00]  }
0x105: {  	v24 =	vld [tilespmem:s31+$0x2C10]  }
0x106: {  	v21 =	vld [tilespmem:s31+$0x2C20]  }
0x107: {  	s20 =	sadd.s32 $0x180, s0;
	s3 =	sadd.s32 $0x300, s30;
	v26 =	vld [tilespmem:s31+$0x2C30]  }
0x108: {  	s20 =	sand.u32 $0x380, s20;
	s3 =	sand.u32 $0x7800, s3;
	v2 =	vld [tilespmem:s31+$0x2C40]  }
0x109: {  	s3 =	sor.u32 s20, s3;
	v3 =	vld [tilespmem:s31+$0x2C50]  }
0x10a: {  	v54 =	vld [tilespmem:s3+$0x2800]  }
0x10b: {  	v55 =	vld [tilespmem:s3+$0x2810]  }
0x10c: {  	v56 =	vld [tilespmem:s3+$0x2820]  }
0x10d: {  	v57 =	vld [tilespmem:s3+$0x2830]  }
0x10e: {  	v58 =	vld [tilespmem:s3+$0x2840]  }
0x10f: {  	s22 =	sadd.s32 $0x100, s0;
	s20 =	sadd.s32 $0x200, s30;
	v59 =	vld [tilespmem:s3+$0x2850]  }
0x110: {  	s22 =	sand.u32 $0x380, s22;
	s20 =	sand.u32 $0x7800, s20;
	v60 =	vld [tilespmem:s3+$0x2860]  }
0x111: {  	s24 =	sadd.s32 $0x80, s0;
	s23 =	sadd.s32 $0x100, s30;
	s20 =	sor.u32 s22, s20;
	v61 =	vld [tilespmem:s3+$0x2870]  }
0x112: {  	s22 =	sand.u32 $0x7800, s23;
	s23 =	sand.u32 $0x380, s24;
	v62 =	vld [tilespmem:s20+$0x2800]  }
0x113: {  	s22 =	sor.u32 s23, s22;
	v63 =	vld [tilespmem:s20+$0x2810]  }
0x114: {  	v4 =	vld [tilespmem:s22+$0x2800]  }
0x115: {  	v5 =	vld [tilespmem:s22+$0x2810]  }
0x116: {  	v6 =	vld [tilespmem:s22+$0x2820]  }
0x117: {  	v7 =	vld [tilespmem:s22+$0x2830]  }
0x118: {  	v8 =	vld [tilespmem:s20+$0x2820]  }
0x119: {  	v19 =	vadd.f32 v35, v19;
	v18 =	vadd.f32 v40, v18;
	v11 =	vld [tilespmem:s20+$0x2830]  }
0x11a: {  	v17 =	vadd.f32 v49, v17;
	v16 =	vadd.f32 v50, v16;
	v35 =	vld [tilespmem:s3+$0x2C00]  }
0x11b: {  	v4 =	vadd.f32 v4, v19;
	v5 =	vadd.f32 v5, v18;
	v40 =	vld [tilespmem:s3+$0x2C10]  }
0x11c: {  	v6 =	vadd.f32 v6, v17;
	v7 =	vadd.f32 v7, v16;
	v49 =	vld [tilespmem:s20+$0x2840]  }
0x11d: {  	v4 =	vadd.f32 v62, v4;
	v5 =	vadd.f32 v63, v5;
	v50 =	vld [tilespmem:s20+$0x2850]  }
0x11e: {  	v6 =	vadd.f32 v8, v6;
	v62 =	vld [tilespmem:s22+$0x2840];
	v7 =	vadd.f32 v11, v7  }
0x11f: {  	v4 =	vadd.f32 v54, v4;
	v5 =	vadd.f32 v55, v5;
	v8 =	vld [tilespmem:s22+$0x2850]  }
0x120: {  	v6 =	vadd.f32 v56, v6;
	v11 =	vld [tilespmem:s22+$0x2860];
	v7 =	vadd.f32 v57, v7  }
0x121: {  	v19 =	vadd.f32 v0, v4;
	v18 =	vadd.f32 v51, v5;
	v54 =	vld [tilespmem:s22+$0x2870]  }
0x122: {  	v17 =	vadd.f32 v52, v6;
	v0 =	vld [tilespmem:s20+$0x2860];
	v16 =	vadd.f32 v53, v7  }
0x123: {  	v4 =	vadd.f32 v41, v27;
	v5 =	vadd.f32 v43, v25;
	v6 =	vld [tilespmem:s20+$0x2870]  }
0x124: {  	v20 =	vadd.f32 v44, v20;
	v7 =	vadd.f32 v42, v22;
	v41 =	vld [tilespmem:s3+$0x2C20]  }
0x125: {  	v4 =	vadd.f32 v62, v4;
	v5 =	vadd.f32 v8, v5;
	v42 =	vld [tilespmem:s3+$0x2C30]  }
0x126: {  	v7 =	vadd.f32 v11, v7;
	v8 =	vadd.f32 v54, v20;
	v11 =	vld [tilespmem:s20+$0x2C00]  }
0x127: {  	v4 =	vadd.f32 v49, v4;
	v5 =	vadd.f32 v50, v5;
	v44 =	vld [tilespmem:s20+$0x2C10]  }
0x128: {  	v0 =	vadd.f32 v0, v7;
	v49 =	vld [tilespmem:s22+$0x2C00];
	v6 =	vadd.f32 v6, v8  }
0x129: {  	v4 =	vadd.f32 v58, v4;
	v5 =	vadd.f32 v59, v5;
	v7 =	vld [tilespmem:s22+$0x2C10]  }
0x12a: {  	v0 =	vadd.f32 v60, v0;
	v8 =	vld [tilespmem:s22+$0x2C20];
	v6 =	vadd.f32 v61, v6  }
0x12b: {  	v27 =	vadd.f32 v45, v4;
	v25 =	vadd.f32 v47, v5;
	v50 =	vld [tilespmem:s22+$0x2C30]  }
0x12c: {  	v22 =	vadd.f32 v46, v0;
	v43 =	vld [tilespmem:s20+$0x2C20];
	v20 =	vadd.f32 v48, v6  }
.Ltmp5:
0x12d: {  	v4 =	vadd.f32 v38, v32;
	v0 =	vadd.f32 v36, v31;
	v32 =	vld [tilespmem:s20+$0x2C30];
	(pc) =	sbr.rel @p1 .LBB2_7-.Ltmp5, $4  }
0x12e: {  	v5 =	vadd.f32 v37, v33;
	v6 =	vadd.f32 v39, v34;
	v36 =	vld [tilespmem:s3+$0x2C40]  }
0x12f: {  	v0 =	vadd.f32 v49, v0;
	v4 =	vadd.f32 v7, v4;
	v37 =	vld [tilespmem:s3+$0x2C50]  }
0x130: {  	v31 =	vadd.f32 v8, v5;
	v33 =	vadd.f32 v50, v6;
	v38 =	vld [tilespmem:s20+$0x2C40]  }
0x131: {  	s0 =	sadd.s32 $0x280, s0;
	v34 =	vadd.f32 v11, v0;
	v44 =	vadd.f32 v44, v4;
	v39 =	vld [tilespmem:s20+$0x2C50]  }
0x132: {  	v0 =	vld [tilespmem:s22+$0x2C40]  }
0x133: {  	v4 =	vld [tilespmem:s22+$0x2C50]  }
0x134: {  	v5 =	vld [tilespmem:s22+$0x2C60]  }
0x135: {  	v6 =	vld [tilespmem:s22+$0x2C70]  }
0x136: {  	v7 =	vld [tilespmem:s20+$0x2C60]  }
0x137: {  	v8 =	vld [tilespmem:s20+$0x2C70]  }
0x138: {  	v11 =	vld [tilespmem:s3+$0x2C60]  }
0x139: {  	v45 =	vld [tilespmem:s3+$0x2C70]  }
0x13a: {  	v46 =	vld [tilespmem:s31+$0x2C60]  }
0x13b: {  	v47 =	vld [tilespmem:s31+$0x2C70]  }
0x13c: {  	v48 =	vld [tilespmem:$0x7800]  }
0x13d: {  	v63 =	vld [tilespmem:$0x7810]  }
0x13e: {  	v50 =	vld [tilespmem:$0x7820]  }
0x13f: {  	v51 =	vld [tilespmem:$0x7830]  }
0x140: {  	v52 =	vld [tilespmem:$0x7840]  }
0x141: {  	v53 =	vld [tilespmem:$0x1FF70]  }
0x142: {  	v54 =	vld [tilespmem:$0x7850]  }
0x143: {  	v31 =	vadd.f32 v43, v31;
	v32 =	vadd.f32 v32, v33;
	v55 =	vld [tilespmem:$0x1FF80]  }
0x144: {  	v1 =	vadd.f32 v12, v1;
	v57 =	vld [tilespmem:$0x1FF90];
	v9 =	vadd.f32 v9, v30  }
0x145: {  	v59 =	vld [tilespmem:$0x1FFA0];
	v10 =	vadd.f32 v10, v29;
	v31 =	vadd.f32 v41, v31  }
0x146: {  	v56 =	vld [tilespmem:$0x7860];
	v13 =	vadd.f32 v13, v28;
	v32 =	vadd.f32 v42, v32  }
0x147: {  	v58 =	vld [tilespmem:$0x7870];
	v21 =	vadd.f32 v21, v31;
	v31 =	vadd.f32 v48, v53  }
0x148: {  	v60 =	vld [tilespmem:$0x7880];
	v26 =	vadd.f32 v26, v32;
	v32 =	vadd.f32 v63, v55  }
0x149: {  	v62 =	vld [tilespmem:$0x7890];
	v34 =	vadd.f32 v35, v34;
	v12 =	vadd.f32 v50, v57;
	[tilespmem:$0x7800] =	vst v31  }
0x14a: {  	v29 =	vld [tilespmem:$0x78B0];
	v49 =	vadd.f32 v40, v44;
	v30 =	vadd.f32 v51, v59;
	[tilespmem:$0x7810] =	vst v32  }
0x14b: {  	v40 =	vld [tilespmem:$0x78E0];
	v23 =	vadd.f32 v23, v34;
	v61 =	vadd.f32 v52, v15;
	[tilespmem:$0x7820] =	vst v12  }
0x14c: {  	v42 =	vld [tilespmem:$0x78F0];
	v24 =	vadd.f32 v24, v49;
	v14 =	vadd.f32 v54, v14;
	[tilespmem:$0x7830] =	vst v30  }
0x14d: {  	v34 =	vld [tilespmem:$0x78D0];
	v0 =	vadd.f32 v0, v1;
	v33 =	vadd.f32 v60, v19;
	[tilespmem:$0x7840] =	vst v61  }
0x14e: {  	v49 =	vld [tilespmem:$0x7910];
	v4 =	vadd.f32 v4, v9;
	v35 =	vadd.f32 v62, v18;
	[tilespmem:$0x7850] =	vst v14  }
0x14f: {  	v63 =	vld [tilespmem:$0x78A0];
	v5 =	vadd.f32 v5, v10;
	v43 =	vadd.f32 v29, v16;
	[tilespmem:$0x7880] =	vst v33  }
0x150: {  	v6 =	vadd.f32 v6, v13;
	v51 =	vld [tilespmem:$0x7920];
	v52 =	vadd.f32 v40, v22;
	[tilespmem:$0x7890] =	vst v35  }
0x151: {  	v53 =	vld [tilespmem:$0x7930];
	v0 =	vadd.f32 v38, v0;
	[tilespmem:$0x78B0] =	vst v43;
	v54 =	vadd.f32 v42, v20  }
0x152: {  	v12 =	vld [tilespmem:$0x1FFB0];
	v4 =	vadd.f32 v39, v4;
	v50 =	vadd.f32 v34, v25;
	[tilespmem:$0x78E0] =	vst v52  }
0x153: {  	v30 =	vld [tilespmem:$0x1FFC0];
	v5 =	vadd.f32 v7, v5;
	v7 =	vadd.f32 v49, v24;
	[tilespmem:$0x78F0] =	vst v54  }
0x154: {  	v31 =	vld [tilespmem:$0x78C0];
	v6 =	vadd.f32 v8, v6;
	v41 =	vadd.f32 v63, v17;
	[tilespmem:$0x78D0] =	vst v50  }
0x155: {  	v44 =	vld [tilespmem:$0x7900];
	v0 =	vadd.f32 v36, v0;
	v59 =	vadd.f32 v51, v21;
	[tilespmem:$0x7910] =	vst v7  }
0x156: {  	v55 =	vld [tilespmem:$0x7940];
	v4 =	vadd.f32 v37, v4;
	v61 =	vadd.f32 v53, v26;
	[tilespmem:$0x78A0] =	vst v41  }
0x157: {  	v57 =	vld [tilespmem:$0x7950];
	v5 =	vadd.f32 v11, v5;
	v1 =	vadd.f32 v56, v12;
	[tilespmem:$0x7920] =	vst v59  }
0x158: {  	v60 =	vld [tilespmem:$0x7970];
	v6 =	vadd.f32 v45, v6;
	v9 =	vadd.f32 v58, v30;
	[tilespmem:$0x7930] =	vst v61  }
0x159: {  	v0 =	vadd.f32 v2, v0;
	v48 =	vadd.f32 v31, v27;
	v58 =	vld [tilespmem:$0x7960];
	[tilespmem:$0x7860] =	vst v1  }
0x15a: {  	v3 =	vadd.f32 v3, v4;
	v56 =	vadd.f32 v44, v23;
	[tilespmem:$0x7870] =	vst v9  }
0x15b: {  	v62 =	vadd.f32 v47, v6;
	v0 =	vadd.f32 v55, v0;
	[tilespmem:$0x78C0] =	vst v48  }
.Ltmp6:
0x15c: {  	v5 =	vadd.f32 v46, v5;
	v3 =	vadd.f32 v57, v3;
	[tilespmem:$0x7900] =	vst v56;
	(pc) =	sbr.rel @p0 .LBB2_14-.Ltmp6, $4  }
0x15d: {  	v1 =	vadd.f32 v60, v62;
	[tilespmem:$0x7940] =	vst v0  }
0x15e: {  	[tilespmem:$0x7950] =	vst v3;
	v63 =	vadd.f32 v58, v5  }
0x15f: {  	[tilespmem:$0x7970] =	vst v1  }
0x160: {  	[tilespmem:$0x7960] =	vst v63  }
.LBB2_9:
0x161: {  	_ =	swait.ge [sflag:s16], $0x1400  }
0x162: {  	[sflag:s16] =	ssyncset.done $0x0  }
0x163: {  	[sflag:s16] =	ssyncadd.s32 $0xFFFFEC00  }
0x164: {  	_ =	swait.ge [sflag:s17], $0x2800  }
0x165: {  	[sflag:s17] =	ssyncset.done $0x0  }
0x166: {  	s30 =	simm.s32 $0x0;
	[sflag:s17] =	ssyncadd.s32 $0xFFFFD800  }
0x167: {  	[tilespmem:s14], [sflag:$0x2] =	stream.linear.gather [hbm4b:s28+s30], $0x1400, $0x38;
	[tilespmem:$0x7980] =	vst v63  }
0x168: {  	s0 =	simm.s32 $0x0  }
0x169: {  	[tilespmem:s15], [sflag:$0x4] =	stream.linear.gather [hbm4b:s29+s30], $0x2800, $0x38;
	[tilespmem:$0x7980] =	vst v63  }
0x16a: {  	v4 =	vld [tilespmem:s0+$0x1600]  }
0x16b: {  	v5 =	vld [tilespmem:s0+$0x1610]  }
0x16c: {  	v16 =	vld [tilespmem:s0+$0x1620]  }
0x16d: {  	v17 =	vld [tilespmem:s0+$0x1630]  }
0x16e: {  	v8 =	vld [tilespmem:s0+$0x1640]  }
0x16f: {  	v11 =	vld [tilespmem:s0+$0x1650]  }
0x170: {  	v7 =	vld [tilespmem:s0+$0x1580]  }
0x171: {  	v22 =	vld [tilespmem:s0+$0x1590]  }
0x172: {  	v6 =	vld [tilespmem:s0+$0x15A0]  }
0x173: {  	v20 =	vld [tilespmem:s0+$0x15B0]  }
0x174: {  	v14 =	vld [tilespmem:s0+$0x15C0]  }
0x175: {  	v15 =	vld [tilespmem:s0+$0x15D0]  }
0x176: {  	v0 =	vld [tilespmem:s0+$0x1500]  }
0x177: {  	v2 =	vld [tilespmem:s0+$0x1510]  }
0x178: {  	v3 =	vld [tilespmem:s0+$0x1520]  }
0x179: {  	v9 =	vld [tilespmem:s0+$0x1480]  }
0x17a: {  	v10 =	vld [tilespmem:s0+$0x1490]  }
0x17b: {  	v12 =	vld [tilespmem:s0+$0x1400]  }
0x17c: {  	v13 =	vld [tilespmem:s0+$0x1410]  }
0x17d: {  	v21 =	vld [tilespmem:s0+$0x1420]  }
0x17e: {  	v23 =	vld [tilespmem:s0+$0x1430]  }
0x17f: {  	v24 =	vld [tilespmem:s0+$0x14A0]  }
0x180: {  	v25 =	vld [tilespmem:s0+$0x14B0]  }
0x181: {  	v26 =	vld [tilespmem:s0+$0x1530]  }
0x182: {  	v1 =	vimm.f32 $0.0e+00;
	v18 =	vld [tilespmem:s0+$0x1540]  }
0x183: {  	v19 =	vld [tilespmem:s0+$0x1550];
	v12 =	vadd.f32 v12, v1;
	v13 =	vadd.f32 v13, v1  }
0x184: {  	v34 =	vld [tilespmem:s0+$0x14C0];
	v21 =	vadd.f32 v21, v1;
	v23 =	vadd.f32 v23, v1  }
0x185: {  	v29 =	vimm.f32 $0.0e+00;
	v35 =	vld [tilespmem:s0+$0x14D0];
	v9 =	vadd.f32 v9, v12;
	v10 =	vadd.f32 v10, v13  }
0x186: {  	v27 =	vimm.f32 $0.0e+00;
	v36 =	vld [tilespmem:s0+$0x1440];
	v12 =	vadd.f32 v24, v21;
	v13 =	vadd.f32 v25, v23  }
0x187: {  	v28 =	vimm.f32 $0.0e+00;
	v37 =	vld [tilespmem:s0+$0x1450];
	v39 =	vadd.f32 v0, v9;
	v40 =	vadd.f32 v2, v10  }
0x188: {  	s3 =	simm.s32 $0xA00;
	v38 =	vld [tilespmem:s0+$0x1460];
	v25 =	vimm.f32 $0.0e+00;
	v41 =	vadd.f32 v3, v12;
	v42 =	vadd.f32 v26, v13  }
.LBB2_10:
0x189: {  	p0 =	sne.s32 s3, $0x4600;
	v0 =	vld [tilespmem:s0+$0x1470];
	v2 =	vadd.f32 v7, v39;
	v3 =	vadd.f32 v22, v40  }
0x18a: {  	v7 =	vld [tilespmem:s0+$0x14E0];
	v6 =	vadd.f32 v6, v41;
	v9 =	vadd.f32 v20, v42  }
0x18b: {  	v10 =	vld [tilespmem:s0+$0x14F0];
	v2 =	vadd.f32 v4, v2;
	v3 =	vadd.f32 v5, v3  }
0x18c: {  	v5 =	vld [tilespmem:s0+$0x1560];
	v12 =	vadd.f32 v16, v6;
	v9 =	vadd.f32 v17, v9  }
0x18d: {  	v4 =	vadd.f32 v36, v25;
	v6 =	vadd.f32 v37, v29;
	v13 =	vld [tilespmem:s0+$0x1570]  }
0x18e: {  	v16 =	vadd.f32 v38, v27;
	v0 =	vadd.f32 v0, v28;
	v17 =	vld [tilespmem:s0+$0x15E0]  }
0x18f: {  	v4 =	vadd.f32 v34, v4;
	v6 =	vadd.f32 v35, v6;
	v20 =	vld [tilespmem:s0+$0x15F0]  }
0x190: {  	v7 =	vadd.f32 v7, v16;
	v0 =	vadd.f32 v10, v0;
	v10 =	vld [tilespmem:s0+$0x1660]  }
0x191: {  	v16 =	vadd.f32 v18, v4;
	v6 =	vadd.f32 v19, v6;
	v18 =	vld [tilespmem:s0+$0x1670];
	s0 =	sshra.s32 s3, $0x2  }
0x192: {  	v7 =	vadd.f32 v5, v7;
	v4 =	vld [tilespmem:s0+$0x1600];
	v0 =	vadd.f32 v13, v0  }
0x193: {  	v13 =	vadd.f32 v14, v16;
	v6 =	vadd.f32 v15, v6;
	v5 =	vld [tilespmem:s0+$0x1610]  }
0x194: {  	v7 =	vadd.f32 v17, v7;
	v16 =	vld [tilespmem:s0+$0x1620];
	v0 =	vadd.f32 v20, v0  }
0x195: {  	v25 =	vadd.f32 v8, v13;
	v29 =	vadd.f32 v11, v6;
	v17 =	vld [tilespmem:s0+$0x1630]  }
0x196: {  	v27 =	vadd.f32 v10, v7;
	v8 =	vld [tilespmem:s0+$0x1640];
	v28 =	vadd.f32 v18, v0  }
0x197: {  	v11 =	vld [tilespmem:s0+$0x1650]  }
0x198: {  	v7 =	vld [tilespmem:s0+$0x1580]  }
0x199: {  	v22 =	vld [tilespmem:s0+$0x1590]  }
0x19a: {  	v6 =	vld [tilespmem:s0+$0x15A0]  }
0x19b: {  	v20 =	vld [tilespmem:s0+$0x15B0]  }
0x19c: {  	v14 =	vld [tilespmem:s0+$0x15C0]  }
0x19d: {  	v15 =	vld [tilespmem:s0+$0x15D0]  }
0x19e: {  	v0 =	vld [tilespmem:s0+$0x1500]  }
0x19f: {  	v10 =	vld [tilespmem:s0+$0x1510]  }
0x1a0: {  	v13 =	vld [tilespmem:s0+$0x1520]  }
0x1a1: {  	v21 =	vld [tilespmem:s0+$0x1530]  }
0x1a2: {  	v23 =	vld [tilespmem:s0+$0x1480]  }
0x1a3: {  	v24 =	vld [tilespmem:s0+$0x1490]  }
0x1a4: {  	v19 =	vld [tilespmem:s0+$0x1400]  }
0x1a5: {  	v26 =	vld [tilespmem:s0+$0x1410]  }
0x1a6: {  	v30 =	vld [tilespmem:s0+$0x1420]  }
0x1a7: {  	v31 =	vld [tilespmem:s0+$0x1430]  }
0x1a8: {  	v32 =	vld [tilespmem:s0+$0x14A0]  }
0x1a9: {  	v33 =	vld [tilespmem:s0+$0x14B0]  }
0x1aa: {  	v18 =	vld [tilespmem:s0+$0x1540]  }
0x1ab: {  	v2 =	vadd.f32 v19, v2;
	v3 =	vadd.f32 v26, v3;
	v19 =	vld [tilespmem:s0+$0x1550]  }
.Ltmp7:
0x1ac: {  	v12 =	vadd.f32 v30, v12;
	v9 =	vadd.f32 v31, v9;
	v34 =	vld [tilespmem:s0+$0x14C0];
	(pc) =	sbr.rel @p0 .LBB2_10-.Ltmp7, $4  }
0x1ad: {  	v2 =	vadd.f32 v23, v2;
	v3 =	vadd.f32 v24, v3;
	v35 =	vld [tilespmem:s0+$0x14D0]  }
0x1ae: {  	v12 =	vadd.f32 v32, v12;
	v36 =	vld [tilespmem:s0+$0x1440];
	v9 =	vadd.f32 v33, v9  }
0x1af: {  	v39 =	vadd.f32 v0, v2;
	v40 =	vadd.f32 v10, v3;
	v37 =	vld [tilespmem:s0+$0x1450]  }
0x1b0: {  	s3 =	sadd.s32 $0xA00, s3;
	v41 =	vadd.f32 v13, v12;
	v38 =	vld [tilespmem:s0+$0x1460];
	v42 =	vadd.f32 v21, v9  }
0x1b1: {  	v0 =	vld [tilespmem:s0+$0x1470]  }
0x1b2: {  	v43 =	vld [tilespmem:s0+$0x14E0]  }
0x1b3: {  	v44 =	vld [tilespmem:s0+$0x14F0]  }
0x1b4: {  	v45 =	vld [tilespmem:s0+$0x1560]  }
0x1b5: {  	v46 =	vld [tilespmem:s0+$0x1570]  }
0x1b6: {  	v47 =	vld [tilespmem:s0+$0x15E0]  }
0x1b7: {  	v48 =	vld [tilespmem:s0+$0x15F0]  }
0x1b8: {  	v49 =	vld [tilespmem:s0+$0x1660];
	s3 =	sand.u32 $0x3800, s30;
	s20 =	sand.u32 $0x380, s30  }
0x1b9: {  	v50 =	vld [tilespmem:s0+$0x1670];
	s24 =	sor.u32 s20, s3  }
0x1ba: {  	v51 =	vld [tilespmem:s24+$0x5000]  }
0x1bb: {  	v52 =	vld [tilespmem:s24+$0x5010]  }
0x1bc: {  	v53 =	vld [tilespmem:s24+$0x5020]  }
0x1bd: {  	v54 =	vld [tilespmem:s24+$0x5030]  }
0x1be: {  	v55 =	vld [tilespmem:s24+$0x5040]  }
0x1bf: {  	v56 =	vld [tilespmem:s24+$0x5050]  }
0x1c0: {  	v57 =	vld [tilespmem:s24+$0x5060]  }
0x1c1: {  	v58 =	vld [tilespmem:s24+$0x5070]  }
0x1c2: {  	v2 =	vld [tilespmem:s24+$0x5400]  }
0x1c3: {  	v33 =	vld [tilespmem:s24+$0x5410]  }
0x1c4: {  	v12 =	vld [tilespmem:s24+$0x5440]  }
0x1c5: {  	s29 =	simm.s32 $0x400;
	s31 =	simm.s32 $0x200;
	v9 =	vld [tilespmem:s24+$0x5450]  }
0x1c6: {  	s3 =	sand.u32 $0x7800, s29;
	s22 =	sand.u32 $0x380, s31;
	v10 =	vld [tilespmem:s24+$0x5460]  }
0x1c7: {  	v13 =	vld [tilespmem:s24+$0x5470];
	s28 =	sor.u32 s22, s3  }
0x1c8: {  	v59 =	vld [tilespmem:s28+$0x5000]  }
0x1c9: {  	v60 =	vld [tilespmem:s28+$0x5010]  }
0x1ca: {  	v61 =	vld [tilespmem:s28+$0x5020]  }
0x1cb: {  	v62 =	vld [tilespmem:s28+$0x5030]  }
0x1cc: {  	v63 =	vld [tilespmem:s28+$0x5040]  }
0x1cd: {  	v30 =	vld [tilespmem:s28+$0x5050]  }
0x1ce: {  	v31 =	vld [tilespmem:s28+$0x5060]  }
0x1cf: {  	v7 =	vadd.f32 v7, v39;
	v32 =	vld [tilespmem:s28+$0x5070]  }
0x1d0: {  	v23 =	vld [tilespmem:s28+$0x5400]  }
0x1d1: {  	v4 =	vadd.f32 v4, v7;
	v24 =	vld [tilespmem:s28+$0x5410]  }
0x1d2: {  	v22 =	vadd.f32 v22, v40;
	v21 =	vld [tilespmem:s28+$0x5420]  }
0x1d3: {  	s23 =	simm.s32 $0x180;
	s22 =	simm.s32 $0x300;
	v26 =	vld [tilespmem:s28+$0x5430];
	[tilespmem:$0x1FEE0] =	vst v4  }
0x1d4: {  	v40 =	vadd.f32 v6, v41;
	s3 =	sand.u32 $0x380, s23;
	s0 =	sand.u32 $0x7800, s22;
	v4 =	vadd.f32 v5, v22;
	[tilespmem:$0x1FF40] =	vst v2;
	v2 =	vld [tilespmem:s24+$0x5420]  }
0x1d5: {  	v3 =	vld [tilespmem:s28+$0x5450];
	s3 =	sor.u32 s3, s0  }
0x1d6: {  	v20 =	vadd.f32 v20, v42;
	v39 =	vld [tilespmem:s3+$0x5000];
	[tilespmem:$0x1FEF0] =	vst v4;
	v4 =	vadd.f32 v16, v40  }
0x1d7: {  	v41 =	vld [tilespmem:s3+$0x5010]  }
0x1d8: {  	v22 =	vld [tilespmem:s3+$0x5020];
	v0 =	vadd.f32 v0, v28;
	[tilespmem:$0x1FF00] =	vst v4;
	v4 =	vadd.f32 v17, v20  }
0x1d9: {  	v17 =	vadd.f32 v36, v25;
	v20 =	vadd.f32 v37, v29;
	[tilespmem:$0x1FF50] =	vst v2;
	v2 =	vld [tilespmem:s24+$0x5430];
	s24 =	simm.s32 $0x100  }
0x1da: {  	s20 =	sand.u32 $0x7800, s31;
	v27 =	vadd.f32 v38, v27;
	v28 =	vld [tilespmem:s3+$0x5050];
	v0 =	vadd.f32 v44, v0;
	s29 =	sand.u32 $0x380, s24  }
0x1db: {  	s23 =	simm.s32 $0x80;
	v42 =	vld [tilespmem:s3+$0x5430];
	v17 =	vadd.f32 v34, v17;
	v20 =	vadd.f32 v35, v20;
	s20 =	sor.u32 s29, s20  }
0x1dc: {  	s31 =	sand.u32 $0x380, s23;
	v27 =	vadd.f32 v43, v27;
	v0 =	vadd.f32 v46, v0;
	s0 =	sand.u32 $0x7800, s24;
	v34 =	vld [tilespmem:s20+$0x5000]  }
0x1dd: {  	v17 =	vadd.f32 v18, v17;
	v18 =	vadd.f32 v19, v20;
	s22 =	sor.u32 s31, s0;
	v19 =	vld [tilespmem:s20+$0x5010]  }
0x1de: {  	v0 =	vadd.f32 v48, v0;
	v20 =	vadd.f32 v45, v27;
	v27 =	vld [tilespmem:s22+$0x5000]  }
0x1df: {  	v14 =	vadd.f32 v14, v17;
	v17 =	vadd.f32 v15, v18;
	v18 =	vld [tilespmem:s22+$0x5010]  }
0x1e0: {  	v0 =	vadd.f32 v50, v0;
	v20 =	vadd.f32 v47, v20;
	v45 =	vld [tilespmem:s22+$0x5020]  }
0x1e1: {  	[tilespmem:$0x1FF10] =	vst v4;
	v15 =	vadd.f32 v8, v14;
	v14 =	vadd.f32 v11, v17;
	v17 =	vld [tilespmem:s22+$0x5030]  }
0x1e2: {  	[tilespmem:$0x1FF30] =	vst v0;
	v0 =	vld [tilespmem:s20+$0x5020];
	v4 =	vadd.f32 v49, v20  }
0x1e3: {  	v47 =	vld [tilespmem:s20+$0x5030];
	v20 =	vadd.f32 v51, v1;
	v49 =	vadd.f32 v53, v1  }
0x1e4: {  	v16 =	vld [tilespmem:s3+$0x5030];
	v46 =	vadd.f32 v52, v1;
	v50 =	vadd.f32 v54, v1  }
0x1e5: {  	v40 =	vld [tilespmem:s3+$0x5410];
	v20 =	vadd.f32 v27, v20;
	v27 =	vadd.f32 v45, v49  }
0x1e6: {  	v25 =	vld [tilespmem:s3+$0x5040];
	v18 =	vadd.f32 v18, v46;
	v17 =	vadd.f32 v17, v50  }
0x1e7: {  	v29 =	vld [tilespmem:s3+$0x5060];
	v20 =	vadd.f32 v34, v20;
	v0 =	vadd.f32 v0, v27  }
0x1e8: {  	v36 =	vld [tilespmem:s3+$0x5440];
	v18 =	vadd.f32 v19, v18;
	v17 =	vadd.f32 v47, v17  }
0x1e9: {  	v19 =	vadd.f32 v39, v20;
	v20 =	vld [tilespmem:s22+$0x5060];
	v0 =	vadd.f32 v22, v0  }
0x1ea: {  	v57 =	vadd.f32 v57, v1;
	v22 =	vld [tilespmem:s22+$0x5070]  }
0x1eb: {  	v54 =	vld [tilespmem:s20+$0x5060];
	v16 =	vadd.f32 v16, v17;
	v17 =	vadd.f32 v61, v0  }
0x1ec: {  	v0 =	vadd.f32 v55, v1;
	v55 =	vadd.f32 v56, v1;
	v56 =	vld [tilespmem:s20+$0x5070]  }
0x1ed: {  	v58 =	vadd.f32 v58, v1;
	v37 =	vld [tilespmem:s3+$0x5450]  }
0x1ee: {  	v48 =	vld [tilespmem:s3+$0x5070];
	v20 =	vadd.f32 v20, v57  }
0x1ef: {  	v53 =	vld [tilespmem:s22+$0x5040];
	v22 =	vadd.f32 v22, v58  }
0x1f0: {  	[tilespmem:$0x1FF20] =	vst v4;
	v4 =	vld [tilespmem:$0x1FF40];
	v20 =	vadd.f32 v54, v20  }
0x1f1: {  	v27 =	vld [tilespmem:s22+$0x5050];
	v22 =	vadd.f32 v56, v22  }
0x1f2: {  	v51 =	vld [tilespmem:s20+$0x5040];
	v20 =	vadd.f32 v29, v20  }
0x1f3: {  	v52 =	vld [tilespmem:s20+$0x5050];
	v18 =	vadd.f32 v41, v18;
	v29 =	vadd.f32 v48, v22  }
0x1f4: {  	v35 =	vld [tilespmem:s3+$0x5400];
	v0 =	vadd.f32 v53, v0;
	v22 =	vadd.f32 v31, v20  }
0x1f5: {  	v20 =	vadd.f32 v32, v29;
	v29 =	vadd.f32 v4, v1;
	v4 =	vld [tilespmem:$0x1FF50]  }
0x1f6: {  	v19 =	vadd.f32 v59, v19;
	v59 =	vld [tilespmem:s20+$0x5400];
	v27 =	vadd.f32 v27, v55  }
0x1f7: {  	v18 =	vadd.f32 v60, v18;
	v60 =	vld [tilespmem:s22+$0x5400];
	v0 =	vadd.f32 v51, v0  }
0x1f8: {  	v61 =	vld [tilespmem:s22+$0x5410];
	v27 =	vadd.f32 v52, v27  }
0x1f9: {  	[tilespmem:$0x1FF60] =	vst v2;
	v16 =	vadd.f32 v62, v16;
	v62 =	vld [tilespmem:s22+$0x5430];
	v0 =	vadd.f32 v25, v0  }
0x1fa: {  	v25 =	vadd.f32 v28, v27;
	v31 =	vadd.f32 v4, v1;
	v4 =	vld [tilespmem:$0x1FF60]  }
0x1fb: {  	v27 =	vadd.f32 v63, v0;
	v0 =	vld [tilespmem:s20+$0x5410]  }
0x1fc: {  	v28 =	vld [tilespmem:s22+$0x5420];
	v25 =	vadd.f32 v30, v25;
	v30 =	vadd.f32 v33, v1  }
0x1fd: {  	v43 =	vld [tilespmem:s20+$0x5420]  }
0x1fe: {  	v32 =	vld [tilespmem:s20+$0x5430];
	v30 =	vadd.f32 v61, v30;
	v29 =	vadd.f32 v60, v29  }
0x1ff: {  	v38 =	vld [tilespmem:s20+$0x5440];
	v63 =	vadd.f32 v4, v1  }
0x200: {  	v41 =	vld [tilespmem:s3+$0x5420];
	v34 =	vadd.f32 v59, v29;
	v44 =	vadd.f32 v0, v30  }
0x201: {  	v2 =	vld [tilespmem:s28+$0x5440];
	v31 =	vadd.f32 v28, v31;
	v33 =	vadd.f32 v62, v63  }
0x202: {  	s0 =	simm.s32 $0x280;
	v39 =	vld [tilespmem:s20+$0x5450];
	v30 =	vimm.f32 $0.0e+00;
	v29 =	vimm.f32 $0.0e+00;
	v28 =	vimm.f32 $0.0e+00  }
.LBB2_12:
0x203: {  	p0 =	sne.s32 s0, $0x1180;
	v0 =	vld [tilespmem:s22+$0x5440];
	v31 =	vadd.f32 v43, v31;
	v32 =	vadd.f32 v32, v33  }
0x204: {  	v43 =	vld [tilespmem:s22+$0x5450];
	v33 =	vadd.f32 v35, v34;
	v34 =	vadd.f32 v40, v44  }
0x205: {  	v35 =	vld [tilespmem:s22+$0x5460];
	v40 =	vadd.f32 v41, v31;
	v41 =	vadd.f32 v42, v32  }
0x206: {  	v42 =	vld [tilespmem:s22+$0x5470];
	v31 =	vadd.f32 v23, v33;
	v32 =	vadd.f32 v24, v34  }
0x207: {  	v23 =	vld [tilespmem:s20+$0x5460];
	v33 =	vadd.f32 v21, v40;
	v34 =	vadd.f32 v26, v41  }
0x208: {  	v1 =	vadd.f32 v12, v1;
	v9 =	vadd.f32 v9, v30;
	v12 =	vld [tilespmem:s20+$0x5470]  }
0x209: {  	v10 =	vadd.f32 v10, v29;
	v13 =	vadd.f32 v13, v28;
	v21 =	vld [tilespmem:s3+$0x5460]  }
0x20a: {  	s30 =	sadd.s32 $0x500, s30;
	v0 =	vadd.f32 v0, v1;
	v1 =	vadd.f32 v43, v9;
	v9 =	vld [tilespmem:s3+$0x5470]  }
0x20b: {  	s20 =	sand.u32 $0x380, s0;
	s3 =	sand.u32 $0x3800, s30;
	v10 =	vadd.f32 v35, v10;
	v13 =	vadd.f32 v42, v13;
	v24 =	vld [tilespmem:s28+$0x5460]  }
0x20c: {  	v0 =	vadd.f32 v38, v0;
	s3 =	sor.u32 s20, s3;
	v1 =	vadd.f32 v39, v1;
	v26 =	vld [tilespmem:s28+$0x5470]  }
0x20d: {  	v10 =	vadd.f32 v23, v10;
	v35 =	vld [tilespmem:s3+$0x5000];
	v12 =	vadd.f32 v12, v13  }
0x20e: {  	v0 =	vadd.f32 v36, v0;
	v13 =	vadd.f32 v37, v1;
	v40 =	vld [tilespmem:s3+$0x5010]  }
0x20f: {  	v10 =	vadd.f32 v21, v10;
	v49 =	vld [tilespmem:s3+$0x5020];
	v9 =	vadd.f32 v9, v12  }
0x210: {  	v1 =	vadd.f32 v2, v0;
	v30 =	vadd.f32 v3, v13;
	v50 =	vld [tilespmem:s3+$0x5030]  }
0x211: {  	v29 =	vadd.f32 v24, v10;
	v41 =	vld [tilespmem:s3+$0x5040];
	v28 =	vadd.f32 v26, v9  }
0x212: {  	v43 =	vld [tilespmem:s3+$0x5050]  }
0x213: {  	v42 =	vld [tilespmem:s3+$0x5060]  }
0x214: {  	v44 =	vld [tilespmem:s3+$0x5070]  }
0x215: {  	v36 =	vld [tilespmem:s3+$0x5400]  }
0x216: {  	v38 =	vld [tilespmem:s3+$0x5410]  }
0x217: {  	v37 =	vld [tilespmem:s3+$0x5420]  }
0x218: {  	v39 =	vld [tilespmem:s3+$0x5430]  }
0x219: {  	v12 =	vld [tilespmem:s3+$0x5440]  }
0x21a: {  	s22 =	sadd.s32 $0x200, s0;
	s20 =	sadd.s32 $0x400, s30;
	v9 =	vld [tilespmem:s3+$0x5450]  }
0x21b: {  	s22 =	sand.u32 $0x380, s22;
	s20 =	sand.u32 $0x7800, s20;
	v10 =	vld [tilespmem:s3+$0x5460]  }
0x21c: {  	s28 =	sor.u32 s22, s20;
	v13 =	vld [tilespmem:s3+$0x5470]  }
0x21d: {  	v0 =	vld [tilespmem:s28+$0x5000]  }
0x21e: {  	v51 =	vld [tilespmem:s28+$0x5010]  }
0x21f: {  	v52 =	vld [tilespmem:s28+$0x5020]  }
0x220: {  	v53 =	vld [tilespmem:s28+$0x5030]  }
0x221: {  	v45 =	vld [tilespmem:s28+$0x5040]  }
0x222: {  	v47 =	vld [tilespmem:s28+$0x5050]  }
0x223: {  	v46 =	vld [tilespmem:s28+$0x5060]  }
0x224: {  	v48 =	vld [tilespmem:s28+$0x5070]  }
0x225: {  	v23 =	vld [tilespmem:s28+$0x5400]  }
0x226: {  	v24 =	vld [tilespmem:s28+$0x5410]  }
0x227: {  	v21 =	vld [tilespmem:s28+$0x5420]  }
0x228: {  	s20 =	sadd.s32 $0x180, s0;
	s3 =	sadd.s32 $0x300, s30;
	v26 =	vld [tilespmem:s28+$0x5430]  }
0x229: {  	s20 =	sand.u32 $0x380, s20;
	s3 =	sand.u32 $0x7800, s3;
	v2 =	vld [tilespmem:s28+$0x5440]  }
0x22a: {  	s3 =	sor.u32 s20, s3;
	v3 =	vld [tilespmem:s28+$0x5450]  }
0x22b: {  	v54 =	vld [tilespmem:s3+$0x5000]  }
0x22c: {  	v55 =	vld [tilespmem:s3+$0x5010]  }
0x22d: {  	v56 =	vld [tilespmem:s3+$0x5020]  }
0x22e: {  	v57 =	vld [tilespmem:s3+$0x5030]  }
0x22f: {  	v58 =	vld [tilespmem:s3+$0x5040]  }
0x230: {  	s22 =	sadd.s32 $0x100, s0;
	s20 =	sadd.s32 $0x200, s30;
	v59 =	vld [tilespmem:s3+$0x5050]  }
0x231: {  	s22 =	sand.u32 $0x380, s22;
	s20 =	sand.u32 $0x7800, s20;
	v60 =	vld [tilespmem:s3+$0x5060]  }
0x232: {  	s24 =	sadd.s32 $0x80, s0;
	s23 =	sadd.s32 $0x100, s30;
	s20 =	sor.u32 s22, s20;
	v61 =	vld [tilespmem:s3+$0x5070]  }
0x233: {  	s22 =	sand.u32 $0x7800, s23;
	s23 =	sand.u32 $0x380, s24;
	v62 =	vld [tilespmem:s20+$0x5000]  }
0x234: {  	s22 =	sor.u32 s23, s22;
	v63 =	vld [tilespmem:s20+$0x5010]  }
0x235: {  	v4 =	vld [tilespmem:s22+$0x5000]  }
0x236: {  	v5 =	vld [tilespmem:s22+$0x5010]  }
0x237: {  	v6 =	vld [tilespmem:s22+$0x5020]  }
0x238: {  	v7 =	vld [tilespmem:s22+$0x5030]  }
0x239: {  	v8 =	vld [tilespmem:s20+$0x5020]  }
0x23a: {  	v19 =	vadd.f32 v35, v19;
	v18 =	vadd.f32 v40, v18;
	v11 =	vld [tilespmem:s20+$0x5030]  }
0x23b: {  	v17 =	vadd.f32 v49, v17;
	v16 =	vadd.f32 v50, v16;
	v35 =	vld [tilespmem:s3+$0x5400]  }
0x23c: {  	v4 =	vadd.f32 v4, v19;
	v5 =	vadd.f32 v5, v18;
	v40 =	vld [tilespmem:s3+$0x5410]  }
0x23d: {  	v6 =	vadd.f32 v6, v17;
	v7 =	vadd.f32 v7, v16;
	v49 =	vld [tilespmem:s20+$0x5040]  }
0x23e: {  	v4 =	vadd.f32 v62, v4;
	v5 =	vadd.f32 v63, v5;
	v50 =	vld [tilespmem:s20+$0x5050]  }
0x23f: {  	v6 =	vadd.f32 v8, v6;
	v62 =	vld [tilespmem:s22+$0x5040];
	v7 =	vadd.f32 v11, v7  }
0x240: {  	v4 =	vadd.f32 v54, v4;
	v5 =	vadd.f32 v55, v5;
	v8 =	vld [tilespmem:s22+$0x5050]  }
0x241: {  	v6 =	vadd.f32 v56, v6;
	v11 =	vld [tilespmem:s22+$0x5060];
	v7 =	vadd.f32 v57, v7  }
0x242: {  	v19 =	vadd.f32 v0, v4;
	v18 =	vadd.f32 v51, v5;
	v54 =	vld [tilespmem:s22+$0x5070]  }
0x243: {  	v17 =	vadd.f32 v52, v6;
	v0 =	vld [tilespmem:s20+$0x5060];
	v16 =	vadd.f32 v53, v7  }
0x244: {  	v4 =	vadd.f32 v41, v27;
	v5 =	vadd.f32 v43, v25;
	v6 =	vld [tilespmem:s20+$0x5070]  }
0x245: {  	v20 =	vadd.f32 v44, v20;
	v7 =	vadd.f32 v42, v22;
	v41 =	vld [tilespmem:s3+$0x5420]  }
0x246: {  	v4 =	vadd.f32 v62, v4;
	v5 =	vadd.f32 v8, v5;
	v42 =	vld [tilespmem:s3+$0x5430]  }
0x247: {  	v7 =	vadd.f32 v11, v7;
	v8 =	vadd.f32 v54, v20;
	v11 =	vld [tilespmem:s20+$0x5400]  }
0x248: {  	v4 =	vadd.f32 v49, v4;
	v5 =	vadd.f32 v50, v5;
	v44 =	vld [tilespmem:s20+$0x5410]  }
0x249: {  	v0 =	vadd.f32 v0, v7;
	v49 =	vld [tilespmem:s22+$0x5400];
	v6 =	vadd.f32 v6, v8  }
0x24a: {  	v4 =	vadd.f32 v58, v4;
	v5 =	vadd.f32 v59, v5;
	v7 =	vld [tilespmem:s22+$0x5410]  }
0x24b: {  	v0 =	vadd.f32 v60, v0;
	v8 =	vld [tilespmem:s22+$0x5420];
	v6 =	vadd.f32 v61, v6  }
0x24c: {  	v27 =	vadd.f32 v45, v4;
	v25 =	vadd.f32 v47, v5;
	v50 =	vld [tilespmem:s22+$0x5430]  }
0x24d: {  	v22 =	vadd.f32 v46, v0;
	v43 =	vld [tilespmem:s20+$0x5420];
	v20 =	vadd.f32 v48, v6  }
.Ltmp8:
0x24e: {  	v4 =	vadd.f32 v38, v32;
	v0 =	vadd.f32 v36, v31;
	v32 =	vld [tilespmem:s20+$0x5430];
	(pc) =	sbr.rel @p0 .LBB2_12-.Ltmp8, $4  }
0x24f: {  	v5 =	vadd.f32 v37, v33;
	v6 =	vadd.f32 v39, v34;
	v36 =	vld [tilespmem:s3+$0x5440]  }
0x250: {  	v0 =	vadd.f32 v49, v0;
	v4 =	vadd.f32 v7, v4;
	v37 =	vld [tilespmem:s3+$0x5450]  }
0x251: {  	v31 =	vadd.f32 v8, v5;
	v33 =	vadd.f32 v50, v6;
	v38 =	vld [tilespmem:s20+$0x5440]  }
0x252: {  	s0 =	sadd.s32 $0x280, s0;
	v34 =	vadd.f32 v11, v0;
	v44 =	vadd.f32 v44, v4;
	v39 =	vld [tilespmem:s20+$0x5450]  }
0x253: {  	v0 =	vld [tilespmem:s22+$0x5440]  }
0x254: {  	v4 =	vld [tilespmem:s22+$0x5450]  }
0x255: {  	v5 =	vld [tilespmem:s22+$0x5460]  }
0x256: {  	v6 =	vld [tilespmem:s22+$0x5470]  }
0x257: {  	v7 =	vld [tilespmem:s20+$0x5460]  }
0x258: {  	v8 =	vld [tilespmem:s20+$0x5470]  }
0x259: {  	v11 =	vld [tilespmem:s3+$0x5460]  }
0x25a: {  	v45 =	vld [tilespmem:s3+$0x5470]  }
0x25b: {  	v46 =	vld [tilespmem:s28+$0x5460]  }
0x25c: {  	v47 =	vld [tilespmem:s28+$0x5470]  }
0x25d: {  	v48 =	vld [tilespmem:$0x7800]  }
0x25e: {  	v63 =	vld [tilespmem:$0x7810]  }
0x25f: {  	v50 =	vld [tilespmem:$0x7820]  }
0x260: {  	v51 =	vld [tilespmem:$0x7830]  }
0x261: {  	v52 =	vld [tilespmem:$0x7840]  }
0x262: {  	v53 =	vld [tilespmem:$0x1FEE0]  }
0x263: {  	v54 =	vld [tilespmem:$0x7850]  }
0x264: {  	v31 =	vadd.f32 v43, v31;
	v32 =	vadd.f32 v32, v33;
	v55 =	vld [tilespmem:$0x1FEF0]  }
0x265: {  	v1 =	vadd.f32 v12, v1;
	v57 =	vld [tilespmem:$0x1FF00];
	v9 =	vadd.f32 v9, v30  }
0x266: {  	v59 =	vld [tilespmem:$0x1FF10];
	v10 =	vadd.f32 v10, v29;
	v31 =	vadd.f32 v41, v31  }
0x267: {  	v56 =	vld [tilespmem:$0x7860];
	v13 =	vadd.f32 v13, v28;
	v32 =	vadd.f32 v42, v32  }
0x268: {  	v58 =	vld [tilespmem:$0x7870];
	v21 =	vadd.f32 v21, v31;
	v31 =	vadd.f32 v48, v53  }
0x269: {  	v60 =	vld [tilespmem:$0x7880];
	v26 =	vadd.f32 v26, v32;
	v32 =	vadd.f32 v63, v55  }
0x26a: {  	v62 =	vld [tilespmem:$0x7890];
	v34 =	vadd.f32 v35, v34;
	v12 =	vadd.f32 v50, v57;
	[tilespmem:$0x7800] =	vst v31  }
0x26b: {  	v29 =	vld [tilespmem:$0x78B0];
	v49 =	vadd.f32 v40, v44;
	v30 =	vadd.f32 v51, v59;
	[tilespmem:$0x7810] =	vst v32  }
0x26c: {  	v40 =	vld [tilespmem:$0x78E0];
	v23 =	vadd.f32 v23, v34;
	v61 =	vadd.f32 v52, v15;
	[tilespmem:$0x7820] =	vst v12  }
0x26d: {  	v42 =	vld [tilespmem:$0x78F0];
	v24 =	vadd.f32 v24, v49;
	v14 =	vadd.f32 v54, v14;
	[tilespmem:$0x7830] =	vst v30  }
0x26e: {  	v34 =	vld [tilespmem:$0x78D0];
	v0 =	vadd.f32 v0, v1;
	v33 =	vadd.f32 v60, v19;
	[tilespmem:$0x7840] =	vst v61  }
0x26f: {  	v49 =	vld [tilespmem:$0x7910];
	v4 =	vadd.f32 v4, v9;
	v35 =	vadd.f32 v62, v18;
	[tilespmem:$0x7850] =	vst v14  }
0x270: {  	v63 =	vld [tilespmem:$0x78A0];
	v5 =	vadd.f32 v5, v10;
	v43 =	vadd.f32 v29, v16;
	[tilespmem:$0x7880] =	vst v33  }
0x271: {  	v6 =	vadd.f32 v6, v13;
	v51 =	vld [tilespmem:$0x7920];
	v52 =	vadd.f32 v40, v22;
	[tilespmem:$0x7890] =	vst v35  }
0x272: {  	v53 =	vld [tilespmem:$0x7930];
	v0 =	vadd.f32 v38, v0;
	[tilespmem:$0x78B0] =	vst v43;
	v54 =	vadd.f32 v42, v20  }
0x273: {  	v12 =	vld [tilespmem:$0x1FF20];
	v4 =	vadd.f32 v39, v4;
	v50 =	vadd.f32 v34, v25;
	[tilespmem:$0x78E0] =	vst v52  }
0x274: {  	v30 =	vld [tilespmem:$0x1FF30];
	v5 =	vadd.f32 v7, v5;
	v7 =	vadd.f32 v49, v24;
	[tilespmem:$0x78F0] =	vst v54  }
0x275: {  	v31 =	vld [tilespmem:$0x78C0];
	v6 =	vadd.f32 v8, v6;
	v41 =	vadd.f32 v63, v17;
	[tilespmem:$0x78D0] =	vst v50  }
0x276: {  	v44 =	vld [tilespmem:$0x7900];
	v0 =	vadd.f32 v36, v0;
	v59 =	vadd.f32 v51, v21;
	[tilespmem:$0x7910] =	vst v7  }
0x277: {  	v55 =	vld [tilespmem:$0x7940];
	v4 =	vadd.f32 v37, v4;
	v61 =	vadd.f32 v53, v26;
	[tilespmem:$0x78A0] =	vst v41  }
0x278: {  	v57 =	vld [tilespmem:$0x7950];
	v5 =	vadd.f32 v11, v5;
	v1 =	vadd.f32 v56, v12;
	[tilespmem:$0x7920] =	vst v59  }
0x279: {  	v60 =	vld [tilespmem:$0x7970];
	v6 =	vadd.f32 v45, v6;
	v9 =	vadd.f32 v58, v30;
	[tilespmem:$0x7930] =	vst v61  }
0x27a: {  	v0 =	vadd.f32 v2, v0;
	v48 =	vadd.f32 v31, v27;
	v58 =	vld [tilespmem:$0x7960];
	[tilespmem:$0x7860] =	vst v1  }
0x27b: {  	v3 =	vadd.f32 v3, v4;
	v56 =	vadd.f32 v44, v23;
	[tilespmem:$0x7870] =	vst v9  }
0x27c: {  	v62 =	vadd.f32 v47, v6;
	v0 =	vadd.f32 v55, v0;
	[tilespmem:$0x78C0] =	vst v48  }
.Ltmp9:
0x27d: {  	v5 =	vadd.f32 v46, v5;
	v3 =	vadd.f32 v57, v3;
	[tilespmem:$0x7900] =	vst v56;
	(pc) =	sbr.rel .LBB2_14-.Ltmp9, $4  }
0x27e: {  	v1 =	vadd.f32 v60, v62;
	[tilespmem:$0x7940] =	vst v0  }
0x27f: {  	[tilespmem:$0x7950] =	vst v3;
	v63 =	vadd.f32 v58, v5  }
0x280: {  	[tilespmem:$0x7970] =	vst v1  }
0x281: {  	[tilespmem:$0x7960] =	vst v63  }
.LBB2_15:
0x282: {  	_ =	swait.ge [sflag:s16], $0x1400  }
0x283: {  	[sflag:s16] =	ssyncset.done $0x0  }
0x284: {  	[sflag:s16] =	ssyncadd.s32 $0xFFFFEC00  }
0x285: {  	_ =	swait.ge [sflag:s17], $0x2800  }
0x286: {  	[sflag:s17] =	ssyncset.done $0x0  }
0x287: {  	s0 =	simm.s32 $0x0;
	[sflag:s17] =	ssyncadd.s32 $0xFFFFD800  }
0x288: {  	v4 =	vld [tilespmem:s0+$0x1600]  }
0x289: {  	v5 =	vld [tilespmem:s0+$0x1610]  }
0x28a: {  	v16 =	vld [tilespmem:s0+$0x1620]  }
0x28b: {  	v17 =	vld [tilespmem:s0+$0x1630]  }
0x28c: {  	v8 =	vld [tilespmem:s0+$0x1640]  }
0x28d: {  	v11 =	vld [tilespmem:s0+$0x1650]  }
0x28e: {  	v7 =	vld [tilespmem:s0+$0x1580]  }
0x28f: {  	v22 =	vld [tilespmem:s0+$0x1590]  }
0x290: {  	v6 =	vld [tilespmem:s0+$0x15A0]  }
0x291: {  	v20 =	vld [tilespmem:s0+$0x15B0]  }
0x292: {  	v14 =	vld [tilespmem:s0+$0x15C0]  }
0x293: {  	v15 =	vld [tilespmem:s0+$0x15D0]  }
0x294: {  	v0 =	vld [tilespmem:s0+$0x1500]  }
0x295: {  	v2 =	vld [tilespmem:s0+$0x1510]  }
0x296: {  	v3 =	vld [tilespmem:s0+$0x1520]  }
0x297: {  	v9 =	vld [tilespmem:s0+$0x1480]  }
0x298: {  	v10 =	vld [tilespmem:s0+$0x1490]  }
0x299: {  	v12 =	vld [tilespmem:s0+$0x1400]  }
0x29a: {  	v13 =	vld [tilespmem:s0+$0x1410]  }
0x29b: {  	v21 =	vld [tilespmem:s0+$0x1420]  }
0x29c: {  	v23 =	vld [tilespmem:s0+$0x1430]  }
0x29d: {  	v24 =	vld [tilespmem:s0+$0x14A0]  }
0x29e: {  	v25 =	vld [tilespmem:s0+$0x14B0]  }
0x29f: {  	v26 =	vld [tilespmem:s0+$0x1530]  }
0x2a0: {  	v1 =	vimm.f32 $0.0e+00;
	v18 =	vld [tilespmem:s0+$0x1540]  }
0x2a1: {  	v19 =	vld [tilespmem:s0+$0x1550];
	v12 =	vadd.f32 v12, v1;
	v13 =	vadd.f32 v13, v1  }
0x2a2: {  	v34 =	vld [tilespmem:s0+$0x14C0];
	v21 =	vadd.f32 v21, v1;
	v23 =	vadd.f32 v23, v1  }
0x2a3: {  	v29 =	vimm.f32 $0.0e+00;
	v35 =	vld [tilespmem:s0+$0x14D0];
	v9 =	vadd.f32 v9, v12;
	v10 =	vadd.f32 v10, v13  }
0x2a4: {  	v27 =	vimm.f32 $0.0e+00;
	v36 =	vld [tilespmem:s0+$0x1440];
	v12 =	vadd.f32 v24, v21;
	v13 =	vadd.f32 v25, v23  }
0x2a5: {  	v28 =	vimm.f32 $0.0e+00;
	v37 =	vld [tilespmem:s0+$0x1450];
	v39 =	vadd.f32 v0, v9;
	v40 =	vadd.f32 v2, v10  }
0x2a6: {  	s26 =	simm.s32 $0x0;
	s3 =	simm.s32 $0xA00;
	v38 =	vld [tilespmem:s0+$0x1460];
	v25 =	vimm.f32 $0.0e+00;
	v41 =	vadd.f32 v3, v12;
	v42 =	vadd.f32 v26, v13  }
.LBB2_16:
0x2a7: {  	p0 =	sne.s32 s3, $0x4600;
	v0 =	vld [tilespmem:s0+$0x1470];
	v2 =	vadd.f32 v7, v39;
	v3 =	vadd.f32 v22, v40  }
0x2a8: {  	v7 =	vld [tilespmem:s0+$0x14E0];
	v6 =	vadd.f32 v6, v41;
	v9 =	vadd.f32 v20, v42  }
0x2a9: {  	v10 =	vld [tilespmem:s0+$0x14F0];
	v2 =	vadd.f32 v4, v2;
	v3 =	vadd.f32 v5, v3  }
0x2aa: {  	v5 =	vld [tilespmem:s0+$0x1560];
	v12 =	vadd.f32 v16, v6;
	v9 =	vadd.f32 v17, v9  }
0x2ab: {  	v4 =	vadd.f32 v36, v25;
	v6 =	vadd.f32 v37, v29;
	v13 =	vld [tilespmem:s0+$0x1570]  }
0x2ac: {  	v16 =	vadd.f32 v38, v27;
	v0 =	vadd.f32 v0, v28;
	v17 =	vld [tilespmem:s0+$0x15E0]  }
0x2ad: {  	v4 =	vadd.f32 v34, v4;
	v6 =	vadd.f32 v35, v6;
	v20 =	vld [tilespmem:s0+$0x15F0]  }
0x2ae: {  	v7 =	vadd.f32 v7, v16;
	v0 =	vadd.f32 v10, v0;
	v10 =	vld [tilespmem:s0+$0x1660]  }
0x2af: {  	v16 =	vadd.f32 v18, v4;
	v6 =	vadd.f32 v19, v6;
	v18 =	vld [tilespmem:s0+$0x1670];
	s0 =	sshra.s32 s3, $0x2  }
0x2b0: {  	v7 =	vadd.f32 v5, v7;
	v4 =	vld [tilespmem:s0+$0x1600];
	v0 =	vadd.f32 v13, v0  }
0x2b1: {  	v13 =	vadd.f32 v14, v16;
	v6 =	vadd.f32 v15, v6;
	v5 =	vld [tilespmem:s0+$0x1610]  }
0x2b2: {  	v7 =	vadd.f32 v17, v7;
	v16 =	vld [tilespmem:s0+$0x1620];
	v0 =	vadd.f32 v20, v0  }
0x2b3: {  	v25 =	vadd.f32 v8, v13;
	v29 =	vadd.f32 v11, v6;
	v17 =	vld [tilespmem:s0+$0x1630]  }
0x2b4: {  	v27 =	vadd.f32 v10, v7;
	v8 =	vld [tilespmem:s0+$0x1640];
	v28 =	vadd.f32 v18, v0  }
0x2b5: {  	v11 =	vld [tilespmem:s0+$0x1650]  }
0x2b6: {  	v7 =	vld [tilespmem:s0+$0x1580]  }
0x2b7: {  	v22 =	vld [tilespmem:s0+$0x1590]  }
0x2b8: {  	v6 =	vld [tilespmem:s0+$0x15A0]  }
0x2b9: {  	v20 =	vld [tilespmem:s0+$0x15B0]  }
0x2ba: {  	v14 =	vld [tilespmem:s0+$0x15C0]  }
0x2bb: {  	v15 =	vld [tilespmem:s0+$0x15D0]  }
0x2bc: {  	v0 =	vld [tilespmem:s0+$0x1500]  }
0x2bd: {  	v10 =	vld [tilespmem:s0+$0x1510]  }
0x2be: {  	v13 =	vld [tilespmem:s0+$0x1520]  }
0x2bf: {  	v21 =	vld [tilespmem:s0+$0x1530]  }
0x2c0: {  	v23 =	vld [tilespmem:s0+$0x1480]  }
0x2c1: {  	v24 =	vld [tilespmem:s0+$0x1490]  }
0x2c2: {  	v19 =	vld [tilespmem:s0+$0x1400]  }
0x2c3: {  	v26 =	vld [tilespmem:s0+$0x1410]  }
0x2c4: {  	v30 =	vld [tilespmem:s0+$0x1420]  }
0x2c5: {  	v31 =	vld [tilespmem:s0+$0x1430]  }
0x2c6: {  	v32 =	vld [tilespmem:s0+$0x14A0]  }
0x2c7: {  	v33 =	vld [tilespmem:s0+$0x14B0]  }
0x2c8: {  	v18 =	vld [tilespmem:s0+$0x1540]  }
0x2c9: {  	v2 =	vadd.f32 v19, v2;
	v3 =	vadd.f32 v26, v3;
	v19 =	vld [tilespmem:s0+$0x1550]  }
.Ltmp10:
0x2ca: {  	v12 =	vadd.f32 v30, v12;
	v9 =	vadd.f32 v31, v9;
	v34 =	vld [tilespmem:s0+$0x14C0];
	(pc) =	sbr.rel @p0 .LBB2_16-.Ltmp10, $4  }
0x2cb: {  	v2 =	vadd.f32 v23, v2;
	v3 =	vadd.f32 v24, v3;
	v35 =	vld [tilespmem:s0+$0x14D0]  }
0x2cc: {  	v12 =	vadd.f32 v32, v12;
	v36 =	vld [tilespmem:s0+$0x1440];
	v9 =	vadd.f32 v33, v9  }
0x2cd: {  	v39 =	vadd.f32 v0, v2;
	v40 =	vadd.f32 v10, v3;
	v37 =	vld [tilespmem:s0+$0x1450]  }
0x2ce: {  	s3 =	sadd.s32 $0xA00, s3;
	v41 =	vadd.f32 v13, v12;
	v38 =	vld [tilespmem:s0+$0x1460];
	v42 =	vadd.f32 v21, v9  }
0x2cf: {  	v0 =	vld [tilespmem:s0+$0x1470]  }
0x2d0: {  	v43 =	vld [tilespmem:s0+$0x14E0]  }
0x2d1: {  	v44 =	vld [tilespmem:s0+$0x14F0]  }
0x2d2: {  	v45 =	vld [tilespmem:s0+$0x1560]  }
0x2d3: {  	v46 =	vld [tilespmem:s0+$0x1570]  }
0x2d4: {  	v47 =	vld [tilespmem:s0+$0x15E0]  }
0x2d5: {  	v48 =	vld [tilespmem:s0+$0x15F0]  }
0x2d6: {  	v49 =	vld [tilespmem:s0+$0x1660];
	s3 =	sand.u32 $0x3800, s26;
	s20 =	sand.u32 $0x380, s26  }
0x2d7: {  	v50 =	vld [tilespmem:s0+$0x1670];
	s29 =	sor.u32 s20, s3  }
0x2d8: {  	v51 =	vld [tilespmem:s29+$0x5000]  }
0x2d9: {  	v52 =	vld [tilespmem:s29+$0x5010]  }
0x2da: {  	v53 =	vld [tilespmem:s29+$0x5020]  }
0x2db: {  	v54 =	vld [tilespmem:s29+$0x5030]  }
0x2dc: {  	v55 =	vld [tilespmem:s29+$0x5040]  }
0x2dd: {  	v56 =	vld [tilespmem:s29+$0x5050]  }
0x2de: {  	v57 =	vld [tilespmem:s29+$0x5060]  }
0x2df: {  	v58 =	vld [tilespmem:s29+$0x5070]  }
0x2e0: {  	v2 =	vld [tilespmem:s29+$0x5400]  }
0x2e1: {  	v33 =	vld [tilespmem:s29+$0x5410]  }
0x2e2: {  	v12 =	vld [tilespmem:s29+$0x5440]  }
0x2e3: {  	s30 =	simm.s32 $0x400;
	s31 =	simm.s32 $0x200;
	v9 =	vld [tilespmem:s29+$0x5450]  }
0x2e4: {  	s3 =	sand.u32 $0x7800, s30;
	s22 =	sand.u32 $0x380, s31;
	v10 =	vld [tilespmem:s29+$0x5460]  }
0x2e5: {  	v13 =	vld [tilespmem:s29+$0x5470];
	s28 =	sor.u32 s22, s3  }
0x2e6: {  	v59 =	vld [tilespmem:s28+$0x5000]  }
0x2e7: {  	v60 =	vld [tilespmem:s28+$0x5010]  }
0x2e8: {  	v61 =	vld [tilespmem:s28+$0x5020]  }
0x2e9: {  	v62 =	vld [tilespmem:s28+$0x5030]  }
0x2ea: {  	v63 =	vld [tilespmem:s28+$0x5040]  }
0x2eb: {  	v30 =	vld [tilespmem:s28+$0x5050]  }
0x2ec: {  	v31 =	vld [tilespmem:s28+$0x5060]  }
0x2ed: {  	v7 =	vadd.f32 v7, v39;
	v32 =	vld [tilespmem:s28+$0x5070]  }
0x2ee: {  	v23 =	vld [tilespmem:s28+$0x5400]  }
0x2ef: {  	v4 =	vadd.f32 v4, v7;
	v24 =	vld [tilespmem:s28+$0x5410]  }
0x2f0: {  	v22 =	vadd.f32 v22, v40;
	v21 =	vld [tilespmem:s28+$0x5420]  }
0x2f1: {  	s23 =	simm.s32 $0x300;
	s24 =	simm.s32 $0x180;
	v26 =	vld [tilespmem:s28+$0x5430];
	[tilespmem:$0x1FE50] =	vst v4  }
0x2f2: {  	s0 =	sand.u32 $0x7800, s23;
	v40 =	vadd.f32 v6, v41;
	s3 =	sand.u32 $0x380, s24;
	v4 =	vadd.f32 v5, v22;
	[tilespmem:$0x1FEB0] =	vst v2;
	v2 =	vld [tilespmem:s29+$0x5420]  }
0x2f3: {  	s3 =	sor.u32 s3, s0;
	v3 =	vld [tilespmem:s28+$0x5450]  }
0x2f4: {  	v20 =	vadd.f32 v20, v42;
	v39 =	vld [tilespmem:s3+$0x5000];
	[tilespmem:$0x1FE60] =	vst v4;
	v4 =	vadd.f32 v16, v40  }
0x2f5: {  	v41 =	vld [tilespmem:s3+$0x5010]  }
0x2f6: {  	v22 =	vld [tilespmem:s3+$0x5020];
	v0 =	vadd.f32 v0, v28;
	[tilespmem:$0x1FE70] =	vst v4;
	v4 =	vadd.f32 v17, v20  }
0x2f7: {  	v17 =	vadd.f32 v36, v25;
	v20 =	vadd.f32 v37, v29;
	[tilespmem:$0x1FEC0] =	vst v2;
	v2 =	vld [tilespmem:s29+$0x5430];
	s29 =	simm.s32 $0x100  }
0x2f8: {  	s20 =	sand.u32 $0x7800, s31;
	v27 =	vadd.f32 v38, v27;
	v42 =	vld [tilespmem:s3+$0x5430];
	v0 =	vadd.f32 v44, v0;
	s30 =	sand.u32 $0x380, s29  }
0x2f9: {  	s23 =	simm.s32 $0x80;
	v28 =	vld [tilespmem:s3+$0x5050];
	v17 =	vadd.f32 v34, v17;
	v20 =	vadd.f32 v35, v20;
	s20 =	sor.u32 s30, s20  }
0x2fa: {  	s31 =	sand.u32 $0x380, s23;
	v27 =	vadd.f32 v43, v27;
	v0 =	vadd.f32 v46, v0;
	s0 =	sand.u32 $0x7800, s29;
	v34 =	vld [tilespmem:s20+$0x5000]  }
0x2fb: {  	v17 =	vadd.f32 v18, v17;
	v18 =	vadd.f32 v19, v20;
	s22 =	sor.u32 s31, s0;
	v19 =	vld [tilespmem:s20+$0x5010]  }
0x2fc: {  	v0 =	vadd.f32 v48, v0;
	v20 =	vadd.f32 v45, v27;
	v27 =	vld [tilespmem:s22+$0x5000]  }
0x2fd: {  	v14 =	vadd.f32 v14, v17;
	v17 =	vadd.f32 v15, v18;
	v18 =	vld [tilespmem:s22+$0x5010]  }
0x2fe: {  	v0 =	vadd.f32 v50, v0;
	v20 =	vadd.f32 v47, v20;
	v45 =	vld [tilespmem:s22+$0x5020]  }
0x2ff: {  	[tilespmem:$0x1FE80] =	vst v4;
	v15 =	vadd.f32 v8, v14;
	v14 =	vadd.f32 v11, v17;
	v17 =	vld [tilespmem:s22+$0x5030]  }
0x300: {  	[tilespmem:$0x1FEA0] =	vst v0;
	v0 =	vld [tilespmem:s20+$0x5020];
	v4 =	vadd.f32 v49, v20  }
0x301: {  	v47 =	vld [tilespmem:s20+$0x5030];
	v20 =	vadd.f32 v51, v1;
	v49 =	vadd.f32 v53, v1  }
0x302: {  	v16 =	vld [tilespmem:s3+$0x5030];
	v46 =	vadd.f32 v52, v1;
	v50 =	vadd.f32 v54, v1  }
0x303: {  	v40 =	vld [tilespmem:s3+$0x5410];
	v20 =	vadd.f32 v27, v20;
	v27 =	vadd.f32 v45, v49  }
0x304: {  	v25 =	vld [tilespmem:s3+$0x5040];
	v18 =	vadd.f32 v18, v46;
	v17 =	vadd.f32 v17, v50  }
0x305: {  	v29 =	vld [tilespmem:s3+$0x5060];
	v20 =	vadd.f32 v34, v20;
	v0 =	vadd.f32 v0, v27  }
0x306: {  	v36 =	vld [tilespmem:s3+$0x5440];
	v18 =	vadd.f32 v19, v18;
	v17 =	vadd.f32 v47, v17  }
0x307: {  	v19 =	vadd.f32 v39, v20;
	v20 =	vld [tilespmem:s22+$0x5060];
	v0 =	vadd.f32 v22, v0  }
0x308: {  	v57 =	vadd.f32 v57, v1;
	v22 =	vld [tilespmem:s22+$0x5070]  }
0x309: {  	v54 =	vld [tilespmem:s20+$0x5060];
	v16 =	vadd.f32 v16, v17;
	v17 =	vadd.f32 v61, v0  }
0x30a: {  	v0 =	vadd.f32 v55, v1;
	v55 =	vadd.f32 v56, v1;
	v56 =	vld [tilespmem:s20+$0x5070]  }
0x30b: {  	v58 =	vadd.f32 v58, v1;
	v37 =	vld [tilespmem:s3+$0x5450]  }
0x30c: {  	v48 =	vld [tilespmem:s3+$0x5070];
	v20 =	vadd.f32 v20, v57  }
0x30d: {  	v53 =	vld [tilespmem:s22+$0x5040];
	v22 =	vadd.f32 v22, v58  }
0x30e: {  	[tilespmem:$0x1FE90] =	vst v4;
	v4 =	vld [tilespmem:$0x1FEB0];
	v20 =	vadd.f32 v54, v20  }
0x30f: {  	v27 =	vld [tilespmem:s22+$0x5050];
	v22 =	vadd.f32 v56, v22  }
0x310: {  	v51 =	vld [tilespmem:s20+$0x5040];
	v20 =	vadd.f32 v29, v20  }
0x311: {  	v52 =	vld [tilespmem:s20+$0x5050];
	v18 =	vadd.f32 v41, v18;
	v29 =	vadd.f32 v48, v22  }
0x312: {  	v35 =	vld [tilespmem:s3+$0x5400];
	v0 =	vadd.f32 v53, v0;
	v22 =	vadd.f32 v31, v20  }
0x313: {  	v20 =	vadd.f32 v32, v29;
	v29 =	vadd.f32 v4, v1;
	v4 =	vld [tilespmem:$0x1FEC0]  }
0x314: {  	v19 =	vadd.f32 v59, v19;
	v59 =	vld [tilespmem:s20+$0x5400];
	v27 =	vadd.f32 v27, v55  }
0x315: {  	v18 =	vadd.f32 v60, v18;
	v60 =	vld [tilespmem:s22+$0x5400];
	v0 =	vadd.f32 v51, v0  }
0x316: {  	v61 =	vld [tilespmem:s22+$0x5410];
	v27 =	vadd.f32 v52, v27  }
0x317: {  	[tilespmem:$0x1FED0] =	vst v2;
	v16 =	vadd.f32 v62, v16;
	v62 =	vld [tilespmem:s22+$0x5430];
	v0 =	vadd.f32 v25, v0  }
0x318: {  	v25 =	vadd.f32 v28, v27;
	v31 =	vadd.f32 v4, v1;
	v4 =	vld [tilespmem:$0x1FED0]  }
0x319: {  	v27 =	vadd.f32 v63, v0;
	v0 =	vld [tilespmem:s20+$0x5410]  }
0x31a: {  	v28 =	vld [tilespmem:s22+$0x5420];
	v25 =	vadd.f32 v30, v25;
	v30 =	vadd.f32 v33, v1  }
0x31b: {  	v43 =	vld [tilespmem:s20+$0x5420]  }
0x31c: {  	v32 =	vld [tilespmem:s20+$0x5430];
	v30 =	vadd.f32 v61, v30;
	v29 =	vadd.f32 v60, v29  }
0x31d: {  	v38 =	vld [tilespmem:s20+$0x5440];
	v63 =	vadd.f32 v4, v1  }
0x31e: {  	v41 =	vld [tilespmem:s3+$0x5420];
	v34 =	vadd.f32 v59, v29;
	v44 =	vadd.f32 v0, v30  }
0x31f: {  	v2 =	vld [tilespmem:s28+$0x5440];
	v31 =	vadd.f32 v28, v31;
	v33 =	vadd.f32 v62, v63  }
0x320: {  	s0 =	simm.s32 $0x280;
	v39 =	vld [tilespmem:s20+$0x5450];
	v30 =	vimm.f32 $0.0e+00;
	v29 =	vimm.f32 $0.0e+00;
	v28 =	vimm.f32 $0.0e+00  }
.LBB2_18:
0x321: {  	p0 =	sne.s32 s0, $0x1180;
	v0 =	vld [tilespmem:s22+$0x5440];
	v31 =	vadd.f32 v43, v31;
	v32 =	vadd.f32 v32, v33  }
0x322: {  	v43 =	vld [tilespmem:s22+$0x5450];
	v33 =	vadd.f32 v35, v34;
	v34 =	vadd.f32 v40, v44  }
0x323: {  	v35 =	vld [tilespmem:s22+$0x5460];
	v40 =	vadd.f32 v41, v31;
	v41 =	vadd.f32 v42, v32  }
0x324: {  	v42 =	vld [tilespmem:s22+$0x5470];
	v31 =	vadd.f32 v23, v33;
	v32 =	vadd.f32 v24, v34  }
0x325: {  	v23 =	vld [tilespmem:s20+$0x5460];
	v33 =	vadd.f32 v21, v40;
	v34 =	vadd.f32 v26, v41  }
0x326: {  	v1 =	vadd.f32 v12, v1;
	v9 =	vadd.f32 v9, v30;
	v12 =	vld [tilespmem:s20+$0x5470]  }
0x327: {  	v10 =	vadd.f32 v10, v29;
	v13 =	vadd.f32 v13, v28;
	v21 =	vld [tilespmem:s3+$0x5460]  }
0x328: {  	s26 =	sadd.s32 $0x500, s26;
	v0 =	vadd.f32 v0, v1;
	v1 =	vadd.f32 v43, v9;
	v9 =	vld [tilespmem:s3+$0x5470]  }
0x329: {  	s20 =	sand.u32 $0x380, s0;
	s3 =	sand.u32 $0x3800, s26;
	v10 =	vadd.f32 v35, v10;
	v13 =	vadd.f32 v42, v13;
	v24 =	vld [tilespmem:s28+$0x5460]  }
0x32a: {  	v0 =	vadd.f32 v38, v0;
	s3 =	sor.u32 s20, s3;
	v1 =	vadd.f32 v39, v1;
	v26 =	vld [tilespmem:s28+$0x5470]  }
0x32b: {  	v10 =	vadd.f32 v23, v10;
	v35 =	vld [tilespmem:s3+$0x5000];
	v12 =	vadd.f32 v12, v13  }
0x32c: {  	v0 =	vadd.f32 v36, v0;
	v13 =	vadd.f32 v37, v1;
	v40 =	vld [tilespmem:s3+$0x5010]  }
0x32d: {  	v10 =	vadd.f32 v21, v10;
	v49 =	vld [tilespmem:s3+$0x5020];
	v9 =	vadd.f32 v9, v12  }
0x32e: {  	v1 =	vadd.f32 v2, v0;
	v30 =	vadd.f32 v3, v13;
	v50 =	vld [tilespmem:s3+$0x5030]  }
0x32f: {  	v29 =	vadd.f32 v24, v10;
	v41 =	vld [tilespmem:s3+$0x5040];
	v28 =	vadd.f32 v26, v9  }
0x330: {  	v43 =	vld [tilespmem:s3+$0x5050]  }
0x331: {  	v42 =	vld [tilespmem:s3+$0x5060]  }
0x332: {  	v44 =	vld [tilespmem:s3+$0x5070]  }
0x333: {  	v36 =	vld [tilespmem:s3+$0x5400]  }
0x334: {  	v38 =	vld [tilespmem:s3+$0x5410]  }
0x335: {  	v37 =	vld [tilespmem:s3+$0x5420]  }
0x336: {  	v39 =	vld [tilespmem:s3+$0x5430]  }
0x337: {  	v12 =	vld [tilespmem:s3+$0x5440]  }
0x338: {  	s22 =	sadd.s32 $0x200, s0;
	s20 =	sadd.s32 $0x400, s26;
	v9 =	vld [tilespmem:s3+$0x5450]  }
0x339: {  	s22 =	sand.u32 $0x380, s22;
	s20 =	sand.u32 $0x7800, s20;
	v10 =	vld [tilespmem:s3+$0x5460]  }
0x33a: {  	s28 =	sor.u32 s22, s20;
	v13 =	vld [tilespmem:s3+$0x5470]  }
0x33b: {  	v0 =	vld [tilespmem:s28+$0x5000]  }
0x33c: {  	v51 =	vld [tilespmem:s28+$0x5010]  }
0x33d: {  	v52 =	vld [tilespmem:s28+$0x5020]  }
0x33e: {  	v53 =	vld [tilespmem:s28+$0x5030]  }
0x33f: {  	v45 =	vld [tilespmem:s28+$0x5040]  }
0x340: {  	v47 =	vld [tilespmem:s28+$0x5050]  }
0x341: {  	v46 =	vld [tilespmem:s28+$0x5060]  }
0x342: {  	v48 =	vld [tilespmem:s28+$0x5070]  }
0x343: {  	v23 =	vld [tilespmem:s28+$0x5400]  }
0x344: {  	v24 =	vld [tilespmem:s28+$0x5410]  }
0x345: {  	v21 =	vld [tilespmem:s28+$0x5420]  }
0x346: {  	s20 =	sadd.s32 $0x180, s0;
	s3 =	sadd.s32 $0x300, s26;
	v26 =	vld [tilespmem:s28+$0x5430]  }
0x347: {  	s20 =	sand.u32 $0x380, s20;
	s3 =	sand.u32 $0x7800, s3;
	v2 =	vld [tilespmem:s28+$0x5440]  }
0x348: {  	s3 =	sor.u32 s20, s3;
	v3 =	vld [tilespmem:s28+$0x5450]  }
0x349: {  	v54 =	vld [tilespmem:s3+$0x5000]  }
0x34a: {  	v55 =	vld [tilespmem:s3+$0x5010]  }
0x34b: {  	v56 =	vld [tilespmem:s3+$0x5020]  }
0x34c: {  	v57 =	vld [tilespmem:s3+$0x5030]  }
0x34d: {  	v58 =	vld [tilespmem:s3+$0x5040]  }
0x34e: {  	s22 =	sadd.s32 $0x100, s0;
	s20 =	sadd.s32 $0x200, s26;
	v59 =	vld [tilespmem:s3+$0x5050]  }
0x34f: {  	s22 =	sand.u32 $0x380, s22;
	s20 =	sand.u32 $0x7800, s20;
	v60 =	vld [tilespmem:s3+$0x5060]  }
0x350: {  	s24 =	sadd.s32 $0x80, s0;
	s23 =	sadd.s32 $0x100, s26;
	s20 =	sor.u32 s22, s20;
	v61 =	vld [tilespmem:s3+$0x5070]  }
0x351: {  	s22 =	sand.u32 $0x7800, s23;
	s23 =	sand.u32 $0x380, s24;
	v62 =	vld [tilespmem:s20+$0x5000]  }
0x352: {  	s22 =	sor.u32 s23, s22;
	v63 =	vld [tilespmem:s20+$0x5010]  }
0x353: {  	v4 =	vld [tilespmem:s22+$0x5000]  }
0x354: {  	v5 =	vld [tilespmem:s22+$0x5010]  }
0x355: {  	v6 =	vld [tilespmem:s22+$0x5020]  }
0x356: {  	v7 =	vld [tilespmem:s22+$0x5030]  }
0x357: {  	v8 =	vld [tilespmem:s20+$0x5020]  }
0x358: {  	v19 =	vadd.f32 v35, v19;
	v18 =	vadd.f32 v40, v18;
	v11 =	vld [tilespmem:s20+$0x5030]  }
0x359: {  	v17 =	vadd.f32 v49, v17;
	v16 =	vadd.f32 v50, v16;
	v35 =	vld [tilespmem:s3+$0x5400]  }
0x35a: {  	v4 =	vadd.f32 v4, v19;
	v5 =	vadd.f32 v5, v18;
	v40 =	vld [tilespmem:s3+$0x5410]  }
0x35b: {  	v6 =	vadd.f32 v6, v17;
	v7 =	vadd.f32 v7, v16;
	v49 =	vld [tilespmem:s20+$0x5040]  }
0x35c: {  	v4 =	vadd.f32 v62, v4;
	v5 =	vadd.f32 v63, v5;
	v50 =	vld [tilespmem:s20+$0x5050]  }
0x35d: {  	v6 =	vadd.f32 v8, v6;
	v62 =	vld [tilespmem:s22+$0x5040];
	v7 =	vadd.f32 v11, v7  }
0x35e: {  	v4 =	vadd.f32 v54, v4;
	v5 =	vadd.f32 v55, v5;
	v8 =	vld [tilespmem:s22+$0x5050]  }
0x35f: {  	v6 =	vadd.f32 v56, v6;
	v11 =	vld [tilespmem:s22+$0x5060];
	v7 =	vadd.f32 v57, v7  }
0x360: {  	v19 =	vadd.f32 v0, v4;
	v18 =	vadd.f32 v51, v5;
	v54 =	vld [tilespmem:s22+$0x5070]  }
0x361: {  	v17 =	vadd.f32 v52, v6;
	v0 =	vld [tilespmem:s20+$0x5060];
	v16 =	vadd.f32 v53, v7  }
0x362: {  	v4 =	vadd.f32 v41, v27;
	v5 =	vadd.f32 v43, v25;
	v6 =	vld [tilespmem:s20+$0x5070]  }
0x363: {  	v20 =	vadd.f32 v44, v20;
	v7 =	vadd.f32 v42, v22;
	v41 =	vld [tilespmem:s3+$0x5420]  }
0x364: {  	v4 =	vadd.f32 v62, v4;
	v5 =	vadd.f32 v8, v5;
	v42 =	vld [tilespmem:s3+$0x5430]  }
0x365: {  	v7 =	vadd.f32 v11, v7;
	v8 =	vadd.f32 v54, v20;
	v11 =	vld [tilespmem:s20+$0x5400]  }
0x366: {  	v4 =	vadd.f32 v49, v4;
	v5 =	vadd.f32 v50, v5;
	v44 =	vld [tilespmem:s20+$0x5410]  }
0x367: {  	v0 =	vadd.f32 v0, v7;
	v49 =	vld [tilespmem:s22+$0x5400];
	v6 =	vadd.f32 v6, v8  }
0x368: {  	v4 =	vadd.f32 v58, v4;
	v5 =	vadd.f32 v59, v5;
	v7 =	vld [tilespmem:s22+$0x5410]  }
0x369: {  	v0 =	vadd.f32 v60, v0;
	v8 =	vld [tilespmem:s22+$0x5420];
	v6 =	vadd.f32 v61, v6  }
0x36a: {  	v27 =	vadd.f32 v45, v4;
	v25 =	vadd.f32 v47, v5;
	v50 =	vld [tilespmem:s22+$0x5430]  }
0x36b: {  	v22 =	vadd.f32 v46, v0;
	v43 =	vld [tilespmem:s20+$0x5420];
	v20 =	vadd.f32 v48, v6  }
.Ltmp11:
0x36c: {  	v4 =	vadd.f32 v38, v32;
	v0 =	vadd.f32 v36, v31;
	v32 =	vld [tilespmem:s20+$0x5430];
	(pc) =	sbr.rel @p0 .LBB2_18-.Ltmp11, $4  }
0x36d: {  	v5 =	vadd.f32 v37, v33;
	v6 =	vadd.f32 v39, v34;
	v36 =	vld [tilespmem:s3+$0x5440]  }
0x36e: {  	v0 =	vadd.f32 v49, v0;
	v4 =	vadd.f32 v7, v4;
	v37 =	vld [tilespmem:s3+$0x5450]  }
0x36f: {  	v31 =	vadd.f32 v8, v5;
	v33 =	vadd.f32 v50, v6;
	v38 =	vld [tilespmem:s20+$0x5440]  }
0x370: {  	s0 =	sadd.s32 $0x280, s0;
	v34 =	vadd.f32 v11, v0;
	v44 =	vadd.f32 v44, v4;
	v39 =	vld [tilespmem:s20+$0x5450]  }
0x371: {  	v0 =	vld [tilespmem:s22+$0x5440]  }
0x372: {  	v4 =	vld [tilespmem:s22+$0x5450]  }
0x373: {  	v5 =	vld [tilespmem:s22+$0x5460]  }
0x374: {  	v6 =	vld [tilespmem:s22+$0x5470]  }
0x375: {  	v7 =	vld [tilespmem:s20+$0x5460]  }
0x376: {  	v8 =	vld [tilespmem:s20+$0x5470]  }
0x377: {  	v11 =	vld [tilespmem:s3+$0x5460]  }
0x378: {  	v45 =	vld [tilespmem:s3+$0x5470]  }
0x379: {  	v46 =	vld [tilespmem:s28+$0x5460]  }
0x37a: {  	v47 =	vld [tilespmem:s28+$0x5470]  }
0x37b: {  	v48 =	vld [tilespmem:$0x7800]  }
0x37c: {  	v55 =	vld [tilespmem:$0x7810]  }
0x37d: {  	v57 =	vld [tilespmem:$0x7820]  }
0x37e: {  	v31 =	vadd.f32 v43, v31;
	v58 =	vld [tilespmem:$0x7830]  }
0x37f: {  	v59 =	vld [tilespmem:$0x7840]  }
0x380: {  	v60 =	vld [tilespmem:$0x7850];
	v31 =	vadd.f32 v41, v31  }
0x381: {  	v32 =	vadd.f32 v32, v33;
	v61 =	vld [tilespmem:$0x1FE60]  }
0x382: {  	v21 =	vadd.f32 v21, v31;
	v31 =	vld [tilespmem:$0x1FE50]  }
0x383: {  	v1 =	vadd.f32 v12, v1;
	v12 =	vld [tilespmem:$0x1FE70];
	v32 =	vadd.f32 v42, v32  }
0x384: {  	v62 =	vld [tilespmem:$0x7860];
	v9 =	vadd.f32 v9, v30  }
0x385: {  	v30 =	vld [tilespmem:$0x1FE80];
	v10 =	vadd.f32 v10, v29;
	v26 =	vadd.f32 v26, v32  }
0x386: {  	v32 =	vadd.f32 v55, v61;
	v0 =	vadd.f32 v0, v1;
	v1 =	vld [tilespmem:$0x1FE90]  }
0x387: {  	v63 =	vld [tilespmem:$0x7880];
	v13 =	vadd.f32 v13, v28;
	v31 =	vadd.f32 v48, v31  }
0x388: {  	v12 =	vadd.f32 v57, v12;
	v4 =	vadd.f32 v4, v9;
	v9 =	vld [tilespmem:$0x1FEA0];
	[tilespmem:$0x7810] =	vst v32  }
0x389: {  	v34 =	vadd.f32 v35, v34;
	v14 =	vadd.f32 v60, v14;
	[tilespmem:$0x7800] =	vst v31;
	v31 =	vld [tilespmem:$0x7870]  }
0x38a: {  	v28 =	vld [tilespmem:$0x78A0];
	v56 =	vadd.f32 v40, v44;
	[tilespmem:$0x7820] =	vst v12;
	v12 =	vadd.f32 v59, v15  }
0x38b: {  	v23 =	vadd.f32 v23, v34;
	v15 =	vld [tilespmem:$0x7890];
	[tilespmem:$0x7850] =	vst v14;
	v1 =	vadd.f32 v62, v1  }
0x38c: {  	v24 =	vadd.f32 v24, v56;
	v30 =	vadd.f32 v58, v30;
	v14 =	vld [tilespmem:$0x78C0];
	[tilespmem:$0x7840] =	vst v12  }
0x38d: {  	v5 =	vadd.f32 v5, v10;
	v12 =	vld [tilespmem:$0x78B0];
	[tilespmem:$0x7860] =	vst v1;
	v1 =	vadd.f32 v63, v19  }
0x38e: {  	v10 =	vld [tilespmem:$0x78D0];
	v6 =	vadd.f32 v6, v13;
	[tilespmem:$0x7830] =	vst v30;
	v9 =	vadd.f32 v31, v9  }
0x38f: {  	v13 =	vld [tilespmem:$0x78E0];
	v0 =	vadd.f32 v38, v0;
	[tilespmem:$0x7880] =	vst v1;
	v1 =	vadd.f32 v28, v17  }
0x390: {  	v4 =	vadd.f32 v39, v4;
	[tilespmem:$0x7870] =	vst v9;
	v9 =	vadd.f32 v15, v18;
	v15 =	vld [tilespmem:$0x78F0]  }
0x391: {  	v5 =	vadd.f32 v7, v5;
	v7 =	vld [tilespmem:$0x7910];
	[tilespmem:$0x78A0] =	vst v1;
	v1 =	vadd.f32 v14, v27  }
0x392: {  	v6 =	vadd.f32 v8, v6;
	[tilespmem:$0x7890] =	vst v9;
	v9 =	vadd.f32 v12, v16;
	v12 =	vld [tilespmem:$0x7900]  }
0x393: {  	v5 =	vadd.f32 v11, v5;
	v11 =	vld [tilespmem:$0x7950];
	v8 =	vadd.f32 v10, v25;
	[tilespmem:$0x78C0] =	vst v1  }
0x394: {  	v4 =	vadd.f32 v37, v4;
	v1 =	vadd.f32 v13, v22;
	[tilespmem:$0x78B0] =	vst v9;
	v9 =	vld [tilespmem:$0x7920]  }
0x395: {  	v0 =	vadd.f32 v36, v0;
	[tilespmem:$0x78D0] =	vst v8;
	v13 =	vld [tilespmem:$0x7940];
	v8 =	vadd.f32 v15, v20  }
0x396: {  	v10 =	vld [tilespmem:$0x7930];
	v3 =	vadd.f32 v3, v4;
	v7 =	vadd.f32 v7, v24;
	[tilespmem:$0x78E0] =	vst v1  }
0x397: {  	v1 =	vadd.f32 v12, v23;
	[tilespmem:$0x78F0] =	vst v8;
	v8 =	vld [tilespmem:$0x7960]  }
0x398: {  	v0 =	vadd.f32 v2, v0;
	v2 =	vld [tilespmem:$0x7970];
	[tilespmem:$0x7910] =	vst v7;
	v3 =	vadd.f32 v11, v3  }
0x399: {  	v6 =	vadd.f32 v45, v6;
	[tilespmem:$0x7900] =	vst v1;
	v1 =	vadd.f32 v9, v21  }
0x39a: {  	v5 =	vadd.f32 v46, v5;
	[tilespmem:$0x7950] =	vst v3;
	v0 =	vadd.f32 v13, v0  }
0x39b: {  	v4 =	vadd.f32 v10, v26;
	[tilespmem:$0x7920] =	vst v1;
	v1 =	vadd.f32 v47, v6  }
0x39c: {  	[tilespmem:$0x7940] =	vst v0;
	v0 =	vadd.f32 v8, v5  }
0x39d: {  	[tilespmem:$0x7930] =	vst v4;
	v1 =	vadd.f32 v2, v1  }
0x39e: {  	[tilespmem:$0x7960] =	vst v0  }
0x39f: {  	[tilespmem:$0x7970] =	vst v1  }
0x3a0: {  	_ =	swait.ge [sflag:s18], $0x1400  }
0x3a1: {  	[sflag:s18] =	ssyncset.done $0x0  }
0x3a2: {  	[sflag:s18] =	ssyncadd.s32 $0xFFFFEC00  }
0x3a3: {  	_ =	swait.ge [sflag:s19], $0x2800  }
0x3a4: {  	[sflag:s19] =	ssyncset.done $0x0  }
0x3a5: {  	s0 =	simm.s32 $0x0;
	[sflag:s19] =	ssyncadd.s32 $0xFFFFD800  }
0x3a6: {  	v4 =	vld [tilespmem:s0+$0x200]  }
0x3a7: {  	v5 =	vld [tilespmem:s0+$0x210]  }
0x3a8: {  	v16 =	vld [tilespmem:s0+$0x220]  }
0x3a9: {  	v17 =	vld [tilespmem:s0+$0x230]  }
0x3aa: {  	v8 =	vld [tilespmem:s0+$0x240]  }
0x3ab: {  	v11 =	vld [tilespmem:s0+$0x250]  }
0x3ac: {  	v7 =	vld [tilespmem:s0+$0x180]  }
0x3ad: {  	v22 =	vld [tilespmem:s0+$0x190]  }
0x3ae: {  	v6 =	vld [tilespmem:s0+$0x1A0]  }
0x3af: {  	v20 =	vld [tilespmem:s0+$0x1B0]  }
0x3b0: {  	v14 =	vld [tilespmem:s0+$0x1C0]  }
0x3b1: {  	v15 =	vld [tilespmem:s0+$0x1D0]  }
0x3b2: {  	v0 =	vld [tilespmem:s0+$0x100]  }
0x3b3: {  	v2 =	vld [tilespmem:s0+$0x110]  }
0x3b4: {  	v3 =	vld [tilespmem:s0+$0x120]  }
0x3b5: {  	v9 =	vld [tilespmem:s0+$0x80]  }
0x3b6: {  	v10 =	vld [tilespmem:s0+$0x90]  }
0x3b7: {  	v12 =	vld [tilespmem:s0+$0x0]  }
0x3b8: {  	v13 =	vld [tilespmem:s0+$0x10]  }
0x3b9: {  	v21 =	vld [tilespmem:s0+$0x20]  }
0x3ba: {  	v23 =	vld [tilespmem:s0+$0x30]  }
0x3bb: {  	v24 =	vld [tilespmem:s0+$0xA0]  }
0x3bc: {  	v25 =	vld [tilespmem:s0+$0xB0]  }
0x3bd: {  	v26 =	vld [tilespmem:s0+$0x130]  }
0x3be: {  	v1 =	vimm.f32 $0.0e+00;
	v18 =	vld [tilespmem:s0+$0x140]  }
0x3bf: {  	v19 =	vld [tilespmem:s0+$0x150];
	v12 =	vadd.f32 v12, v1;
	v13 =	vadd.f32 v13, v1  }
0x3c0: {  	v34 =	vld [tilespmem:s0+$0xC0];
	v21 =	vadd.f32 v21, v1;
	v23 =	vadd.f32 v23, v1  }
0x3c1: {  	v29 =	vimm.f32 $0.0e+00;
	v35 =	vld [tilespmem:s0+$0xD0];
	v9 =	vadd.f32 v9, v12;
	v10 =	vadd.f32 v10, v13  }
0x3c2: {  	v28 =	vimm.f32 $0.0e+00;
	v36 =	vld [tilespmem:s0+$0x40];
	v12 =	vadd.f32 v24, v21;
	v13 =	vadd.f32 v25, v23  }
0x3c3: {  	v27 =	vimm.f32 $0.0e+00;
	v37 =	vld [tilespmem:s0+$0x50];
	v39 =	vadd.f32 v0, v9;
	v40 =	vadd.f32 v2, v10  }
0x3c4: {  	s26 =	simm.s32 $0x0;
	s3 =	simm.s32 $0xA00;
	v38 =	vld [tilespmem:s0+$0x60];
	v25 =	vimm.f32 $0.0e+00;
	v41 =	vadd.f32 v3, v12;
	v42 =	vadd.f32 v26, v13  }
.LBB2_20:
0x3c5: {  	p0 =	sne.s32 s3, $0x4600;
	v0 =	vld [tilespmem:s0+$0x70];
	v2 =	vadd.f32 v7, v39;
	v3 =	vadd.f32 v22, v40  }
0x3c6: {  	v7 =	vld [tilespmem:s0+$0xE0];
	v6 =	vadd.f32 v6, v41;
	v9 =	vadd.f32 v20, v42  }
0x3c7: {  	v10 =	vld [tilespmem:s0+$0xF0];
	v2 =	vadd.f32 v4, v2;
	v3 =	vadd.f32 v5, v3  }
0x3c8: {  	v5 =	vld [tilespmem:s0+$0x160];
	v12 =	vadd.f32 v16, v6;
	v9 =	vadd.f32 v17, v9  }
0x3c9: {  	v4 =	vadd.f32 v36, v25;
	v6 =	vadd.f32 v37, v29;
	v13 =	vld [tilespmem:s0+$0x170]  }
0x3ca: {  	v16 =	vadd.f32 v38, v27;
	v0 =	vadd.f32 v0, v28;
	v17 =	vld [tilespmem:s0+$0x1E0]  }
0x3cb: {  	v4 =	vadd.f32 v34, v4;
	v6 =	vadd.f32 v35, v6;
	v20 =	vld [tilespmem:s0+$0x1F0]  }
0x3cc: {  	v7 =	vadd.f32 v7, v16;
	v0 =	vadd.f32 v10, v0;
	v10 =	vld [tilespmem:s0+$0x260]  }
0x3cd: {  	v16 =	vadd.f32 v18, v4;
	v6 =	vadd.f32 v19, v6;
	v18 =	vld [tilespmem:s0+$0x270];
	s0 =	sshra.s32 s3, $0x2  }
0x3ce: {  	v7 =	vadd.f32 v5, v7;
	v4 =	vld [tilespmem:s0+$0x200];
	v0 =	vadd.f32 v13, v0  }
0x3cf: {  	v13 =	vadd.f32 v14, v16;
	v6 =	vadd.f32 v15, v6;
	v5 =	vld [tilespmem:s0+$0x210]  }
0x3d0: {  	v7 =	vadd.f32 v17, v7;
	v16 =	vld [tilespmem:s0+$0x220];
	v0 =	vadd.f32 v20, v0  }
0x3d1: {  	v25 =	vadd.f32 v8, v13;
	v29 =	vadd.f32 v11, v6;
	v17 =	vld [tilespmem:s0+$0x230]  }
0x3d2: {  	v27 =	vadd.f32 v10, v7;
	v8 =	vld [tilespmem:s0+$0x240];
	v28 =	vadd.f32 v18, v0  }
0x3d3: {  	v11 =	vld [tilespmem:s0+$0x250]  }
0x3d4: {  	v7 =	vld [tilespmem:s0+$0x180]  }
0x3d5: {  	v22 =	vld [tilespmem:s0+$0x190]  }
0x3d6: {  	v6 =	vld [tilespmem:s0+$0x1A0]  }
0x3d7: {  	v20 =	vld [tilespmem:s0+$0x1B0]  }
0x3d8: {  	v14 =	vld [tilespmem:s0+$0x1C0]  }
0x3d9: {  	v15 =	vld [tilespmem:s0+$0x1D0]  }
0x3da: {  	v0 =	vld [tilespmem:s0+$0x100]  }
0x3db: {  	v10 =	vld [tilespmem:s0+$0x110]  }
0x3dc: {  	v13 =	vld [tilespmem:s0+$0x120]  }
0x3dd: {  	v21 =	vld [tilespmem:s0+$0x130]  }
0x3de: {  	v23 =	vld [tilespmem:s0+$0x80]  }
0x3df: {  	v24 =	vld [tilespmem:s0+$0x90]  }
0x3e0: {  	v19 =	vld [tilespmem:s0+$0x0]  }
0x3e1: {  	v26 =	vld [tilespmem:s0+$0x10]  }
0x3e2: {  	v30 =	vld [tilespmem:s0+$0x20]  }
0x3e3: {  	v31 =	vld [tilespmem:s0+$0x30]  }
0x3e4: {  	v32 =	vld [tilespmem:s0+$0xA0]  }
0x3e5: {  	v33 =	vld [tilespmem:s0+$0xB0]  }
0x3e6: {  	v18 =	vld [tilespmem:s0+$0x140]  }
0x3e7: {  	v2 =	vadd.f32 v19, v2;
	v3 =	vadd.f32 v26, v3;
	v19 =	vld [tilespmem:s0+$0x150]  }
.Ltmp12:
0x3e8: {  	v12 =	vadd.f32 v30, v12;
	v9 =	vadd.f32 v31, v9;
	v34 =	vld [tilespmem:s0+$0xC0];
	(pc) =	sbr.rel @p0 .LBB2_20-.Ltmp12, $4  }
0x3e9: {  	v2 =	vadd.f32 v23, v2;
	v3 =	vadd.f32 v24, v3;
	v35 =	vld [tilespmem:s0+$0xD0]  }
0x3ea: {  	v12 =	vadd.f32 v32, v12;
	v36 =	vld [tilespmem:s0+$0x40];
	v9 =	vadd.f32 v33, v9  }
0x3eb: {  	v39 =	vadd.f32 v0, v2;
	v40 =	vadd.f32 v10, v3;
	v37 =	vld [tilespmem:s0+$0x50]  }
0x3ec: {  	s3 =	sadd.s32 $0xA00, s3;
	v41 =	vadd.f32 v13, v12;
	v38 =	vld [tilespmem:s0+$0x60];
	v42 =	vadd.f32 v21, v9  }
0x3ed: {  	v0 =	vld [tilespmem:s0+$0x70]  }
0x3ee: {  	v43 =	vld [tilespmem:s0+$0xE0]  }
0x3ef: {  	v44 =	vld [tilespmem:s0+$0xF0]  }
0x3f0: {  	v45 =	vld [tilespmem:s0+$0x160]  }
0x3f1: {  	v46 =	vld [tilespmem:s0+$0x170]  }
0x3f2: {  	v47 =	vld [tilespmem:s0+$0x1E0]  }
0x3f3: {  	v48 =	vld [tilespmem:s0+$0x1F0]  }
0x3f4: {  	v49 =	vld [tilespmem:s0+$0x260];
	s3 =	sand.u32 $0x3800, s26;
	s20 =	sand.u32 $0x380, s26  }
0x3f5: {  	v50 =	vld [tilespmem:s0+$0x270];
	s29 =	sor.u32 s20, s3  }
0x3f6: {  	v51 =	vld [tilespmem:s29+$0x2800]  }
0x3f7: {  	v52 =	vld [tilespmem:s29+$0x2810]  }
0x3f8: {  	v53 =	vld [tilespmem:s29+$0x2820]  }
0x3f9: {  	v54 =	vld [tilespmem:s29+$0x2830]  }
0x3fa: {  	v55 =	vld [tilespmem:s29+$0x2840]  }
0x3fb: {  	v56 =	vld [tilespmem:s29+$0x2850]  }
0x3fc: {  	v57 =	vld [tilespmem:s29+$0x2860]  }
0x3fd: {  	v58 =	vld [tilespmem:s29+$0x2870]  }
0x3fe: {  	v2 =	vld [tilespmem:s29+$0x2C00]  }
0x3ff: {  	v33 =	vld [tilespmem:s29+$0x2C10]  }
0x400: {  	v12 =	vld [tilespmem:s29+$0x2C40]  }
0x401: {  	s30 =	simm.s32 $0x400;
	s31 =	simm.s32 $0x200;
	v9 =	vld [tilespmem:s29+$0x2C50]  }
0x402: {  	s3 =	sand.u32 $0x7800, s30;
	s22 =	sand.u32 $0x380, s31;
	v10 =	vld [tilespmem:s29+$0x2C60]  }
0x403: {  	v13 =	vld [tilespmem:s29+$0x2C70];
	s28 =	sor.u32 s22, s3  }
0x404: {  	v59 =	vld [tilespmem:s28+$0x2800]  }
0x405: {  	v60 =	vld [tilespmem:s28+$0x2810]  }
0x406: {  	v61 =	vld [tilespmem:s28+$0x2820]  }
0x407: {  	v62 =	vld [tilespmem:s28+$0x2830]  }
0x408: {  	v63 =	vld [tilespmem:s28+$0x2840]  }
0x409: {  	v30 =	vld [tilespmem:s28+$0x2850]  }
0x40a: {  	v31 =	vld [tilespmem:s28+$0x2860]  }
0x40b: {  	v7 =	vadd.f32 v7, v39;
	v32 =	vld [tilespmem:s28+$0x2870]  }
0x40c: {  	v23 =	vld [tilespmem:s28+$0x2C00]  }
0x40d: {  	v4 =	vadd.f32 v4, v7;
	v24 =	vld [tilespmem:s28+$0x2C10]  }
0x40e: {  	v22 =	vadd.f32 v22, v40;
	v21 =	vld [tilespmem:s28+$0x2C20]  }
0x40f: {  	s23 =	simm.s32 $0x300;
	s24 =	simm.s32 $0x180;
	v26 =	vld [tilespmem:s28+$0x2C30];
	[tilespmem:$0x1FDC0] =	vst v4  }
0x410: {  	s0 =	sand.u32 $0x7800, s23;
	v40 =	vadd.f32 v6, v41;
	s3 =	sand.u32 $0x380, s24;
	v4 =	vadd.f32 v5, v22;
	[tilespmem:$0x1FE20] =	vst v2;
	v2 =	vld [tilespmem:s29+$0x2C20]  }
0x411: {  	s3 =	sor.u32 s3, s0;
	v3 =	vld [tilespmem:s28+$0x2C50]  }
0x412: {  	v20 =	vadd.f32 v20, v42;
	v39 =	vld [tilespmem:s3+$0x2800];
	[tilespmem:$0x1FDD0] =	vst v4;
	v4 =	vadd.f32 v16, v40  }
0x413: {  	v41 =	vld [tilespmem:s3+$0x2810]  }
0x414: {  	v22 =	vld [tilespmem:s3+$0x2820];
	v0 =	vadd.f32 v0, v28;
	[tilespmem:$0x1FDE0] =	vst v4;
	v4 =	vadd.f32 v17, v20  }
0x415: {  	v17 =	vadd.f32 v36, v25;
	v20 =	vadd.f32 v37, v29;
	[tilespmem:$0x1FE30] =	vst v2;
	v2 =	vld [tilespmem:s29+$0x2C30];
	s29 =	simm.s32 $0x100  }
0x416: {  	s20 =	sand.u32 $0x7800, s31;
	v27 =	vadd.f32 v38, v27;
	v42 =	vld [tilespmem:s3+$0x2C30];
	v0 =	vadd.f32 v44, v0;
	s30 =	sand.u32 $0x380, s29  }
0x417: {  	s23 =	simm.s32 $0x80;
	v28 =	vld [tilespmem:s3+$0x2850];
	v17 =	vadd.f32 v34, v17;
	v20 =	vadd.f32 v35, v20;
	s20 =	sor.u32 s30, s20  }
0x418: {  	s31 =	sand.u32 $0x380, s23;
	v27 =	vadd.f32 v43, v27;
	v0 =	vadd.f32 v46, v0;
	s0 =	sand.u32 $0x7800, s29;
	v34 =	vld [tilespmem:s20+$0x2800]  }
0x419: {  	v17 =	vadd.f32 v18, v17;
	v18 =	vadd.f32 v19, v20;
	s22 =	sor.u32 s31, s0;
	v19 =	vld [tilespmem:s20+$0x2810]  }
0x41a: {  	v0 =	vadd.f32 v48, v0;
	v20 =	vadd.f32 v45, v27;
	v27 =	vld [tilespmem:s22+$0x2800]  }
0x41b: {  	v14 =	vadd.f32 v14, v17;
	v17 =	vadd.f32 v15, v18;
	v18 =	vld [tilespmem:s22+$0x2810]  }
0x41c: {  	v0 =	vadd.f32 v50, v0;
	v20 =	vadd.f32 v47, v20;
	v45 =	vld [tilespmem:s22+$0x2820]  }
0x41d: {  	[tilespmem:$0x1FDF0] =	vst v4;
	v15 =	vadd.f32 v8, v14;
	v14 =	vadd.f32 v11, v17;
	v17 =	vld [tilespmem:s22+$0x2830]  }
0x41e: {  	[tilespmem:$0x1FE10] =	vst v0;
	v0 =	vld [tilespmem:s20+$0x2820];
	v4 =	vadd.f32 v49, v20  }
0x41f: {  	v47 =	vld [tilespmem:s20+$0x2830];
	v20 =	vadd.f32 v51, v1;
	v49 =	vadd.f32 v53, v1  }
0x420: {  	v16 =	vld [tilespmem:s3+$0x2830];
	v46 =	vadd.f32 v52, v1;
	v50 =	vadd.f32 v54, v1  }
0x421: {  	v40 =	vld [tilespmem:s3+$0x2C10];
	v20 =	vadd.f32 v27, v20;
	v27 =	vadd.f32 v45, v49  }
0x422: {  	v25 =	vld [tilespmem:s3+$0x2840];
	v18 =	vadd.f32 v18, v46;
	v17 =	vadd.f32 v17, v50  }
0x423: {  	v29 =	vld [tilespmem:s3+$0x2860];
	v20 =	vadd.f32 v34, v20;
	v0 =	vadd.f32 v0, v27  }
0x424: {  	v36 =	vld [tilespmem:s3+$0x2C40];
	v18 =	vadd.f32 v19, v18;
	v17 =	vadd.f32 v47, v17  }
0x425: {  	v19 =	vadd.f32 v39, v20;
	v20 =	vld [tilespmem:s22+$0x2860];
	v0 =	vadd.f32 v22, v0  }
0x426: {  	v57 =	vadd.f32 v57, v1;
	v22 =	vld [tilespmem:s22+$0x2870]  }
0x427: {  	v54 =	vld [tilespmem:s20+$0x2860];
	v16 =	vadd.f32 v16, v17;
	v17 =	vadd.f32 v61, v0  }
0x428: {  	v0 =	vadd.f32 v55, v1;
	v55 =	vadd.f32 v56, v1;
	v56 =	vld [tilespmem:s20+$0x2870]  }
0x429: {  	v58 =	vadd.f32 v58, v1;
	v37 =	vld [tilespmem:s3+$0x2C50]  }
0x42a: {  	v48 =	vld [tilespmem:s3+$0x2870];
	v20 =	vadd.f32 v20, v57  }
0x42b: {  	v53 =	vld [tilespmem:s22+$0x2840];
	v22 =	vadd.f32 v22, v58  }
0x42c: {  	[tilespmem:$0x1FE00] =	vst v4;
	v4 =	vld [tilespmem:$0x1FE20];
	v20 =	vadd.f32 v54, v20  }
0x42d: {  	v27 =	vld [tilespmem:s22+$0x2850];
	v22 =	vadd.f32 v56, v22  }
0x42e: {  	v51 =	vld [tilespmem:s20+$0x2840];
	v20 =	vadd.f32 v29, v20  }
0x42f: {  	v52 =	vld [tilespmem:s20+$0x2850];
	v18 =	vadd.f32 v41, v18;
	v29 =	vadd.f32 v48, v22  }
0x430: {  	v35 =	vld [tilespmem:s3+$0x2C00];
	v0 =	vadd.f32 v53, v0;
	v22 =	vadd.f32 v31, v20  }
0x431: {  	v20 =	vadd.f32 v32, v29;
	v29 =	vadd.f32 v4, v1;
	v4 =	vld [tilespmem:$0x1FE30]  }
0x432: {  	v19 =	vadd.f32 v59, v19;
	v59 =	vld [tilespmem:s20+$0x2C00];
	v27 =	vadd.f32 v27, v55  }
0x433: {  	v18 =	vadd.f32 v60, v18;
	v60 =	vld [tilespmem:s22+$0x2C00];
	v0 =	vadd.f32 v51, v0  }
0x434: {  	v61 =	vld [tilespmem:s22+$0x2C10];
	v27 =	vadd.f32 v52, v27  }
0x435: {  	[tilespmem:$0x1FE40] =	vst v2;
	v16 =	vadd.f32 v62, v16;
	v62 =	vld [tilespmem:s22+$0x2C30];
	v0 =	vadd.f32 v25, v0  }
0x436: {  	v25 =	vadd.f32 v28, v27;
	v31 =	vadd.f32 v4, v1;
	v4 =	vld [tilespmem:$0x1FE40]  }
0x437: {  	v27 =	vadd.f32 v63, v0;
	v0 =	vld [tilespmem:s20+$0x2C10]  }
0x438: {  	v28 =	vld [tilespmem:s22+$0x2C20];
	v25 =	vadd.f32 v30, v25;
	v30 =	vadd.f32 v33, v1  }
0x439: {  	v43 =	vld [tilespmem:s20+$0x2C20]  }
0x43a: {  	v32 =	vld [tilespmem:s20+$0x2C30];
	v30 =	vadd.f32 v61, v30;
	v29 =	vadd.f32 v60, v29  }
0x43b: {  	v38 =	vld [tilespmem:s20+$0x2C40];
	v63 =	vadd.f32 v4, v1  }
0x43c: {  	v41 =	vld [tilespmem:s3+$0x2C20];
	v34 =	vadd.f32 v59, v29;
	v44 =	vadd.f32 v0, v30  }
0x43d: {  	v2 =	vld [tilespmem:s28+$0x2C40];
	v31 =	vadd.f32 v28, v31;
	v33 =	vadd.f32 v62, v63  }
0x43e: {  	s0 =	simm.s32 $0x280;
	v39 =	vld [tilespmem:s20+$0x2C50];
	v30 =	vimm.f32 $0.0e+00;
	v29 =	vimm.f32 $0.0e+00;
	v28 =	vimm.f32 $0.0e+00  }
.LBB2_22:
0x43f: {  	p0 =	sne.s32 s0, $0x1180;
	v0 =	vld [tilespmem:s22+$0x2C40];
	v31 =	vadd.f32 v43, v31;
	v32 =	vadd.f32 v32, v33  }
0x440: {  	v43 =	vld [tilespmem:s22+$0x2C50];
	v33 =	vadd.f32 v35, v34;
	v34 =	vadd.f32 v40, v44  }
0x441: {  	v35 =	vld [tilespmem:s22+$0x2C60];
	v40 =	vadd.f32 v41, v31;
	v41 =	vadd.f32 v42, v32  }
0x442: {  	v42 =	vld [tilespmem:s22+$0x2C70];
	v31 =	vadd.f32 v23, v33;
	v32 =	vadd.f32 v24, v34  }
0x443: {  	v23 =	vld [tilespmem:s20+$0x2C60];
	v33 =	vadd.f32 v21, v40;
	v34 =	vadd.f32 v26, v41  }
0x444: {  	v1 =	vadd.f32 v12, v1;
	v9 =	vadd.f32 v9, v30;
	v12 =	vld [tilespmem:s20+$0x2C70]  }
0x445: {  	v10 =	vadd.f32 v10, v29;
	v13 =	vadd.f32 v13, v28;
	v21 =	vld [tilespmem:s3+$0x2C60]  }
0x446: {  	s26 =	sadd.s32 $0x500, s26;
	v0 =	vadd.f32 v0, v1;
	v1 =	vadd.f32 v43, v9;
	v9 =	vld [tilespmem:s3+$0x2C70]  }
0x447: {  	s20 =	sand.u32 $0x380, s0;
	s3 =	sand.u32 $0x3800, s26;
	v10 =	vadd.f32 v35, v10;
	v13 =	vadd.f32 v42, v13;
	v24 =	vld [tilespmem:s28+$0x2C60]  }
0x448: {  	v0 =	vadd.f32 v38, v0;
	s3 =	sor.u32 s20, s3;
	v1 =	vadd.f32 v39, v1;
	v26 =	vld [tilespmem:s28+$0x2C70]  }
0x449: {  	v10 =	vadd.f32 v23, v10;
	v35 =	vld [tilespmem:s3+$0x2800];
	v12 =	vadd.f32 v12, v13  }
0x44a: {  	v0 =	vadd.f32 v36, v0;
	v13 =	vadd.f32 v37, v1;
	v40 =	vld [tilespmem:s3+$0x2810]  }
0x44b: {  	v10 =	vadd.f32 v21, v10;
	v49 =	vld [tilespmem:s3+$0x2820];
	v9 =	vadd.f32 v9, v12  }
0x44c: {  	v1 =	vadd.f32 v2, v0;
	v30 =	vadd.f32 v3, v13;
	v50 =	vld [tilespmem:s3+$0x2830]  }
0x44d: {  	v29 =	vadd.f32 v24, v10;
	v41 =	vld [tilespmem:s3+$0x2840];
	v28 =	vadd.f32 v26, v9  }
0x44e: {  	v43 =	vld [tilespmem:s3+$0x2850]  }
0x44f: {  	v42 =	vld [tilespmem:s3+$0x2860]  }
0x450: {  	v44 =	vld [tilespmem:s3+$0x2870]  }
0x451: {  	v36 =	vld [tilespmem:s3+$0x2C00]  }
0x452: {  	v38 =	vld [tilespmem:s3+$0x2C10]  }
0x453: {  	v37 =	vld [tilespmem:s3+$0x2C20]  }
0x454: {  	v39 =	vld [tilespmem:s3+$0x2C30]  }
0x455: {  	v12 =	vld [tilespmem:s3+$0x2C40]  }
0x456: {  	s22 =	sadd.s32 $0x200, s0;
	s20 =	sadd.s32 $0x400, s26;
	v9 =	vld [tilespmem:s3+$0x2C50]  }
0x457: {  	s22 =	sand.u32 $0x380, s22;
	s20 =	sand.u32 $0x7800, s20;
	v10 =	vld [tilespmem:s3+$0x2C60]  }
0x458: {  	s28 =	sor.u32 s22, s20;
	v13 =	vld [tilespmem:s3+$0x2C70]  }
0x459: {  	v0 =	vld [tilespmem:s28+$0x2800]  }
0x45a: {  	v51 =	vld [tilespmem:s28+$0x2810]  }
0x45b: {  	v52 =	vld [tilespmem:s28+$0x2820]  }
0x45c: {  	v53 =	vld [tilespmem:s28+$0x2830]  }
0x45d: {  	v45 =	vld [tilespmem:s28+$0x2840]  }
0x45e: {  	v47 =	vld [tilespmem:s28+$0x2850]  }
0x45f: {  	v46 =	vld [tilespmem:s28+$0x2860]  }
0x460: {  	v48 =	vld [tilespmem:s28+$0x2870]  }
0x461: {  	v23 =	vld [tilespmem:s28+$0x2C00]  }
0x462: {  	v24 =	vld [tilespmem:s28+$0x2C10]  }
0x463: {  	v21 =	vld [tilespmem:s28+$0x2C20]  }
0x464: {  	s20 =	sadd.s32 $0x180, s0;
	s3 =	sadd.s32 $0x300, s26;
	v26 =	vld [tilespmem:s28+$0x2C30]  }
0x465: {  	s20 =	sand.u32 $0x380, s20;
	s3 =	sand.u32 $0x7800, s3;
	v2 =	vld [tilespmem:s28+$0x2C40]  }
0x466: {  	s3 =	sor.u32 s20, s3;
	v3 =	vld [tilespmem:s28+$0x2C50]  }
0x467: {  	v54 =	vld [tilespmem:s3+$0x2800]  }
0x468: {  	v55 =	vld [tilespmem:s3+$0x2810]  }
0x469: {  	v56 =	vld [tilespmem:s3+$0x2820]  }
0x46a: {  	v57 =	vld [tilespmem:s3+$0x2830]  }
0x46b: {  	v58 =	vld [tilespmem:s3+$0x2840]  }
0x46c: {  	s22 =	sadd.s32 $0x100, s0;
	s20 =	sadd.s32 $0x200, s26;
	v59 =	vld [tilespmem:s3+$0x2850]  }
0x46d: {  	s22 =	sand.u32 $0x380, s22;
	s20 =	sand.u32 $0x7800, s20;
	v60 =	vld [tilespmem:s3+$0x2860]  }
0x46e: {  	s24 =	sadd.s32 $0x80, s0;
	s23 =	sadd.s32 $0x100, s26;
	s20 =	sor.u32 s22, s20;
	v61 =	vld [tilespmem:s3+$0x2870]  }
0x46f: {  	s22 =	sand.u32 $0x7800, s23;
	s23 =	sand.u32 $0x380, s24;
	v62 =	vld [tilespmem:s20+$0x2800]  }
0x470: {  	s22 =	sor.u32 s23, s22;
	v63 =	vld [tilespmem:s20+$0x2810]  }
0x471: {  	v4 =	vld [tilespmem:s22+$0x2800]  }
0x472: {  	v5 =	vld [tilespmem:s22+$0x2810]  }
0x473: {  	v6 =	vld [tilespmem:s22+$0x2820]  }
0x474: {  	v7 =	vld [tilespmem:s22+$0x2830]  }
0x475: {  	v8 =	vld [tilespmem:s20+$0x2820]  }
0x476: {  	v19 =	vadd.f32 v35, v19;
	v18 =	vadd.f32 v40, v18;
	v11 =	vld [tilespmem:s20+$0x2830]  }
0x477: {  	v17 =	vadd.f32 v49, v17;
	v16 =	vadd.f32 v50, v16;
	v35 =	vld [tilespmem:s3+$0x2C00]  }
0x478: {  	v4 =	vadd.f32 v4, v19;
	v5 =	vadd.f32 v5, v18;
	v40 =	vld [tilespmem:s3+$0x2C10]  }
0x479: {  	v6 =	vadd.f32 v6, v17;
	v7 =	vadd.f32 v7, v16;
	v49 =	vld [tilespmem:s20+$0x2840]  }
0x47a: {  	v4 =	vadd.f32 v62, v4;
	v5 =	vadd.f32 v63, v5;
	v50 =	vld [tilespmem:s20+$0x2850]  }
0x47b: {  	v6 =	vadd.f32 v8, v6;
	v62 =	vld [tilespmem:s22+$0x2840];
	v7 =	vadd.f32 v11, v7  }
0x47c: {  	v4 =	vadd.f32 v54, v4;
	v5 =	vadd.f32 v55, v5;
	v8 =	vld [tilespmem:s22+$0x2850]  }
0x47d: {  	v6 =	vadd.f32 v56, v6;
	v11 =	vld [tilespmem:s22+$0x2860];
	v7 =	vadd.f32 v57, v7  }
0x47e: {  	v19 =	vadd.f32 v0, v4;
	v18 =	vadd.f32 v51, v5;
	v54 =	vld [tilespmem:s22+$0x2870]  }
0x47f: {  	v17 =	vadd.f32 v52, v6;
	v0 =	vld [tilespmem:s20+$0x2860];
	v16 =	vadd.f32 v53, v7  }
0x480: {  	v4 =	vadd.f32 v41, v27;
	v5 =	vadd.f32 v43, v25;
	v6 =	vld [tilespmem:s20+$0x2870]  }
0x481: {  	v20 =	vadd.f32 v44, v20;
	v7 =	vadd.f32 v42, v22;
	v41 =	vld [tilespmem:s3+$0x2C20]  }
0x482: {  	v4 =	vadd.f32 v62, v4;
	v5 =	vadd.f32 v8, v5;
	v42 =	vld [tilespmem:s3+$0x2C30]  }
0x483: {  	v7 =	vadd.f32 v11, v7;
	v8 =	vadd.f32 v54, v20;
	v11 =	vld [tilespmem:s20+$0x2C00]  }
0x484: {  	v4 =	vadd.f32 v49, v4;
	v5 =	vadd.f32 v50, v5;
	v44 =	vld [tilespmem:s20+$0x2C10]  }
0x485: {  	v0 =	vadd.f32 v0, v7;
	v49 =	vld [tilespmem:s22+$0x2C00];
	v6 =	vadd.f32 v6, v8  }
0x486: {  	v4 =	vadd.f32 v58, v4;
	v5 =	vadd.f32 v59, v5;
	v7 =	vld [tilespmem:s22+$0x2C10]  }
0x487: {  	v0 =	vadd.f32 v60, v0;
	v8 =	vld [tilespmem:s22+$0x2C20];
	v6 =	vadd.f32 v61, v6  }
0x488: {  	v27 =	vadd.f32 v45, v4;
	v25 =	vadd.f32 v47, v5;
	v50 =	vld [tilespmem:s22+$0x2C30]  }
0x489: {  	v22 =	vadd.f32 v46, v0;
	v43 =	vld [tilespmem:s20+$0x2C20];
	v20 =	vadd.f32 v48, v6  }
.Ltmp13:
0x48a: {  	v4 =	vadd.f32 v38, v32;
	v0 =	vadd.f32 v36, v31;
	v32 =	vld [tilespmem:s20+$0x2C30];
	(pc) =	sbr.rel @p0 .LBB2_22-.Ltmp13, $4  }
0x48b: {  	v5 =	vadd.f32 v37, v33;
	v6 =	vadd.f32 v39, v34;
	v36 =	vld [tilespmem:s3+$0x2C40]  }
0x48c: {  	v0 =	vadd.f32 v49, v0;
	v4 =	vadd.f32 v7, v4;
	v37 =	vld [tilespmem:s3+$0x2C50]  }
0x48d: {  	v31 =	vadd.f32 v8, v5;
	v33 =	vadd.f32 v50, v6;
	v38 =	vld [tilespmem:s20+$0x2C40]  }
0x48e: {  	s0 =	sadd.s32 $0x280, s0;
	v34 =	vadd.f32 v11, v0;
	v44 =	vadd.f32 v44, v4;
	v39 =	vld [tilespmem:s20+$0x2C50]  }
0x48f: {  	v0 =	vld [tilespmem:s22+$0x2C40]  }
0x490: {  	v4 =	vld [tilespmem:s22+$0x2C50]  }
0x491: {  	v5 =	vld [tilespmem:s22+$0x2C60]  }
0x492: {  	v6 =	vld [tilespmem:s22+$0x2C70]  }
0x493: {  	v7 =	vld [tilespmem:s20+$0x2C60]  }
0x494: {  	v8 =	vld [tilespmem:s20+$0x2C70]  }
0x495: {  	v11 =	vld [tilespmem:s3+$0x2C60]  }
0x496: {  	v45 =	vld [tilespmem:s3+$0x2C70]  }
0x497: {  	v46 =	vld [tilespmem:s28+$0x2C60]  }
0x498: {  	v47 =	vld [tilespmem:s28+$0x2C70]  }
0x499: {  	v48 =	vld [tilespmem:$0x7800]  }
0x49a: {  	v63 =	vld [tilespmem:$0x7810]  }
0x49b: {  	v50 =	vld [tilespmem:$0x7820]  }
0x49c: {  	v51 =	vld [tilespmem:$0x7830]  }
0x49d: {  	v52 =	vld [tilespmem:$0x7840]  }
0x49e: {  	v53 =	vld [tilespmem:$0x1FDC0]  }
0x49f: {  	v54 =	vld [tilespmem:$0x7850]  }
0x4a0: {  	v31 =	vadd.f32 v43, v31;
	v32 =	vadd.f32 v32, v33;
	v55 =	vld [tilespmem:$0x1FDD0]  }
0x4a1: {  	v1 =	vadd.f32 v12, v1;
	v57 =	vld [tilespmem:$0x1FDE0];
	v9 =	vadd.f32 v9, v30  }
0x4a2: {  	v59 =	vld [tilespmem:$0x1FDF0];
	v10 =	vadd.f32 v10, v29;
	v31 =	vadd.f32 v41, v31  }
0x4a3: {  	v56 =	vld [tilespmem:$0x7860];
	v13 =	vadd.f32 v13, v28;
	v32 =	vadd.f32 v42, v32  }
0x4a4: {  	v58 =	vld [tilespmem:$0x7870];
	v21 =	vadd.f32 v21, v31;
	v31 =	vadd.f32 v48, v53  }
0x4a5: {  	v60 =	vld [tilespmem:$0x7880];
	v26 =	vadd.f32 v26, v32;
	v32 =	vadd.f32 v63, v55  }
0x4a6: {  	v62 =	vld [tilespmem:$0x7890];
	v34 =	vadd.f32 v35, v34;
	v12 =	vadd.f32 v50, v57;
	[tilespmem:$0x7800] =	vst v31  }
0x4a7: {  	v29 =	vld [tilespmem:$0x78B0];
	v49 =	vadd.f32 v40, v44;
	v30 =	vadd.f32 v51, v59;
	[tilespmem:$0x7810] =	vst v32  }
0x4a8: {  	v40 =	vld [tilespmem:$0x78E0];
	v23 =	vadd.f32 v23, v34;
	v61 =	vadd.f32 v52, v15;
	[tilespmem:$0x7820] =	vst v12  }
0x4a9: {  	v42 =	vld [tilespmem:$0x78F0];
	v24 =	vadd.f32 v24, v49;
	v14 =	vadd.f32 v54, v14;
	[tilespmem:$0x7830] =	vst v30  }
0x4aa: {  	v34 =	vld [tilespmem:$0x78D0];
	v0 =	vadd.f32 v0, v1;
	v33 =	vadd.f32 v60, v19;
	[tilespmem:$0x7840] =	vst v61  }
0x4ab: {  	v49 =	vld [tilespmem:$0x7910];
	v4 =	vadd.f32 v4, v9;
	v35 =	vadd.f32 v62, v18;
	[tilespmem:$0x7850] =	vst v14  }
0x4ac: {  	v63 =	vld [tilespmem:$0x78A0];
	v5 =	vadd.f32 v5, v10;
	v43 =	vadd.f32 v29, v16;
	[tilespmem:$0x7880] =	vst v33  }
0x4ad: {  	v6 =	vadd.f32 v6, v13;
	v51 =	vld [tilespmem:$0x7920];
	v52 =	vadd.f32 v40, v22;
	[tilespmem:$0x7890] =	vst v35  }
0x4ae: {  	v53 =	vld [tilespmem:$0x7930];
	v0 =	vadd.f32 v38, v0;
	[tilespmem:$0x78B0] =	vst v43;
	v54 =	vadd.f32 v42, v20  }
0x4af: {  	v12 =	vld [tilespmem:$0x1FE00];
	v4 =	vadd.f32 v39, v4;
	v50 =	vadd.f32 v34, v25;
	[tilespmem:$0x78E0] =	vst v52  }
0x4b0: {  	v30 =	vld [tilespmem:$0x1FE10];
	v5 =	vadd.f32 v7, v5;
	v7 =	vadd.f32 v49, v24;
	[tilespmem:$0x78F0] =	vst v54  }
0x4b1: {  	v31 =	vld [tilespmem:$0x78C0];
	v6 =	vadd.f32 v8, v6;
	v41 =	vadd.f32 v63, v17;
	[tilespmem:$0x78D0] =	vst v50  }
0x4b2: {  	v44 =	vld [tilespmem:$0x7900];
	v0 =	vadd.f32 v36, v0;
	v59 =	vadd.f32 v51, v21;
	[tilespmem:$0x7910] =	vst v7  }
0x4b3: {  	v55 =	vld [tilespmem:$0x7940];
	v4 =	vadd.f32 v37, v4;
	v61 =	vadd.f32 v53, v26;
	[tilespmem:$0x78A0] =	vst v41  }
0x4b4: {  	v57 =	vld [tilespmem:$0x7950];
	v5 =	vadd.f32 v11, v5;
	v1 =	vadd.f32 v56, v12;
	[tilespmem:$0x7920] =	vst v59  }
0x4b5: {  	v60 =	vld [tilespmem:$0x7970];
	v6 =	vadd.f32 v45, v6;
	v9 =	vadd.f32 v58, v30;
	[tilespmem:$0x7930] =	vst v61  }
0x4b6: {  	v0 =	vadd.f32 v2, v0;
	v48 =	vadd.f32 v31, v27;
	v58 =	vld [tilespmem:$0x7960];
	[tilespmem:$0x7860] =	vst v1  }
0x4b7: {  	v3 =	vadd.f32 v3, v4;
	v56 =	vadd.f32 v44, v23;
	[tilespmem:$0x7870] =	vst v9  }
0x4b8: {  	v62 =	vadd.f32 v47, v6;
	v0 =	vadd.f32 v55, v0;
	[tilespmem:$0x78C0] =	vst v48  }
0x4b9: {  	v5 =	vadd.f32 v46, v5;
	v3 =	vadd.f32 v57, v3;
	[tilespmem:$0x7900] =	vst v56  }
0x4ba: {  	v1 =	vadd.f32 v60, v62;
	[tilespmem:$0x7940] =	vst v0  }
0x4bb: {  	[tilespmem:$0x7950] =	vst v3;
	v63 =	vadd.f32 v58, v5  }
0x4bc: {  	[tilespmem:$0x7970] =	vst v1  }
0x4bd: {  	s0 =	simm.s32 $0x7800;
	[tilespmem:$0x7960] =	vst v63  }
0x4be: {  	[hbm4b:s10+s4] =	stream.linear.scatter [tilespmem:s0], [sflag:$0x5], $0x80, $0x38;
	[tilespmem:$0x7980] =	vst v63  }
0x4bf: {  	s29 =	simm.s32 $0x80;
	s25 =	sadd.s32 $0x1, s25;
	_ =	swait.ge [sflag:s21], $0x80  }
0x4c0: {  	s30 =	simm.s32 $0x400;
	p0 =	sne.s32 s25, s12;
	[sflag:s21] =	ssyncset.done $0x0  }
.Ltmp14:
0x4c1: {  	s31 =	simm.s32 $0x7880;
	[sflag:s21] =	ssyncadd.s32 $0xFFFFFF80;
	(pc) =	sbr.rel @p0 .LBB2_1-.Ltmp14, $4  }
0x4c2: {  	[hbm4b:s11+s29] =	stream.strided.scatter [tilespmem:s31], [sflag:$0x5], $0x100, s30, s29, $0x38;
	[tilespmem:$0x7980] =	vst v63  }
0x4c3: {  	_ =	swait.ge [sflag:s21], $0x100  }
0x4c4: {  	[sflag:s21] =	ssyncset.done $0x0  }
0x4c5: {  	[sflag:s21] =	ssyncadd.s32 $0xFFFFFF00  }
0x4c6: {  	_ =	sfence.sel $0x180000  }
0x4c7: {  	[bflag:$0x0] =	sbarrier.arrive $0xFFFF  }
0x4c8: {  	_ =	strace $0x90000047  }
0x4c9: {  	s0 =	stileid.u32;
	[bflag:$0x2] =	sbarrier.arrive $0xFFFF  }
0x4ca: {  	p0 =	sne.s32 s0, $0x0;
	s0 =	rddreg [dreg:$0x4]  }
0x4cb: {  	s0 =	sadd.s32 @!p0 $0x100000, s0  }
0x4cc: {  	[sflag:s0] =	ssyncadd.tile.s32 @!p0 $0x1;
	_ =	shalt  }
.Lfunc_end2:
_tile_overlayer_lowered:
.L_overlay_start_2:
0x4cd: {  	(tag) =	ssettag $0x2  }
0x4ce: {  	s0 =	rddreg [dreg:$0x0];
	s2 =	stileid.u32  }
0x4cf: {  	s1 =	rddreg [dreg:$0x1];
	p0 =	sne.s32 s2, $0x0  }
0x4d0: {  	s3 =	rddreg [dreg:$0x2];
	[bflag:$0x3] =	sbarrier.arrive $0xFFFF;
	s2 =	simm.s32 @!p0 $0x1C05  }
0x4d1: {  	[timem:s3], [sflag:s2] =	dma.local @!p0 [hbm:s0], s1  }
0x4d2: {  	s0 =	simm.s32 @!p0 $0x5  }
0x4d3: {  	_ =	swait.ge @!p0 [sflag:s0], s1  }
0x4d4: {  	s1 =	ssub.s32 @!p0 $0x0, s1;
	[sflag:s0] =	ssyncset.done @!p0 $0x0  }
0x4d5: {  	[sflag:s0] =	ssyncadd.s32 @!p0 s1  }
0x4d6: {  	[bflag:$0x3] =	sbarrier.arrive $0xFFFF  }
0x4d7: {  	_ =	shalt  }

</sc_bundles>
